<compile_context>
chip_gen: v7x
topology: tpu7x:2x2x1
jax: 0.10.2.dev20260603
libtpu: 0.0.44.dev20260713+nightly
codegen_flags: <defaults>
</compile_context>

<pallas_src>
import functools

import jax
import jax.numpy as jnp
from jax import lax
from jax.experimental import pallas as pl
from jax.experimental.pallas import tpu as pltpu
from jax.experimental.pallas import tpu_sc as plsc

N = 10000
G = 64
NC = 2
NS = 16
NW = NC * NS
CHUNK = 128
N_PAD = 10240
DUMP = N

_F32 = jnp.float32


def _dot(a, b):
    return lax.dot_general(a, b, (((1,), (0,)), ((), ())),
                           precision=lax.Precision.DEFAULT,
                           preferred_element_type=_F32)


def _sc_scatter_add(h, src2d, dst2d, d, cpt0, cpt1):
    rows_per_tile = N_PAD // NS
    zrows = CHUNK
    pch = 32
    passes = -(-max(cpt0, cpt1) // pch)

    mesh = plsc.VectorSubcoreMesh(core_axis_name="c", subcore_axis_name="s")

    @functools.partial(
        pl.kernel,
        out_type=jax.ShapeDtypeStruct((NC, N_PAD, d), _F32),
        mesh=mesh,
        scratch_types=[
            pltpu.VMEM((pch, CHUNK), jnp.int32),
            pltpu.VMEM((pch, CHUNK), jnp.int32),
            pltpu.VMEM((2, CHUNK, d), _F32),
            pltpu.VMEM_SHARED((N_PAD, d), _F32),
            pltpu.SemaphoreType.DMA,
        ],
    )
    def k(h_hbm, src_hbm, dst_hbm, out_hbm, sidx, didx, rows, agg, sem):
        c = lax.axis_index("c")
        s = lax.axis_index("s")

        zv = jnp.zeros((16,), _F32)
        zbuf = rows.at[0]

        def zero_row(r, _):
            for j in range(d // 16):
                zbuf[r, pl.ds(16 * j, 16)] = zv
            return 0

        lax.fori_loop(0, zrows, zero_row, 0)
        for t in range(rows_per_tile // zrows):
            pltpu.sync_copy(zbuf, agg.at[pl.ds(s * rows_per_tile + t * zrows, zrows)])
        plsc.subcore_barrier()

        my_cpt = jnp.where(c == 0, cpt0, cpt1)
        tile_base = jnp.where(c == 0, s * cpt0, 16 * cpt0 + s * cpt1)

        for p in range(passes):
            @pl.when(p * pch < my_cpt)
            def _():
                base = pl.multiple_of(tile_base + p * pch, 8)
                pltpu.sync_copy(src_hbm.at[pl.ds(base, pch)], sidx)
                pltpu.sync_copy(dst_hbm.at[pl.ds(base, pch)], didx)

                pltpu.async_copy(h_hbm.at[sidx.at[0]], rows.at[0], sem)

                def body(j, _):
                    nxt = j + 1

                    @pl.when(nxt < pch)
                    def _():
                        pltpu.async_copy(h_hbm.at[sidx.at[nxt]],
                                         rows.at[nxt % 2], sem)

                    buf = rows.at[j % 2]
                    pltpu.make_async_copy(h_hbm.at[sidx.at[j]], buf,
                                          sem).wait()
                    pltpu.sync_copy(buf, agg.at[didx.at[j]], add=True)
                    return 0

                lax.fori_loop(0, pch, body, 0)
        plsc.subcore_barrier()

        for t in range(rows_per_tile // zrows):
            r0 = s * rows_per_tile + t * zrows
            pltpu.sync_copy(agg.at[pl.ds(r0, zrows)], zbuf)
            pltpu.sync_copy(zbuf, out_hbm.at[c].at[pl.ds(r0, zrows)])

    return k(h, src2d, dst2d)


def _tc_layer_body(h_ref, agg_ref, eps_ref, w1_ref, b1_ref, g1_ref, be1_ref,
                   w2_ref, b2_ref, gbn_ref, bbn_ref, batch_ref,
                   hout_ref, pool_ref):
    din = w1_ref.shape[0]
    h = h_ref[:, :din]
    z = (1.0 + eps_ref[0, 0]) * h + (agg_ref[0, :N, :din]
                                     + agg_ref[1, :N, :din])
    t = _dot(z, w1_ref[:]) + b1_ref[:]
    m = jnp.mean(t, axis=0, keepdims=True)
    v = jnp.mean((t - m) ** 2, axis=0, keepdims=True)
    t = (t - m) * lax.rsqrt(v + 1e-5) * g1_ref[:] + be1_ref[:]
    t = jnp.maximum(t, 0.0)
    u = _dot(t, w2_ref[:]) + b2_ref[:]
    m2 = jnp.mean(u, axis=0, keepdims=True)
    v2 = jnp.mean((u - m2) ** 2, axis=0, keepdims=True)
    h2 = jnp.maximum((u - m2) * lax.rsqrt(v2 + 1e-5) * gbn_ref[:] + bbn_ref[:],
                     0.0)
    hout_ref[:] = jnp.concatenate(
        [h2, jnp.zeros((N, hout_ref.shape[1] - h2.shape[1]), _F32)], axis=1)
    gid = lax.broadcasted_iota(jnp.int32, (G, N), 0)
    onehot = (gid == batch_ref[:]).astype(_F32)
    pool_ref[:] = _dot(onehot, h2)


def _tc_layer(h, agg, p, batch2d, hdim):
    return pl.pallas_call(
        _tc_layer_body,
        out_shape=[
            jax.ShapeDtypeStruct((N, 128), _F32),
            jax.ShapeDtypeStruct((G, hdim), _F32),
        ],
    )(h, agg,
      p['eps'].reshape(1, 1), p['W1'], p['b1'].reshape(1, -1),
      p['g1'].reshape(1, -1), p['be1'].reshape(1, -1),
      p['W2'], p['b2'].reshape(1, -1), p['gbn'].reshape(1, -1),
      p['bbn'].reshape(1, -1), batch2d)


def _tc_head_body(p1_ref, p2_ref, p3_ref, wc1_ref, bc1_ref, wc2_ref, bc2_ref,
                  out_ref):
    hdim = p1_ref.shape[1]
    hc = (_dot(p1_ref[:], wc1_ref[0 * hdim:1 * hdim, :])
          + _dot(p2_ref[:], wc1_ref[1 * hdim:2 * hdim, :])
          + _dot(p3_ref[:], wc1_ref[2 * hdim:3 * hdim, :])
          + bc1_ref[:])
    hc = jnp.maximum(hc, 0.0)
    out_ref[:] = _dot(hc, wc2_ref[:]) + bc2_ref[:]


def _tc_head(pools, wc1, bc1, wc2, bc2):
    wc2p = jnp.zeros((wc2.shape[0], 128), _F32).at[:, :wc2.shape[1]].set(wc2)
    bc2p = jnp.zeros((1, 128), _F32).at[0, :wc2.shape[1]].set(bc2)
    out = pl.pallas_call(
        _tc_head_body,
        out_shape=jax.ShapeDtypeStruct((G, 128), _F32),
    )(pools[0], pools[1], pools[2], wc1, bc1.reshape(1, -1), wc2p, bc2p)
    return out[:, :wc2.shape[1]]


def kernel(x, edge_index, batch, params):
    E = edge_index.shape[1]
    tot_pt = -(-E // (NS * CHUNK * 32)) * 32
    cpt0 = (tot_pt * 4 // 5) // 32 * 32
    cpt1 = tot_pt - cpt0
    e_pad = NS * CHUNK * tot_pt
    src = jnp.concatenate([edge_index[0],
                           jnp.zeros((e_pad - E,), jnp.int32)])
    dst = jnp.concatenate([edge_index[1],
                           DUMP + (jnp.arange(e_pad - E, dtype=jnp.int32)
                                   % (N_PAD - N))])
    src2d = src.reshape(e_pad // CHUNK, CHUNK)
    dst2d = dst.reshape(e_pad // CHUNK, CHUNK)
    batch2d = batch.reshape(1, N)

    h = x
    pools = []
    for p in params['layers']:
        agg = _sc_scatter_add(h, src2d, dst2d, 128, cpt0, cpt1)
        h, pool = _tc_layer(h, agg, p, batch2d, p['W2'].shape[1])
        pools.append(pool)
    return _tc_head(pools, params['Wc1'], params['bc1'],
                    params['Wc2'], params['bc2'])

# --- scband reference (transcript-rebuilt; emitter-appended) ---
"""Pipeline reference for scband-ginmalware-classifier-84129819394426 (READ-ONLY COPY).

The authoritative reference and input builder live on the scoring server;
editing this copy changes nothing except your own understanding.
"""

import jax, jax.numpy as jnp
import numpy as np

N = 10000
E = 320000
D = 128
H = 64
L = 3
G = 64  # number of graphs in the batch


def _linear_init(key, fan_in, fan_out):
    return jax.random.normal(key, (fan_in, fan_out), dtype=jnp.float32) * (1.0 / np.sqrt(fan_in))


def setup_inputs(seed: int = 0) -> dict:
    key = jax.random.key(seed)
    ks = jax.random.split(key, 32)
    x = jax.random.normal(ks[0], (N, D), dtype=jnp.float32)
    edge_index = jax.random.randint(ks[1], (2, E), 0, N, dtype=jnp.int32)
    batch = jnp.sort(jax.random.randint(ks[2], (N,), 0, G, dtype=jnp.int32))
    layers = []
    ki = 3
    for i in range(L):
        in_ch = D if i == 0 else H
        layers.append({
            'eps': jnp.zeros((), dtype=jnp.float32),
            'W1': _linear_init(ks[ki + 0], in_ch, H),
            'b1': jnp.zeros((H,), dtype=jnp.float32),
            'g1': jnp.ones((H,), dtype=jnp.float32),
            'be1': jnp.zeros((H,), dtype=jnp.float32),
            'W2': _linear_init(ks[ki + 1], H, H),
            'b2': jnp.zeros((H,), dtype=jnp.float32),
            'gbn': jnp.ones((H,), dtype=jnp.float32),
            'bbn': jnp.zeros((H,), dtype=jnp.float32),
        })
        ki += 2
    params = {
        'layers': layers,
        'Wc1': _linear_init(ks[ki + 0], H * L, H),
        'bc1': jnp.zeros((H,), dtype=jnp.float32),
        'Wc2': _linear_init(ks[ki + 1], H, 2),
        'bc2': jnp.zeros((2,), dtype=jnp.float32),
    }
    return {'x': x, 'edge_index': edge_index, 'batch': batch, 'params': params}


def _bn(h, gamma, beta):
    m = h.mean(axis=0)
    v = h.var(axis=0)
    return (h - m) / jnp.sqrt(v + 1e-5) * gamma + beta


def _forward(x, params, edge_index, batch):
    src = edge_index[0]
    dst = edge_index[1]
    h = x
    outs = []
    for p in params['layers']:
        # GINConv: sum-aggregate neighbor messages, (1+eps)*x + agg, then MLP
        agg = jnp.zeros((h.shape[0], h.shape[1]), dtype=h.dtype).at[dst].add(h[src])
        z = (1.0 + p['eps']) * h + agg
        z = z @ p['W1'] + p['b1']
        z = _bn(z, p['g1'], p['be1'])
        z = jax.nn.relu(z)
        z = z @ p['W2'] + p['b2']
        # outer BatchNorm + ReLU (dropout is identity in eval)
        h = jax.nn.relu(_bn(z, p['gbn'], p['bbn']))
        outs.append(jax.ops.segment_sum(h, batch, num_segments=G))
    emb = jnp.concatenate(outs, axis=1)
    hc = jax.nn.relu(emb @ params['Wc1'] + params['bc1'])
    return hc @ params['Wc2'] + params['bc2']


def reference(x, edge_index, batch, params):
    return _forward(x, params, edge_index, batch)

if __name__ == "__main__":
    import jax
    _d = setup_inputs()
    print(jax.jit(kernel)(*tuple(_d.values())))

</pallas_src>

<mosaic_0001>
#map = affine_map<(d0, d1) -> (0, 0)>
#map1 = affine_map<(d0, d1) -> (0, 0, 0)>
module attributes {stable_mosaic.version = 14 : i64} {
  func.func @k(%arg0: i32, %arg1: i32, %arg2: memref<10000x128xf32, #tpu.memory_space<hbm>>, %arg3: memref<2560x128xi32, #tpu.memory_space<hbm>>, %arg4: memref<2560x128xi32, #tpu.memory_space<hbm>>, %arg5: memref<2x10240x128xf32, #tpu.memory_space<hbm>>, %arg6: memref<32x128xi32, #tpu.memory_space<vmem>>, %arg7: memref<32x128xi32, #tpu.memory_space<vmem>>, %arg8: memref<2x128x128xf32, #tpu.memory_space<vmem>>, %arg9: memref<10240x128xf32, #tpu.memory_space<vmem_shared>>, %arg10: memref<!tpu.dma_semaphore, #tpu.memory_space<semaphore_mem>>) attributes {dimension_semantics = [#tpu.dimension_semantics<core_parallel>, #tpu.dimension_semantics<subcore_parallel>], iteration_bounds = array<i64: 2, 16>, scalar_prefetch = 0 : i64, scratch_operands = 5 : i64, tpu.core_type = #tpu.core_type<sc_vector_subcore>, window_params = [{transform_indices = #map}, {transform_indices = #map}, {transform_indices = #map}, {transform_indices = #map1}]} {
    %broadcast_in_dim3A = arith.constant 0.000000e+00 : f32
    %broadcast_in_dim3A_0 = vector.broadcast %broadcast_in_dim3A : f32 to vector<16xf32>
    %scan3A = arith.constant 0 : i32
    %scan3A_1 = arith.constant 0 : i32
    %scan3A_2 = arith.constant 0 : i32
    %scan3A_3 = arith.constant 128 : i32
    %scan3A_4 = arith.addi %scan3A_2, %scan3A_3 : i32
    %scan3A_5 = arith.constant 1 : i32
    %scan3A_6 = scf.for %scan3A_89 = %scan3A_2 to %scan3A_4 step %scan3A_5 iter_args(%scan3A_90 = %scan3A_1) -> (i32)  : i32 {
      %swap3A = arith.constant 0 : i32
      %swap3A_91 = arith.constant 0 : i32
      %swap3A_92 = tpu.memref_slice %arg8[%scan3A, %swap3A, %swap3A_91] : memref<2x128x128xf32, #tpu.memory_space<vmem>> -> memref<1x128x128xf32, #tpu.memory_space<vmem>>
      %swap3A_93 = tpu.memref_squeeze %swap3A_92 : memref<1x128x128xf32, #tpu.memory_space<vmem>> -> memref<128x128xf32, #tpu.memory_space<vmem>>
      %swap3A_94 = arith.index_cast %scan3A_89 : i32 to index
      %swap3A_95 = arith.constant 0 : index
      %swap3A_96 = tpu.vector_load %swap3A_93[%swap3A_94, %swap3A_95] {strides = array<i32>} : memref<128x128xf32, #tpu.memory_space<vmem>>, vector<1x16xf32>,
      %swap3A_97 = vector.shape_cast %swap3A_96 : vector<1x16xf32> to vector<16xf32>
      %swap3A_98 = vector.shape_cast %broadcast_in_dim3A_0 : vector<16xf32> to vector<1x16xf32>
      tpu.vector_store %swap3A_93[%swap3A_94, %swap3A_95], %swap3A_98 {strides = array<i32>} : memref<128x128xf32, #tpu.memory_space<vmem>>, vector<1x16xf32>,
      %swap3A_99 = arith.constant 0 : i32
      %swap3A_100 = arith.constant 0 : i32
      %swap3A_101 = tpu.memref_slice %arg8[%scan3A, %swap3A_99, %swap3A_100] : memref<2x128x128xf32, #tpu.memory_space<vmem>> -> memref<1x128x128xf32, #tpu.memory_space<vmem>>
      %swap3A_102 = tpu.memref_squeeze %swap3A_101 : memref<1x128x128xf32, #tpu.memory_space<vmem>> -> memref<128x128xf32, #tpu.memory_space<vmem>>
      %swap3A_103 = arith.index_cast %scan3A_89 : i32 to index
      %swap3A_104 = arith.constant 16 : index
      %swap3A_105 = tpu.vector_load %swap3A_102[%swap3A_103, %swap3A_104] {strides = array<i32>} : memref<128x128xf32, #tpu.memory_space<vmem>>, vector<1x16xf32>,
      %swap3A_106 = vector.shape_cast %swap3A_105 : vector<1x16xf32> to vector<16xf32>
      %swap3A_107 = vector.shape_cast %broadcast_in_dim3A_0 : vector<16xf32> to vector<1x16xf32>
      tpu.vector_store %swap3A_102[%swap3A_103, %swap3A_104], %swap3A_107 {strides = array<i32>} : memref<128x128xf32, #tpu.memory_space<vmem>>, vector<1x16xf32>,
      %swap3A_108 = arith.constant 0 : i32
      %swap3A_109 = arith.constant 0 : i32
      %swap3A_110 = tpu.memref_slice %arg8[%scan3A, %swap3A_108, %swap3A_109] : memref<2x128x128xf32, #tpu.memory_space<vmem>> -> memref<1x128x128xf32, #tpu.memory_space<vmem>>
      %swap3A_111 = tpu.memref_squeeze %swap3A_110 : memref<1x128x128xf32, #tpu.memory_space<vmem>> -> memref<128x128xf32, #tpu.memory_space<vmem>>
      %swap3A_112 = arith.index_cast %scan3A_89 : i32 to index
      %swap3A_113 = arith.constant 32 : index
      %swap3A_114 = tpu.vector_load %swap3A_111[%swap3A_112, %swap3A_113] {strides = array<i32>} : memref<128x128xf32, #tpu.memory_space<vmem>>, vector<1x16xf32>,
      %swap3A_115 = vector.shape_cast %swap3A_114 : vector<1x16xf32> to vector<16xf32>
      %swap3A_116 = vector.shape_cast %broadcast_in_dim3A_0 : vector<16xf32> to vector<1x16xf32>
      tpu.vector_store %swap3A_111[%swap3A_112, %swap3A_113], %swap3A_116 {strides = array<i32>} : memref<128x128xf32, #tpu.memory_space<vmem>>, vector<1x16xf32>,
      %swap3A_117 = arith.constant 0 : i32
      %swap3A_118 = arith.constant 0 : i32
      %swap3A_119 = tpu.memref_slice %arg8[%scan3A, %swap3A_117, %swap3A_118] : memref<2x128x128xf32, #tpu.memory_space<vmem>> -> memref<1x128x128xf32, #tpu.memory_space<vmem>>
      %swap3A_120 = tpu.memref_squeeze %swap3A_119 : memref<1x128x128xf32, #tpu.memory_space<vmem>> -> memref<128x128xf32, #tpu.memory_space<vmem>>
      %swap3A_121 = arith.index_cast %scan3A_89 : i32 to index
      %swap3A_122 = arith.constant 48 : index
      %swap3A_123 = tpu.vector_load %swap3A_120[%swap3A_121, %swap3A_122] {strides = array<i32>} : memref<128x128xf32, #tpu.memory_space<vmem>>, vector<1x16xf32>,
      %swap3A_124 = vector.shape_cast %swap3A_123 : vector<1x16xf32> to vector<16xf32>
      %swap3A_125 = vector.shape_cast %broadcast_in_dim3A_0 : vector<16xf32> to vector<1x16xf32>
      tpu.vector_store %swap3A_120[%swap3A_121, %swap3A_122], %swap3A_125 {strides = array<i32>} : memref<128x128xf32, #tpu.memory_space<vmem>>, vector<1x16xf32>,
      %swap3A_126 = arith.constant 0 : i32
      %swap3A_127 = arith.constant 0 : i32
      %swap3A_128 = tpu.memref_slice %arg8[%scan3A, %swap3A_126, %swap3A_127] : memref<2x128x128xf32, #tpu.memory_space<vmem>> -> memref<1x128x128xf32, #tpu.memory_space<vmem>>
      %swap3A_129 = tpu.memref_squeeze %swap3A_128 : memref<1x128x128xf32, #tpu.memory_space<vmem>> -> memref<128x128xf32, #tpu.memory_space<vmem>>
      %swap3A_130 = arith.index_cast %scan3A_89 : i32 to index
      %swap3A_131 = arith.constant 64 : index
      %swap3A_132 = tpu.vector_load %swap3A_129[%swap3A_130, %swap3A_131] {strides = array<i32>} : memref<128x128xf32, #tpu.memory_space<vmem>>, vector<1x16xf32>,
      %swap3A_133 = vector.shape_cast %swap3A_132 : vector<1x16xf32> to vector<16xf32>
      %swap3A_134 = vector.shape_cast %broadcast_in_dim3A_0 : vector<16xf32> to vector<1x16xf32>
      tpu.vector_store %swap3A_129[%swap3A_130, %swap3A_131], %swap3A_134 {strides = array<i32>} : memref<128x128xf32, #tpu.memory_space<vmem>>, vector<1x16xf32>,
      %swap3A_135 = arith.constant 0 : i32
      %swap3A_136 = arith.constant 0 : i32
      %swap3A_137 = tpu.memref_slice %arg8[%scan3A, %swap3A_135, %swap3A_136] : memref<2x128x128xf32, #tpu.memory_space<vmem>> -> memref<1x128x128xf32, #tpu.memory_space<vmem>>
      %swap3A_138 = tpu.memref_squeeze %swap3A_137 : memref<1x128x128xf32, #tpu.memory_space<vmem>> -> memref<128x128xf32, #tpu.memory_space<vmem>>
      %swap3A_139 = arith.index_cast %scan3A_89 : i32 to index
      %swap3A_140 = arith.constant 80 : index
      %swap3A_141 = tpu.vector_load %swap3A_138[%swap3A_139, %swap3A_140] {strides = array<i32>} : memref<128x128xf32, #tpu.memory_space<vmem>>, vector<1x16xf32>,
      %swap3A_142 = vector.shape_cast %swap3A_141 : vector<1x16xf32> to vector<16xf32>
      %swap3A_143 = vector.shape_cast %broadcast_in_dim3A_0 : vector<16xf32> to vector<1x16xf32>
      tpu.vector_store %swap3A_138[%swap3A_139, %swap3A_140], %swap3A_143 {strides = array<i32>} : memref<128x128xf32, #tpu.memory_space<vmem>>, vector<1x16xf32>,
      %swap3A_144 = arith.constant 0 : i32
      %swap3A_145 = arith.constant 0 : i32
      %swap3A_146 = tpu.memref_slice %arg8[%scan3A, %swap3A_144, %swap3A_145] : memref<2x128x128xf32, #tpu.memory_space<vmem>> -> memref<1x128x128xf32, #tpu.memory_space<vmem>>
      %swap3A_147 = tpu.memref_squeeze %swap3A_146 : memref<1x128x128xf32, #tpu.memory_space<vmem>> -> memref<128x128xf32, #tpu.memory_space<vmem>>
      %swap3A_148 = arith.index_cast %scan3A_89 : i32 to index
      %swap3A_149 = arith.constant 96 : index
      %swap3A_150 = tpu.vector_load %swap3A_147[%swap3A_148, %swap3A_149] {strides = array<i32>} : memref<128x128xf32, #tpu.memory_space<vmem>>, vector<1x16xf32>,
      %swap3A_151 = vector.shape_cast %swap3A_150 : vector<1x16xf32> to vector<16xf32>
      %swap3A_152 = vector.shape_cast %broadcast_in_dim3A_0 : vector<16xf32> to vector<1x16xf32>
      tpu.vector_store %swap3A_147[%swap3A_148, %swap3A_149], %swap3A_152 {strides = array<i32>} : memref<128x128xf32, #tpu.memory_space<vmem>>, vector<1x16xf32>,
      %swap3A_153 = arith.constant 0 : i32
      %swap3A_154 = arith.constant 0 : i32
      %swap3A_155 = tpu.memref_slice %arg8[%scan3A, %swap3A_153, %swap3A_154] : memref<2x128x128xf32, #tpu.memory_space<vmem>> -> memref<1x128x128xf32, #tpu.memory_space<vmem>>
      %swap3A_156 = tpu.memref_squeeze %swap3A_155 : memref<1x128x128xf32, #tpu.memory_space<vmem>> -> memref<128x128xf32, #tpu.memory_space<vmem>>
      %swap3A_157 = arith.index_cast %scan3A_89 : i32 to index
      %swap3A_158 = arith.constant 112 : index
      %swap3A_159 = tpu.vector_load %swap3A_156[%swap3A_157, %swap3A_158] {strides = array<i32>} : memref<128x128xf32, #tpu.memory_space<vmem>>, vector<1x16xf32>,
      %swap3A_160 = vector.shape_cast %swap3A_159 : vector<1x16xf32> to vector<16xf32>
      %swap3A_161 = vector.shape_cast %broadcast_in_dim3A_0 : vector<16xf32> to vector<1x16xf32>
      tpu.vector_store %swap3A_156[%swap3A_157, %swap3A_158], %swap3A_161 {strides = array<i32>} : memref<128x128xf32, #tpu.memory_space<vmem>>, vector<1x16xf32>,
      %scan3A_162 = arith.constant 0 : i32
      scf.yield %scan3A_162 : i32
    }
    %scan3A_7 = arith.constant 128 : i32
    %mul3A = arith.constant 640 : i32
    %mul3A_8 = arith.muli %arg1, %mul3A : i32
    %add3A = arith.constant 0 : i32
    %add3A_9 = arith.addi %mul3A_8, %add3A : i32
    %run_scoped3A = arith.constant 0 : i32
    "tpu.region"() ({
      %run_scoped3A_89 = tpu.sem_alloc : memref<!tpu.dma_semaphore, #tpu.memory_space<semaphore_mem>>
      %dma_start3A = arith.constant 0 : i32
      %dma_start3A_90 = arith.constant 0 : i32
      %dma_start3A_91 = tpu.memref_slice %arg8[%run_scoped3A, %dma_start3A, %dma_start3A_90] : memref<2x128x128xf32, #tpu.memory_space<vmem>> -> memref<1x128x128xf32, #tpu.memory_space<vmem>>
      %dma_start3A_92 = tpu.memref_squeeze %dma_start3A_91 : memref<1x128x128xf32, #tpu.memory_space<vmem>> -> memref<128x128xf32, #tpu.memory_space<vmem>>
      %dma_start3A_93 = arith.constant 0 : i32
      %dma_start3A_94 = tpu.memref_slice %arg9[%add3A_9, %dma_start3A_93] : memref<10240x128xf32, #tpu.memory_space<vmem_shared>> -> memref<128x128xf32, #tpu.memory_space<vmem_shared>>
      %dma_start3A_95 = arith.constant 0 : i32
      %dma_start3A_96 = tpu.memref_slice %arg9[%add3A_9, %dma_start3A_95] : memref<10240x128xf32, #tpu.memory_space<vmem_shared>> -> memref<128x128xf32, #tpu.memory_space<vmem_shared>>
      %dma_start3A_97 = arith.constant 0 : i32
      %dma_start3A_98 = arith.constant 0 : i32
      %dma_start3A_99 = tpu.memref_slice %arg8[%run_scoped3A, %dma_start3A_97, %dma_start3A_98] : memref<2x128x128xf32, #tpu.memory_space<vmem>> -> memref<1x128x128xf32, #tpu.memory_space<vmem>>
      %dma_start3A_100 = tpu.memref_squeeze %dma_start3A_99 : memref<1x128x128xf32, #tpu.memory_space<vmem>> -> memref<128x128xf32, #tpu.memory_space<vmem>>
      tpu.enqueue_dma source(%dma_start3A_100 : memref<128x128xf32, #tpu.memory_space<vmem>>) target(%dma_start3A_96 : memref<128x128xf32, #tpu.memory_space<vmem_shared>>) target_semaphore(%run_scoped3A_89 : memref<!tpu.dma_semaphore, #tpu.memory_space<semaphore_mem>>)
      %dma_wait3A = arith.constant 0 : i32
      %dma_wait3A_101 = arith.constant 0 : i32
      %dma_wait3A_102 = tpu.memref_slice %arg8[%run_scoped3A, %dma_wait3A, %dma_wait3A_101] : memref<2x128x128xf32, #tpu.memory_space<vmem>> -> memref<1x128x128xf32, #tpu.memory_space<vmem>>
      %dma_wait3A_103 = tpu.memref_squeeze %dma_wait3A_102 : memref<1x128x128xf32, #tpu.memory_space<vmem>> -> memref<128x128xf32, #tpu.memory_space<vmem>>
      %dma_wait3A_104 = arith.constant 0 : i32
      %dma_wait3A_105 = tpu.memref_slice %arg9[%add3A_9, %dma_wait3A_104] : memref<10240x128xf32, #tpu.memory_space<vmem_shared>> -> memref<128x128xf32, #tpu.memory_space<vmem_shared>>
      %dma_wait3A_106 = arith.constant 0 : i32
      %dma_wait3A_107 = tpu.memref_slice %arg9[%add3A_9, %dma_wait3A_106] : memref<10240x128xf32, #tpu.memory_space<vmem_shared>> -> memref<128x128xf32, #tpu.memory_space<vmem_shared>>
      %dma_wait3A_108 = arith.constant 0 : i32
      %dma_wait3A_109 = arith.constant 0 : i32
      %dma_wait3A_110 = tpu.memref_slice %arg8[%run_scoped3A, %dma_wait3A_108, %dma_wait3A_109] : memref<2x128x128xf32, #tpu.memory_space<vmem>> -> memref<1x128x128xf32, #tpu.memory_space<vmem>>
      %dma_wait3A_111 = tpu.memref_squeeze %dma_wait3A_110 : memref<1x128x128xf32, #tpu.memory_space<vmem>> -> memref<128x128xf32, #tpu.memory_space<vmem>>
      tpu.wait_dma2 semaphore(%run_scoped3A_89 : memref<!tpu.dma_semaphore, #tpu.memory_space<semaphore_mem>>) src(%dma_wait3A_111 : memref<128x128xf32, #tpu.memory_space<vmem>>) dst(%dma_wait3A_107 : memref<128x128xf32, #tpu.memory_space<vmem_shared>>)
      tpu.yield
    }) : () -> ()
    %mul3A_10 = arith.constant 640 : i32
    %mul3A_11 = arith.muli %arg1, %mul3A_10 : i32
    %add3A_12 = arith.constant 128 : i32
    %add3A_13 = arith.addi %mul3A_11, %add3A_12 : i32
    %run_scoped3A_14 = arith.constant 0 : i32
    "tpu.region"() ({
      %run_scoped3A_89 = tpu.sem_alloc : memref<!tpu.dma_semaphore, #tpu.memory_space<semaphore_mem>>
      %dma_start3A = arith.constant 0 : i32
      %dma_start3A_90 = arith.constant 0 : i32
      %dma_start3A_91 = tpu.memref_slice %arg8[%run_scoped3A_14, %dma_start3A, %dma_start3A_90] : memref<2x128x128xf32, #tpu.memory_space<vmem>> -> memref<1x128x128xf32, #tpu.memory_space<vmem>>
      %dma_start3A_92 = tpu.memref_squeeze %dma_start3A_91 : memref<1x128x128xf32, #tpu.memory_space<vmem>> -> memref<128x128xf32, #tpu.memory_space<vmem>>
      %dma_start3A_93 = arith.constant 0 : i32
      %dma_start3A_94 = tpu.memref_slice %arg9[%add3A_13, %dma_start3A_93] : memref<10240x128xf32, #tpu.memory_space<vmem_shared>> -> memref<128x128xf32, #tpu.memory_space<vmem_shared>>
      %dma_start3A_95 = arith.constant 0 : i32
      %dma_start3A_96 = tpu.memref_slice %arg9[%add3A_13, %dma_start3A_95] : memref<10240x128xf32, #tpu.memory_space<vmem_shared>> -> memref<128x128xf32, #tpu.memory_space<vmem_shared>>
      %dma_start3A_97 = arith.constant 0 : i32
      %dma_start3A_98 = arith.constant 0 : i32
      %dma_start3A_99 = tpu.memref_slice %arg8[%run_scoped3A_14, %dma_start3A_97, %dma_start3A_98] : memref<2x128x128xf32, #tpu.memory_space<vmem>> -> memref<1x128x128xf32, #tpu.memory_space<vmem>>
      %dma_start3A_100 = tpu.memref_squeeze %dma_start3A_99 : memref<1x128x128xf32, #tpu.memory_space<vmem>> -> memref<128x128xf32, #tpu.memory_space<vmem>>
      tpu.enqueue_dma source(%dma_start3A_100 : memref<128x128xf32, #tpu.memory_space<vmem>>) target(%dma_start3A_96 : memref<128x128xf32, #tpu.memory_space<vmem_shared>>) target_semaphore(%run_scoped3A_89 : memref<!tpu.dma_semaphore, #tpu.memory_space<semaphore_mem>>)
      %dma_wait3A = arith.constant 0 : i32
      %dma_wait3A_101 = arith.constant 0 : i32
      %dma_wait3A_102 = tpu.memref_slice %arg8[%run_scoped3A_14, %dma_wait3A, %dma_wait3A_101] : memref<2x128x128xf32, #tpu.memory_space<vmem>> -> memref<1x128x128xf32, #tpu.memory_space<vmem>>
      %dma_wait3A_103 = tpu.memref_squeeze %dma_wait3A_102 : memref<1x128x128xf32, #tpu.memory_space<vmem>> -> memref<128x128xf32, #tpu.memory_space<vmem>>
      %dma_wait3A_104 = arith.constant 0 : i32
      %dma_wait3A_105 = tpu.memref_slice %arg9[%add3A_13, %dma_wait3A_104] : memref<10240x128xf32, #tpu.memory_space<vmem_shared>> -> memref<128x128xf32, #tpu.memory_space<vmem_shared>>
      %dma_wait3A_106 = arith.constant 0 : i32
      %dma_wait3A_107 = tpu.memref_slice %arg9[%add3A_13, %dma_wait3A_106] : memref<10240x128xf32, #tpu.memory_space<vmem_shared>> -> memref<128x128xf32, #tpu.memory_space<vmem_shared>>
      %dma_wait3A_108 = arith.constant 0 : i32
      %dma_wait3A_109 = arith.constant 0 : i32
      %dma_wait3A_110 = tpu.memref_slice %arg8[%run_scoped3A_14, %dma_wait3A_108, %dma_wait3A_109] : memref<2x128x128xf32, #tpu.memory_space<vmem>> -> memref<1x128x128xf32, #tpu.memory_space<vmem>>
      %dma_wait3A_111 = tpu.memref_squeeze %dma_wait3A_110 : memref<1x128x128xf32, #tpu.memory_space<vmem>> -> memref<128x128xf32, #tpu.memory_space<vmem>>
      tpu.wait_dma2 semaphore(%run_scoped3A_89 : memref<!tpu.dma_semaphore, #tpu.memory_space<semaphore_mem>>) src(%dma_wait3A_111 : memref<128x128xf32, #tpu.memory_space<vmem>>) dst(%dma_wait3A_107 : memref<128x128xf32, #tpu.memory_space<vmem_shared>>)
      tpu.yield
    }) : () -> ()
    %mul3A_15 = arith.constant 640 : i32
    %mul3A_16 = arith.muli %arg1, %mul3A_15 : i32
    %add3A_17 = arith.constant 256 : i32
    %add3A_18 = arith.addi %mul3A_16, %add3A_17 : i32
    %run_scoped3A_19 = arith.constant 0 : i32
    "tpu.region"() ({
      %run_scoped3A_89 = tpu.sem_alloc : memref<!tpu.dma_semaphore, #tpu.memory_space<semaphore_mem>>
      %dma_start3A = arith.constant 0 : i32
      %dma_start3A_90 = arith.constant 0 : i32
      %dma_start3A_91 = tpu.memref_slice %arg8[%run_scoped3A_19, %dma_start3A, %dma_start3A_90] : memref<2x128x128xf32, #tpu.memory_space<vmem>> -> memref<1x128x128xf32, #tpu.memory_space<vmem>>
      %dma_start3A_92 = tpu.memref_squeeze %dma_start3A_91 : memref<1x128x128xf32, #tpu.memory_space<vmem>> -> memref<128x128xf32, #tpu.memory_space<vmem>>
      %dma_start3A_93 = arith.constant 0 : i32
      %dma_start3A_94 = tpu.memref_slice %arg9[%add3A_18, %dma_start3A_93] : memref<10240x128xf32, #tpu.memory_space<vmem_shared>> -> memref<128x128xf32, #tpu.memory_space<vmem_shared>>
      %dma_start3A_95 = arith.constant 0 : i32
      %dma_start3A_96 = tpu.memref_slice %arg9[%add3A_18, %dma_start3A_95] : memref<10240x128xf32, #tpu.memory_space<vmem_shared>> -> memref<128x128xf32, #tpu.memory_space<vmem_shared>>
      %dma_start3A_97 = arith.constant 0 : i32
      %dma_start3A_98 = arith.constant 0 : i32
      %dma_start3A_99 = tpu.memref_slice %arg8[%run_scoped3A_19, %dma_start3A_97, %dma_start3A_98] : memref<2x128x128xf32, #tpu.memory_space<vmem>> -> memref<1x128x128xf32, #tpu.memory_space<vmem>>
      %dma_start3A_100 = tpu.memref_squeeze %dma_start3A_99 : memref<1x128x128xf32, #tpu.memory_space<vmem>> -> memref<128x128xf32, #tpu.memory_space<vmem>>
      tpu.enqueue_dma source(%dma_start3A_100 : memref<128x128xf32, #tpu.memory_space<vmem>>) target(%dma_start3A_96 : memref<128x128xf32, #tpu.memory_space<vmem_shared>>) target_semaphore(%run_scoped3A_89 : memref<!tpu.dma_semaphore, #tpu.memory_space<semaphore_mem>>)
      %dma_wait3A = arith.constant 0 : i32
      %dma_wait3A_101 = arith.constant 0 : i32
      %dma_wait3A_102 = tpu.memref_slice %arg8[%run_scoped3A_19, %dma_wait3A, %dma_wait3A_101] : memref<2x128x128xf32, #tpu.memory_space<vmem>> -> memref<1x128x128xf32, #tpu.memory_space<vmem>>
      %dma_wait3A_103 = tpu.memref_squeeze %dma_wait3A_102 : memref<1x128x128xf32, #tpu.memory_space<vmem>> -> memref<128x128xf32, #tpu.memory_space<vmem>>
      %dma_wait3A_104 = arith.constant 0 : i32
      %dma_wait3A_105 = tpu.memref_slice %arg9[%add3A_18, %dma_wait3A_104] : memref<10240x128xf32, #tpu.memory_space<vmem_shared>> -> memref<128x128xf32, #tpu.memory_space<vmem_shared>>
      %dma_wait3A_106 = arith.constant 0 : i32
      %dma_wait3A_107 = tpu.memref_slice %arg9[%add3A_18, %dma_wait3A_106] : memref<10240x128xf32, #tpu.memory_space<vmem_shared>> -> memref<128x128xf32, #tpu.memory_space<vmem_shared>>
      %dma_wait3A_108 = arith.constant 0 : i32
      %dma_wait3A_109 = arith.constant 0 : i32
      %dma_wait3A_110 = tpu.memref_slice %arg8[%run_scoped3A_19, %dma_wait3A_108, %dma_wait3A_109] : memref<2x128x128xf32, #tpu.memory_space<vmem>> -> memref<1x128x128xf32, #tpu.memory_space<vmem>>
      %dma_wait3A_111 = tpu.memref_squeeze %dma_wait3A_110 : memref<1x128x128xf32, #tpu.memory_space<vmem>> -> memref<128x128xf32, #tpu.memory_space<vmem>>
      tpu.wait_dma2 semaphore(%run_scoped3A_89 : memref<!tpu.dma_semaphore, #tpu.memory_space<semaphore_mem>>) src(%dma_wait3A_111 : memref<128x128xf32, #tpu.memory_space<vmem>>) dst(%dma_wait3A_107 : memref<128x128xf32, #tpu.memory_space<vmem_shared>>)
      tpu.yield
    }) : () -> ()
    %mul3A_20 = arith.constant 640 : i32
    %mul3A_21 = arith.muli %arg1, %mul3A_20 : i32
    %add3A_22 = arith.constant 384 : i32
    %add3A_23 = arith.addi %mul3A_21, %add3A_22 : i32
    %run_scoped3A_24 = arith.constant 0 : i32
    "tpu.region"() ({
      %run_scoped3A_89 = tpu.sem_alloc : memref<!tpu.dma_semaphore, #tpu.memory_space<semaphore_mem>>
      %dma_start3A = arith.constant 0 : i32
      %dma_start3A_90 = arith.constant 0 : i32
      %dma_start3A_91 = tpu.memref_slice %arg8[%run_scoped3A_24, %dma_start3A, %dma_start3A_90] : memref<2x128x128xf32, #tpu.memory_space<vmem>> -> memref<1x128x128xf32, #tpu.memory_space<vmem>>
      %dma_start3A_92 = tpu.memref_squeeze %dma_start3A_91 : memref<1x128x128xf32, #tpu.memory_space<vmem>> -> memref<128x128xf32, #tpu.memory_space<vmem>>
      %dma_start3A_93 = arith.constant 0 : i32
      %dma_start3A_94 = tpu.memref_slice %arg9[%add3A_23, %dma_start3A_93] : memref<10240x128xf32, #tpu.memory_space<vmem_shared>> -> memref<128x128xf32, #tpu.memory_space<vmem_shared>>
      %dma_start3A_95 = arith.constant 0 : i32
      %dma_start3A_96 = tpu.memref_slice %arg9[%add3A_23, %dma_start3A_95] : memref<10240x128xf32, #tpu.memory_space<vmem_shared>> -> memref<128x128xf32, #tpu.memory_space<vmem_shared>>
      %dma_start3A_97 = arith.constant 0 : i32
      %dma_start3A_98 = arith.constant 0 : i32
      %dma_start3A_99 = tpu.memref_slice %arg8[%run_scoped3A_24, %dma_start3A_97, %dma_start3A_98] : memref<2x128x128xf32, #tpu.memory_space<vmem>> -> memref<1x128x128xf32, #tpu.memory_space<vmem>>
      %dma_start3A_100 = tpu.memref_squeeze %dma_start3A_99 : memref<1x128x128xf32, #tpu.memory_space<vmem>> -> memref<128x128xf32, #tpu.memory_space<vmem>>
      tpu.enqueue_dma source(%dma_start3A_100 : memref<128x128xf32, #tpu.memory_space<vmem>>) target(%dma_start3A_96 : memref<128x128xf32, #tpu.memory_space<vmem_shared>>) target_semaphore(%run_scoped3A_89 : memref<!tpu.dma_semaphore, #tpu.memory_space<semaphore_mem>>)
      %dma_wait3A = arith.constant 0 : i32
      %dma_wait3A_101 = arith.constant 0 : i32
      %dma_wait3A_102 = tpu.memref_slice %arg8[%run_scoped3A_24, %dma_wait3A, %dma_wait3A_101] : memref<2x128x128xf32, #tpu.memory_space<vmem>> -> memref<1x128x128xf32, #tpu.memory_space<vmem>>
      %dma_wait3A_103 = tpu.memref_squeeze %dma_wait3A_102 : memref<1x128x128xf32, #tpu.memory_space<vmem>> -> memref<128x128xf32, #tpu.memory_space<vmem>>
      %dma_wait3A_104 = arith.constant 0 : i32
      %dma_wait3A_105 = tpu.memref_slice %arg9[%add3A_23, %dma_wait3A_104] : memref<10240x128xf32, #tpu.memory_space<vmem_shared>> -> memref<128x128xf32, #tpu.memory_space<vmem_shared>>
      %dma_wait3A_106 = arith.constant 0 : i32
      %dma_wait3A_107 = tpu.memref_slice %arg9[%add3A_23, %dma_wait3A_106] : memref<10240x128xf32, #tpu.memory_space<vmem_shared>> -> memref<128x128xf32, #tpu.memory_space<vmem_shared>>
      %dma_wait3A_108 = arith.constant 0 : i32
      %dma_wait3A_109 = arith.constant 0 : i32
      %dma_wait3A_110 = tpu.memref_slice %arg8[%run_scoped3A_24, %dma_wait3A_108, %dma_wait3A_109] : memref<2x128x128xf32, #tpu.memory_space<vmem>> -> memref<1x128x128xf32, #tpu.memory_space<vmem>>
      %dma_wait3A_111 = tpu.memref_squeeze %dma_wait3A_110 : memref<1x128x128xf32, #tpu.memory_space<vmem>> -> memref<128x128xf32, #tpu.memory_space<vmem>>
      tpu.wait_dma2 semaphore(%run_scoped3A_89 : memref<!tpu.dma_semaphore, #tpu.memory_space<semaphore_mem>>) src(%dma_wait3A_111 : memref<128x128xf32, #tpu.memory_space<vmem>>) dst(%dma_wait3A_107 : memref<128x128xf32, #tpu.memory_space<vmem_shared>>)
      tpu.yield
    }) : () -> ()
    %mul3A_25 = arith.constant 640 : i32
    %mul3A_26 = arith.muli %arg1, %mul3A_25 : i32
    %add3A_27 = arith.constant 512 : i32
    %add3A_28 = arith.addi %mul3A_26, %add3A_27 : i32
    %run_scoped3A_29 = arith.constant 0 : i32
    "tpu.region"() ({
      %run_scoped3A_89 = tpu.sem_alloc : memref<!tpu.dma_semaphore, #tpu.memory_space<semaphore_mem>>
      %dma_start3A = arith.constant 0 : i32
      %dma_start3A_90 = arith.constant 0 : i32
      %dma_start3A_91 = tpu.memref_slice %arg8[%run_scoped3A_29, %dma_start3A, %dma_start3A_90] : memref<2x128x128xf32, #tpu.memory_space<vmem>> -> memref<1x128x128xf32, #tpu.memory_space<vmem>>
      %dma_start3A_92 = tpu.memref_squeeze %dma_start3A_91 : memref<1x128x128xf32, #tpu.memory_space<vmem>> -> memref<128x128xf32, #tpu.memory_space<vmem>>
      %dma_start3A_93 = arith.constant 0 : i32
      %dma_start3A_94 = tpu.memref_slice %arg9[%add3A_28, %dma_start3A_93] : memref<10240x128xf32, #tpu.memory_space<vmem_shared>> -> memref<128x128xf32, #tpu.memory_space<vmem_shared>>
      %dma_start3A_95 = arith.constant 0 : i32
      %dma_start3A_96 = tpu.memref_slice %arg9[%add3A_28, %dma_start3A_95] : memref<10240x128xf32, #tpu.memory_space<vmem_shared>> -> memref<128x128xf32, #tpu.memory_space<vmem_shared>>
      %dma_start3A_97 = arith.constant 0 : i32
      %dma_start3A_98 = arith.constant 0 : i32
      %dma_start3A_99 = tpu.memref_slice %arg8[%run_scoped3A_29, %dma_start3A_97, %dma_start3A_98] : memref<2x128x128xf32, #tpu.memory_space<vmem>> -> memref<1x128x128xf32, #tpu.memory_space<vmem>>
      %dma_start3A_100 = tpu.memref_squeeze %dma_start3A_99 : memref<1x128x128xf32, #tpu.memory_space<vmem>> -> memref<128x128xf32, #tpu.memory_space<vmem>>
      tpu.enqueue_dma source(%dma_start3A_100 : memref<128x128xf32, #tpu.memory_space<vmem>>) target(%dma_start3A_96 : memref<128x128xf32, #tpu.memory_space<vmem_shared>>) target_semaphore(%run_scoped3A_89 : memref<!tpu.dma_semaphore, #tpu.memory_space<semaphore_mem>>)
      %dma_wait3A = arith.constant 0 : i32
      %dma_wait3A_101 = arith.constant 0 : i32
      %dma_wait3A_102 = tpu.memref_slice %arg8[%run_scoped3A_29, %dma_wait3A, %dma_wait3A_101] : memref<2x128x128xf32, #tpu.memory_space<vmem>> -> memref<1x128x128xf32, #tpu.memory_space<vmem>>
      %dma_wait3A_103 = tpu.memref_squeeze %dma_wait3A_102 : memref<1x128x128xf32, #tpu.memory_space<vmem>> -> memref<128x128xf32, #tpu.memory_space<vmem>>
      %dma_wait3A_104 = arith.constant 0 : i32
      %dma_wait3A_105 = tpu.memref_slice %arg9[%add3A_28, %dma_wait3A_104] : memref<10240x128xf32, #tpu.memory_space<vmem_shared>> -> memref<128x128xf32, #tpu.memory_space<vmem_shared>>
      %dma_wait3A_106 = arith.constant 0 : i32
      %dma_wait3A_107 = tpu.memref_slice %arg9[%add3A_28, %dma_wait3A_106] : memref<10240x128xf32, #tpu.memory_space<vmem_shared>> -> memref<128x128xf32, #tpu.memory_space<vmem_shared>>
      %dma_wait3A_108 = arith.constant 0 : i32
      %dma_wait3A_109 = arith.constant 0 : i32
      %dma_wait3A_110 = tpu.memref_slice %arg8[%run_scoped3A_29, %dma_wait3A_108, %dma_wait3A_109] : memref<2x128x128xf32, #tpu.memory_space<vmem>> -> memref<1x128x128xf32, #tpu.memory_space<vmem>>
      %dma_wait3A_111 = tpu.memref_squeeze %dma_wait3A_110 : memref<1x128x128xf32, #tpu.memory_space<vmem>> -> memref<128x128xf32, #tpu.memory_space<vmem>>
      tpu.wait_dma2 semaphore(%run_scoped3A_89 : memref<!tpu.dma_semaphore, #tpu.memory_space<semaphore_mem>>) src(%dma_wait3A_111 : memref<128x128xf32, #tpu.memory_space<vmem>>) dst(%dma_wait3A_107 : memref<128x128xf32, #tpu.memory_space<vmem_shared>>)
      tpu.yield
    }) : () -> ()
    %barrier3A = arith.constant 0 : index
    tpu.barrier barrier_id(%barrier3A)
    %eq3A = arith.constant 0 : i32
    %eq3A_30 = arith.cmpi eq, %arg0, %eq3A : i32
    %jit3A = arith.constant 128 : i32
    %jit3A_31 = arith.constant 32 : i32
    %select_n3A = arith.select %eq3A_30, %jit3A, %jit3A_31 : i32
    %eq3A_32 = arith.constant 0 : i32
    %eq3A_33 = arith.cmpi eq, %arg0, %eq3A_32 : i32
    %mul3A_34 = arith.constant 128 : i32
    %mul3A_35 = arith.muli %arg1, %mul3A_34 : i32
    %mul3A_36 = arith.constant 32 : i32
    %mul3A_37 = arith.muli %arg1, %mul3A_36 : i32
    %add3A_38 = arith.constant 2048 : i32
    %add3A_39 = arith.addi %add3A_38, %mul3A_37 : i32
    %select_n3A_40 = arith.select %eq3A_33, %mul3A_35, %add3A_39 : i32
    %gt3A = arith.constant 0 : i32
    %gt3A_41 = arith.cmpi sgt, %select_n3A, %gt3A : i32
    %convert_element_type3A = arith.extui %gt3A_41 : i1 to i32
    %cond3A = arith.constant 0 : i32
    %cond3A_42 = arith.cmpi ne, %convert_element_type3A, %cond3A : i32
    scf.if %cond3A_42 {
      %add3A_89 = arith.constant 0 : i32
      %add3A_90 = arith.addi %select_n3A_40, %add3A_89 : i32
      %multiple_of3A = tpu.assume_multiple %add3A_90, 8 : i32
      "tpu.region"() ({
        %run_scoped3A_109 = tpu.sem_alloc : memref<!tpu.dma_semaphore, #tpu.memory_space<semaphore_mem>>
        %dma_start3A_110 = arith.constant 0 : i32
        %dma_start3A_111 = tpu.memref_slice %arg3[%multiple_of3A, %dma_start3A_110] : memref<2560x128xi32, #tpu.memory_space<hbm>> -> memref<32x128xi32, #tpu.memory_space<hbm>>
        %dma_start3A_112 = arith.constant 0 : i32
        %dma_start3A_113 = tpu.memref_slice %arg3[%multiple_of3A, %dma_start3A_112] : memref<2560x128xi32, #tpu.memory_space<hbm>> -> memref<32x128xi32, #tpu.memory_space<hbm>>
        tpu.enqueue_dma source(%dma_start3A_113 : memref<32x128xi32, #tpu.memory_space<hbm>>) target(%arg6 : memref<32x128xi32, #tpu.memory_space<vmem>>) target_semaphore(%run_scoped3A_109 : memref<!tpu.dma_semaphore, #tpu.memory_space<semaphore_mem>>)
        %dma_wait3A = arith.constant 0 : i32
        %dma_wait3A_114 = tpu.memref_slice %arg3[%multiple_of3A, %dma_wait3A] : memref<2560x128xi32, #tpu.memory_space<hbm>> -> memref<32x128xi32, #tpu.memory_space<hbm>>
        %dma_wait3A_115 = arith.constant 0 : i32
        %dma_wait3A_116 = tpu.memref_slice %arg3[%multiple_of3A, %dma_wait3A_115] : memref<2560x128xi32, #tpu.memory_space<hbm>> -> memref<32x128xi32, #tpu.memory_space<hbm>>
        tpu.wait_dma2 semaphore(%run_scoped3A_109 : memref<!tpu.dma_semaphore, #tpu.memory_space<semaphore_mem>>) src(%dma_wait3A_116 : memref<32x128xi32, #tpu.memory_space<hbm>>) dst(%arg6 : memref<32x128xi32, #tpu.memory_space<vmem>>)
        tpu.yield
      }) : () -> ()
      "tpu.region"() ({
        %run_scoped3A_109 = tpu.sem_alloc : memref<!tpu.dma_semaphore, #tpu.memory_space<semaphore_mem>>
        %dma_start3A_110 = arith.constant 0 : i32
        %dma_start3A_111 = tpu.memref_slice %arg4[%multiple_of3A, %dma_start3A_110] : memref<2560x128xi32, #tpu.memory_space<hbm>> -> memref<32x128xi32, #tpu.memory_space<hbm>>
        %dma_start3A_112 = arith.constant 0 : i32
        %dma_start3A_113 = tpu.memref_slice %arg4[%multiple_of3A, %dma_start3A_112] : memref<2560x128xi32, #tpu.memory_space<hbm>> -> memref<32x128xi32, #tpu.memory_space<hbm>>
        tpu.enqueue_dma source(%dma_start3A_113 : memref<32x128xi32, #tpu.memory_space<hbm>>) target(%arg7 : memref<32x128xi32, #tpu.memory_space<vmem>>) target_semaphore(%run_scoped3A_109 : memref<!tpu.dma_semaphore, #tpu.memory_space<semaphore_mem>>)
        %dma_wait3A = arith.constant 0 : i32
        %dma_wait3A_114 = tpu.memref_slice %arg4[%multiple_of3A, %dma_wait3A] : memref<2560x128xi32, #tpu.memory_space<hbm>> -> memref<32x128xi32, #tpu.memory_space<hbm>>
        %dma_wait3A_115 = arith.constant 0 : i32
        %dma_wait3A_116 = tpu.memref_slice %arg4[%multiple_of3A, %dma_wait3A_115] : memref<2560x128xi32, #tpu.memory_space<hbm>> -> memref<32x128xi32, #tpu.memory_space<hbm>>
        tpu.wait_dma2 semaphore(%run_scoped3A_109 : memref<!tpu.dma_semaphore, #tpu.memory_space<semaphore_mem>>) src(%dma_wait3A_116 : memref<32x128xi32, #tpu.memory_space<hbm>>) dst(%arg7 : memref<32x128xi32, #tpu.memory_space<vmem>>)
        tpu.yield
      }) : () -> ()
      %dma_start3A = arith.constant 0 : i32
      %dma_start3A_91 = arith.constant 0 : i32
      %dma_start3A_92 = arith.constant 0 : i32
      %dma_start3A_93 = arith.constant 0 : i32
      %dma_start3A_94 = tpu.memref_slice %arg8[%dma_start3A_91, %dma_start3A_92, %dma_start3A_93] : memref<2x128x128xf32, #tpu.memory_space<vmem>> -> memref<1x128x128xf32, #tpu.memory_space<vmem>>
      %dma_start3A_95 = tpu.memref_squeeze %dma_start3A_94 : memref<1x128x128xf32, #tpu.memory_space<vmem>> -> memref<128x128xf32, #tpu.memory_space<vmem>>
      %dma_start3A_96 = arith.constant 0 : i32
      %dma_start3A_97 = tpu.memref_slice %arg6[%dma_start3A, %dma_start3A_96] : memref<32x128xi32, #tpu.memory_space<vmem>> -> memref<1x128xi32, #tpu.memory_space<vmem>>
      %dma_start3A_98 = tpu.memref_squeeze %dma_start3A_97 : memref<1x128xi32, #tpu.memory_space<vmem>> -> memref<128xi32, #tpu.memory_space<vmem>>
      %dma_start3A_99 = arith.constant 0 : i32
      %dma_start3A_100 = arith.constant 0 : i32
      %dma_start3A_101 = tpu.memref_slice %arg2[%dma_start3A_99, %dma_start3A_100] : memref<10000x128xf32, #tpu.memory_space<hbm>> -> memref<10000x128xf32, #tpu.memory_space<hbm>>
      tpu.enqueue_indirect_dma source(%dma_start3A_101 : memref<10000x128xf32, #tpu.memory_space<hbm>>) target(%dma_start3A_95 : memref<128x128xf32, #tpu.memory_space<vmem>>) offsets(%dma_start3A_98 : memref<128xi32, #tpu.memory_space<vmem>>) semaphore(%arg10 : memref<!tpu.dma_semaphore, #tpu.memory_space<semaphore_mem>>)
      %scan3A_102 = arith.constant 0 : i32
      %scan3A_103 = arith.constant 0 : i32
      %scan3A_104 = arith.constant 32 : i32
      %scan3A_105 = arith.addi %scan3A_103, %scan3A_104 : i32
      %scan3A_106 = arith.constant 1 : i32
      %scan3A_107 = scf.for %scan3A_109 = %scan3A_103 to %scan3A_105 step %scan3A_106 iter_args(%scan3A_110 = %scan3A_102) -> (i32)  : i32 {
        %add3A_111 = arith.constant 1 : i32
        %add3A_112 = arith.addi %scan3A_109, %add3A_111 : i32
        %lt3A = arith.constant 32 : i32
        %lt3A_113 = arith.cmpi slt, %add3A_112, %lt3A : i32
        %convert_element_type3A_114 = arith.extui %lt3A_113 : i1 to i32
        %cond3A_115 = arith.constant 0 : i32
        %cond3A_116 = arith.cmpi ne, %convert_element_type3A_114, %cond3A_115 : i32
        scf.if %cond3A_116 {
          %jit3A_140 = arith.constant 2 : i32
          %eq3A_141 = arith.constant 0 : i32
          %eq3A_142 = arith.cmpi eq, %jit3A_140, %eq3A_141 : i32
          %jit3A_143 = arith.constant 1 : i32
          %select_n3A_144 = arith.select %eq3A_142, %jit3A_143, %jit3A_140 : i32
          %rem3A_145 = arith.remsi %add3A_112, %select_n3A_144 : i32
          %ne3A_146 = arith.constant 0 : i32
          %ne3A_147 = arith.cmpi ne, %rem3A_145, %ne3A_146 : i32
          %lt3A_148 = arith.constant 0 : i32
          %lt3A_149 = arith.cmpi slt, %rem3A_145, %lt3A_148 : i32
          %lt3A_150 = arith.constant 0 : i32
          %lt3A_151 = arith.cmpi slt, %select_n3A_144, %lt3A_150 : i32
          %ne3A_152 = arith.xori %lt3A_149, %lt3A_151 : i1
          %and3A_153 = arith.andi %ne3A_152, %ne3A_147 : i1
          %add3A_154 = arith.addi %rem3A_145, %select_n3A_144 : i32
          %select_n3A_155 = arith.select %and3A_153, %add3A_154, %rem3A_145 : i32
          %dma_start3A_156 = arith.constant 0 : i32
          %dma_start3A_157 = arith.constant 0 : i32
          %dma_start3A_158 = tpu.memref_slice %arg8[%select_n3A_155, %dma_start3A_156, %dma_start3A_157] : memref<2x128x128xf32, #tpu.memory_space<vmem>> -> memref<1x128x128xf32, #tpu.memory_space<vmem>>
          %dma_start3A_159 = tpu.memref_squeeze %dma_start3A_158 : memref<1x128x128xf32, #tpu.memory_space<vmem>> -> memref<128x128xf32, #tpu.memory_space<vmem>>
          %dma_start3A_160 = arith.constant 0 : i32
          %dma_start3A_161 = tpu.memref_slice %arg6[%add3A_112, %dma_start3A_160] : memref<32x128xi32, #tpu.memory_space<vmem>> -> memref<1x128xi32, #tpu.memory_space<vmem>>
          %dma_start3A_162 = tpu.memref_squeeze %dma_start3A_161 : memref<1x128xi32, #tpu.memory_space<vmem>> -> memref<128xi32, #tpu.memory_space<vmem>>
          %dma_start3A_163 = arith.constant 0 : i32
          %dma_start3A_164 = arith.constant 0 : i32
          %dma_start3A_165 = tpu.memref_slice %arg2[%dma_start3A_163, %dma_start3A_164] : memref<10000x128xf32, #tpu.memory_space<hbm>> -> memref<10000x128xf32, #tpu.memory_space<hbm>>
          tpu.enqueue_indirect_dma source(%dma_start3A_165 : memref<10000x128xf32, #tpu.memory_space<hbm>>) target(%dma_start3A_159 : memref<128x128xf32, #tpu.memory_space<vmem>>) offsets(%dma_start3A_162 : memref<128xi32, #tpu.memory_space<vmem>>) semaphore(%arg10 : memref<!tpu.dma_semaphore, #tpu.memory_space<semaphore_mem>>)
        } else {
        }
        %jit3A_117 = arith.constant 2 : i32
        %eq3A_118 = arith.constant 0 : i32
        %eq3A_119 = arith.cmpi eq, %jit3A_117, %eq3A_118 : i32
        %jit3A_120 = arith.constant 1 : i32
        %select_n3A_121 = arith.select %eq3A_119, %jit3A_120, %jit3A_117 : i32
        %rem3A = arith.remsi %scan3A_109, %select_n3A_121 : i32
        %ne3A = arith.constant 0 : i32
        %ne3A_122 = arith.cmpi ne, %rem3A, %ne3A : i32
        %lt3A_123 = arith.constant 0 : i32
        %lt3A_124 = arith.cmpi slt, %rem3A, %lt3A_123 : i32
        %lt3A_125 = arith.constant 0 : i32
        %lt3A_126 = arith.cmpi slt, %select_n3A_121, %lt3A_125 : i32
        %ne3A_127 = arith.xori %lt3A_124, %lt3A_126 : i1
        %and3A = arith.andi %ne3A_127, %ne3A_122 : i1
        %add3A_128 = arith.addi %rem3A, %select_n3A_121 : i32
        %select_n3A_129 = arith.select %and3A, %add3A_128, %rem3A : i32
        %dma_wait3A = arith.constant 0 : i32
        %dma_wait3A_130 = arith.constant 0 : i32
        %dma_wait3A_131 = tpu.memref_slice %arg8[%select_n3A_129, %dma_wait3A, %dma_wait3A_130] : memref<2x128x128xf32, #tpu.memory_space<vmem>> -> memref<1x128x128xf32, #tpu.memory_space<vmem>>
        %dma_wait3A_132 = tpu.memref_squeeze %dma_wait3A_131 : memref<1x128x128xf32, #tpu.memory_space<vmem>> -> memref<128x128xf32, #tpu.memory_space<vmem>>
        %dma_wait3A_133 = arith.constant 0 : i32
        %dma_wait3A_134 = tpu.memref_slice %arg6[%scan3A_109, %dma_wait3A_133] : memref<32x128xi32, #tpu.memory_space<vmem>> -> memref<1x128xi32, #tpu.memory_space<vmem>>
        %dma_wait3A_135 = tpu.memref_squeeze %dma_wait3A_134 : memref<1x128xi32, #tpu.memory_space<vmem>> -> memref<128xi32, #tpu.memory_space<vmem>>
        %dma_wait3A_136 = arith.constant 0 : i32
        %dma_wait3A_137 = arith.constant 0 : i32
        %dma_wait3A_138 = tpu.memref_slice %arg2[%dma_wait3A_136, %dma_wait3A_137] : memref<10000x128xf32, #tpu.memory_space<hbm>> -> memref<10000x128xf32, #tpu.memory_space<hbm>>
        tpu.wait_indirect_dma semaphore(%arg10 : memref<!tpu.dma_semaphore, #tpu.memory_space<semaphore_mem>>) src(%dma_wait3A_138 : memref<10000x128xf32, #tpu.memory_space<hbm>>) dst(%dma_wait3A_132 : memref<128x128xf32, #tpu.memory_space<vmem>>)
        "tpu.region"() ({
          %run_scoped3A_140 = tpu.sem_alloc : memref<!tpu.dma_semaphore, #tpu.memory_space<semaphore_mem>>
          %dma_start3A_141 = arith.constant 0 : i32
          %dma_start3A_142 = arith.constant 0 : i32
          %dma_start3A_143 = tpu.memref_slice %arg8[%select_n3A_129, %dma_start3A_141, %dma_start3A_142] : memref<2x128x128xf32, #tpu.memory_space<vmem>> -> memref<1x128x128xf32, #tpu.memory_space<vmem>>
          %dma_start3A_144 = tpu.memref_squeeze %dma_start3A_143 : memref<1x128x128xf32, #tpu.memory_space<vmem>> -> memref<128x128xf32, #tpu.memory_space<vmem>>
          %dma_start3A_145 = arith.constant 0 : i32
          %dma_start3A_146 = tpu.memref_slice %arg7[%scan3A_109, %dma_start3A_145] : memref<32x128xi32, #tpu.memory_space<vmem>> -> memref<1x128xi32, #tpu.memory_space<vmem>>
          %dma_start3A_147 = tpu.memref_squeeze %dma_start3A_146 : memref<1x128xi32, #tpu.memory_space<vmem>> -> memref<128xi32, #tpu.memory_space<vmem>>
          %dma_start3A_148 = arith.constant 0 : i32
          %dma_start3A_149 = arith.constant 0 : i32
          %dma_start3A_150 = tpu.memref_slice %arg9[%dma_start3A_148, %dma_start3A_149] : memref<10240x128xf32, #tpu.memory_space<vmem_shared>> -> memref<10240x128xf32, #tpu.memory_space<vmem_shared>>
          tpu.enqueue_indirect_dma source(%dma_start3A_144 : memref<128x128xf32, #tpu.memory_space<vmem>>) target(%dma_start3A_150 : memref<10240x128xf32, #tpu.memory_space<vmem_shared>>) offsets(%dma_start3A_147 : memref<128xi32, #tpu.memory_space<vmem>>) semaphore(%run_scoped3A_140 : memref<!tpu.dma_semaphore, #tpu.memory_space<semaphore_mem>>) {add = true}
          %dma_wait3A_151 = arith.constant 0 : i32
          %dma_wait3A_152 = arith.constant 0 : i32
          %dma_wait3A_153 = tpu.memref_slice %arg8[%select_n3A_129, %dma_wait3A_151, %dma_wait3A_152] : memref<2x128x128xf32, #tpu.memory_space<vmem>> -> memref<1x128x128xf32, #tpu.memory_space<vmem>>
          %dma_wait3A_154 = tpu.memref_squeeze %dma_wait3A_153 : memref<1x128x128xf32, #tpu.memory_space<vmem>> -> memref<128x128xf32, #tpu.memory_space<vmem>>
          %dma_wait3A_155 = arith.constant 0 : i32
          %dma_wait3A_156 = tpu.memref_slice %arg7[%scan3A_109, %dma_wait3A_155] : memref<32x128xi32, #tpu.memory_space<vmem>> -> memref<1x128xi32, #tpu.memory_space<vmem>>
          %dma_wait3A_157 = tpu.memref_squeeze %dma_wait3A_156 : memref<1x128xi32, #tpu.memory_space<vmem>> -> memref<128xi32, #tpu.memory_space<vmem>>
          %dma_wait3A_158 = arith.constant 0 : i32
          %dma_wait3A_159 = arith.constant 0 : i32
          %dma_wait3A_160 = tpu.memref_slice %arg9[%dma_wait3A_158, %dma_wait3A_159] : memref<10240x128xf32, #tpu.memory_space<vmem_shared>> -> memref<10240x128xf32, #tpu.memory_space<vmem_shared>>
          tpu.wait_indirect_dma semaphore(%run_scoped3A_140 : memref<!tpu.dma_semaphore, #tpu.memory_space<semaphore_mem>>) src(%dma_wait3A_154 : memref<128x128xf32, #tpu.memory_space<vmem>>) dst(%dma_wait3A_160 : memref<10240x128xf32, #tpu.memory_space<vmem_shared>>)
          tpu.yield
        }) : () -> ()
        %scan3A_139 = arith.constant 0 : i32
        scf.yield %scan3A_139 : i32
      }
      %scan3A_108 = arith.constant 32 : i32
    } else {
    }
    %gt3A_43 = arith.constant 32 : i32
    %gt3A_44 = arith.cmpi sgt, %select_n3A, %gt3A_43 : i32
    %convert_element_type3A_45 = arith.extui %gt3A_44 : i1 to i32
    %cond3A_46 = arith.constant 0 : i32
    %cond3A_47 = arith.cmpi ne, %convert_element_type3A_45, %cond3A_46 : i32
    scf.if %cond3A_47 {
      %add3A_89 = arith.constant 32 : i32
      %add3A_90 = arith.addi %select_n3A_40, %add3A_89 : i32
      %multiple_of3A = tpu.assume_multiple %add3A_90, 8 : i32
      "tpu.region"() ({
        %run_scoped3A_109 = tpu.sem_alloc : memref<!tpu.dma_semaphore, #tpu.memory_space<semaphore_mem>>
        %dma_start3A_110 = arith.constant 0 : i32
        %dma_start3A_111 = tpu.memref_slice %arg3[%multiple_of3A, %dma_start3A_110] : memref<2560x128xi32, #tpu.memory_space<hbm>> -> memref<32x128xi32, #tpu.memory_space<hbm>>
        %dma_start3A_112 = arith.constant 0 : i32
        %dma_start3A_113 = tpu.memref_slice %arg3[%multiple_of3A, %dma_start3A_112] : memref<2560x128xi32, #tpu.memory_space<hbm>> -> memref<32x128xi32, #tpu.memory_space<hbm>>
        tpu.enqueue_dma source(%dma_start3A_113 : memref<32x128xi32, #tpu.memory_space<hbm>>) target(%arg6 : memref<32x128xi32, #tpu.memory_space<vmem>>) target_semaphore(%run_scoped3A_109 : memref<!tpu.dma_semaphore, #tpu.memory_space<semaphore_mem>>)
        %dma_wait3A = arith.constant 0 : i32
        %dma_wait3A_114 = tpu.memref_slice %arg3[%multiple_of3A, %dma_wait3A] : memref<2560x128xi32, #tpu.memory_space<hbm>> -> memref<32x128xi32, #tpu.memory_space<hbm>>
        %dma_wait3A_115 = arith.constant 0 : i32
        %dma_wait3A_116 = tpu.memref_slice %arg3[%multiple_of3A, %dma_wait3A_115] : memref<2560x128xi32, #tpu.memory_space<hbm>> -> memref<32x128xi32, #tpu.memory_space<hbm>>
        tpu.wait_dma2 semaphore(%run_scoped3A_109 : memref<!tpu.dma_semaphore, #tpu.memory_space<semaphore_mem>>) src(%dma_wait3A_116 : memref<32x128xi32, #tpu.memory_space<hbm>>) dst(%arg6 : memref<32x128xi32, #tpu.memory_space<vmem>>)
        tpu.yield
      }) : () -> ()
      "tpu.region"() ({
        %run_scoped3A_109 = tpu.sem_alloc : memref<!tpu.dma_semaphore, #tpu.memory_space<semaphore_mem>>
        %dma_start3A_110 = arith.constant 0 : i32
        %dma_start3A_111 = tpu.memref_slice %arg4[%multiple_of3A, %dma_start3A_110] : memref<2560x128xi32, #tpu.memory_space<hbm>> -> memref<32x128xi32, #tpu.memory_space<hbm>>
        %dma_start3A_112 = arith.constant 0 : i32
        %dma_start3A_113 = tpu.memref_slice %arg4[%multiple_of3A, %dma_start3A_112] : memref<2560x128xi32, #tpu.memory_space<hbm>> -> memref<32x128xi32, #tpu.memory_space<hbm>>
        tpu.enqueue_dma source(%dma_start3A_113 : memref<32x128xi32, #tpu.memory_space<hbm>>) target(%arg7 : memref<32x128xi32, #tpu.memory_space<vmem>>) target_semaphore(%run_scoped3A_109 : memref<!tpu.dma_semaphore, #tpu.memory_space<semaphore_mem>>)
        %dma_wait3A = arith.constant 0 : i32
        %dma_wait3A_114 = tpu.memref_slice %arg4[%multiple_of3A, %dma_wait3A] : memref<2560x128xi32, #tpu.memory_space<hbm>> -> memref<32x128xi32, #tpu.memory_space<hbm>>
        %dma_wait3A_115 = arith.constant 0 : i32
        %dma_wait3A_116 = tpu.memref_slice %arg4[%multiple_of3A, %dma_wait3A_115] : memref<2560x128xi32, #tpu.memory_space<hbm>> -> memref<32x128xi32, #tpu.memory_space<hbm>>
        tpu.wait_dma2 semaphore(%run_scoped3A_109 : memref<!tpu.dma_semaphore, #tpu.memory_space<semaphore_mem>>) src(%dma_wait3A_116 : memref<32x128xi32, #tpu.memory_space<hbm>>) dst(%arg7 : memref<32x128xi32, #tpu.memory_space<vmem>>)
        tpu.yield
      }) : () -> ()
      %dma_start3A = arith.constant 0 : i32
      %dma_start3A_91 = arith.constant 0 : i32
      %dma_start3A_92 = arith.constant 0 : i32
      %dma_start3A_93 = arith.constant 0 : i32
      %dma_start3A_94 = tpu.memref_slice %arg8[%dma_start3A_91, %dma_start3A_92, %dma_start3A_93] : memref<2x128x128xf32, #tpu.memory_space<vmem>> -> memref<1x128x128xf32, #tpu.memory_space<vmem>>
      %dma_start3A_95 = tpu.memref_squeeze %dma_start3A_94 : memref<1x128x128xf32, #tpu.memory_space<vmem>> -> memref<128x128xf32, #tpu.memory_space<vmem>>
      %dma_start3A_96 = arith.constant 0 : i32
      %dma_start3A_97 = tpu.memref_slice %arg6[%dma_start3A, %dma_start3A_96] : memref<32x128xi32, #tpu.memory_space<vmem>> -> memref<1x128xi32, #tpu.memory_space<vmem>>
      %dma_start3A_98 = tpu.memref_squeeze %dma_start3A_97 : memref<1x128xi32, #tpu.memory_space<vmem>> -> memref<128xi32, #tpu.memory_space<vmem>>
      %dma_start3A_99 = arith.constant 0 : i32
      %dma_start3A_100 = arith.constant 0 : i32
      %dma_start3A_101 = tpu.memref_slice %arg2[%dma_start3A_99, %dma_start3A_100] : memref<10000x128xf32, #tpu.memory_space<hbm>> -> memref<10000x128xf32, #tpu.memory_space<hbm>>
      tpu.enqueue_indirect_dma source(%dma_start3A_101 : memref<10000x128xf32, #tpu.memory_space<hbm>>) target(%dma_start3A_95 : memref<128x128xf32, #tpu.memory_space<vmem>>) offsets(%dma_start3A_98 : memref<128xi32, #tpu.memory_space<vmem>>) semaphore(%arg10 : memref<!tpu.dma_semaphore, #tpu.memory_space<semaphore_mem>>)
      %scan3A_102 = arith.constant 0 : i32
      %scan3A_103 = arith.constant 0 : i32
      %scan3A_104 = arith.constant 32 : i32
      %scan3A_105 = arith.addi %scan3A_103, %scan3A_104 : i32
      %scan3A_106 = arith.constant 1 : i32
      %scan3A_107 = scf.for %scan3A_109 = %scan3A_103 to %scan3A_105 step %scan3A_106 iter_args(%scan3A_110 = %scan3A_102) -> (i32)  : i32 {
        %add3A_111 = arith.constant 1 : i32
        %add3A_112 = arith.addi %scan3A_109, %add3A_111 : i32
        %lt3A = arith.constant 32 : i32
        %lt3A_113 = arith.cmpi slt, %add3A_112, %lt3A : i32
        %convert_element_type3A_114 = arith.extui %lt3A_113 : i1 to i32
        %cond3A_115 = arith.constant 0 : i32
        %cond3A_116 = arith.cmpi ne, %convert_element_type3A_114, %cond3A_115 : i32
        scf.if %cond3A_116 {
          %jit3A_140 = arith.constant 2 : i32
          %eq3A_141 = arith.constant 0 : i32
          %eq3A_142 = arith.cmpi eq, %jit3A_140, %eq3A_141 : i32
          %jit3A_143 = arith.constant 1 : i32
          %select_n3A_144 = arith.select %eq3A_142, %jit3A_143, %jit3A_140 : i32
          %rem3A_145 = arith.remsi %add3A_112, %select_n3A_144 : i32
          %ne3A_146 = arith.constant 0 : i32
          %ne3A_147 = arith.cmpi ne, %rem3A_145, %ne3A_146 : i32
          %lt3A_148 = arith.constant 0 : i32
          %lt3A_149 = arith.cmpi slt, %rem3A_145, %lt3A_148 : i32
          %lt3A_150 = arith.constant 0 : i32
          %lt3A_151 = arith.cmpi slt, %select_n3A_144, %lt3A_150 : i32
          %ne3A_152 = arith.xori %lt3A_149, %lt3A_151 : i1
          %and3A_153 = arith.andi %ne3A_152, %ne3A_147 : i1
          %add3A_154 = arith.addi %rem3A_145, %select_n3A_144 : i32
          %select_n3A_155 = arith.select %and3A_153, %add3A_154, %rem3A_145 : i32
          %dma_start3A_156 = arith.constant 0 : i32
          %dma_start3A_157 = arith.constant 0 : i32
          %dma_start3A_158 = tpu.memref_slice %arg8[%select_n3A_155, %dma_start3A_156, %dma_start3A_157] : memref<2x128x128xf32, #tpu.memory_space<vmem>> -> memref<1x128x128xf32, #tpu.memory_space<vmem>>
          %dma_start3A_159 = tpu.memref_squeeze %dma_start3A_158 : memref<1x128x128xf32, #tpu.memory_space<vmem>> -> memref<128x128xf32, #tpu.memory_space<vmem>>
          %dma_start3A_160 = arith.constant 0 : i32
          %dma_start3A_161 = tpu.memref_slice %arg6[%add3A_112, %dma_start3A_160] : memref<32x128xi32, #tpu.memory_space<vmem>> -> memref<1x128xi32, #tpu.memory_space<vmem>>
          %dma_start3A_162 = tpu.memref_squeeze %dma_start3A_161 : memref<1x128xi32, #tpu.memory_space<vmem>> -> memref<128xi32, #tpu.memory_space<vmem>>
          %dma_start3A_163 = arith.constant 0 : i32
          %dma_start3A_164 = arith.constant 0 : i32
          %dma_start3A_165 = tpu.memref_slice %arg2[%dma_start3A_163, %dma_start3A_164] : memref<10000x128xf32, #tpu.memory_space<hbm>> -> memref<10000x128xf32, #tpu.memory_space<hbm>>
          tpu.enqueue_indirect_dma source(%dma_start3A_165 : memref<10000x128xf32, #tpu.memory_space<hbm>>) target(%dma_start3A_159 : memref<128x128xf32, #tpu.memory_space<vmem>>) offsets(%dma_start3A_162 : memref<128xi32, #tpu.memory_space<vmem>>) semaphore(%arg10 : memref<!tpu.dma_semaphore, #tpu.memory_space<semaphore_mem>>)
        } else {
        }
        %jit3A_117 = arith.constant 2 : i32
        %eq3A_118 = arith.constant 0 : i32
        %eq3A_119 = arith.cmpi eq, %jit3A_117, %eq3A_118 : i32
        %jit3A_120 = arith.constant 1 : i32
        %select_n3A_121 = arith.select %eq3A_119, %jit3A_120, %jit3A_117 : i32
        %rem3A = arith.remsi %scan3A_109, %select_n3A_121 : i32
        %ne3A = arith.constant 0 : i32
        %ne3A_122 = arith.cmpi ne, %rem3A, %ne3A : i32
        %lt3A_123 = arith.constant 0 : i32
        %lt3A_124 = arith.cmpi slt, %rem3A, %lt3A_123 : i32
        %lt3A_125 = arith.constant 0 : i32
        %lt3A_126 = arith.cmpi slt, %select_n3A_121, %lt3A_125 : i32
        %ne3A_127 = arith.xori %lt3A_124, %lt3A_126 : i1
        %and3A = arith.andi %ne3A_127, %ne3A_122 : i1
        %add3A_128 = arith.addi %rem3A, %select_n3A_121 : i32
        %select_n3A_129 = arith.select %and3A, %add3A_128, %rem3A : i32
        %dma_wait3A = arith.constant 0 : i32
        %dma_wait3A_130 = arith.constant 0 : i32
        %dma_wait3A_131 = tpu.memref_slice %arg8[%select_n3A_129, %dma_wait3A, %dma_wait3A_130] : memref<2x128x128xf32, #tpu.memory_space<vmem>> -> memref<1x128x128xf32, #tpu.memory_space<vmem>>
        %dma_wait3A_132 = tpu.memref_squeeze %dma_wait3A_131 : memref<1x128x128xf32, #tpu.memory_space<vmem>> -> memref<128x128xf32, #tpu.memory_space<vmem>>
        %dma_wait3A_133 = arith.constant 0 : i32
        %dma_wait3A_134 = tpu.memref_slice %arg6[%scan3A_109, %dma_wait3A_133] : memref<32x128xi32, #tpu.memory_space<vmem>> -> memref<1x128xi32, #tpu.memory_space<vmem>>
        %dma_wait3A_135 = tpu.memref_squeeze %dma_wait3A_134 : memref<1x128xi32, #tpu.memory_space<vmem>> -> memref<128xi32, #tpu.memory_space<vmem>>
        %dma_wait3A_136 = arith.constant 0 : i32
        %dma_wait3A_137 = arith.constant 0 : i32
        %dma_wait3A_138 = tpu.memref_slice %arg2[%dma_wait3A_136, %dma_wait3A_137] : memref<10000x128xf32, #tpu.memory_space<hbm>> -> memref<10000x128xf32, #tpu.memory_space<hbm>>
        tpu.wait_indirect_dma semaphore(%arg10 : memref<!tpu.dma_semaphore, #tpu.memory_space<semaphore_mem>>) src(%dma_wait3A_138 : memref<10000x128xf32, #tpu.memory_space<hbm>>) dst(%dma_wait3A_132 : memref<128x128xf32, #tpu.memory_space<vmem>>)
        "tpu.region"() ({
          %run_scoped3A_140 = tpu.sem_alloc : memref<!tpu.dma_semaphore, #tpu.memory_space<semaphore_mem>>
          %dma_start3A_141 = arith.constant 0 : i32
          %dma_start3A_142 = arith.constant 0 : i32
          %dma_start3A_143 = tpu.memref_slice %arg8[%select_n3A_129, %dma_start3A_141, %dma_start3A_142] : memref<2x128x128xf32, #tpu.memory_space<vmem>> -> memref<1x128x128xf32, #tpu.memory_space<vmem>>
          %dma_start3A_144 = tpu.memref_squeeze %dma_start3A_143 : memref<1x128x128xf32, #tpu.memory_space<vmem>> -> memref<128x128xf32, #tpu.memory_space<vmem>>
          %dma_start3A_145 = arith.constant 0 : i32
          %dma_start3A_146 = tpu.memref_slice %arg7[%scan3A_109, %dma_start3A_145] : memref<32x128xi32, #tpu.memory_space<vmem>> -> memref<1x128xi32, #tpu.memory_space<vmem>>
          %dma_start3A_147 = tpu.memref_squeeze %dma_start3A_146 : memref<1x128xi32, #tpu.memory_space<vmem>> -> memref<128xi32, #tpu.memory_space<vmem>>
          %dma_start3A_148 = arith.constant 0 : i32
          %dma_start3A_149 = arith.constant 0 : i32
          %dma_start3A_150 = tpu.memref_slice %arg9[%dma_start3A_148, %dma_start3A_149] : memref<10240x128xf32, #tpu.memory_space<vmem_shared>> -> memref<10240x128xf32, #tpu.memory_space<vmem_shared>>
          tpu.enqueue_indirect_dma source(%dma_start3A_144 : memref<128x128xf32, #tpu.memory_space<vmem>>) target(%dma_start3A_150 : memref<10240x128xf32, #tpu.memory_space<vmem_shared>>) offsets(%dma_start3A_147 : memref<128xi32, #tpu.memory_space<vmem>>) semaphore(%run_scoped3A_140 : memref<!tpu.dma_semaphore, #tpu.memory_space<semaphore_mem>>) {add = true}
          %dma_wait3A_151 = arith.constant 0 : i32
          %dma_wait3A_152 = arith.constant 0 : i32
          %dma_wait3A_153 = tpu.memref_slice %arg8[%select_n3A_129, %dma_wait3A_151, %dma_wait3A_152] : memref<2x128x128xf32, #tpu.memory_space<vmem>> -> memref<1x128x128xf32, #tpu.memory_space<vmem>>
          %dma_wait3A_154 = tpu.memref_squeeze %dma_wait3A_153 : memref<1x128x128xf32, #tpu.memory_space<vmem>> -> memref<128x128xf32, #tpu.memory_space<vmem>>
          %dma_wait3A_155 = arith.constant 0 : i32
          %dma_wait3A_156 = tpu.memref_slice %arg7[%scan3A_109, %dma_wait3A_155] : memref<32x128xi32, #tpu.memory_space<vmem>> -> memref<1x128xi32, #tpu.memory_space<vmem>>
          %dma_wait3A_157 = tpu.memref_squeeze %dma_wait3A_156 : memref<1x128xi32, #tpu.memory_space<vmem>> -> memref<128xi32, #tpu.memory_space<vmem>>
          %dma_wait3A_158 = arith.constant 0 : i32
          %dma_wait3A_159 = arith.constant 0 : i32
          %dma_wait3A_160 = tpu.memref_slice %arg9[%dma_wait3A_158, %dma_wait3A_159] : memref<10240x128xf32, #tpu.memory_space<vmem_shared>> -> memref<10240x128xf32, #tpu.memory_space<vmem_shared>>
          tpu.wait_indirect_dma semaphore(%run_scoped3A_140 : memref<!tpu.dma_semaphore, #tpu.memory_space<semaphore_mem>>) src(%dma_wait3A_154 : memref<128x128xf32, #tpu.memory_space<vmem>>) dst(%dma_wait3A_160 : memref<10240x128xf32, #tpu.memory_space<vmem_shared>>)
          tpu.yield
        }) : () -> ()
        %scan3A_139 = arith.constant 0 : i32
        scf.yield %scan3A_139 : i32
      }
      %scan3A_108 = arith.constant 32 : i32
    } else {
    }
    %gt3A_48 = arith.constant 64 : i32
    %gt3A_49 = arith.cmpi sgt, %select_n3A, %gt3A_48 : i32
    %convert_element_type3A_50 = arith.extui %gt3A_49 : i1 to i32
    %cond3A_51 = arith.constant 0 : i32
    %cond3A_52 = arith.cmpi ne, %convert_element_type3A_50, %cond3A_51 : i32
    scf.if %cond3A_52 {
      %add3A_89 = arith.constant 64 : i32
      %add3A_90 = arith.addi %select_n3A_40, %add3A_89 : i32
      %multiple_of3A = tpu.assume_multiple %add3A_90, 8 : i32
      "tpu.region"() ({
        %run_scoped3A_109 = tpu.sem_alloc : memref<!tpu.dma_semaphore, #tpu.memory_space<semaphore_mem>>
        %dma_start3A_110 = arith.constant 0 : i32
        %dma_start3A_111 = tpu.memref_slice %arg3[%multiple_of3A, %dma_start3A_110] : memref<2560x128xi32, #tpu.memory_space<hbm>> -> memref<32x128xi32, #tpu.memory_space<hbm>>
        %dma_start3A_112 = arith.constant 0 : i32
        %dma_start3A_113 = tpu.memref_slice %arg3[%multiple_of3A, %dma_start3A_112] : memref<2560x128xi32, #tpu.memory_space<hbm>> -> memref<32x128xi32, #tpu.memory_space<hbm>>
        tpu.enqueue_dma source(%dma_start3A_113 : memref<32x128xi32, #tpu.memory_space<hbm>>) target(%arg6 : memref<32x128xi32, #tpu.memory_space<vmem>>) target_semaphore(%run_scoped3A_109 : memref<!tpu.dma_semaphore, #tpu.memory_space<semaphore_mem>>)
        %dma_wait3A = arith.constant 0 : i32
        %dma_wait3A_114 = tpu.memref_slice %arg3[%multiple_of3A, %dma_wait3A] : memref<2560x128xi32, #tpu.memory_space<hbm>> -> memref<32x128xi32, #tpu.memory_space<hbm>>
        %dma_wait3A_115 = arith.constant 0 : i32
        %dma_wait3A_116 = tpu.memref_slice %arg3[%multiple_of3A, %dma_wait3A_115] : memref<2560x128xi32, #tpu.memory_space<hbm>> -> memref<32x128xi32, #tpu.memory_space<hbm>>
        tpu.wait_dma2 semaphore(%run_scoped3A_109 : memref<!tpu.dma_semaphore, #tpu.memory_space<semaphore_mem>>) src(%dma_wait3A_116 : memref<32x128xi32, #tpu.memory_space<hbm>>) dst(%arg6 : memref<32x128xi32, #tpu.memory_space<vmem>>)
        tpu.yield
      }) : () -> ()
      "tpu.region"() ({
        %run_scoped3A_109 = tpu.sem_alloc : memref<!tpu.dma_semaphore, #tpu.memory_space<semaphore_mem>>
        %dma_start3A_110 = arith.constant 0 : i32
        %dma_start3A_111 = tpu.memref_slice %arg4[%multiple_of3A, %dma_start3A_110] : memref<2560x128xi32, #tpu.memory_space<hbm>> -> memref<32x128xi32, #tpu.memory_space<hbm>>
        %dma_start3A_112 = arith.constant 0 : i32
        %dma_start3A_113 = tpu.memref_slice %arg4[%multiple_of3A, %dma_start3A_112] : memref<2560x128xi32, #tpu.memory_space<hbm>> -> memref<32x128xi32, #tpu.memory_space<hbm>>
        tpu.enqueue_dma source(%dma_start3A_113 : memref<32x128xi32, #tpu.memory_space<hbm>>) target(%arg7 : memref<32x128xi32, #tpu.memory_space<vmem>>) target_semaphore(%run_scoped3A_109 : memref<!tpu.dma_semaphore, #tpu.memory_space<semaphore_mem>>)
        %dma_wait3A = arith.constant 0 : i32
        %dma_wait3A_114 = tpu.memref_slice %arg4[%multiple_of3A, %dma_wait3A] : memref<2560x128xi32, #tpu.memory_space<hbm>> -> memref<32x128xi32, #tpu.memory_space<hbm>>
        %dma_wait3A_115 = arith.constant 0 : i32
        %dma_wait3A_116 = tpu.memref_slice %arg4[%multiple_of3A, %dma_wait3A_115] : memref<2560x128xi32, #tpu.memory_space<hbm>> -> memref<32x128xi32, #tpu.memory_space<hbm>>
        tpu.wait_dma2 semaphore(%run_scoped3A_109 : memref<!tpu.dma_semaphore, #tpu.memory_space<semaphore_mem>>) src(%dma_wait3A_116 : memref<32x128xi32, #tpu.memory_space<hbm>>) dst(%arg7 : memref<32x128xi32, #tpu.memory_space<vmem>>)
        tpu.yield
      }) : () -> ()
      %dma_start3A = arith.constant 0 : i32
      %dma_start3A_91 = arith.constant 0 : i32
      %dma_start3A_92 = arith.constant 0 : i32
      %dma_start3A_93 = arith.constant 0 : i32
      %dma_start3A_94 = tpu.memref_slice %arg8[%dma_start3A_91, %dma_start3A_92, %dma_start3A_93] : memref<2x128x128xf32, #tpu.memory_space<vmem>> -> memref<1x128x128xf32, #tpu.memory_space<vmem>>
      %dma_start3A_95 = tpu.memref_squeeze %dma_start3A_94 : memref<1x128x128xf32, #tpu.memory_space<vmem>> -> memref<128x128xf32, #tpu.memory_space<vmem>>
      %dma_start3A_96 = arith.constant 0 : i32
      %dma_start3A_97 = tpu.memref_slice %arg6[%dma_start3A, %dma_start3A_96] : memref<32x128xi32, #tpu.memory_space<vmem>> -> memref<1x128xi32, #tpu.memory_space<vmem>>
      %dma_start3A_98 = tpu.memref_squeeze %dma_start3A_97 : memref<1x128xi32, #tpu.memory_space<vmem>> -> memref<128xi32, #tpu.memory_space<vmem>>
      %dma_start3A_99 = arith.constant 0 : i32
      %dma_start3A_100 = arith.constant 0 : i32
      %dma_start3A_101 = tpu.memref_slice %arg2[%dma_start3A_99, %dma_start3A_100] : memref<10000x128xf32, #tpu.memory_space<hbm>> -> memref<10000x128xf32, #tpu.memory_space<hbm>>
      tpu.enqueue_indirect_dma source(%dma_start3A_101 : memref<10000x128xf32, #tpu.memory_space<hbm>>) target(%dma_start3A_95 : memref<128x128xf32, #tpu.memory_space<vmem>>) offsets(%dma_start3A_98 : memref<128xi32, #tpu.memory_space<vmem>>) semaphore(%arg10 : memref<!tpu.dma_semaphore, #tpu.memory_space<semaphore_mem>>)
      %scan3A_102 = arith.constant 0 : i32
      %scan3A_103 = arith.constant 0 : i32
      %scan3A_104 = arith.constant 32 : i32
      %scan3A_105 = arith.addi %scan3A_103, %scan3A_104 : i32
      %scan3A_106 = arith.constant 1 : i32
      %scan3A_107 = scf.for %scan3A_109 = %scan3A_103 to %scan3A_105 step %scan3A_106 iter_args(%scan3A_110 = %scan3A_102) -> (i32)  : i32 {
        %add3A_111 = arith.constant 1 : i32
        %add3A_112 = arith.addi %scan3A_109, %add3A_111 : i32
        %lt3A = arith.constant 32 : i32
        %lt3A_113 = arith.cmpi slt, %add3A_112, %lt3A : i32
        %convert_element_type3A_114 = arith.extui %lt3A_113 : i1 to i32
        %cond3A_115 = arith.constant 0 : i32
        %cond3A_116 = arith.cmpi ne, %convert_element_type3A_114, %cond3A_115 : i32
        scf.if %cond3A_116 {
          %jit3A_140 = arith.constant 2 : i32
          %eq3A_141 = arith.constant 0 : i32
          %eq3A_142 = arith.cmpi eq, %jit3A_140, %eq3A_141 : i32
          %jit3A_143 = arith.constant 1 : i32
          %select_n3A_144 = arith.select %eq3A_142, %jit3A_143, %jit3A_140 : i32
          %rem3A_145 = arith.remsi %add3A_112, %select_n3A_144 : i32
          %ne3A_146 = arith.constant 0 : i32
          %ne3A_147 = arith.cmpi ne, %rem3A_145, %ne3A_146 : i32
          %lt3A_148 = arith.constant 0 : i32
          %lt3A_149 = arith.cmpi slt, %rem3A_145, %lt3A_148 : i32
          %lt3A_150 = arith.constant 0 : i32
          %lt3A_151 = arith.cmpi slt, %select_n3A_144, %lt3A_150 : i32
          %ne3A_152 = arith.xori %lt3A_149, %lt3A_151 : i1
          %and3A_153 = arith.andi %ne3A_152, %ne3A_147 : i1
          %add3A_154 = arith.addi %rem3A_145, %select_n3A_144 : i32
          %select_n3A_155 = arith.select %and3A_153, %add3A_154, %rem3A_145 : i32
          %dma_start3A_156 = arith.constant 0 : i32
          %dma_start3A_157 = arith.constant 0 : i32
          %dma_start3A_158 = tpu.memref_slice %arg8[%select_n3A_155, %dma_start3A_156, %dma_start3A_157] : memref<2x128x128xf32, #tpu.memory_space<vmem>> -> memref<1x128x128xf32, #tpu.memory_space<vmem>>
          %dma_start3A_159 = tpu.memref_squeeze %dma_start3A_158 : memref<1x128x128xf32, #tpu.memory_space<vmem>> -> memref<128x128xf32, #tpu.memory_space<vmem>>
          %dma_start3A_160 = arith.constant 0 : i32
          %dma_start3A_161 = tpu.memref_slice %arg6[%add3A_112, %dma_start3A_160] : memref<32x128xi32, #tpu.memory_space<vmem>> -> memref<1x128xi32, #tpu.memory_space<vmem>>
          %dma_start3A_162 = tpu.memref_squeeze %dma_start3A_161 : memref<1x128xi32, #tpu.memory_space<vmem>> -> memref<128xi32, #tpu.memory_space<vmem>>
          %dma_start3A_163 = arith.constant 0 : i32
          %dma_start3A_164 = arith.constant 0 : i32
          %dma_start3A_165 = tpu.memref_slice %arg2[%dma_start3A_163, %dma_start3A_164] : memref<10000x128xf32, #tpu.memory_space<hbm>> -> memref<10000x128xf32, #tpu.memory_space<hbm>>
          tpu.enqueue_indirect_dma source(%dma_start3A_165 : memref<10000x128xf32, #tpu.memory_space<hbm>>) target(%dma_start3A_159 : memref<128x128xf32, #tpu.memory_space<vmem>>) offsets(%dma_start3A_162 : memref<128xi32, #tpu.memory_space<vmem>>) semaphore(%arg10 : memref<!tpu.dma_semaphore, #tpu.memory_space<semaphore_mem>>)
        } else {
        }
        %jit3A_117 = arith.constant 2 : i32
        %eq3A_118 = arith.constant 0 : i32
        %eq3A_119 = arith.cmpi eq, %jit3A_117, %eq3A_118 : i32
        %jit3A_120 = arith.constant 1 : i32
        %select_n3A_121 = arith.select %eq3A_119, %jit3A_120, %jit3A_117 : i32
        %rem3A = arith.remsi %scan3A_109, %select_n3A_121 : i32
        %ne3A = arith.constant 0 : i32
        %ne3A_122 = arith.cmpi ne, %rem3A, %ne3A : i32
        %lt3A_123 = arith.constant 0 : i32
        %lt3A_124 = arith.cmpi slt, %rem3A, %lt3A_123 : i32
        %lt3A_125 = arith.constant 0 : i32
        %lt3A_126 = arith.cmpi slt, %select_n3A_121, %lt3A_125 : i32
        %ne3A_127 = arith.xori %lt3A_124, %lt3A_126 : i1
        %and3A = arith.andi %ne3A_127, %ne3A_122 : i1
        %add3A_128 = arith.addi %rem3A, %select_n3A_121 : i32
        %select_n3A_129 = arith.select %and3A, %add3A_128, %rem3A : i32
        %dma_wait3A = arith.constant 0 : i32
        %dma_wait3A_130 = arith.constant 0 : i32
        %dma_wait3A_131 = tpu.memref_slice %arg8[%select_n3A_129, %dma_wait3A, %dma_wait3A_130] : memref<2x128x128xf32, #tpu.memory_space<vmem>> -> memref<1x128x128xf32, #tpu.memory_space<vmem>>
        %dma_wait3A_132 = tpu.memref_squeeze %dma_wait3A_131 : memref<1x128x128xf32, #tpu.memory_space<vmem>> -> memref<128x128xf32, #tpu.memory_space<vmem>>
        %dma_wait3A_133 = arith.constant 0 : i32
        %dma_wait3A_134 = tpu.memref_slice %arg6[%scan3A_109, %dma_wait3A_133] : memref<32x128xi32, #tpu.memory_space<vmem>> -> memref<1x128xi32, #tpu.memory_space<vmem>>
        %dma_wait3A_135 = tpu.memref_squeeze %dma_wait3A_134 : memref<1x128xi32, #tpu.memory_space<vmem>> -> memref<128xi32, #tpu.memory_space<vmem>>
        %dma_wait3A_136 = arith.constant 0 : i32
        %dma_wait3A_137 = arith.constant 0 : i32
        %dma_wait3A_138 = tpu.memref_slice %arg2[%dma_wait3A_136, %dma_wait3A_137] : memref<10000x128xf32, #tpu.memory_space<hbm>> -> memref<10000x128xf32, #tpu.memory_space<hbm>>
        tpu.wait_indirect_dma semaphore(%arg10 : memref<!tpu.dma_semaphore, #tpu.memory_space<semaphore_mem>>) src(%dma_wait3A_138 : memref<10000x128xf32, #tpu.memory_space<hbm>>) dst(%dma_wait3A_132 : memref<128x128xf32, #tpu.memory_space<vmem>>)
        "tpu.region"() ({
          %run_scoped3A_140 = tpu.sem_alloc : memref<!tpu.dma_semaphore, #tpu.memory_space<semaphore_mem>>
          %dma_start3A_141 = arith.constant 0 : i32
          %dma_start3A_142 = arith.constant 0 : i32
          %dma_start3A_143 = tpu.memref_slice %arg8[%select_n3A_129, %dma_start3A_141, %dma_start3A_142] : memref<2x128x128xf32, #tpu.memory_space<vmem>> -> memref<1x128x128xf32, #tpu.memory_space<vmem>>
          %dma_start3A_144 = tpu.memref_squeeze %dma_start3A_143 : memref<1x128x128xf32, #tpu.memory_space<vmem>> -> memref<128x128xf32, #tpu.memory_space<vmem>>
          %dma_start3A_145 = arith.constant 0 : i32
          %dma_start3A_146 = tpu.memref_slice %arg7[%scan3A_109, %dma_start3A_145] : memref<32x128xi32, #tpu.memory_space<vmem>> -> memref<1x128xi32, #tpu.memory_space<vmem>>
          %dma_start3A_147 = tpu.memref_squeeze %dma_start3A_146 : memref<1x128xi32, #tpu.memory_space<vmem>> -> memref<128xi32, #tpu.memory_space<vmem>>
          %dma_start3A_148 = arith.constant 0 : i32
          %dma_start3A_149 = arith.constant 0 : i32
          %dma_start3A_150 = tpu.memref_slice %arg9[%dma_start3A_148, %dma_start3A_149] : memref<10240x128xf32, #tpu.memory_space<vmem_shared>> -> memref<10240x128xf32, #tpu.memory_space<vmem_shared>>
          tpu.enqueue_indirect_dma source(%dma_start3A_144 : memref<128x128xf32, #tpu.memory_space<vmem>>) target(%dma_start3A_150 : memref<10240x128xf32, #tpu.memory_space<vmem_shared>>) offsets(%dma_start3A_147 : memref<128xi32, #tpu.memory_space<vmem>>) semaphore(%run_scoped3A_140 : memref<!tpu.dma_semaphore, #tpu.memory_space<semaphore_mem>>) {add = true}
          %dma_wait3A_151 = arith.constant 0 : i32
          %dma_wait3A_152 = arith.constant 0 : i32
          %dma_wait3A_153 = tpu.memref_slice %arg8[%select_n3A_129, %dma_wait3A_151, %dma_wait3A_152] : memref<2x128x128xf32, #tpu.memory_space<vmem>> -> memref<1x128x128xf32, #tpu.memory_space<vmem>>
          %dma_wait3A_154 = tpu.memref_squeeze %dma_wait3A_153 : memref<1x128x128xf32, #tpu.memory_space<vmem>> -> memref<128x128xf32, #tpu.memory_space<vmem>>
          %dma_wait3A_155 = arith.constant 0 : i32
          %dma_wait3A_156 = tpu.memref_slice %arg7[%scan3A_109, %dma_wait3A_155] : memref<32x128xi32, #tpu.memory_space<vmem>> -> memref<1x128xi32, #tpu.memory_space<vmem>>
          %dma_wait3A_157 = tpu.memref_squeeze %dma_wait3A_156 : memref<1x128xi32, #tpu.memory_space<vmem>> -> memref<128xi32, #tpu.memory_space<vmem>>
          %dma_wait3A_158 = arith.constant 0 : i32
          %dma_wait3A_159 = arith.constant 0 : i32
          %dma_wait3A_160 = tpu.memref_slice %arg9[%dma_wait3A_158, %dma_wait3A_159] : memref<10240x128xf32, #tpu.memory_space<vmem_shared>> -> memref<10240x128xf32, #tpu.memory_space<vmem_shared>>
          tpu.wait_indirect_dma semaphore(%run_scoped3A_140 : memref<!tpu.dma_semaphore, #tpu.memory_space<semaphore_mem>>) src(%dma_wait3A_154 : memref<128x128xf32, #tpu.memory_space<vmem>>) dst(%dma_wait3A_160 : memref<10240x128xf32, #tpu.memory_space<vmem_shared>>)
          tpu.yield
        }) : () -> ()
        %scan3A_139 = arith.constant 0 : i32
        scf.yield %scan3A_139 : i32
      }
      %scan3A_108 = arith.constant 32 : i32
    } else {
    }
    %gt3A_53 = arith.constant 96 : i32
    %gt3A_54 = arith.cmpi sgt, %select_n3A, %gt3A_53 : i32
    %convert_element_type3A_55 = arith.extui %gt3A_54 : i1 to i32
    %cond3A_56 = arith.constant 0 : i32
    %cond3A_57 = arith.cmpi ne, %convert_element_type3A_55, %cond3A_56 : i32
    scf.if %cond3A_57 {
      %add3A_89 = arith.constant 96 : i32
      %add3A_90 = arith.addi %select_n3A_40, %add3A_89 : i32
      %multiple_of3A = tpu.assume_multiple %add3A_90, 8 : i32
      "tpu.region"() ({
        %run_scoped3A_109 = tpu.sem_alloc : memref<!tpu.dma_semaphore, #tpu.memory_space<semaphore_mem>>
        %dma_start3A_110 = arith.constant 0 : i32
        %dma_start3A_111 = tpu.memref_slice %arg3[%multiple_of3A, %dma_start3A_110] : memref<2560x128xi32, #tpu.memory_space<hbm>> -> memref<32x128xi32, #tpu.memory_space<hbm>>
        %dma_start3A_112 = arith.constant 0 : i32
        %dma_start3A_113 = tpu.memref_slice %arg3[%multiple_of3A, %dma_start3A_112] : memref<2560x128xi32, #tpu.memory_space<hbm>> -> memref<32x128xi32, #tpu.memory_space<hbm>>
        tpu.enqueue_dma source(%dma_start3A_113 : memref<32x128xi32, #tpu.memory_space<hbm>>) target(%arg6 : memref<32x128xi32, #tpu.memory_space<vmem>>) target_semaphore(%run_scoped3A_109 : memref<!tpu.dma_semaphore, #tpu.memory_space<semaphore_mem>>)
        %dma_wait3A = arith.constant 0 : i32
        %dma_wait3A_114 = tpu.memref_slice %arg3[%multiple_of3A, %dma_wait3A] : memref<2560x128xi32, #tpu.memory_space<hbm>> -> memref<32x128xi32, #tpu.memory_space<hbm>>
        %dma_wait3A_115 = arith.constant 0 : i32
        %dma_wait3A_116 = tpu.memref_slice %arg3[%multiple_of3A, %dma_wait3A_115] : memref<2560x128xi32, #tpu.memory_space<hbm>> -> memref<32x128xi32, #tpu.memory_space<hbm>>
        tpu.wait_dma2 semaphore(%run_scoped3A_109 : memref<!tpu.dma_semaphore, #tpu.memory_space<semaphore_mem>>) src(%dma_wait3A_116 : memref<32x128xi32, #tpu.memory_space<hbm>>) dst(%arg6 : memref<32x128xi32, #tpu.memory_space<vmem>>)
        tpu.yield
      }) : () -> ()
      "tpu.region"() ({
        %run_scoped3A_109 = tpu.sem_alloc : memref<!tpu.dma_semaphore, #tpu.memory_space<semaphore_mem>>
        %dma_start3A_110 = arith.constant 0 : i32
        %dma_start3A_111 = tpu.memref_slice %arg4[%multiple_of3A, %dma_start3A_110] : memref<2560x128xi32, #tpu.memory_space<hbm>> -> memref<32x128xi32, #tpu.memory_space<hbm>>
        %dma_start3A_112 = arith.constant 0 : i32
        %dma_start3A_113 = tpu.memref_slice %arg4[%multiple_of3A, %dma_start3A_112] : memref<2560x128xi32, #tpu.memory_space<hbm>> -> memref<32x128xi32, #tpu.memory_space<hbm>>
        tpu.enqueue_dma source(%dma_start3A_113 : memref<32x128xi32, #tpu.memory_space<hbm>>) target(%arg7 : memref<32x128xi32, #tpu.memory_space<vmem>>) target_semaphore(%run_scoped3A_109 : memref<!tpu.dma_semaphore, #tpu.memory_space<semaphore_mem>>)
        %dma_wait3A = arith.constant 0 : i32
        %dma_wait3A_114 = tpu.memref_slice %arg4[%multiple_of3A, %dma_wait3A] : memref<2560x128xi32, #tpu.memory_space<hbm>> -> memref<32x128xi32, #tpu.memory_space<hbm>>
        %dma_wait3A_115 = arith.constant 0 : i32
        %dma_wait3A_116 = tpu.memref_slice %arg4[%multiple_of3A, %dma_wait3A_115] : memref<2560x128xi32, #tpu.memory_space<hbm>> -> memref<32x128xi32, #tpu.memory_space<hbm>>
        tpu.wait_dma2 semaphore(%run_scoped3A_109 : memref<!tpu.dma_semaphore, #tpu.memory_space<semaphore_mem>>) src(%dma_wait3A_116 : memref<32x128xi32, #tpu.memory_space<hbm>>) dst(%arg7 : memref<32x128xi32, #tpu.memory_space<vmem>>)
        tpu.yield
      }) : () -> ()
      %dma_start3A = arith.constant 0 : i32
      %dma_start3A_91 = arith.constant 0 : i32
      %dma_start3A_92 = arith.constant 0 : i32
      %dma_start3A_93 = arith.constant 0 : i32
      %dma_start3A_94 = tpu.memref_slice %arg8[%dma_start3A_91, %dma_start3A_92, %dma_start3A_93] : memref<2x128x128xf32, #tpu.memory_space<vmem>> -> memref<1x128x128xf32, #tpu.memory_space<vmem>>
      %dma_start3A_95 = tpu.memref_squeeze %dma_start3A_94 : memref<1x128x128xf32, #tpu.memory_space<vmem>> -> memref<128x128xf32, #tpu.memory_space<vmem>>
      %dma_start3A_96 = arith.constant 0 : i32
      %dma_start3A_97 = tpu.memref_slice %arg6[%dma_start3A, %dma_start3A_96] : memref<32x128xi32, #tpu.memory_space<vmem>> -> memref<1x128xi32, #tpu.memory_space<vmem>>
      %dma_start3A_98 = tpu.memref_squeeze %dma_start3A_97 : memref<1x128xi32, #tpu.memory_space<vmem>> -> memref<128xi32, #tpu.memory_space<vmem>>
      %dma_start3A_99 = arith.constant 0 : i32
      %dma_start3A_100 = arith.constant 0 : i32
      %dma_start3A_101 = tpu.memref_slice %arg2[%dma_start3A_99, %dma_start3A_100] : memref<10000x128xf32, #tpu.memory_space<hbm>> -> memref<10000x128xf32, #tpu.memory_space<hbm>>
      tpu.enqueue_indirect_dma source(%dma_start3A_101 : memref<10000x128xf32, #tpu.memory_space<hbm>>) target(%dma_start3A_95 : memref<128x128xf32, #tpu.memory_space<vmem>>) offsets(%dma_start3A_98 : memref<128xi32, #tpu.memory_space<vmem>>) semaphore(%arg10 : memref<!tpu.dma_semaphore, #tpu.memory_space<semaphore_mem>>)
      %scan3A_102 = arith.constant 0 : i32
      %scan3A_103 = arith.constant 0 : i32
      %scan3A_104 = arith.constant 32 : i32
      %scan3A_105 = arith.addi %scan3A_103, %scan3A_104 : i32
      %scan3A_106 = arith.constant 1 : i32
      %scan3A_107 = scf.for %scan3A_109 = %scan3A_103 to %scan3A_105 step %scan3A_106 iter_args(%scan3A_110 = %scan3A_102) -> (i32)  : i32 {
        %add3A_111 = arith.constant 1 : i32
        %add3A_112 = arith.addi %scan3A_109, %add3A_111 : i32
        %lt3A = arith.constant 32 : i32
        %lt3A_113 = arith.cmpi slt, %add3A_112, %lt3A : i32
        %convert_element_type3A_114 = arith.extui %lt3A_113 : i1 to i32
        %cond3A_115 = arith.constant 0 : i32
        %cond3A_116 = arith.cmpi ne, %convert_element_type3A_114, %cond3A_115 : i32
        scf.if %cond3A_116 {
          %jit3A_140 = arith.constant 2 : i32
          %eq3A_141 = arith.constant 0 : i32
          %eq3A_142 = arith.cmpi eq, %jit3A_140, %eq3A_141 : i32
          %jit3A_143 = arith.constant 1 : i32
          %select_n3A_144 = arith.select %eq3A_142, %jit3A_143, %jit3A_140 : i32
          %rem3A_145 = arith.remsi %add3A_112, %select_n3A_144 : i32
          %ne3A_146 = arith.constant 0 : i32
          %ne3A_147 = arith.cmpi ne, %rem3A_145, %ne3A_146 : i32
          %lt3A_148 = arith.constant 0 : i32
          %lt3A_149 = arith.cmpi slt, %rem3A_145, %lt3A_148 : i32
          %lt3A_150 = arith.constant 0 : i32
          %lt3A_151 = arith.cmpi slt, %select_n3A_144, %lt3A_150 : i32
          %ne3A_152 = arith.xori %lt3A_149, %lt3A_151 : i1
          %and3A_153 = arith.andi %ne3A_152, %ne3A_147 : i1
          %add3A_154 = arith.addi %rem3A_145, %select_n3A_144 : i32
          %select_n3A_155 = arith.select %and3A_153, %add3A_154, %rem3A_145 : i32
          %dma_start3A_156 = arith.constant 0 : i32
          %dma_start3A_157 = arith.constant 0 : i32
          %dma_start3A_158 = tpu.memref_slice %arg8[%select_n3A_155, %dma_start3A_156, %dma_start3A_157] : memref<2x128x128xf32, #tpu.memory_space<vmem>> -> memref<1x128x128xf32, #tpu.memory_space<vmem>>
          %dma_start3A_159 = tpu.memref_squeeze %dma_start3A_158 : memref<1x128x128xf32, #tpu.memory_space<vmem>> -> memref<128x128xf32, #tpu.memory_space<vmem>>
          %dma_start3A_160 = arith.constant 0 : i32
          %dma_start3A_161 = tpu.memref_slice %arg6[%add3A_112, %dma_start3A_160] : memref<32x128xi32, #tpu.memory_space<vmem>> -> memref<1x128xi32, #tpu.memory_space<vmem>>
          %dma_start3A_162 = tpu.memref_squeeze %dma_start3A_161 : memref<1x128xi32, #tpu.memory_space<vmem>> -> memref<128xi32, #tpu.memory_space<vmem>>
          %dma_start3A_163 = arith.constant 0 : i32
          %dma_start3A_164 = arith.constant 0 : i32
          %dma_start3A_165 = tpu.memref_slice %arg2[%dma_start3A_163, %dma_start3A_164] : memref<10000x128xf32, #tpu.memory_space<hbm>> -> memref<10000x128xf32, #tpu.memory_space<hbm>>
          tpu.enqueue_indirect_dma source(%dma_start3A_165 : memref<10000x128xf32, #tpu.memory_space<hbm>>) target(%dma_start3A_159 : memref<128x128xf32, #tpu.memory_space<vmem>>) offsets(%dma_start3A_162 : memref<128xi32, #tpu.memory_space<vmem>>) semaphore(%arg10 : memref<!tpu.dma_semaphore, #tpu.memory_space<semaphore_mem>>)
        } else {
        }
        %jit3A_117 = arith.constant 2 : i32
        %eq3A_118 = arith.constant 0 : i32
        %eq3A_119 = arith.cmpi eq, %jit3A_117, %eq3A_118 : i32
        %jit3A_120 = arith.constant 1 : i32
        %select_n3A_121 = arith.select %eq3A_119, %jit3A_120, %jit3A_117 : i32
        %rem3A = arith.remsi %scan3A_109, %select_n3A_121 : i32
        %ne3A = arith.constant 0 : i32
        %ne3A_122 = arith.cmpi ne, %rem3A, %ne3A : i32
        %lt3A_123 = arith.constant 0 : i32
        %lt3A_124 = arith.cmpi slt, %rem3A, %lt3A_123 : i32
        %lt3A_125 = arith.constant 0 : i32
        %lt3A_126 = arith.cmpi slt, %select_n3A_121, %lt3A_125 : i32
        %ne3A_127 = arith.xori %lt3A_124, %lt3A_126 : i1
        %and3A = arith.andi %ne3A_127, %ne3A_122 : i1
        %add3A_128 = arith.addi %rem3A, %select_n3A_121 : i32
        %select_n3A_129 = arith.select %and3A, %add3A_128, %rem3A : i32
        %dma_wait3A = arith.constant 0 : i32
        %dma_wait3A_130 = arith.constant 0 : i32
        %dma_wait3A_131 = tpu.memref_slice %arg8[%select_n3A_129, %dma_wait3A, %dma_wait3A_130] : memref<2x128x128xf32, #tpu.memory_space<vmem>> -> memref<1x128x128xf32, #tpu.memory_space<vmem>>
        %dma_wait3A_132 = tpu.memref_squeeze %dma_wait3A_131 : memref<1x128x128xf32, #tpu.memory_space<vmem>> -> memref<128x128xf32, #tpu.memory_space<vmem>>
        %dma_wait3A_133 = arith.constant 0 : i32
        %dma_wait3A_134 = tpu.memref_slice %arg6[%scan3A_109, %dma_wait3A_133] : memref<32x128xi32, #tpu.memory_space<vmem>> -> memref<1x128xi32, #tpu.memory_space<vmem>>
        %dma_wait3A_135 = tpu.memref_squeeze %dma_wait3A_134 : memref<1x128xi32, #tpu.memory_space<vmem>> -> memref<128xi32, #tpu.memory_space<vmem>>
        %dma_wait3A_136 = arith.constant 0 : i32
        %dma_wait3A_137 = arith.constant 0 : i32
        %dma_wait3A_138 = tpu.memref_slice %arg2[%dma_wait3A_136, %dma_wait3A_137] : memref<10000x128xf32, #tpu.memory_space<hbm>> -> memref<10000x128xf32, #tpu.memory_space<hbm>>
        tpu.wait_indirect_dma semaphore(%arg10 : memref<!tpu.dma_semaphore, #tpu.memory_space<semaphore_mem>>) src(%dma_wait3A_138 : memref<10000x128xf32, #tpu.memory_space<hbm>>) dst(%dma_wait3A_132 : memref<128x128xf32, #tpu.memory_space<vmem>>)
        "tpu.region"() ({
          %run_scoped3A_140 = tpu.sem_alloc : memref<!tpu.dma_semaphore, #tpu.memory_space<semaphore_mem>>
          %dma_start3A_141 = arith.constant 0 : i32
          %dma_start3A_142 = arith.constant 0 : i32
          %dma_start3A_143 = tpu.memref_slice %arg8[%select_n3A_129, %dma_start3A_141, %dma_start3A_142] : memref<2x128x128xf32, #tpu.memory_space<vmem>> -> memref<1x128x128xf32, #tpu.memory_space<vmem>>
          %dma_start3A_144 = tpu.memref_squeeze %dma_start3A_143 : memref<1x128x128xf32, #tpu.memory_space<vmem>> -> memref<128x128xf32, #tpu.memory_space<vmem>>
          %dma_start3A_145 = arith.constant 0 : i32
          %dma_start3A_146 = tpu.memref_slice %arg7[%scan3A_109, %dma_start3A_145] : memref<32x128xi32, #tpu.memory_space<vmem>> -> memref<1x128xi32, #tpu.memory_space<vmem>>
          %dma_start3A_147 = tpu.memref_squeeze %dma_start3A_146 : memref<1x128xi32, #tpu.memory_space<vmem>> -> memref<128xi32, #tpu.memory_space<vmem>>
          %dma_start3A_148 = arith.constant 0 : i32
          %dma_start3A_149 = arith.constant 0 : i32
          %dma_start3A_150 = tpu.memref_slice %arg9[%dma_start3A_148, %dma_start3A_149] : memref<10240x128xf32, #tpu.memory_space<vmem_shared>> -> memref<10240x128xf32, #tpu.memory_space<vmem_shared>>
          tpu.enqueue_indirect_dma source(%dma_start3A_144 : memref<128x128xf32, #tpu.memory_space<vmem>>) target(%dma_start3A_150 : memref<10240x128xf32, #tpu.memory_space<vmem_shared>>) offsets(%dma_start3A_147 : memref<128xi32, #tpu.memory_space<vmem>>) semaphore(%run_scoped3A_140 : memref<!tpu.dma_semaphore, #tpu.memory_space<semaphore_mem>>) {add = true}
          %dma_wait3A_151 = arith.constant 0 : i32
          %dma_wait3A_152 = arith.constant 0 : i32
          %dma_wait3A_153 = tpu.memref_slice %arg8[%select_n3A_129, %dma_wait3A_151, %dma_wait3A_152] : memref<2x128x128xf32, #tpu.memory_space<vmem>> -> memref<1x128x128xf32, #tpu.memory_space<vmem>>
          %dma_wait3A_154 = tpu.memref_squeeze %dma_wait3A_153 : memref<1x128x128xf32, #tpu.memory_space<vmem>> -> memref<128x128xf32, #tpu.memory_space<vmem>>
          %dma_wait3A_155 = arith.constant 0 : i32
          %dma_wait3A_156 = tpu.memref_slice %arg7[%scan3A_109, %dma_wait3A_155] : memref<32x128xi32, #tpu.memory_space<vmem>> -> memref<1x128xi32, #tpu.memory_space<vmem>>
          %dma_wait3A_157 = tpu.memref_squeeze %dma_wait3A_156 : memref<1x128xi32, #tpu.memory_space<vmem>> -> memref<128xi32, #tpu.memory_space<vmem>>
          %dma_wait3A_158 = arith.constant 0 : i32
          %dma_wait3A_159 = arith.constant 0 : i32
          %dma_wait3A_160 = tpu.memref_slice %arg9[%dma_wait3A_158, %dma_wait3A_159] : memref<10240x128xf32, #tpu.memory_space<vmem_shared>> -> memref<10240x128xf32, #tpu.memory_space<vmem_shared>>
          tpu.wait_indirect_dma semaphore(%run_scoped3A_140 : memref<!tpu.dma_semaphore, #tpu.memory_space<semaphore_mem>>) src(%dma_wait3A_154 : memref<128x128xf32, #tpu.memory_space<vmem>>) dst(%dma_wait3A_160 : memref<10240x128xf32, #tpu.memory_space<vmem_shared>>)
          tpu.yield
        }) : () -> ()
        %scan3A_139 = arith.constant 0 : i32
        scf.yield %scan3A_139 : i32
      }
      %scan3A_108 = arith.constant 32 : i32
    } else {
    }
    %barrier3A_58 = arith.constant 0 : index
    tpu.barrier barrier_id(%barrier3A_58)
    %mul3A_59 = arith.constant 640 : i32
    %mul3A_60 = arith.muli %arg1, %mul3A_59 : i32
    %add3A_61 = arith.constant 0 : i32
    %add3A_62 = arith.addi %mul3A_60, %add3A_61 : i32
    %run_scoped3A_63 = arith.constant 0 : i32
    "tpu.region"() ({
      %run_scoped3A_89 = tpu.sem_alloc : memref<!tpu.dma_semaphore, #tpu.memory_space<semaphore_mem>>
      %dma_start3A = arith.constant 0 : i32
      %dma_start3A_90 = arith.constant 0 : i32
      %dma_start3A_91 = tpu.memref_slice %arg8[%run_scoped3A_63, %dma_start3A, %dma_start3A_90] : memref<2x128x128xf32, #tpu.memory_space<vmem>> -> memref<1x128x128xf32, #tpu.memory_space<vmem>>
      %dma_start3A_92 = tpu.memref_squeeze %dma_start3A_91 : memref<1x128x128xf32, #tpu.memory_space<vmem>> -> memref<128x128xf32, #tpu.memory_space<vmem>>
      %dma_start3A_93 = arith.constant 0 : i32
      %dma_start3A_94 = tpu.memref_slice %arg9[%add3A_62, %dma_start3A_93] : memref<10240x128xf32, #tpu.memory_space<vmem_shared>> -> memref<128x128xf32, #tpu.memory_space<vmem_shared>>
      %dma_start3A_95 = arith.constant 0 : i32
      %dma_start3A_96 = arith.constant 0 : i32
      %dma_start3A_97 = tpu.memref_slice %arg8[%run_scoped3A_63, %dma_start3A_95, %dma_start3A_96] : memref<2x128x128xf32, #tpu.memory_space<vmem>> -> memref<1x128x128xf32, #tpu.memory_space<vmem>>
      %dma_start3A_98 = tpu.memref_squeeze %dma_start3A_97 : memref<1x128x128xf32, #tpu.memory_space<vmem>> -> memref<128x128xf32, #tpu.memory_space<vmem>>
      %dma_start3A_99 = arith.constant 0 : i32
      %dma_start3A_100 = tpu.memref_slice %arg9[%add3A_62, %dma_start3A_99] : memref<10240x128xf32, #tpu.memory_space<vmem_shared>> -> memref<128x128xf32, #tpu.memory_space<vmem_shared>>
      tpu.enqueue_dma source(%dma_start3A_100 : memref<128x128xf32, #tpu.memory_space<vmem_shared>>) target(%dma_start3A_98 : memref<128x128xf32, #tpu.memory_space<vmem>>) target_semaphore(%run_scoped3A_89 : memref<!tpu.dma_semaphore, #tpu.memory_space<semaphore_mem>>)
      %dma_wait3A = arith.constant 0 : i32
      %dma_wait3A_101 = arith.constant 0 : i32
      %dma_wait3A_102 = tpu.memref_slice %arg8[%run_scoped3A_63, %dma_wait3A, %dma_wait3A_101] : memref<2x128x128xf32, #tpu.memory_space<vmem>> -> memref<1x128x128xf32, #tpu.memory_space<vmem>>
      %dma_wait3A_103 = tpu.memref_squeeze %dma_wait3A_102 : memref<1x128x128xf32, #tpu.memory_space<vmem>> -> memref<128x128xf32, #tpu.memory_space<vmem>>
      %dma_wait3A_104 = arith.constant 0 : i32
      %dma_wait3A_105 = tpu.memref_slice %arg9[%add3A_62, %dma_wait3A_104] : memref<10240x128xf32, #tpu.memory_space<vmem_shared>> -> memref<128x128xf32, #tpu.memory_space<vmem_shared>>
      %dma_wait3A_106 = arith.constant 0 : i32
      %dma_wait3A_107 = arith.constant 0 : i32
      %dma_wait3A_108 = tpu.memref_slice %arg8[%run_scoped3A_63, %dma_wait3A_106, %dma_wait3A_107] : memref<2x128x128xf32, #tpu.memory_space<vmem>> -> memref<1x128x128xf32, #tpu.memory_space<vmem>>
      %dma_wait3A_109 = tpu.memref_squeeze %dma_wait3A_108 : memref<1x128x128xf32, #tpu.memory_space<vmem>> -> memref<128x128xf32, #tpu.memory_space<vmem>>
      %dma_wait3A_110 = arith.constant 0 : i32
      %dma_wait3A_111 = tpu.memref_slice %arg9[%add3A_62, %dma_wait3A_110] : memref<10240x128xf32, #tpu.memory_space<vmem_shared>> -> memref<128x128xf32, #tpu.memory_space<vmem_shared>>
      tpu.wait_dma2 semaphore(%run_scoped3A_89 : memref<!tpu.dma_semaphore, #tpu.memory_space<semaphore_mem>>) src(%dma_wait3A_111 : memref<128x128xf32, #tpu.memory_space<vmem_shared>>) dst(%dma_wait3A_109 : memref<128x128xf32, #tpu.memory_space<vmem>>)
      tpu.yield
    }) : () -> ()
    %run_scoped3A_64 = arith.constant 0 : i32
    "tpu.region"() ({
      %run_scoped3A_89 = tpu.sem_alloc : memref<!tpu.dma_semaphore, #tpu.memory_space<semaphore_mem>>
      %dma_start3A = arith.constant 0 : i32
      %dma_start3A_90 = arith.constant 0 : i32
      %dma_start3A_91 = tpu.memref_slice %arg8[%run_scoped3A_64, %dma_start3A, %dma_start3A_90] : memref<2x128x128xf32, #tpu.memory_space<vmem>> -> memref<1x128x128xf32, #tpu.memory_space<vmem>>
      %dma_start3A_92 = tpu.memref_squeeze %dma_start3A_91 : memref<1x128x128xf32, #tpu.memory_space<vmem>> -> memref<128x128xf32, #tpu.memory_space<vmem>>
      %dma_start3A_93 = arith.constant 0 : i32
      %dma_start3A_94 = arith.constant 0 : i32
      %dma_start3A_95 = tpu.memref_slice %arg5[%arg0, %dma_start3A_93, %dma_start3A_94] : memref<2x10240x128xf32, #tpu.memory_space<hbm>> -> memref<1x10240x128xf32, #tpu.memory_space<hbm>>
      %dma_start3A_96 = tpu.memref_squeeze %dma_start3A_95 : memref<1x10240x128xf32, #tpu.memory_space<hbm>> -> memref<10240x128xf32, #tpu.memory_space<hbm>>
      %dma_start3A_97 = arith.constant 0 : i32
      %dma_start3A_98 = tpu.memref_slice %dma_start3A_96[%add3A_62, %dma_start3A_97] : memref<10240x128xf32, #tpu.memory_space<hbm>> -> memref<128x128xf32, #tpu.memory_space<hbm>>
      %dma_start3A_99 = arith.constant 0 : i32
      %dma_start3A_100 = arith.constant 0 : i32
      %dma_start3A_101 = tpu.memref_slice %arg5[%arg0, %dma_start3A_99, %dma_start3A_100] : memref<2x10240x128xf32, #tpu.memory_space<hbm>> -> memref<1x10240x128xf32, #tpu.memory_space<hbm>>
      %dma_start3A_102 = tpu.memref_squeeze %dma_start3A_101 : memref<1x10240x128xf32, #tpu.memory_space<hbm>> -> memref<10240x128xf32, #tpu.memory_space<hbm>>
      %dma_start3A_103 = arith.constant 0 : i32
      %dma_start3A_104 = tpu.memref_slice %dma_start3A_102[%add3A_62, %dma_start3A_103] : memref<10240x128xf32, #tpu.memory_space<hbm>> -> memref<128x128xf32, #tpu.memory_space<hbm>>
      %dma_start3A_105 = arith.constant 0 : i32
      %dma_start3A_106 = arith.constant 0 : i32
      %dma_start3A_107 = tpu.memref_slice %arg8[%run_scoped3A_64, %dma_start3A_105, %dma_start3A_106] : memref<2x128x128xf32, #tpu.memory_space<vmem>> -> memref<1x128x128xf32, #tpu.memory_space<vmem>>
      %dma_start3A_108 = tpu.memref_squeeze %dma_start3A_107 : memref<1x128x128xf32, #tpu.memory_space<vmem>> -> memref<128x128xf32, #tpu.memory_space<vmem>>
      tpu.enqueue_dma source(%dma_start3A_108 : memref<128x128xf32, #tpu.memory_space<vmem>>) target(%dma_start3A_104 : memref<128x128xf32, #tpu.memory_space<hbm>>) target_semaphore(%run_scoped3A_89 : memref<!tpu.dma_semaphore, #tpu.memory_space<semaphore_mem>>)
      %dma_wait3A = arith.constant 0 : i32
      %dma_wait3A_109 = arith.constant 0 : i32
      %dma_wait3A_110 = tpu.memref_slice %arg8[%run_scoped3A_64, %dma_wait3A, %dma_wait3A_109] : memref<2x128x128xf32, #tpu.memory_space<vmem>> -> memref<1x128x128xf32, #tpu.memory_space<vmem>>
      %dma_wait3A_111 = tpu.memref_squeeze %dma_wait3A_110 : memref<1x128x128xf32, #tpu.memory_space<vmem>> -> memref<128x128xf32, #tpu.memory_space<vmem>>
      %dma_wait3A_112 = arith.constant 0 : i32
      %dma_wait3A_113 = arith.constant 0 : i32
      %dma_wait3A_114 = tpu.memref_slice %arg5[%arg0, %dma_wait3A_112, %dma_wait3A_113] : memref<2x10240x128xf32, #tpu.memory_space<hbm>> -> memref<1x10240x128xf32, #tpu.memory_space<hbm>>
      %dma_wait3A_115 = tpu.memref_squeeze %dma_wait3A_114 : memref<1x10240x128xf32, #tpu.memory_space<hbm>> -> memref<10240x128xf32, #tpu.memory_space<hbm>>
      %dma_wait3A_116 = arith.constant 0 : i32
      %dma_wait3A_117 = tpu.memref_slice %dma_wait3A_115[%add3A_62, %dma_wait3A_116] : memref<10240x128xf32, #tpu.memory_space<hbm>> -> memref<128x128xf32, #tpu.memory_space<hbm>>
      %dma_wait3A_118 = arith.constant 0 : i32
      %dma_wait3A_119 = arith.constant 0 : i32
      %dma_wait3A_120 = tpu.memref_slice %arg5[%arg0, %dma_wait3A_118, %dma_wait3A_119] : memref<2x10240x128xf32, #tpu.memory_space<hbm>> -> memref<1x10240x128xf32, #tpu.memory_space<hbm>>
      %dma_wait3A_121 = tpu.memref_squeeze %dma_wait3A_120 : memref<1x10240x128xf32, #tpu.memory_space<hbm>> -> memref<10240x128xf32, #tpu.memory_space<hbm>>
      %dma_wait3A_122 = arith.constant 0 : i32
      %dma_wait3A_123 = tpu.memref_slice %dma_wait3A_121[%add3A_62, %dma_wait3A_122] : memref<10240x128xf32, #tpu.memory_space<hbm>> -> memref<128x128xf32, #tpu.memory_space<hbm>>
      %dma_wait3A_124 = arith.constant 0 : i32
      %dma_wait3A_125 = arith.constant 0 : i32
      %dma_wait3A_126 = tpu.memref_slice %arg8[%run_scoped3A_64, %dma_wait3A_124, %dma_wait3A_125] : memref<2x128x128xf32, #tpu.memory_space<vmem>> -> memref<1x128x128xf32, #tpu.memory_space<vmem>>
      %dma_wait3A_127 = tpu.memref_squeeze %dma_wait3A_126 : memref<1x128x128xf32, #tpu.memory_space<vmem>> -> memref<128x128xf32, #tpu.memory_space<vmem>>
      tpu.wait_dma2 semaphore(%run_scoped3A_89 : memref<!tpu.dma_semaphore, #tpu.memory_space<semaphore_mem>>) src(%dma_wait3A_127 : memref<128x128xf32, #tpu.memory_space<vmem>>) dst(%dma_wait3A_123 : memref<128x128xf32, #tpu.memory_space<hbm>>)
      tpu.yield
    }) : () -> ()
    %mul3A_65 = arith.constant 640 : i32
    %mul3A_66 = arith.muli %arg1, %mul3A_65 : i32
    %add3A_67 = arith.constant 128 : i32
    %add3A_68 = arith.addi %mul3A_66, %add3A_67 : i32
    %run_scoped3A_69 = arith.constant 0 : i32
    "tpu.region"() ({
      %run_scoped3A_89 = tpu.sem_alloc : memref<!tpu.dma_semaphore, #tpu.memory_space<semaphore_mem>>
      %dma_start3A = arith.constant 0 : i32
      %dma_start3A_90 = arith.constant 0 : i32
      %dma_start3A_91 = tpu.memref_slice %arg8[%run_scoped3A_69, %dma_start3A, %dma_start3A_90] : memref<2x128x128xf32, #tpu.memory_space<vmem>> -> memref<1x128x128xf32, #tpu.memory_space<vmem>>
      %dma_start3A_92 = tpu.memref_squeeze %dma_start3A_91 : memref<1x128x128xf32, #tpu.memory_space<vmem>> -> memref<128x128xf32, #tpu.memory_space<vmem>>
      %dma_start3A_93 = arith.constant 0 : i32
      %dma_start3A_94 = tpu.memref_slice %arg9[%add3A_68, %dma_start3A_93] : memref<10240x128xf32, #tpu.memory_space<vmem_shared>> -> memref<128x128xf32, #tpu.memory_space<vmem_shared>>
      %dma_start3A_95 = arith.constant 0 : i32
      %dma_start3A_96 = arith.constant 0 : i32
      %dma_start3A_97 = tpu.memref_slice %arg8[%run_scoped3A_69, %dma_start3A_95, %dma_start3A_96] : memref<2x128x128xf32, #tpu.memory_space<vmem>> -> memref<1x128x128xf32, #tpu.memory_space<vmem>>
      %dma_start3A_98 = tpu.memref_squeeze %dma_start3A_97 : memref<1x128x128xf32, #tpu.memory_space<vmem>> -> memref<128x128xf32, #tpu.memory_space<vmem>>
      %dma_start3A_99 = arith.constant 0 : i32
      %dma_start3A_100 = tpu.memref_slice %arg9[%add3A_68, %dma_start3A_99] : memref<10240x128xf32, #tpu.memory_space<vmem_shared>> -> memref<128x128xf32, #tpu.memory_space<vmem_shared>>
      tpu.enqueue_dma source(%dma_start3A_100 : memref<128x128xf32, #tpu.memory_space<vmem_shared>>) target(%dma_start3A_98 : memref<128x128xf32, #tpu.memory_space<vmem>>) target_semaphore(%run_scoped3A_89 : memref<!tpu.dma_semaphore, #tpu.memory_space<semaphore_mem>>)
      %dma_wait3A = arith.constant 0 : i32
      %dma_wait3A_101 = arith.constant 0 : i32
      %dma_wait3A_102 = tpu.memref_slice %arg8[%run_scoped3A_69, %dma_wait3A, %dma_wait3A_101] : memref<2x128x128xf32, #tpu.memory_space<vmem>> -> memref<1x128x128xf32, #tpu.memory_space<vmem>>
      %dma_wait3A_103 = tpu.memref_squeeze %dma_wait3A_102 : memref<1x128x128xf32, #tpu.memory_space<vmem>> -> memref<128x128xf32, #tpu.memory_space<vmem>>
      %dma_wait3A_104 = arith.constant 0 : i32
      %dma_wait3A_105 = tpu.memref_slice %arg9[%add3A_68, %dma_wait3A_104] : memref<10240x128xf32, #tpu.memory_space<vmem_shared>> -> memref<128x128xf32, #tpu.memory_space<vmem_shared>>
      %dma_wait3A_106 = arith.constant 0 : i32
      %dma_wait3A_107 = arith.constant 0 : i32
      %dma_wait3A_108 = tpu.memref_slice %arg8[%run_scoped3A_69, %dma_wait3A_106, %dma_wait3A_107] : memref<2x128x128xf32, #tpu.memory_space<vmem>> -> memref<1x128x128xf32, #tpu.memory_space<vmem>>
      %dma_wait3A_109 = tpu.memref_squeeze %dma_wait3A_108 : memref<1x128x128xf32, #tpu.memory_space<vmem>> -> memref<128x128xf32, #tpu.memory_space<vmem>>
      %dma_wait3A_110 = arith.constant 0 : i32
      %dma_wait3A_111 = tpu.memref_slice %arg9[%add3A_68, %dma_wait3A_110] : memref<10240x128xf32, #tpu.memory_space<vmem_shared>> -> memref<128x128xf32, #tpu.memory_space<vmem_shared>>
      tpu.wait_dma2 semaphore(%run_scoped3A_89 : memref<!tpu.dma_semaphore, #tpu.memory_space<semaphore_mem>>) src(%dma_wait3A_111 : memref<128x128xf32, #tpu.memory_space<vmem_shared>>) dst(%dma_wait3A_109 : memref<128x128xf32, #tpu.memory_space<vmem>>)
      tpu.yield
    }) : () -> ()
    %run_scoped3A_70 = arith.constant 0 : i32
    "tpu.region"() ({
      %run_scoped3A_89 = tpu.sem_alloc : memref<!tpu.dma_semaphore, #tpu.memory_space<semaphore_mem>>
      %dma_start3A = arith.constant 0 : i32
      %dma_start3A_90 = arith.constant 0 : i32
      %dma_start3A_91 = tpu.memref_slice %arg8[%run_scoped3A_70, %dma_start3A, %dma_start3A_90] : memref<2x128x128xf32, #tpu.memory_space<vmem>> -> memref<1x128x128xf32, #tpu.memory_space<vmem>>
      %dma_start3A_92 = tpu.memref_squeeze %dma_start3A_91 : memref<1x128x128xf32, #tpu.memory_space<vmem>> -> memref<128x128xf32, #tpu.memory_space<vmem>>
      %dma_start3A_93 = arith.constant 0 : i32
      %dma_start3A_94 = arith.constant 0 : i32
      %dma_start3A_95 = tpu.memref_slice %arg5[%arg0, %dma_start3A_93, %dma_start3A_94] : memref<2x10240x128xf32, #tpu.memory_space<hbm>> -> memref<1x10240x128xf32, #tpu.memory_space<hbm>>
      %dma_start3A_96 = tpu.memref_squeeze %dma_start3A_95 : memref<1x10240x128xf32, #tpu.memory_space<hbm>> -> memref<10240x128xf32, #tpu.memory_space<hbm>>
      %dma_start3A_97 = arith.constant 0 : i32
      %dma_start3A_98 = tpu.memref_slice %dma_start3A_96[%add3A_68, %dma_start3A_97] : memref<10240x128xf32, #tpu.memory_space<hbm>> -> memref<128x128xf32, #tpu.memory_space<hbm>>
      %dma_start3A_99 = arith.constant 0 : i32
      %dma_start3A_100 = arith.constant 0 : i32
      %dma_start3A_101 = tpu.memref_slice %arg5[%arg0, %dma_start3A_99, %dma_start3A_100] : memref<2x10240x128xf32, #tpu.memory_space<hbm>> -> memref<1x10240x128xf32, #tpu.memory_space<hbm>>
      %dma_start3A_102 = tpu.memref_squeeze %dma_start3A_101 : memref<1x10240x128xf32, #tpu.memory_space<hbm>> -> memref<10240x128xf32, #tpu.memory_space<hbm>>
      %dma_start3A_103 = arith.constant 0 : i32
      %dma_start3A_104 = tpu.memref_slice %dma_start3A_102[%add3A_68, %dma_start3A_103] : memref<10240x128xf32, #tpu.memory_space<hbm>> -> memref<128x128xf32, #tpu.memory_space<hbm>>
      %dma_start3A_105 = arith.constant 0 : i32
      %dma_start3A_106 = arith.constant 0 : i32
      %dma_start3A_107 = tpu.memref_slice %arg8[%run_scoped3A_70, %dma_start3A_105, %dma_start3A_106] : memref<2x128x128xf32, #tpu.memory_space<vmem>> -> memref<1x128x128xf32, #tpu.memory_space<vmem>>
      %dma_start3A_108 = tpu.memref_squeeze %dma_start3A_107 : memref<1x128x128xf32, #tpu.memory_space<vmem>> -> memref<128x128xf32, #tpu.memory_space<vmem>>
      tpu.enqueue_dma source(%dma_start3A_108 : memref<128x128xf32, #tpu.memory_space<vmem>>) target(%dma_start3A_104 : memref<128x128xf32, #tpu.memory_space<hbm>>) target_semaphore(%run_scoped3A_89 : memref<!tpu.dma_semaphore, #tpu.memory_space<semaphore_mem>>)
      %dma_wait3A = arith.constant 0 : i32
      %dma_wait3A_109 = arith.constant 0 : i32
      %dma_wait3A_110 = tpu.memref_slice %arg8[%run_scoped3A_70, %dma_wait3A, %dma_wait3A_109] : memref<2x128x128xf32, #tpu.memory_space<vmem>> -> memref<1x128x128xf32, #tpu.memory_space<vmem>>
      %dma_wait3A_111 = tpu.memref_squeeze %dma_wait3A_110 : memref<1x128x128xf32, #tpu.memory_space<vmem>> -> memref<128x128xf32, #tpu.memory_space<vmem>>
      %dma_wait3A_112 = arith.constant 0 : i32
      %dma_wait3A_113 = arith.constant 0 : i32
      %dma_wait3A_114 = tpu.memref_slice %arg5[%arg0, %dma_wait3A_112, %dma_wait3A_113] : memref<2x10240x128xf32, #tpu.memory_space<hbm>> -> memref<1x10240x128xf32, #tpu.memory_space<hbm>>
      %dma_wait3A_115 = tpu.memref_squeeze %dma_wait3A_114 : memref<1x10240x128xf32, #tpu.memory_space<hbm>> -> memref<10240x128xf32, #tpu.memory_space<hbm>>
      %dma_wait3A_116 = arith.constant 0 : i32
      %dma_wait3A_117 = tpu.memref_slice %dma_wait3A_115[%add3A_68, %dma_wait3A_116] : memref<10240x128xf32, #tpu.memory_space<hbm>> -> memref<128x128xf32, #tpu.memory_space<hbm>>
      %dma_wait3A_118 = arith.constant 0 : i32
      %dma_wait3A_119 = arith.constant 0 : i32
      %dma_wait3A_120 = tpu.memref_slice %arg5[%arg0, %dma_wait3A_118, %dma_wait3A_119] : memref<2x10240x128xf32, #tpu.memory_space<hbm>> -> memref<1x10240x128xf32, #tpu.memory_space<hbm>>
      %dma_wait3A_121 = tpu.memref_squeeze %dma_wait3A_120 : memref<1x10240x128xf32, #tpu.memory_space<hbm>> -> memref<10240x128xf32, #tpu.memory_space<hbm>>
      %dma_wait3A_122 = arith.constant 0 : i32
      %dma_wait3A_123 = tpu.memref_slice %dma_wait3A_121[%add3A_68, %dma_wait3A_122] : memref<10240x128xf32, #tpu.memory_space<hbm>> -> memref<128x128xf32, #tpu.memory_space<hbm>>
      %dma_wait3A_124 = arith.constant 0 : i32
      %dma_wait3A_125 = arith.constant 0 : i32
      %dma_wait3A_126 = tpu.memref_slice %arg8[%run_scoped3A_70, %dma_wait3A_124, %dma_wait3A_125] : memref<2x128x128xf32, #tpu.memory_space<vmem>> -> memref<1x128x128xf32, #tpu.memory_space<vmem>>
      %dma_wait3A_127 = tpu.memref_squeeze %dma_wait3A_126 : memref<1x128x128xf32, #tpu.memory_space<vmem>> -> memref<128x128xf32, #tpu.memory_space<vmem>>
      tpu.wait_dma2 semaphore(%run_scoped3A_89 : memref<!tpu.dma_semaphore, #tpu.memory_space<semaphore_mem>>) src(%dma_wait3A_127 : memref<128x128xf32, #tpu.memory_space<vmem>>) dst(%dma_wait3A_123 : memref<128x128xf32, #tpu.memory_space<hbm>>)
      tpu.yield
    }) : () -> ()
    %mul3A_71 = arith.constant 640 : i32
    %mul3A_72 = arith.muli %arg1, %mul3A_71 : i32
    %add3A_73 = arith.constant 256 : i32
    %add3A_74 = arith.addi %mul3A_72, %add3A_73 : i32
    %run_scoped3A_75 = arith.constant 0 : i32
    "tpu.region"() ({
      %run_scoped3A_89 = tpu.sem_alloc : memref<!tpu.dma_semaphore, #tpu.memory_space<semaphore_mem>>
      %dma_start3A = arith.constant 0 : i32
      %dma_start3A_90 = arith.constant 0 : i32
      %dma_start3A_91 = tpu.memref_slice %arg8[%run_scoped3A_75, %dma_start3A, %dma_start3A_90] : memref<2x128x128xf32, #tpu.memory_space<vmem>> -> memref<1x128x128xf32, #tpu.memory_space<vmem>>
      %dma_start3A_92 = tpu.memref_squeeze %dma_start3A_91 : memref<1x128x128xf32, #tpu.memory_space<vmem>> -> memref<128x128xf32, #tpu.memory_space<vmem>>
      %dma_start3A_93 = arith.constant 0 : i32
      %dma_start3A_94 = tpu.memref_slice %arg9[%add3A_74, %dma_start3A_93] : memref<10240x128xf32, #tpu.memory_space<vmem_shared>> -> memref<128x128xf32, #tpu.memory_space<vmem_shared>>
      %dma_start3A_95 = arith.constant 0 : i32
      %dma_start3A_96 = arith.constant 0 : i32
      %dma_start3A_97 = tpu.memref_slice %arg8[%run_scoped3A_75, %dma_start3A_95, %dma_start3A_96] : memref<2x128x128xf32, #tpu.memory_space<vmem>> -> memref<1x128x128xf32, #tpu.memory_space<vmem>>
      %dma_start3A_98 = tpu.memref_squeeze %dma_start3A_97 : memref<1x128x128xf32, #tpu.memory_space<vmem>> -> memref<128x128xf32, #tpu.memory_space<vmem>>
      %dma_start3A_99 = arith.constant 0 : i32
      %dma_start3A_100 = tpu.memref_slice %arg9[%add3A_74, %dma_start3A_99] : memref<10240x128xf32, #tpu.memory_space<vmem_shared>> -> memref<128x128xf32, #tpu.memory_space<vmem_shared>>
      tpu.enqueue_dma source(%dma_start3A_100 : memref<128x128xf32, #tpu.memory_space<vmem_shared>>) target(%dma_start3A_98 : memref<128x128xf32, #tpu.memory_space<vmem>>) target_semaphore(%run_scoped3A_89 : memref<!tpu.dma_semaphore, #tpu.memory_space<semaphore_mem>>)
      %dma_wait3A = arith.constant 0 : i32
      %dma_wait3A_101 = arith.constant 0 : i32
      %dma_wait3A_102 = tpu.memref_slice %arg8[%run_scoped3A_75, %dma_wait3A, %dma_wait3A_101] : memref<2x128x128xf32, #tpu.memory_space<vmem>> -> memref<1x128x128xf32, #tpu.memory_space<vmem>>
      %dma_wait3A_103 = tpu.memref_squeeze %dma_wait3A_102 : memref<1x128x128xf32, #tpu.memory_space<vmem>> -> memref<128x128xf32, #tpu.memory_space<vmem>>
      %dma_wait3A_104 = arith.constant 0 : i32
      %dma_wait3A_105 = tpu.memref_slice %arg9[%add3A_74, %dma_wait3A_104] : memref<10240x128xf32, #tpu.memory_space<vmem_shared>> -> memref<128x128xf32, #tpu.memory_space<vmem_shared>>
      %dma_wait3A_106 = arith.constant 0 : i32
      %dma_wait3A_107 = arith.constant 0 : i32
      %dma_wait3A_108 = tpu.memref_slice %arg8[%run_scoped3A_75, %dma_wait3A_106, %dma_wait3A_107] : memref<2x128x128xf32, #tpu.memory_space<vmem>> -> memref<1x128x128xf32, #tpu.memory_space<vmem>>
      %dma_wait3A_109 = tpu.memref_squeeze %dma_wait3A_108 : memref<1x128x128xf32, #tpu.memory_space<vmem>> -> memref<128x128xf32, #tpu.memory_space<vmem>>
      %dma_wait3A_110 = arith.constant 0 : i32
      %dma_wait3A_111 = tpu.memref_slice %arg9[%add3A_74, %dma_wait3A_110] : memref<10240x128xf32, #tpu.memory_space<vmem_shared>> -> memref<128x128xf32, #tpu.memory_space<vmem_shared>>
      tpu.wait_dma2 semaphore(%run_scoped3A_89 : memref<!tpu.dma_semaphore, #tpu.memory_space<semaphore_mem>>) src(%dma_wait3A_111 : memref<128x128xf32, #tpu.memory_space<vmem_shared>>) dst(%dma_wait3A_109 : memref<128x128xf32, #tpu.memory_space<vmem>>)
      tpu.yield
    }) : () -> ()
    %run_scoped3A_76 = arith.constant 0 : i32
    "tpu.region"() ({
      %run_scoped3A_89 = tpu.sem_alloc : memref<!tpu.dma_semaphore, #tpu.memory_space<semaphore_mem>>
      %dma_start3A = arith.constant 0 : i32
      %dma_start3A_90 = arith.constant 0 : i32
      %dma_start3A_91 = tpu.memref_slice %arg8[%run_scoped3A_76, %dma_start3A, %dma_start3A_90] : memref<2x128x128xf32, #tpu.memory_space<vmem>> -> memref<1x128x128xf32, #tpu.memory_space<vmem>>
      %dma_start3A_92 = tpu.memref_squeeze %dma_start3A_91 : memref<1x128x128xf32, #tpu.memory_space<vmem>> -> memref<128x128xf32, #tpu.memory_space<vmem>>
      %dma_start3A_93 = arith.constant 0 : i32
      %dma_start3A_94 = arith.constant 0 : i32
      %dma_start3A_95 = tpu.memref_slice %arg5[%arg0, %dma_start3A_93, %dma_start3A_94] : memref<2x10240x128xf32, #tpu.memory_space<hbm>> -> memref<1x10240x128xf32, #tpu.memory_space<hbm>>
      %dma_start3A_96 = tpu.memref_squeeze %dma_start3A_95 : memref<1x10240x128xf32, #tpu.memory_space<hbm>> -> memref<10240x128xf32, #tpu.memory_space<hbm>>
      %dma_start3A_97 = arith.constant 0 : i32
      %dma_start3A_98 = tpu.memref_slice %dma_start3A_96[%add3A_74, %dma_start3A_97] : memref<10240x128xf32, #tpu.memory_space<hbm>> -> memref<128x128xf32, #tpu.memory_space<hbm>>
      %dma_start3A_99 = arith.constant 0 : i32
      %dma_start3A_100 = arith.constant 0 : i32
      %dma_start3A_101 = tpu.memref_slice %arg5[%arg0, %dma_start3A_99, %dma_start3A_100] : memref<2x10240x128xf32, #tpu.memory_space<hbm>> -> memref<1x10240x128xf32, #tpu.memory_space<hbm>>
      %dma_start3A_102 = tpu.memref_squeeze %dma_start3A_101 : memref<1x10240x128xf32, #tpu.memory_space<hbm>> -> memref<10240x128xf32, #tpu.memory_space<hbm>>
      %dma_start3A_103 = arith.constant 0 : i32
      %dma_start3A_104 = tpu.memref_slice %dma_start3A_102[%add3A_74, %dma_start3A_103] : memref<10240x128xf32, #tpu.memory_space<hbm>> -> memref<128x128xf32, #tpu.memory_space<hbm>>
      %dma_start3A_105 = arith.constant 0 : i32
      %dma_start3A_106 = arith.constant 0 : i32
      %dma_start3A_107 = tpu.memref_slice %arg8[%run_scoped3A_76, %dma_start3A_105, %dma_start3A_106] : memref<2x128x128xf32, #tpu.memory_space<vmem>> -> memref<1x128x128xf32, #tpu.memory_space<vmem>>
      %dma_start3A_108 = tpu.memref_squeeze %dma_start3A_107 : memref<1x128x128xf32, #tpu.memory_space<vmem>> -> memref<128x128xf32, #tpu.memory_space<vmem>>
      tpu.enqueue_dma source(%dma_start3A_108 : memref<128x128xf32, #tpu.memory_space<vmem>>) target(%dma_start3A_104 : memref<128x128xf32, #tpu.memory_space<hbm>>) target_semaphore(%run_scoped3A_89 : memref<!tpu.dma_semaphore, #tpu.memory_space<semaphore_mem>>)
      %dma_wait3A = arith.constant 0 : i32
      %dma_wait3A_109 = arith.constant 0 : i32
      %dma_wait3A_110 = tpu.memref_slice %arg8[%run_scoped3A_76, %dma_wait3A, %dma_wait3A_109] : memref<2x128x128xf32, #tpu.memory_space<vmem>> -> memref<1x128x128xf32, #tpu.memory_space<vmem>>
      %dma_wait3A_111 = tpu.memref_squeeze %dma_wait3A_110 : memref<1x128x128xf32, #tpu.memory_space<vmem>> -> memref<128x128xf32, #tpu.memory_space<vmem>>
      %dma_wait3A_112 = arith.constant 0 : i32
      %dma_wait3A_113 = arith.constant 0 : i32
      %dma_wait3A_114 = tpu.memref_slice %arg5[%arg0, %dma_wait3A_112, %dma_wait3A_113] : memref<2x10240x128xf32, #tpu.memory_space<hbm>> -> memref<1x10240x128xf32, #tpu.memory_space<hbm>>
      %dma_wait3A_115 = tpu.memref_squeeze %dma_wait3A_114 : memref<1x10240x128xf32, #tpu.memory_space<hbm>> -> memref<10240x128xf32, #tpu.memory_space<hbm>>
      %dma_wait3A_116 = arith.constant 0 : i32
      %dma_wait3A_117 = tpu.memref_slice %dma_wait3A_115[%add3A_74, %dma_wait3A_116] : memref<10240x128xf32, #tpu.memory_space<hbm>> -> memref<128x128xf32, #tpu.memory_space<hbm>>
      %dma_wait3A_118 = arith.constant 0 : i32
      %dma_wait3A_119 = arith.constant 0 : i32
      %dma_wait3A_120 = tpu.memref_slice %arg5[%arg0, %dma_wait3A_118, %dma_wait3A_119] : memref<2x10240x128xf32, #tpu.memory_space<hbm>> -> memref<1x10240x128xf32, #tpu.memory_space<hbm>>
      %dma_wait3A_121 = tpu.memref_squeeze %dma_wait3A_120 : memref<1x10240x128xf32, #tpu.memory_space<hbm>> -> memref<10240x128xf32, #tpu.memory_space<hbm>>
      %dma_wait3A_122 = arith.constant 0 : i32
      %dma_wait3A_123 = tpu.memref_slice %dma_wait3A_121[%add3A_74, %dma_wait3A_122] : memref<10240x128xf32, #tpu.memory_space<hbm>> -> memref<128x128xf32, #tpu.memory_space<hbm>>
      %dma_wait3A_124 = arith.constant 0 : i32
      %dma_wait3A_125 = arith.constant 0 : i32
      %dma_wait3A_126 = tpu.memref_slice %arg8[%run_scoped3A_76, %dma_wait3A_124, %dma_wait3A_125] : memref<2x128x128xf32, #tpu.memory_space<vmem>> -> memref<1x128x128xf32, #tpu.memory_space<vmem>>
      %dma_wait3A_127 = tpu.memref_squeeze %dma_wait3A_126 : memref<1x128x128xf32, #tpu.memory_space<vmem>> -> memref<128x128xf32, #tpu.memory_space<vmem>>
      tpu.wait_dma2 semaphore(%run_scoped3A_89 : memref<!tpu.dma_semaphore, #tpu.memory_space<semaphore_mem>>) src(%dma_wait3A_127 : memref<128x128xf32, #tpu.memory_space<vmem>>) dst(%dma_wait3A_123 : memref<128x128xf32, #tpu.memory_space<hbm>>)
      tpu.yield
    }) : () -> ()
    %mul3A_77 = arith.constant 640 : i32
    %mul3A_78 = arith.muli %arg1, %mul3A_77 : i32
    %add3A_79 = arith.constant 384 : i32
    %add3A_80 = arith.addi %mul3A_78, %add3A_79 : i32
    %run_scoped3A_81 = arith.constant 0 : i32
    "tpu.region"() ({
      %run_scoped3A_89 = tpu.sem_alloc : memref<!tpu.dma_semaphore, #tpu.memory_space<semaphore_mem>>
      %dma_start3A = arith.constant 0 : i32
      %dma_start3A_90 = arith.constant 0 : i32
      %dma_start3A_91 = tpu.memref_slice %arg8[%run_scoped3A_81, %dma_start3A, %dma_start3A_90] : memref<2x128x128xf32, #tpu.memory_space<vmem>> -> memref<1x128x128xf32, #tpu.memory_space<vmem>>
      %dma_start3A_92 = tpu.memref_squeeze %dma_start3A_91 : memref<1x128x128xf32, #tpu.memory_space<vmem>> -> memref<128x128xf32, #tpu.memory_space<vmem>>
      %dma_start3A_93 = arith.constant 0 : i32
      %dma_start3A_94 = tpu.memref_slice %arg9[%add3A_80, %dma_start3A_93] : memref<10240x128xf32, #tpu.memory_space<vmem_shared>> -> memref<128x128xf32, #tpu.memory_space<vmem_shared>>
      %dma_start3A_95 = arith.constant 0 : i32
      %dma_start3A_96 = arith.constant 0 : i32
      %dma_start3A_97 = tpu.memref_slice %arg8[%run_scoped3A_81, %dma_start3A_95, %dma_start3A_96] : memref<2x128x128xf32, #tpu.memory_space<vmem>> -> memref<1x128x128xf32, #tpu.memory_space<vmem>>
      %dma_start3A_98 = tpu.memref_squeeze %dma_start3A_97 : memref<1x128x128xf32, #tpu.memory_space<vmem>> -> memref<128x128xf32, #tpu.memory_space<vmem>>
      %dma_start3A_99 = arith.constant 0 : i32
      %dma_start3A_100 = tpu.memref_slice %arg9[%add3A_80, %dma_start3A_99] : memref<10240x128xf32, #tpu.memory_space<vmem_shared>> -> memref<128x128xf32, #tpu.memory_space<vmem_shared>>
      tpu.enqueue_dma source(%dma_start3A_100 : memref<128x128xf32, #tpu.memory_space<vmem_shared>>) target(%dma_start3A_98 : memref<128x128xf32, #tpu.memory_space<vmem>>) target_semaphore(%run_scoped3A_89 : memref<!tpu.dma_semaphore, #tpu.memory_space<semaphore_mem>>)
      %dma_wait3A = arith.constant 0 : i32
      %dma_wait3A_101 = arith.constant 0 : i32
      %dma_wait3A_102 = tpu.memref_slice %arg8[%run_scoped3A_81, %dma_wait3A, %dma_wait3A_101] : memref<2x128x128xf32, #tpu.memory_space<vmem>> -> memref<1x128x128xf32, #tpu.memory_space<vmem>>
      %dma_wait3A_103 = tpu.memref_squeeze %dma_wait3A_102 : memref<1x128x128xf32, #tpu.memory_space<vmem>> -> memref<128x128xf32, #tpu.memory_space<vmem>>
      %dma_wait3A_104 = arith.constant 0 : i32
      %dma_wait3A_105 = tpu.memref_slice %arg9[%add3A_80, %dma_wait3A_104] : memref<10240x128xf32, #tpu.memory_space<vmem_shared>> -> memref<128x128xf32, #tpu.memory_space<vmem_shared>>
      %dma_wait3A_106 = arith.constant 0 : i32
      %dma_wait3A_107 = arith.constant 0 : i32
      %dma_wait3A_108 = tpu.memref_slice %arg8[%run_scoped3A_81, %dma_wait3A_106, %dma_wait3A_107] : memref<2x128x128xf32, #tpu.memory_space<vmem>> -> memref<1x128x128xf32, #tpu.memory_space<vmem>>
      %dma_wait3A_109 = tpu.memref_squeeze %dma_wait3A_108 : memref<1x128x128xf32, #tpu.memory_space<vmem>> -> memref<128x128xf32, #tpu.memory_space<vmem>>
      %dma_wait3A_110 = arith.constant 0 : i32
      %dma_wait3A_111 = tpu.memref_slice %arg9[%add3A_80, %dma_wait3A_110] : memref<10240x128xf32, #tpu.memory_space<vmem_shared>> -> memref<128x128xf32, #tpu.memory_space<vmem_shared>>
      tpu.wait_dma2 semaphore(%run_scoped3A_89 : memref<!tpu.dma_semaphore, #tpu.memory_space<semaphore_mem>>) src(%dma_wait3A_111 : memref<128x128xf32, #tpu.memory_space<vmem_shared>>) dst(%dma_wait3A_109 : memref<128x128xf32, #tpu.memory_space<vmem>>)
      tpu.yield
    }) : () -> ()
    %run_scoped3A_82 = arith.constant 0 : i32
    "tpu.region"() ({
      %run_scoped3A_89 = tpu.sem_alloc : memref<!tpu.dma_semaphore, #tpu.memory_space<semaphore_mem>>
      %dma_start3A = arith.constant 0 : i32
      %dma_start3A_90 = arith.constant 0 : i32
      %dma_start3A_91 = tpu.memref_slice %arg8[%run_scoped3A_82, %dma_start3A, %dma_start3A_90] : memref<2x128x128xf32, #tpu.memory_space<vmem>> -> memref<1x128x128xf32, #tpu.memory_space<vmem>>
      %dma_start3A_92 = tpu.memref_squeeze %dma_start3A_91 : memref<1x128x128xf32, #tpu.memory_space<vmem>> -> memref<128x128xf32, #tpu.memory_space<vmem>>
      %dma_start3A_93 = arith.constant 0 : i32
      %dma_start3A_94 = arith.constant 0 : i32
      %dma_start3A_95 = tpu.memref_slice %arg5[%arg0, %dma_start3A_93, %dma_start3A_94] : memref<2x10240x128xf32, #tpu.memory_space<hbm>> -> memref<1x10240x128xf32, #tpu.memory_space<hbm>>
      %dma_start3A_96 = tpu.memref_squeeze %dma_start3A_95 : memref<1x10240x128xf32, #tpu.memory_space<hbm>> -> memref<10240x128xf32, #tpu.memory_space<hbm>>
      %dma_start3A_97 = arith.constant 0 : i32
      %dma_start3A_98 = tpu.memref_slice %dma_start3A_96[%add3A_80, %dma_start3A_97] : memref<10240x128xf32, #tpu.memory_space<hbm>> -> memref<128x128xf32, #tpu.memory_space<hbm>>
      %dma_start3A_99 = arith.constant 0 : i32
      %dma_start3A_100 = arith.constant 0 : i32
      %dma_start3A_101 = tpu.memref_slice %arg5[%arg0, %dma_start3A_99, %dma_start3A_100] : memref<2x10240x128xf32, #tpu.memory_space<hbm>> -> memref<1x10240x128xf32, #tpu.memory_space<hbm>>
      %dma_start3A_102 = tpu.memref_squeeze %dma_start3A_101 : memref<1x10240x128xf32, #tpu.memory_space<hbm>> -> memref<10240x128xf32, #tpu.memory_space<hbm>>
      %dma_start3A_103 = arith.constant 0 : i32
      %dma_start3A_104 = tpu.memref_slice %dma_start3A_102[%add3A_80, %dma_start3A_103] : memref<10240x128xf32, #tpu.memory_space<hbm>> -> memref<128x128xf32, #tpu.memory_space<hbm>>
      %dma_start3A_105 = arith.constant 0 : i32
      %dma_start3A_106 = arith.constant 0 : i32
      %dma_start3A_107 = tpu.memref_slice %arg8[%run_scoped3A_82, %dma_start3A_105, %dma_start3A_106] : memref<2x128x128xf32, #tpu.memory_space<vmem>> -> memref<1x128x128xf32, #tpu.memory_space<vmem>>
      %dma_start3A_108 = tpu.memref_squeeze %dma_start3A_107 : memref<1x128x128xf32, #tpu.memory_space<vmem>> -> memref<128x128xf32, #tpu.memory_space<vmem>>
      tpu.enqueue_dma source(%dma_start3A_108 : memref<128x128xf32, #tpu.memory_space<vmem>>) target(%dma_start3A_104 : memref<128x128xf32, #tpu.memory_space<hbm>>) target_semaphore(%run_scoped3A_89 : memref<!tpu.dma_semaphore, #tpu.memory_space<semaphore_mem>>)
      %dma_wait3A = arith.constant 0 : i32
      %dma_wait3A_109 = arith.constant 0 : i32
      %dma_wait3A_110 = tpu.memref_slice %arg8[%run_scoped3A_82, %dma_wait3A, %dma_wait3A_109] : memref<2x128x128xf32, #tpu.memory_space<vmem>> -> memref<1x128x128xf32, #tpu.memory_space<vmem>>
      %dma_wait3A_111 = tpu.memref_squeeze %dma_wait3A_110 : memref<1x128x128xf32, #tpu.memory_space<vmem>> -> memref<128x128xf32, #tpu.memory_space<vmem>>
      %dma_wait3A_112 = arith.constant 0 : i32
      %dma_wait3A_113 = arith.constant 0 : i32
      %dma_wait3A_114 = tpu.memref_slice %arg5[%arg0, %dma_wait3A_112, %dma_wait3A_113] : memref<2x10240x128xf32, #tpu.memory_space<hbm>> -> memref<1x10240x128xf32, #tpu.memory_space<hbm>>
      %dma_wait3A_115 = tpu.memref_squeeze %dma_wait3A_114 : memref<1x10240x128xf32, #tpu.memory_space<hbm>> -> memref<10240x128xf32, #tpu.memory_space<hbm>>
      %dma_wait3A_116 = arith.constant 0 : i32
      %dma_wait3A_117 = tpu.memref_slice %dma_wait3A_115[%add3A_80, %dma_wait3A_116] : memref<10240x128xf32, #tpu.memory_space<hbm>> -> memref<128x128xf32, #tpu.memory_space<hbm>>
      %dma_wait3A_118 = arith.constant 0 : i32
      %dma_wait3A_119 = arith.constant 0 : i32
      %dma_wait3A_120 = tpu.memref_slice %arg5[%arg0, %dma_wait3A_118, %dma_wait3A_119] : memref<2x10240x128xf32, #tpu.memory_space<hbm>> -> memref<1x10240x128xf32, #tpu.memory_space<hbm>>
      %dma_wait3A_121 = tpu.memref_squeeze %dma_wait3A_120 : memref<1x10240x128xf32, #tpu.memory_space<hbm>> -> memref<10240x128xf32, #tpu.memory_space<hbm>>
      %dma_wait3A_122 = arith.constant 0 : i32
      %dma_wait3A_123 = tpu.memref_slice %dma_wait3A_121[%add3A_80, %dma_wait3A_122] : memref<10240x128xf32, #tpu.memory_space<hbm>> -> memref<128x128xf32, #tpu.memory_space<hbm>>
      %dma_wait3A_124 = arith.constant 0 : i32
      %dma_wait3A_125 = arith.constant 0 : i32
      %dma_wait3A_126 = tpu.memref_slice %arg8[%run_scoped3A_82, %dma_wait3A_124, %dma_wait3A_125] : memref<2x128x128xf32, #tpu.memory_space<vmem>> -> memref<1x128x128xf32, #tpu.memory_space<vmem>>
      %dma_wait3A_127 = tpu.memref_squeeze %dma_wait3A_126 : memref<1x128x128xf32, #tpu.memory_space<vmem>> -> memref<128x128xf32, #tpu.memory_space<vmem>>
      tpu.wait_dma2 semaphore(%run_scoped3A_89 : memref<!tpu.dma_semaphore, #tpu.memory_space<semaphore_mem>>) src(%dma_wait3A_127 : memref<128x128xf32, #tpu.memory_space<vmem>>) dst(%dma_wait3A_123 : memref<128x128xf32, #tpu.memory_space<hbm>>)
      tpu.yield
    }) : () -> ()
    %mul3A_83 = arith.constant 640 : i32
    %mul3A_84 = arith.muli %arg1, %mul3A_83 : i32
    %add3A_85 = arith.constant 512 : i32
    %add3A_86 = arith.addi %mul3A_84, %add3A_85 : i32
    %run_scoped3A_87 = arith.constant 0 : i32
    "tpu.region"() ({
      %run_scoped3A_89 = tpu.sem_alloc : memref<!tpu.dma_semaphore, #tpu.memory_space<semaphore_mem>>
      %dma_start3A = arith.constant 0 : i32
      %dma_start3A_90 = arith.constant 0 : i32
      %dma_start3A_91 = tpu.memref_slice %arg8[%run_scoped3A_87, %dma_start3A, %dma_start3A_90] : memref<2x128x128xf32, #tpu.memory_space<vmem>> -> memref<1x128x128xf32, #tpu.memory_space<vmem>>
      %dma_start3A_92 = tpu.memref_squeeze %dma_start3A_91 : memref<1x128x128xf32, #tpu.memory_space<vmem>> -> memref<128x128xf32, #tpu.memory_space<vmem>>
      %dma_start3A_93 = arith.constant 0 : i32
      %dma_start3A_94 = tpu.memref_slice %arg9[%add3A_86, %dma_start3A_93] : memref<10240x128xf32, #tpu.memory_space<vmem_shared>> -> memref<128x128xf32, #tpu.memory_space<vmem_shared>>
      %dma_start3A_95 = arith.constant 0 : i32
      %dma_start3A_96 = arith.constant 0 : i32
      %dma_start3A_97 = tpu.memref_slice %arg8[%run_scoped3A_87, %dma_start3A_95, %dma_start3A_96] : memref<2x128x128xf32, #tpu.memory_space<vmem>> -> memref<1x128x128xf32, #tpu.memory_space<vmem>>
      %dma_start3A_98 = tpu.memref_squeeze %dma_start3A_97 : memref<1x128x128xf32, #tpu.memory_space<vmem>> -> memref<128x128xf32, #tpu.memory_space<vmem>>
      %dma_start3A_99 = arith.constant 0 : i32
      %dma_start3A_100 = tpu.memref_slice %arg9[%add3A_86, %dma_start3A_99] : memref<10240x128xf32, #tpu.memory_space<vmem_shared>> -> memref<128x128xf32, #tpu.memory_space<vmem_shared>>
      tpu.enqueue_dma source(%dma_start3A_100 : memref<128x128xf32, #tpu.memory_space<vmem_shared>>) target(%dma_start3A_98 : memref<128x128xf32, #tpu.memory_space<vmem>>) target_semaphore(%run_scoped3A_89 : memref<!tpu.dma_semaphore, #tpu.memory_space<semaphore_mem>>)
      %dma_wait3A = arith.constant 0 : i32
      %dma_wait3A_101 = arith.constant 0 : i32
      %dma_wait3A_102 = tpu.memref_slice %arg8[%run_scoped3A_87, %dma_wait3A, %dma_wait3A_101] : memref<2x128x128xf32, #tpu.memory_space<vmem>> -> memref<1x128x128xf32, #tpu.memory_space<vmem>>
      %dma_wait3A_103 = tpu.memref_squeeze %dma_wait3A_102 : memref<1x128x128xf32, #tpu.memory_space<vmem>> -> memref<128x128xf32, #tpu.memory_space<vmem>>
      %dma_wait3A_104 = arith.constant 0 : i32
      %dma_wait3A_105 = tpu.memref_slice %arg9[%add3A_86, %dma_wait3A_104] : memref<10240x128xf32, #tpu.memory_space<vmem_shared>> -> memref<128x128xf32, #tpu.memory_space<vmem_shared>>
      %dma_wait3A_106 = arith.constant 0 : i32
      %dma_wait3A_107 = arith.constant 0 : i32
      %dma_wait3A_108 = tpu.memref_slice %arg8[%run_scoped3A_87, %dma_wait3A_106, %dma_wait3A_107] : memref<2x128x128xf32, #tpu.memory_space<vmem>> -> memref<1x128x128xf32, #tpu.memory_space<vmem>>
      %dma_wait3A_109 = tpu.memref_squeeze %dma_wait3A_108 : memref<1x128x128xf32, #tpu.memory_space<vmem>> -> memref<128x128xf32, #tpu.memory_space<vmem>>
      %dma_wait3A_110 = arith.constant 0 : i32
      %dma_wait3A_111 = tpu.memref_slice %arg9[%add3A_86, %dma_wait3A_110] : memref<10240x128xf32, #tpu.memory_space<vmem_shared>> -> memref<128x128xf32, #tpu.memory_space<vmem_shared>>
      tpu.wait_dma2 semaphore(%run_scoped3A_89 : memref<!tpu.dma_semaphore, #tpu.memory_space<semaphore_mem>>) src(%dma_wait3A_111 : memref<128x128xf32, #tpu.memory_space<vmem_shared>>) dst(%dma_wait3A_109 : memref<128x128xf32, #tpu.memory_space<vmem>>)
      tpu.yield
    }) : () -> ()
    %run_scoped3A_88 = arith.constant 0 : i32
    "tpu.region"() ({
      %run_scoped3A_89 = tpu.sem_alloc : memref<!tpu.dma_semaphore, #tpu.memory_space<semaphore_mem>>
      %dma_start3A = arith.constant 0 : i32
      %dma_start3A_90 = arith.constant 0 : i32
      %dma_start3A_91 = tpu.memref_slice %arg8[%run_scoped3A_88, %dma_start3A, %dma_start3A_90] : memref<2x128x128xf32, #tpu.memory_space<vmem>> -> memref<1x128x128xf32, #tpu.memory_space<vmem>>
      %dma_start3A_92 = tpu.memref_squeeze %dma_start3A_91 : memref<1x128x128xf32, #tpu.memory_space<vmem>> -> memref<128x128xf32, #tpu.memory_space<vmem>>
      %dma_start3A_93 = arith.constant 0 : i32
      %dma_start3A_94 = arith.constant 0 : i32
      %dma_start3A_95 = tpu.memref_slice %arg5[%arg0, %dma_start3A_93, %dma_start3A_94] : memref<2x10240x128xf32, #tpu.memory_space<hbm>> -> memref<1x10240x128xf32, #tpu.memory_space<hbm>>
      %dma_start3A_96 = tpu.memref_squeeze %dma_start3A_95 : memref<1x10240x128xf32, #tpu.memory_space<hbm>> -> memref<10240x128xf32, #tpu.memory_space<hbm>>
      %dma_start3A_97 = arith.constant 0 : i32
      %dma_start3A_98 = tpu.memref_slice %dma_start3A_96[%add3A_86, %dma_start3A_97] : memref<10240x128xf32, #tpu.memory_space<hbm>> -> memref<128x128xf32, #tpu.memory_space<hbm>>
      %dma_start3A_99 = arith.constant 0 : i32
      %dma_start3A_100 = arith.constant 0 : i32
      %dma_start3A_101 = tpu.memref_slice %arg5[%arg0, %dma_start3A_99, %dma_start3A_100] : memref<2x10240x128xf32, #tpu.memory_space<hbm>> -> memref<1x10240x128xf32, #tpu.memory_space<hbm>>
      %dma_start3A_102 = tpu.memref_squeeze %dma_start3A_101 : memref<1x10240x128xf32, #tpu.memory_space<hbm>> -> memref<10240x128xf32, #tpu.memory_space<hbm>>
      %dma_start3A_103 = arith.constant 0 : i32
      %dma_start3A_104 = tpu.memref_slice %dma_start3A_102[%add3A_86, %dma_start3A_103] : memref<10240x128xf32, #tpu.memory_space<hbm>> -> memref<128x128xf32, #tpu.memory_space<hbm>>
      %dma_start3A_105 = arith.constant 0 : i32
      %dma_start3A_106 = arith.constant 0 : i32
      %dma_start3A_107 = tpu.memref_slice %arg8[%run_scoped3A_88, %dma_start3A_105, %dma_start3A_106] : memref<2x128x128xf32, #tpu.memory_space<vmem>> -> memref<1x128x128xf32, #tpu.memory_space<vmem>>
      %dma_start3A_108 = tpu.memref_squeeze %dma_start3A_107 : memref<1x128x128xf32, #tpu.memory_space<vmem>> -> memref<128x128xf32, #tpu.memory_space<vmem>>
      tpu.enqueue_dma source(%dma_start3A_108 : memref<128x128xf32, #tpu.memory_space<vmem>>) target(%dma_start3A_104 : memref<128x128xf32, #tpu.memory_space<hbm>>) target_semaphore(%run_scoped3A_89 : memref<!tpu.dma_semaphore, #tpu.memory_space<semaphore_mem>>)
      %dma_wait3A = arith.constant 0 : i32
      %dma_wait3A_109 = arith.constant 0 : i32
      %dma_wait3A_110 = tpu.memref_slice %arg8[%run_scoped3A_88, %dma_wait3A, %dma_wait3A_109] : memref<2x128x128xf32, #tpu.memory_space<vmem>> -> memref<1x128x128xf32, #tpu.memory_space<vmem>>
      %dma_wait3A_111 = tpu.memref_squeeze %dma_wait3A_110 : memref<1x128x128xf32, #tpu.memory_space<vmem>> -> memref<128x128xf32, #tpu.memory_space<vmem>>
      %dma_wait3A_112 = arith.constant 0 : i32
      %dma_wait3A_113 = arith.constant 0 : i32
      %dma_wait3A_114 = tpu.memref_slice %arg5[%arg0, %dma_wait3A_112, %dma_wait3A_113] : memref<2x10240x128xf32, #tpu.memory_space<hbm>> -> memref<1x10240x128xf32, #tpu.memory_space<hbm>>
      %dma_wait3A_115 = tpu.memref_squeeze %dma_wait3A_114 : memref<1x10240x128xf32, #tpu.memory_space<hbm>> -> memref<10240x128xf32, #tpu.memory_space<hbm>>
      %dma_wait3A_116 = arith.constant 0 : i32
      %dma_wait3A_117 = tpu.memref_slice %dma_wait3A_115[%add3A_86, %dma_wait3A_116] : memref<10240x128xf32, #tpu.memory_space<hbm>> -> memref<128x128xf32, #tpu.memory_space<hbm>>
      %dma_wait3A_118 = arith.constant 0 : i32
      %dma_wait3A_119 = arith.constant 0 : i32
      %dma_wait3A_120 = tpu.memref_slice %arg5[%arg0, %dma_wait3A_118, %dma_wait3A_119] : memref<2x10240x128xf32, #tpu.memory_space<hbm>> -> memref<1x10240x128xf32, #tpu.memory_space<hbm>>
      %dma_wait3A_121 = tpu.memref_squeeze %dma_wait3A_120 : memref<1x10240x128xf32, #tpu.memory_space<hbm>> -> memref<10240x128xf32, #tpu.memory_space<hbm>>
      %dma_wait3A_122 = arith.constant 0 : i32
      %dma_wait3A_123 = tpu.memref_slice %dma_wait3A_121[%add3A_86, %dma_wait3A_122] : memref<10240x128xf32, #tpu.memory_space<hbm>> -> memref<128x128xf32, #tpu.memory_space<hbm>>
      %dma_wait3A_124 = arith.constant 0 : i32
      %dma_wait3A_125 = arith.constant 0 : i32
      %dma_wait3A_126 = tpu.memref_slice %arg8[%run_scoped3A_88, %dma_wait3A_124, %dma_wait3A_125] : memref<2x128x128xf32, #tpu.memory_space<vmem>> -> memref<1x128x128xf32, #tpu.memory_space<vmem>>
      %dma_wait3A_127 = tpu.memref_squeeze %dma_wait3A_126 : memref<1x128x128xf32, #tpu.memory_space<vmem>> -> memref<128x128xf32, #tpu.memory_space<vmem>>
      tpu.wait_dma2 semaphore(%run_scoped3A_89 : memref<!tpu.dma_semaphore, #tpu.memory_space<semaphore_mem>>) src(%dma_wait3A_127 : memref<128x128xf32, #tpu.memory_space<vmem>>) dst(%dma_wait3A_123 : memref<128x128xf32, #tpu.memory_space<hbm>>)
      tpu.yield
    }) : () -> ()
    return
  }
}

#map = affine_map<(d0, d1) -> (0, 0)>
#map1 = affine_map<(d0, d1) -> (0, 0, 0)>
module attributes {stable_mosaic.version = 14 : i64} {
  func.func @k(%arg0: i32, %arg1: i32, %arg2: memref<10000x128xf32, #tpu.memory_space<hbm>>, %arg3: memref<2560x128xi32, #tpu.memory_space<hbm>>, %arg4: memref<2560x128xi32, #tpu.memory_space<hbm>>, %arg5: memref<2x10240x128xf32, #tpu.memory_space<hbm>>, %arg6: memref<32x128xi32, #tpu.memory_space<vmem>>, %arg7: memref<32x128xi32, #tpu.memory_space<vmem>>, %arg8: memref<2x128x128xf32, #tpu.memory_space<vmem>>, %arg9: memref<10240x128xf32, #tpu.memory_space<vmem_shared>>, %arg10: memref<!tpu.dma_semaphore, #tpu.memory_space<semaphore_mem>>) attributes {dimension_semantics = [#tpu.dimension_semantics<core_parallel>, #tpu.dimension_semantics<subcore_parallel>], iteration_bounds = array<i64: 2, 16>, scalar_prefetch = 0 : i64, scratch_operands = 5 : i64, tpu.core_type = #tpu.core_type<sc_vector_subcore>, window_params = [{transform_indices = #map}, {transform_indices = #map}, {transform_indices = #map}, {transform_indices = #map1}]} {
    %broadcast_in_dim3A = arith.constant 0.000000e+00 : f32
    %broadcast_in_dim3A_0 = vector.broadcast %broadcast_in_dim3A : f32 to vector<16xf32>
    %scan3A = arith.constant 0 : i32
    %scan3A_1 = arith.constant 0 : i32
    %scan3A_2 = arith.constant 0 : i32
    %scan3A_3 = arith.constant 128 : i32
    %scan3A_4 = arith.addi %scan3A_2, %scan3A_3 : i32
    %scan3A_5 = arith.constant 1 : i32
    %scan3A_6 = scf.for %scan3A_89 = %scan3A_2 to %scan3A_4 step %scan3A_5 iter_args(%scan3A_90 = %scan3A_1) -> (i32)  : i32 {
      %swap3A = arith.constant 0 : i32
      %swap3A_91 = arith.constant 0 : i32
      %swap3A_92 = tpu.memref_slice %arg8[%scan3A, %swap3A, %swap3A_91] : memref<2x128x128xf32, #tpu.memory_space<vmem>> -> memref<1x128x128xf32, #tpu.memory_space<vmem>>
      %swap3A_93 = tpu.memref_squeeze %swap3A_92 : memref<1x128x128xf32, #tpu.memory_space<vmem>> -> memref<128x128xf32, #tpu.memory_space<vmem>>
      %swap3A_94 = arith.index_cast %scan3A_89 : i32 to index
      %swap3A_95 = arith.constant 0 : index
      %swap3A_96 = tpu.vector_load %swap3A_93[%swap3A_94, %swap3A_95] {strides = array<i32>} : memref<128x128xf32, #tpu.memory_space<vmem>>, vector<1x16xf32>,
      %swap3A_97 = vector.shape_cast %swap3A_96 : vector<1x16xf32> to vector<16xf32>
      %swap3A_98 = vector.shape_cast %broadcast_in_dim3A_0 : vector<16xf32> to vector<1x16xf32>
      tpu.vector_store %swap3A_93[%swap3A_94, %swap3A_95], %swap3A_98 {strides = array<i32>} : memref<128x128xf32, #tpu.memory_space<vmem>>, vector<1x16xf32>,
      %swap3A_99 = arith.constant 0 : i32
      %swap3A_100 = arith.constant 0 : i32
      %swap3A_101 = tpu.memref_slice %arg8[%scan3A, %swap3A_99, %swap3A_100] : memref<2x128x128xf32, #tpu.memory_space<vmem>> -> memref<1x128x128xf32, #tpu.memory_space<vmem>>
      %swap3A_102 = tpu.memref_squeeze %swap3A_101 : memref<1x128x128xf32, #tpu.memory_space<vmem>> -> memref<128x128xf32, #tpu.memory_space<vmem>>
      %swap3A_103 = arith.index_cast %scan3A_89 : i32 to index
      %swap3A_104 = arith.constant 16 : index
      %swap3A_105 = tpu.vector_load %swap3A_102[%swap3A_103, %swap3A_104] {strides = array<i32>} : memref<128x128xf32, #tpu.memory_space<vmem>>, vector<1x16xf32>,
      %swap3A_106 = vector.shape_cast %swap3A_105 : vector<1x16xf32> to vector<16xf32>
      %swap3A_107 = vector.shape_cast %broadcast_in_dim3A_0 : vector<16xf32> to vector<1x16xf32>
      tpu.vector_store %swap3A_102[%swap3A_103, %swap3A_104], %swap3A_107 {strides = array<i32>} : memref<128x128xf32, #tpu.memory_space<vmem>>, vector<1x16xf32>,
      %swap3A_108 = arith.constant 0 : i32
      %swap3A_109 = arith.constant 0 : i32
      %swap3A_110 = tpu.memref_slice %arg8[%scan3A, %swap3A_108, %swap3A_109] : memref<2x128x128xf32, #tpu.memory_space<vmem>> -> memref<1x128x128xf32, #tpu.memory_space<vmem>>
      %swap3A_111 = tpu.memref_squeeze %swap3A_110 : memref<1x128x128xf32, #tpu.memory_space<vmem>> -> memref<128x128xf32, #tpu.memory_space<vmem>>
      %swap3A_112 = arith.index_cast %scan3A_89 : i32 to index
      %swap3A_113 = arith.constant 32 : index
      %swap3A_114 = tpu.vector_load %swap3A_111[%swap3A_112, %swap3A_113] {strides = array<i32>} : memref<128x128xf32, #tpu.memory_space<vmem>>, vector<1x16xf32>,
      %swap3A_115 = vector.shape_cast %swap3A_114 : vector<1x16xf32> to vector<16xf32>
      %swap3A_116 = vector.shape_cast %broadcast_in_dim3A_0 : vector<16xf32> to vector<1x16xf32>
      tpu.vector_store %swap3A_111[%swap3A_112, %swap3A_113], %swap3A_116 {strides = array<i32>} : memref<128x128xf32, #tpu.memory_space<vmem>>, vector<1x16xf32>,
      %swap3A_117 = arith.constant 0 : i32
      %swap3A_118 = arith.constant 0 : i32
      %swap3A_119 = tpu.memref_slice %arg8[%scan3A, %swap3A_117, %swap3A_118] : memref<2x128x128xf32, #tpu.memory_space<vmem>> -> memref<1x128x128xf32, #tpu.memory_space<vmem>>
      %swap3A_120 = tpu.memref_squeeze %swap3A_119 : memref<1x128x128xf32, #tpu.memory_space<vmem>> -> memref<128x128xf32, #tpu.memory_space<vmem>>
      %swap3A_121 = arith.index_cast %scan3A_89 : i32 to index
      %swap3A_122 = arith.constant 48 : index
      %swap3A_123 = tpu.vector_load %swap3A_120[%swap3A_121, %swap3A_122] {strides = array<i32>} : memref<128x128xf32, #tpu.memory_space<vmem>>, vector<1x16xf32>,
      %swap3A_124 = vector.shape_cast %swap3A_123 : vector<1x16xf32> to vector<16xf32>
      %swap3A_125 = vector.shape_cast %broadcast_in_dim3A_0 : vector<16xf32> to vector<1x16xf32>
      tpu.vector_store %swap3A_120[%swap3A_121, %swap3A_122], %swap3A_125 {strides = array<i32>} : memref<128x128xf32, #tpu.memory_space<vmem>>, vector<1x16xf32>,
      %swap3A_126 = arith.constant 0 : i32
      %swap3A_127 = arith.constant 0 : i32
      %swap3A_128 = tpu.memref_slice %arg8[%scan3A, %swap3A_126, %swap3A_127] : memref<2x128x128xf32, #tpu.memory_space<vmem>> -> memref<1x128x128xf32, #tpu.memory_space<vmem>>
      %swap3A_129 = tpu.memref_squeeze %swap3A_128 : memref<1x128x128xf32, #tpu.memory_space<vmem>> -> memref<128x128xf32, #tpu.memory_space<vmem>>
      %swap3A_130 = arith.index_cast %scan3A_89 : i32 to index
      %swap3A_131 = arith.constant 64 : index
      %swap3A_132 = tpu.vector_load %swap3A_129[%swap3A_130, %swap3A_131] {strides = array<i32>} : memref<128x128xf32, #tpu.memory_space<vmem>>, vector<1x16xf32>,
      %swap3A_133 = vector.shape_cast %swap3A_132 : vector<1x16xf32> to vector<16xf32>
      %swap3A_134 = vector.shape_cast %broadcast_in_dim3A_0 : vector<16xf32> to vector<1x16xf32>
      tpu.vector_store %swap3A_129[%swap3A_130, %swap3A_131], %swap3A_134 {strides = array<i32>} : memref<128x128xf32, #tpu.memory_space<vmem>>, vector<1x16xf32>,
      %swap3A_135 = arith.constant 0 : i32
      %swap3A_136 = arith.constant 0 : i32
      %swap3A_137 = tpu.memref_slice %arg8[%scan3A, %swap3A_135, %swap3A_136] : memref<2x128x128xf32, #tpu.memory_space<vmem>> -> memref<1x128x128xf32, #tpu.memory_space<vmem>>
      %swap3A_138 = tpu.memref_squeeze %swap3A_137 : memref<1x128x128xf32, #tpu.memory_space<vmem>> -> memref<128x128xf32, #tpu.memory_space<vmem>>
      %swap3A_139 = arith.index_cast %scan3A_89 : i32 to index
      %swap3A_140 = arith.constant 80 : index
      %swap3A_141 = tpu.vector_load %swap3A_138[%swap3A_139, %swap3A_140] {strides = array<i32>} : memref<128x128xf32, #tpu.memory_space<vmem>>, vector<1x16xf32>,
      %swap3A_142 = vector.shape_cast %swap3A_141 : vector<1x16xf32> to vector<16xf32>
      %swap3A_143 = vector.shape_cast %broadcast_in_dim3A_0 : vector<16xf32> to vector<1x16xf32>
      tpu.vector_store %swap3A_138[%swap3A_139, %swap3A_140], %swap3A_143 {strides = array<i32>} : memref<128x128xf32, #tpu.memory_space<vmem>>, vector<1x16xf32>,
      %swap3A_144 = arith.constant 0 : i32
      %swap3A_145 = arith.constant 0 : i32
      %swap3A_146 = tpu.memref_slice %arg8[%scan3A, %swap3A_144, %swap3A_145] : memref<2x128x128xf32, #tpu.memory_space<vmem>> -> memref<1x128x128xf32, #tpu.memory_space<vmem>>
      %swap3A_147 = tpu.memref_squeeze %swap3A_146 : memref<1x128x128xf32, #tpu.memory_space<vmem>> -> memref<128x128xf32, #tpu.memory_space<vmem>>
      %swap3A_148 = arith.index_cast %scan3A_89 : i32 to index
      %swap3A_149 = arith.constant 96 : index
      %swap3A_150 = tpu.vector_load %swap3A_147[%swap3A_148, %swap3A_149] {strides = array<i32>} : memref<128x128xf32, #tpu.memory_space<vmem>>, vector<1x16xf32>,
      %swap3A_151 = vector.shape_cast %swap3A_150 : vector<1x16xf32> to vector<16xf32>
      %swap3A_152 = vector.shape_cast %broadcast_in_dim3A_0 : vector<16xf32> to vector<1x16xf32>
      tpu.vector_store %swap3A_147[%swap3A_148, %swap3A_149], %swap3A_152 {strides = array<i32>} : memref<128x128xf32, #tpu.memory_space<vmem>>, vector<1x16xf32>,
      %swap3A_153 = arith.constant 0 : i32
      %swap3A_154 = arith.constant 0 : i32
      %swap3A_155 = tpu.memref_slice %arg8[%scan3A, %swap3A_153, %swap3A_154] : memref<2x128x128xf32, #tpu.memory_space<vmem>> -> memref<1x128x128xf32, #tpu.memory_space<vmem>>
      %swap3A_156 = tpu.memref_squeeze %swap3A_155 : memref<1x128x128xf32, #tpu.memory_space<vmem>> -> memref<128x128xf32, #tpu.memory_space<vmem>>
      %swap3A_157 = arith.index_cast %scan3A_89 : i32 to index
      %swap3A_158 = arith.constant 112 : index
      %swap3A_159 = tpu.vector_load %swap3A_156[%swap3A_157, %swap3A_158] {strides = array<i32>} : memref<128x128xf32, #tpu.memory_space<vmem>>, vector<1x16xf32>,
      %swap3A_160 = vector.shape_cast %swap3A_159 : vector<1x16xf32> to vector<16xf32>
      %swap3A_161 = vector.shape_cast %broadcast_in_dim3A_0 : vector<16xf32> to vector<1x16xf32>
      tpu.vector_store %swap3A_156[%swap3A_157, %swap3A_158], %swap3A_161 {strides = array<i32>} : memref<128x128xf32, #tpu.memory_space<vmem>>, vector<1x16xf32>,
      %scan3A_162 = arith.constant 0 : i32
      scf.yield %scan3A_162 : i32
    }
    %scan3A_7 = arith.constant 128 : i32
    %mul3A = arith.constant 640 : i32
    %mul3A_8 = arith.muli %arg1, %mul3A : i32
    %add3A = arith.constant 0 : i32
    %add3A_9 = arith.addi %mul3A_8, %add3A : i32
    %run_scoped3A = arith.constant 0 : i32
    "tpu.region"() ({
      %run_scoped3A_89 = tpu.sem_alloc : memref<!tpu.dma_semaphore, #tpu.memory_space<semaphore_mem>>
      %dma_start3A = arith.constant 0 : i32
      %dma_start3A_90 = arith.constant 0 : i32
      %dma_start3A_91 = tpu.memref_slice %arg8[%run_scoped3A, %dma_start3A, %dma_start3A_90] : memref<2x128x128xf32, #tpu.memory_space<vmem>> -> memref<1x128x128xf32, #tpu.memory_space<vmem>>
      %dma_start3A_92 = tpu.memref_squeeze %dma_start3A_91 : memref<1x128x128xf32, #tpu.memory_space<vmem>> -> memref<128x128xf32, #tpu.memory_space<vmem>>
      %dma_start3A_93 = arith.constant 0 : i32
      %dma_start3A_94 = tpu.memref_slice %arg9[%add3A_9, %dma_start3A_93] : memref<10240x128xf32, #tpu.memory_space<vmem_shared>> -> memref<128x128xf32, #tpu.memory_space<vmem_shared>>
      %dma_start3A_95 = arith.constant 0 : i32
      %dma_start3A_96 = tpu.memref_slice %arg9[%add3A_9, %dma_start3A_95] : memref<10240x128xf32, #tpu.memory_space<vmem_shared>> -> memref<128x128xf32, #tpu.memory_space<vmem_shared>>
      %dma_start3A_97 = arith.constant 0 : i32
      %dma_start3A_98 = arith.constant 0 : i32
      %dma_start3A_99 = tpu.memref_slice %arg8[%run_scoped3A, %dma_start3A_97, %dma_start3A_98] : memref<2x128x128xf32, #tpu.memory_space<vmem>> -> memref<1x128x128xf32, #tpu.memory_space<vmem>>
      %dma_start3A_100 = tpu.memref_squeeze %dma_start3A_99 : memref<1x128x128xf32, #tpu.memory_space<vmem>> -> memref<128x128xf32, #tpu.memory_space<vmem>>
      tpu.enqueue_dma source(%dma_start3A_100 : memref<128x128xf32, #tpu.memory_space<vmem>>) target(%dma_start3A_96 : memref<128x128xf32, #tpu.memory_space<vmem_shared>>) target_semaphore(%run_scoped3A_89 : memref<!tpu.dma_semaphore, #tpu.memory_space<semaphore_mem>>)
      %dma_wait3A = arith.constant 0 : i32
      %dma_wait3A_101 = arith.constant 0 : i32
      %dma_wait3A_102 = tpu.memref_slice %arg8[%run_scoped3A, %dma_wait3A, %dma_wait3A_101] : memref<2x128x128xf32, #tpu.memory_space<vmem>> -> memref<1x128x128xf32, #tpu.memory_space<vmem>>
      %dma_wait3A_103 = tpu.memref_squeeze %dma_wait3A_102 : memref<1x128x128xf32, #tpu.memory_space<vmem>> -> memref<128x128xf32, #tpu.memory_space<vmem>>
      %dma_wait3A_104 = arith.constant 0 : i32
      %dma_wait3A_105 = tpu.memref_slice %arg9[%add3A_9, %dma_wait3A_104] : memref<10240x128xf32, #tpu.memory_space<vmem_shared>> -> memref<128x128xf32, #tpu.memory_space<vmem_shared>>
      %dma_wait3A_106 = arith.constant 0 : i32
      %dma_wait3A_107 = tpu.memref_slice %arg9[%add3A_9, %dma_wait3A_106] : memref<10240x128xf32, #tpu.memory_space<vmem_shared>> -> memref<128x128xf32, #tpu.memory_space<vmem_shared>>
      %dma_wait3A_108 = arith.constant 0 : i32
      %dma_wait3A_109 = arith.constant 0 : i32
      %dma_wait3A_110 = tpu.memref_slice %arg8[%run_scoped3A, %dma_wait3A_108, %dma_wait3A_109] : memref<2x128x128xf32, #tpu.memory_space<vmem>> -> memref<1x128x128xf32, #tpu.memory_space<vmem>>
      %dma_wait3A_111 = tpu.memref_squeeze %dma_wait3A_110 : memref<1x128x128xf32, #tpu.memory_space<vmem>> -> memref<128x128xf32, #tpu.memory_space<vmem>>
      tpu.wait_dma2 semaphore(%run_scoped3A_89 : memref<!tpu.dma_semaphore, #tpu.memory_space<semaphore_mem>>) src(%dma_wait3A_111 : memref<128x128xf32, #tpu.memory_space<vmem>>) dst(%dma_wait3A_107 : memref<128x128xf32, #tpu.memory_space<vmem_shared>>)
      tpu.yield
    }) : () -> ()
    %mul3A_10 = arith.constant 640 : i32
    %mul3A_11 = arith.muli %arg1, %mul3A_10 : i32
    %add3A_12 = arith.constant 128 : i32
    %add3A_13 = arith.addi %mul3A_11, %add3A_12 : i32
    %run_scoped3A_14 = arith.constant 0 : i32
    "tpu.region"() ({
      %run_scoped3A_89 = tpu.sem_alloc : memref<!tpu.dma_semaphore, #tpu.memory_space<semaphore_mem>>
      %dma_start3A = arith.constant 0 : i32
      %dma_start3A_90 = arith.constant 0 : i32
      %dma_start3A_91 = tpu.memref_slice %arg8[%run_scoped3A_14, %dma_start3A, %dma_start3A_90] : memref<2x128x128xf32, #tpu.memory_space<vmem>> -> memref<1x128x128xf32, #tpu.memory_space<vmem>>
      %dma_start3A_92 = tpu.memref_squeeze %dma_start3A_91 : memref<1x128x128xf32, #tpu.memory_space<vmem>> -> memref<128x128xf32, #tpu.memory_space<vmem>>
      %dma_start3A_93 = arith.constant 0 : i32
      %dma_start3A_94 = tpu.memref_slice %arg9[%add3A_13, %dma_start3A_93] : memref<10240x128xf32, #tpu.memory_space<vmem_shared>> -> memref<128x128xf32, #tpu.memory_space<vmem_shared>>
      %dma_start3A_95 = arith.constant 0 : i32
      %dma_start3A_96 = tpu.memref_slice %arg9[%add3A_13, %dma_start3A_95] : memref<10240x128xf32, #tpu.memory_space<vmem_shared>> -> memref<128x128xf32, #tpu.memory_space<vmem_shared>>
      %dma_start3A_97 = arith.constant 0 : i32
      %dma_start3A_98 = arith.constant 0 : i32
      %dma_start3A_99 = tpu.memref_slice %arg8[%run_scoped3A_14, %dma_start3A_97, %dma_start3A_98] : memref<2x128x128xf32, #tpu.memory_space<vmem>> -> memref<1x128x128xf32, #tpu.memory_space<vmem>>
      %dma_start3A_100 = tpu.memref_squeeze %dma_start3A_99 : memref<1x128x128xf32, #tpu.memory_space<vmem>> -> memref<128x128xf32, #tpu.memory_space<vmem>>
      tpu.enqueue_dma source(%dma_start3A_100 : memref<128x128xf32, #tpu.memory_space<vmem>>) target(%dma_start3A_96 : memref<128x128xf32, #tpu.memory_space<vmem_shared>>) target_semaphore(%run_scoped3A_89 : memref<!tpu.dma_semaphore, #tpu.memory_space<semaphore_mem>>)
      %dma_wait3A = arith.constant 0 : i32
      %dma_wait3A_101 = arith.constant 0 : i32
      %dma_wait3A_102 = tpu.memref_slice %arg8[%run_scoped3A_14, %dma_wait3A, %dma_wait3A_101] : memref<2x128x128xf32, #tpu.memory_space<vmem>> -> memref<1x128x128xf32, #tpu.memory_space<vmem>>
      %dma_wait3A_103 = tpu.memref_squeeze %dma_wait3A_102 : memref<1x128x128xf32, #tpu.memory_space<vmem>> -> memref<128x128xf32, #tpu.memory_space<vmem>>
      %dma_wait3A_104 = arith.constant 0 : i32
      %dma_wait3A_105 = tpu.memref_slice %arg9[%add3A_13, %dma_wait3A_104] : memref<10240x128xf32, #tpu.memory_space<vmem_shared>> -> memref<128x128xf32, #tpu.memory_space<vmem_shared>>
      %dma_wait3A_106 = arith.constant 0 : i32
      %dma_wait3A_107 = tpu.memref_slice %arg9[%add3A_13, %dma_wait3A_106] : memref<10240x128xf32, #tpu.memory_space<vmem_shared>> -> memref<128x128xf32, #tpu.memory_space<vmem_shared>>
      %dma_wait3A_108 = arith.constant 0 : i32
      %dma_wait3A_109 = arith.constant 0 : i32
      %dma_wait3A_110 = tpu.memref_slice %arg8[%run_scoped3A_14, %dma_wait3A_108, %dma_wait3A_109] : memref<2x128x128xf32, #tpu.memory_space<vmem>> -> memref<1x128x128xf32, #tpu.memory_space<vmem>>
      %dma_wait3A_111 = tpu.memref_squeeze %dma_wait3A_110 : memref<1x128x128xf32, #tpu.memory_space<vmem>> -> memref<128x128xf32, #tpu.memory_space<vmem>>
      tpu.wait_dma2 semaphore(%run_scoped3A_89 : memref<!tpu.dma_semaphore, #tpu.memory_space<semaphore_mem>>) src(%dma_wait3A_111 : memref<128x128xf32, #tpu.memory_space<vmem>>) dst(%dma_wait3A_107 : memref<128x128xf32, #tpu.memory_space<vmem_shared>>)
      tpu.yield
    }) : () -> ()
    %mul3A_15 = arith.constant 640 : i32
    %mul3A_16 = arith.muli %arg1, %mul3A_15 : i32
    %add3A_17 = arith.constant 256 : i32
    %add3A_18 = arith.addi %mul3A_16, %add3A_17 : i32
    %run_scoped3A_19 = arith.constant 0 : i32
    "tpu.region"() ({
      %run_scoped3A_89 = tpu.sem_alloc : memref<!tpu.dma_semaphore, #tpu.memory_space<semaphore_mem>>
      %dma_start3A = arith.constant 0 : i32
      %dma_start3A_90 = arith.constant 0 : i32
      %dma_start3A_91 = tpu.memref_slice %arg8[%run_scoped3A_19, %dma_start3A, %dma_start3A_90] : memref<2x128x128xf32, #tpu.memory_space<vmem>> -> memref<1x128x128xf32, #tpu.memory_space<vmem>>
      %dma_start3A_92 = tpu.memref_squeeze %dma_start3A_91 : memref<1x128x128xf32, #tpu.memory_space<vmem>> -> memref<128x128xf32, #tpu.memory_space<vmem>>
      %dma_start3A_93 = arith.constant 0 : i32
      %dma_start3A_94 = tpu.memref_slice %arg9[%add3A_18, %dma_start3A_93] : memref<10240x128xf32, #tpu.memory_space<vmem_shared>> -> memref<128x128xf32, #tpu.memory_space<vmem_shared>>
      %dma_start3A_95 = arith.constant 0 : i32
      %dma_start3A_96 = tpu.memref_slice %arg9[%add3A_18, %dma_start3A_95] : memref<10240x128xf32, #tpu.memory_space<vmem_shared>> -> memref<128x128xf32, #tpu.memory_space<vmem_shared>>
      %dma_start3A_97 = arith.constant 0 : i32
      %dma_start3A_98 = arith.constant 0 : i32
      %dma_start3A_99 = tpu.memref_slice %arg8[%run_scoped3A_19, %dma_start3A_97, %dma_start3A_98] : memref<2x128x128xf32, #tpu.memory_space<vmem>> -> memref<1x128x128xf32, #tpu.memory_space<vmem>>
      %dma_start3A_100 = tpu.memref_squeeze %dma_start3A_99 : memref<1x128x128xf32, #tpu.memory_space<vmem>> -> memref<128x128xf32, #tpu.memory_space<vmem>>
      tpu.enqueue_dma source(%dma_start3A_100 : memref<128x128xf32, #tpu.memory_space<vmem>>) target(%dma_start3A_96 : memref<128x128xf32, #tpu.memory_space<vmem_shared>>) target_semaphore(%run_scoped3A_89 : memref<!tpu.dma_semaphore, #tpu.memory_space<semaphore_mem>>)
      %dma_wait3A = arith.constant 0 : i32
      %dma_wait3A_101 = arith.constant 0 : i32
      %dma_wait3A_102 = tpu.memref_slice %arg8[%run_scoped3A_19, %dma_wait3A, %dma_wait3A_101] : memref<2x128x128xf32, #tpu.memory_space<vmem>> -> memref<1x128x128xf32, #tpu.memory_space<vmem>>
      %dma_wait3A_103 = tpu.memref_squeeze %dma_wait3A_102 : memref<1x128x128xf32, #tpu.memory_space<vmem>> -> memref<128x128xf32, #tpu.memory_space<vmem>>
      %dma_wait3A_104 = arith.constant 0 : i32
      %dma_wait3A_105 = tpu.memref_slice %arg9[%add3A_18, %dma_wait3A_104] : memref<10240x128xf32, #tpu.memory_space<vmem_shared>> -> memref<128x128xf32, #tpu.memory_space<vmem_shared>>
      %dma_wait3A_106 = arith.constant 0 : i32
      %dma_wait3A_107 = tpu.memref_slice %arg9[%add3A_18, %dma_wait3A_106] : memref<10240x128xf32, #tpu.memory_space<vmem_shared>> -> memref<128x128xf32, #tpu.memory_space<vmem_shared>>
      %dma_wait3A_108 = arith.constant 0 : i32
      %dma_wait3A_109 = arith.constant 0 : i32
      %dma_wait3A_110 = tpu.memref_slice %arg8[%run_scoped3A_19, %dma_wait3A_108, %dma_wait3A_109] : memref<2x128x128xf32, #tpu.memory_space<vmem>> -> memref<1x128x128xf32, #tpu.memory_space<vmem>>
      %dma_wait3A_111 = tpu.memref_squeeze %dma_wait3A_110 : memref<1x128x128xf32, #tpu.memory_space<vmem>> -> memref<128x128xf32, #tpu.memory_space<vmem>>
      tpu.wait_dma2 semaphore(%run_scoped3A_89 : memref<!tpu.dma_semaphore, #tpu.memory_space<semaphore_mem>>) src(%dma_wait3A_111 : memref<128x128xf32, #tpu.memory_space<vmem>>) dst(%dma_wait3A_107 : memref<128x128xf32, #tpu.memory_space<vmem_shared>>)
      tpu.yield
    }) : () -> ()
    %mul3A_20 = arith.constant 640 : i32
    %mul3A_21 = arith.muli %arg1, %mul3A_20 : i32
    %add3A_22 = arith.constant 384 : i32
    %add3A_23 = arith.addi %mul3A_21, %add3A_22 : i32
    %run_scoped3A_24 = arith.constant 0 : i32
    "tpu.region"() ({
      %run_scoped3A_89 = tpu.sem_alloc : memref<!tpu.dma_semaphore, #tpu.memory_space<semaphore_mem>>
      %dma_start3A = arith.constant 0 : i32
      %dma_start3A_90 = arith.constant 0 : i32
      %dma_start3A_91 = tpu.memref_slice %arg8[%run_scoped3A_24, %dma_start3A, %dma_start3A_90] : memref<2x128x128xf32, #tpu.memory_space<vmem>> -> memref<1x128x128xf32, #tpu.memory_space<vmem>>
      %dma_start3A_92 = tpu.memref_squeeze %dma_start3A_91 : memref<1x128x128xf32, #tpu.memory_space<vmem>> -> memref<128x128xf32, #tpu.memory_space<vmem>>
      %dma_start3A_93 = arith.constant 0 : i32
      %dma_start3A_94 = tpu.memref_slice %arg9[%add3A_23, %dma_start3A_93] : memref<10240x128xf32, #tpu.memory_space<vmem_shared>> -> memref<128x128xf32, #tpu.memory_space<vmem_shared>>
      %dma_start3A_95 = arith.constant 0 : i32
      %dma_start3A_96 = tpu.memref_slice %arg9[%add3A_23, %dma_start3A_95] : memref<10240x128xf32, #tpu.memory_space<vmem_shared>> -> memref<128x128xf32, #tpu.memory_space<vmem_shared>>
      %dma_start3A_97 = arith.constant 0 : i32
      %dma_start3A_98 = arith.constant 0 : i32
      %dma_start3A_99 = tpu.memref_slice %arg8[%run_scoped3A_24, %dma_start3A_97, %dma_start3A_98] : memref<2x128x128xf32, #tpu.memory_space<vmem>> -> memref<1x128x128xf32, #tpu.memory_space<vmem>>
      %dma_start3A_100 = tpu.memref_squeeze %dma_start3A_99 : memref<1x128x128xf32, #tpu.memory_space<vmem>> -> memref<128x128xf32, #tpu.memory_space<vmem>>
      tpu.enqueue_dma source(%dma_start3A_100 : memref<128x128xf32, #tpu.memory_space<vmem>>) target(%dma_start3A_96 : memref<128x128xf32, #tpu.memory_space<vmem_shared>>) target_semaphore(%run_scoped3A_89 : memref<!tpu.dma_semaphore, #tpu.memory_space<semaphore_mem>>)
      %dma_wait3A = arith.constant 0 : i32
      %dma_wait3A_101 = arith.constant 0 : i32
      %dma_wait3A_102 = tpu.memref_slice %arg8[%run_scoped3A_24, %dma_wait3A, %dma_wait3A_101] : memref<2x128x128xf32, #tpu.memory_space<vmem>> -> memref<1x128x128xf32, #tpu.memory_space<vmem>>
      %dma_wait3A_103 = tpu.memref_squeeze %dma_wait3A_102 : memref<1x128x128xf32, #tpu.memory_space<vmem>> -> memref<128x128xf32, #tpu.memory_space<vmem>>
      %dma_wait3A_104 = arith.constant 0 : i32
      %dma_wait3A_105 = tpu.memref_slice %arg9[%add3A_23, %dma_wait3A_104] : memref<10240x128xf32, #tpu.memory_space<vmem_shared>> -> memref<128x128xf32, #tpu.memory_space<vmem_shared>>
      %dma_wait3A_106 = arith.constant 0 : i32
      %dma_wait3A_107 = tpu.memref_slice %arg9[%add3A_23, %dma_wait3A_106] : memref<10240x128xf32, #tpu.memory_space<vmem_shared>> -> memref<128x128xf32, #tpu.memory_space<vmem_shared>>
      %dma_wait3A_108 = arith.constant 0 : i32
      %dma_wait3A_109 = arith.constant 0 : i32
      %dma_wait3A_110 = tpu.memref_slice %arg8[%run_scoped3A_24, %dma_wait3A_108, %dma_wait3A_109] : memref<2x128x128xf32, #tpu.memory_space<vmem>> -> memref<1x128x128xf32, #tpu.memory_space<vmem>>
      %dma_wait3A_111 = tpu.memref_squeeze %dma_wait3A_110 : memref<1x128x128xf32, #tpu.memory_space<vmem>> -> memref<128x128xf32, #tpu.memory_space<vmem>>
      tpu.wait_dma2 semaphore(%run_scoped3A_89 : memref<!tpu.dma_semaphore, #tpu.memory_space<semaphore_mem>>) src(%dma_wait3A_111 : memref<128x128xf32, #tpu.memory_space<vmem>>) dst(%dma_wait3A_107 : memref<128x128xf32, #tpu.memory_space<vmem_shared>>)
      tpu.yield
    }) : () -> ()
    %mul3A_25 = arith.constant 640 : i32
    %mul3A_26 = arith.muli %arg1, %mul3A_25 : i32
    %add3A_27 = arith.constant 512 : i32
    %add3A_28 = arith.addi %mul3A_26, %add3A_27 : i32
    %run_scoped3A_29 = arith.constant 0 : i32
    "tpu.region"() ({
      %run_scoped3A_89 = tpu.sem_alloc : memref<!tpu.dma_semaphore, #tpu.memory_space<semaphore_mem>>
      %dma_start3A = arith.constant 0 : i32
      %dma_start3A_90 = arith.constant 0 : i32
      %dma_start3A_91 = tpu.memref_slice %arg8[%run_scoped3A_29, %dma_start3A, %dma_start3A_90] : memref<2x128x128xf32, #tpu.memory_space<vmem>> -> memref<1x128x128xf32, #tpu.memory_space<vmem>>
      %dma_start3A_92 = tpu.memref_squeeze %dma_start3A_91 : memref<1x128x128xf32, #tpu.memory_space<vmem>> -> memref<128x128xf32, #tpu.memory_space<vmem>>
      %dma_start3A_93 = arith.constant 0 : i32
      %dma_start3A_94 = tpu.memref_slice %arg9[%add3A_28, %dma_start3A_93] : memref<10240x128xf32, #tpu.memory_space<vmem_shared>> -> memref<128x128xf32, #tpu.memory_space<vmem_shared>>
      %dma_start3A_95 = arith.constant 0 : i32
      %dma_start3A_96 = tpu.memref_slice %arg9[%add3A_28, %dma_start3A_95] : memref<10240x128xf32, #tpu.memory_space<vmem_shared>> -> memref<128x128xf32, #tpu.memory_space<vmem_shared>>
      %dma_start3A_97 = arith.constant 0 : i32
      %dma_start3A_98 = arith.constant 0 : i32
      %dma_start3A_99 = tpu.memref_slice %arg8[%run_scoped3A_29, %dma_start3A_97, %dma_start3A_98] : memref<2x128x128xf32, #tpu.memory_space<vmem>> -> memref<1x128x128xf32, #tpu.memory_space<vmem>>
      %dma_start3A_100 = tpu.memref_squeeze %dma_start3A_99 : memref<1x128x128xf32, #tpu.memory_space<vmem>> -> memref<128x128xf32, #tpu.memory_space<vmem>>
      tpu.enqueue_dma source(%dma_start3A_100 : memref<128x128xf32, #tpu.memory_space<vmem>>) target(%dma_start3A_96 : memref<128x128xf32, #tpu.memory_space<vmem_shared>>) target_semaphore(%run_scoped3A_89 : memref<!tpu.dma_semaphore, #tpu.memory_space<semaphore_mem>>)
      %dma_wait3A = arith.constant 0 : i32
      %dma_wait3A_101 = arith.constant 0 : i32
      %dma_wait3A_102 = tpu.memref_slice %arg8[%run_scoped3A_29, %dma_wait3A, %dma_wait3A_101] : memref<2x128x128xf32, #tpu.memory_space<vmem>> -> memref<1x128x128xf32, #tpu.memory_space<vmem>>
      %dma_wait3A_103 = tpu.memref_squeeze %dma_wait3A_102 : memref<1x128x128xf32, #tpu.memory_space<vmem>> -> memref<128x128xf32, #tpu.memory_space<vmem>>
      %dma_wait3A_104 = arith.constant 0 : i32
      %dma_wait3A_105 = tpu.memref_slice %arg9[%add3A_28, %dma_wait3A_104] : memref<10240x128xf32, #tpu.memory_space<vmem_shared>> -> memref<128x128xf32, #tpu.memory_space<vmem_shared>>
      %dma_wait3A_106 = arith.constant 0 : i32
      %dma_wait3A_107 = tpu.memref_slice %arg9[%add3A_28, %dma_wait3A_106] : memref<10240x128xf32, #tpu.memory_space<vmem_shared>> -> memref<128x128xf32, #tpu.memory_space<vmem_shared>>
      %dma_wait3A_108 = arith.constant 0 : i32
      %dma_wait3A_109 = arith.constant 0 : i32
      %dma_wait3A_110 = tpu.memref_slice %arg8[%run_scoped3A_29, %dma_wait3A_108, %dma_wait3A_109] : memref<2x128x128xf32, #tpu.memory_space<vmem>> -> memref<1x128x128xf32, #tpu.memory_space<vmem>>
      %dma_wait3A_111 = tpu.memref_squeeze %dma_wait3A_110 : memref<1x128x128xf32, #tpu.memory_space<vmem>> -> memref<128x128xf32, #tpu.memory_space<vmem>>
      tpu.wait_dma2 semaphore(%run_scoped3A_89 : memref<!tpu.dma_semaphore, #tpu.memory_space<semaphore_mem>>) src(%dma_wait3A_111 : memref<128x128xf32, #tpu.memory_space<vmem>>) dst(%dma_wait3A_107 : memref<128x128xf32, #tpu.memory_space<vmem_shared>>)
      tpu.yield
    }) : () -> ()
    %barrier3A = arith.constant 0 : index
    tpu.barrier barrier_id(%barrier3A)
    %eq3A = arith.constant 0 : i32
    %eq3A_30 = arith.cmpi eq, %arg0, %eq3A : i32
    %jit3A = arith.constant 128 : i32
    %jit3A_31 = arith.constant 32 : i32
    %select_n3A = arith.select %eq3A_30, %jit3A, %jit3A_31 : i32
    %eq3A_32 = arith.constant 0 : i32
    %eq3A_33 = arith.cmpi eq, %arg0, %eq3A_32 : i32
    %mul3A_34 = arith.constant 128 : i32
    %mul3A_35 = arith.muli %arg1, %mul3A_34 : i32
    %mul3A_36 = arith.constant 32 : i32
    %mul3A_37 = arith.muli %arg1, %mul3A_36 : i32
    %add3A_38 = arith.constant 2048 : i32
    %add3A_39 = arith.addi %add3A_38, %mul3A_37 : i32
    %select_n3A_40 = arith.select %eq3A_33, %mul3A_35, %add3A_39 : i32
    %gt3A = arith.constant 0 : i32
    %gt3A_41 = arith.cmpi sgt, %select_n3A, %gt3A : i32
    %convert_element_type3A = arith.extui %gt3A_41 : i1 to i32
    %cond3A = arith.constant 0 : i32
    %cond3A_42 = arith.cmpi ne, %convert_element_type3A, %cond3A : i32
    scf.if %cond3A_42 {
      %add3A_89 = arith.constant 0 : i32
      %add3A_90 = arith.addi %select_n3A_40, %add3A_89 : i32
      %multiple_of3A = tpu.assume_multiple %add3A_90, 8 : i32
      "tpu.region"() ({
        %run_scoped3A_109 = tpu.sem_alloc : memref<!tpu.dma_semaphore, #tpu.memory_space<semaphore_mem>>
        %dma_start3A_110 = arith.constant 0 : i32
        %dma_start3A_111 = tpu.memref_slice %arg3[%multiple_of3A, %dma_start3A_110] : memref<2560x128xi32, #tpu.memory_space<hbm>> -> memref<32x128xi32, #tpu.memory_space<hbm>>
        %dma_start3A_112 = arith.constant 0 : i32
        %dma_start3A_113 = tpu.memref_slice %arg3[%multiple_of3A, %dma_start3A_112] : memref<2560x128xi32, #tpu.memory_space<hbm>> -> memref<32x128xi32, #tpu.memory_space<hbm>>
        tpu.enqueue_dma source(%dma_start3A_113 : memref<32x128xi32, #tpu.memory_space<hbm>>) target(%arg6 : memref<32x128xi32, #tpu.memory_space<vmem>>) target_semaphore(%run_scoped3A_109 : memref<!tpu.dma_semaphore, #tpu.memory_space<semaphore_mem>>)
        %dma_wait3A = arith.constant 0 : i32
        %dma_wait3A_114 = tpu.memref_slice %arg3[%multiple_of3A, %dma_wait3A] : memref<2560x128xi32, #tpu.memory_space<hbm>> -> memref<32x128xi32, #tpu.memory_space<hbm>>
        %dma_wait3A_115 = arith.constant 0 : i32
        %dma_wait3A_116 = tpu.memref_slice %arg3[%multiple_of3A, %dma_wait3A_115] : memref<2560x128xi32, #tpu.memory_space<hbm>> -> memref<32x128xi32, #tpu.memory_space<hbm>>
        tpu.wait_dma2 semaphore(%run_scoped3A_109 : memref<!tpu.dma_semaphore, #tpu.memory_space<semaphore_mem>>) src(%dma_wait3A_116 : memref<32x128xi32, #tpu.memory_space<hbm>>) dst(%arg6 : memref<32x128xi32, #tpu.memory_space<vmem>>)
        tpu.yield
      }) : () -> ()
      "tpu.region"() ({
        %run_scoped3A_109 = tpu.sem_alloc : memref<!tpu.dma_semaphore, #tpu.memory_space<semaphore_mem>>
        %dma_start3A_110 = arith.constant 0 : i32
        %dma_start3A_111 = tpu.memref_slice %arg4[%multiple_of3A, %dma_start3A_110] : memref<2560x128xi32, #tpu.memory_space<hbm>> -> memref<32x128xi32, #tpu.memory_space<hbm>>
        %dma_start3A_112 = arith.constant 0 : i32
        %dma_start3A_113 = tpu.memref_slice %arg4[%multiple_of3A, %dma_start3A_112] : memref<2560x128xi32, #tpu.memory_space<hbm>> -> memref<32x128xi32, #tpu.memory_space<hbm>>
        tpu.enqueue_dma source(%dma_start3A_113 : memref<32x128xi32, #tpu.memory_space<hbm>>) target(%arg7 : memref<32x128xi32, #tpu.memory_space<vmem>>) target_semaphore(%run_scoped3A_109 : memref<!tpu.dma_semaphore, #tpu.memory_space<semaphore_mem>>)
        %dma_wait3A = arith.constant 0 : i32
        %dma_wait3A_114 = tpu.memref_slice %arg4[%multiple_of3A, %dma_wait3A] : memref<2560x128xi32, #tpu.memory_space<hbm>> -> memref<32x128xi32, #tpu.memory_space<hbm>>
        %dma_wait3A_115 = arith.constant 0 : i32
        %dma_wait3A_116 = tpu.memref_slice %arg4[%multiple_of3A, %dma_wait3A_115] : memref<2560x128xi32, #tpu.memory_space<hbm>> -> memref<32x128xi32, #tpu.memory_space<hbm>>
        tpu.wait_dma2 semaphore(%run_scoped3A_109 : memref<!tpu.dma_semaphore, #tpu.memory_space<semaphore_mem>>) src(%dma_wait3A_116 : memref<32x128xi32, #tpu.memory_space<hbm>>) dst(%arg7 : memref<32x128xi32, #tpu.memory_space<vmem>>)
        tpu.yield
      }) : () -> ()
      %dma_start3A = arith.constant 0 : i32
      %dma_start3A_91 = arith.constant 0 : i32
      %dma_start3A_92 = arith.constant 0 : i32
      %dma_start3A_93 = arith.constant 0 : i32
      %dma_start3A_94 = tpu.memref_slice %arg8[%dma_start3A_91, %dma_start3A_92, %dma_start3A_93] : memref<2x128x128xf32, #tpu.memory_space<vmem>> -> memref<1x128x128xf32, #tpu.memory_space<vmem>>
      %dma_start3A_95 = tpu.memref_squeeze %dma_start3A_94 : memref<1x128x128xf32, #tpu.memory_space<vmem>> -> memref<128x128xf32, #tpu.memory_space<vmem>>
      %dma_start3A_96 = arith.constant 0 : i32
      %dma_start3A_97 = tpu.memref_slice %arg6[%dma_start3A, %dma_start3A_96] : memref<32x128xi32, #tpu.memory_space<vmem>> -> memref<1x128xi32, #tpu.memory_space<vmem>>
      %dma_start3A_98 = tpu.memref_squeeze %dma_start3A_97 : memref<1x128xi32, #tpu.memory_space<vmem>> -> memref<128xi32, #tpu.memory_space<vmem>>
      %dma_start3A_99 = arith.constant 0 : i32
      %dma_start3A_100 = arith.constant 0 : i32
      %dma_start3A_101 = tpu.memref_slice %arg2[%dma_start3A_99, %dma_start3A_100] : memref<10000x128xf32, #tpu.memory_space<hbm>> -> memref<10000x128xf32, #tpu.memory_space<hbm>>
      tpu.enqueue_indirect_dma source(%dma_start3A_101 : memref<10000x128xf32, #tpu.memory_space<hbm>>) target(%dma_start3A_95 : memref<128x128xf32, #tpu.memory_space<vmem>>) offsets(%dma_start3A_98 : memref<128xi32, #tpu.memory_space<vmem>>) semaphore(%arg10 : memref<!tpu.dma_semaphore, #tpu.memory_space<semaphore_mem>>)
      %scan3A_102 = arith.constant 0 : i32
      %scan3A_103 = arith.constant 0 : i32
      %scan3A_104 = arith.constant 32 : i32
      %scan3A_105 = arith.addi %scan3A_103, %scan3A_104 : i32
      %scan3A_106 = arith.constant 1 : i32
      %scan3A_107 = scf.for %scan3A_109 = %scan3A_103 to %scan3A_105 step %scan3A_106 iter_args(%scan3A_110 = %scan3A_102) -> (i32)  : i32 {
        %add3A_111 = arith.constant 1 : i32
        %add3A_112 = arith.addi %scan3A_109, %add3A_111 : i32
        %lt3A = arith.constant 32 : i32
        %lt3A_113 = arith.cmpi slt, %add3A_112, %lt3A : i32
        %convert_element_type3A_114 = arith.extui %lt3A_113 : i1 to i32
        %cond3A_115 = arith.constant 0 : i32
        %cond3A_116 = arith.cmpi ne, %convert_element_type3A_114, %cond3A_115 : i32
        scf.if %cond3A_116 {
          %jit3A_140 = arith.constant 2 : i32
          %eq3A_141 = arith.constant 0 : i32
          %eq3A_142 = arith.cmpi eq, %jit3A_140, %eq3A_141 : i32
          %jit3A_143 = arith.constant 1 : i32
          %select_n3A_144 = arith.select %eq3A_142, %jit3A_143, %jit3A_140 : i32
          %rem3A_145 = arith.remsi %add3A_112, %select_n3A_144 : i32
          %ne3A_146 = arith.constant 0 : i32
          %ne3A_147 = arith.cmpi ne, %rem3A_145, %ne3A_146 : i32
          %lt3A_148 = arith.constant 0 : i32
          %lt3A_149 = arith.cmpi slt, %rem3A_145, %lt3A_148 : i32
          %lt3A_150 = arith.constant 0 : i32
          %lt3A_151 = arith.cmpi slt, %select_n3A_144, %lt3A_150 : i32
          %ne3A_152 = arith.xori %lt3A_149, %lt3A_151 : i1
          %and3A_153 = arith.andi %ne3A_152, %ne3A_147 : i1
          %add3A_154 = arith.addi %rem3A_145, %select_n3A_144 : i32
          %select_n3A_155 = arith.select %and3A_153, %add3A_154, %rem3A_145 : i32
          %dma_start3A_156 = arith.constant 0 : i32
          %dma_start3A_157 = arith.constant 0 : i32
          %dma_start3A_158 = tpu.memref_slice %arg8[%select_n3A_155, %dma_start3A_156, %dma_start3A_157] : memref<2x128x128xf32, #tpu.memory_space<vmem>> -> memref<1x128x128xf32, #tpu.memory_space<vmem>>
          %dma_start3A_159 = tpu.memref_squeeze %dma_start3A_158 : memref<1x128x128xf32, #tpu.memory_space<vmem>> -> memref<128x128xf32, #tpu.memory_space<vmem>>
          %dma_start3A_160 = arith.constant 0 : i32
          %dma_start3A_161 = tpu.memref_slice %arg6[%add3A_112, %dma_start3A_160] : memref<32x128xi32, #tpu.memory_space<vmem>> -> memref<1x128xi32, #tpu.memory_space<vmem>>
          %dma_start3A_162 = tpu.memref_squeeze %dma_start3A_161 : memref<1x128xi32, #tpu.memory_space<vmem>> -> memref<128xi32, #tpu.memory_space<vmem>>
          %dma_start3A_163 = arith.constant 0 : i32
          %dma_start3A_164 = arith.constant 0 : i32
          %dma_start3A_165 = tpu.memref_slice %arg2[%dma_start3A_163, %dma_start3A_164] : memref<10000x128xf32, #tpu.memory_space<hbm>> -> memref<10000x128xf32, #tpu.memory_space<hbm>>
          tpu.enqueue_indirect_dma source(%dma_start3A_165 : memref<10000x128xf32, #tpu.memory_space<hbm>>) target(%dma_start3A_159 : memref<128x128xf32, #tpu.memory_space<vmem>>) offsets(%dma_start3A_162 : memref<128xi32, #tpu.memory_space<vmem>>) semaphore(%arg10 : memref<!tpu.dma_semaphore, #tpu.memory_space<semaphore_mem>>)
        } else {
        }
        %jit3A_117 = arith.constant 2 : i32
        %eq3A_118 = arith.constant 0 : i32
        %eq3A_119 = arith.cmpi eq, %jit3A_117, %eq3A_118 : i32
        %jit3A_120 = arith.constant 1 : i32
        %select_n3A_121 = arith.select %eq3A_119, %jit3A_120, %jit3A_117 : i32
        %rem3A = arith.remsi %scan3A_109, %select_n3A_121 : i32
        %ne3A = arith.constant 0 : i32
        %ne3A_122 = arith.cmpi ne, %rem3A, %ne3A : i32
        %lt3A_123 = arith.constant 0 : i32
        %lt3A_124 = arith.cmpi slt, %rem3A, %lt3A_123 : i32
        %lt3A_125 = arith.constant 0 : i32
        %lt3A_126 = arith.cmpi slt, %select_n3A_121, %lt3A_125 : i32
        %ne3A_127 = arith.xori %lt3A_124, %lt3A_126 : i1
        %and3A = arith.andi %ne3A_127, %ne3A_122 : i1
        %add3A_128 = arith.addi %rem3A, %select_n3A_121 : i32
        %select_n3A_129 = arith.select %and3A, %add3A_128, %rem3A : i32
        %dma_wait3A = arith.constant 0 : i32
        %dma_wait3A_130 = arith.constant 0 : i32
        %dma_wait3A_131 = tpu.memref_slice %arg8[%select_n3A_129, %dma_wait3A, %dma_wait3A_130] : memref<2x128x128xf32, #tpu.memory_space<vmem>> -> memref<1x128x128xf32, #tpu.memory_space<vmem>>
        %dma_wait3A_132 = tpu.memref_squeeze %dma_wait3A_131 : memref<1x128x128xf32, #tpu.memory_space<vmem>> -> memref<128x128xf32, #tpu.memory_space<vmem>>
        %dma_wait3A_133 = arith.constant 0 : i32
        %dma_wait3A_134 = tpu.memref_slice %arg6[%scan3A_109, %dma_wait3A_133] : memref<32x128xi32, #tpu.memory_space<vmem>> -> memref<1x128xi32, #tpu.memory_space<vmem>>
        %dma_wait3A_135 = tpu.memref_squeeze %dma_wait3A_134 : memref<1x128xi32, #tpu.memory_space<vmem>> -> memref<128xi32, #tpu.memory_space<vmem>>
        %dma_wait3A_136 = arith.constant 0 : i32
        %dma_wait3A_137 = arith.constant 0 : i32
        %dma_wait3A_138 = tpu.memref_slice %arg2[%dma_wait3A_136, %dma_wait3A_137] : memref<10000x128xf32, #tpu.memory_space<hbm>> -> memref<10000x128xf32, #tpu.memory_space<hbm>>
        tpu.wait_indirect_dma semaphore(%arg10 : memref<!tpu.dma_semaphore, #tpu.memory_space<semaphore_mem>>) src(%dma_wait3A_138 : memref<10000x128xf32, #tpu.memory_space<hbm>>) dst(%dma_wait3A_132 : memref<128x128xf32, #tpu.memory_space<vmem>>)
        "tpu.region"() ({
          %run_scoped3A_140 = tpu.sem_alloc : memref<!tpu.dma_semaphore, #tpu.memory_space<semaphore_mem>>
          %dma_start3A_141 = arith.constant 0 : i32
          %dma_start3A_142 = arith.constant 0 : i32
          %dma_start3A_143 = tpu.memref_slice %arg8[%select_n3A_129, %dma_start3A_141, %dma_start3A_142] : memref<2x128x128xf32, #tpu.memory_space<vmem>> -> memref<1x128x128xf32, #tpu.memory_space<vmem>>
          %dma_start3A_144 = tpu.memref_squeeze %dma_start3A_143 : memref<1x128x128xf32, #tpu.memory_space<vmem>> -> memref<128x128xf32, #tpu.memory_space<vmem>>
          %dma_start3A_145 = arith.constant 0 : i32
          %dma_start3A_146 = tpu.memref_slice %arg7[%scan3A_109, %dma_start3A_145] : memref<32x128xi32, #tpu.memory_space<vmem>> -> memref<1x128xi32, #tpu.memory_space<vmem>>
          %dma_start3A_147 = tpu.memref_squeeze %dma_start3A_146 : memref<1x128xi32, #tpu.memory_space<vmem>> -> memref<128xi32, #tpu.memory_space<vmem>>
          %dma_start3A_148 = arith.constant 0 : i32
          %dma_start3A_149 = arith.constant 0 : i32
          %dma_start3A_150 = tpu.memref_slice %arg9[%dma_start3A_148, %dma_start3A_149] : memref<10240x128xf32, #tpu.memory_space<vmem_shared>> -> memref<10240x128xf32, #tpu.memory_space<vmem_shared>>
          tpu.enqueue_indirect_dma source(%dma_start3A_144 : memref<128x128xf32, #tpu.memory_space<vmem>>) target(%dma_start3A_150 : memref<10240x128xf32, #tpu.memory_space<vmem_shared>>) offsets(%dma_start3A_147 : memref<128xi32, #tpu.memory_space<vmem>>) semaphore(%run_scoped3A_140 : memref<!tpu.dma_semaphore, #tpu.memory_space<semaphore_mem>>) {add = true}
          %dma_wait3A_151 = arith.constant 0 : i32
          %dma_wait3A_152 = arith.constant 0 : i32
          %dma_wait3A_153 = tpu.memref_slice %arg8[%select_n3A_129, %dma_wait3A_151, %dma_wait3A_152] : memref<2x128x128xf32, #tpu.memory_space<vmem>> -> memref<1x128x128xf32, #tpu.memory_space<vmem>>
          %dma_wait3A_154 = tpu.memref_squeeze %dma_wait3A_153 : memref<1x128x128xf32, #tpu.memory_space<vmem>> -> memref<128x128xf32, #tpu.memory_space<vmem>>
          %dma_wait3A_155 = arith.constant 0 : i32
          %dma_wait3A_156 = tpu.memref_slice %arg7[%scan3A_109, %dma_wait3A_155] : memref<32x128xi32, #tpu.memory_space<vmem>> -> memref<1x128xi32, #tpu.memory_space<vmem>>
          %dma_wait3A_157 = tpu.memref_squeeze %dma_wait3A_156 : memref<1x128xi32, #tpu.memory_space<vmem>> -> memref<128xi32, #tpu.memory_space<vmem>>
          %dma_wait3A_158 = arith.constant 0 : i32
          %dma_wait3A_159 = arith.constant 0 : i32
          %dma_wait3A_160 = tpu.memref_slice %arg9[%dma_wait3A_158, %dma_wait3A_159] : memref<10240x128xf32, #tpu.memory_space<vmem_shared>> -> memref<10240x128xf32, #tpu.memory_space<vmem_shared>>
          tpu.wait_indirect_dma semaphore(%run_scoped3A_140 : memref<!tpu.dma_semaphore, #tpu.memory_space<semaphore_mem>>) src(%dma_wait3A_154 : memref<128x128xf32, #tpu.memory_space<vmem>>) dst(%dma_wait3A_160 : memref<10240x128xf32, #tpu.memory_space<vmem_shared>>)
          tpu.yield
        }) : () -> ()
        %scan3A_139 = arith.constant 0 : i32
        scf.yield %scan3A_139 : i32
      }
      %scan3A_108 = arith.constant 32 : i32
    } else {
    }
    %gt3A_43 = arith.constant 32 : i32
    %gt3A_44 = arith.cmpi sgt, %select_n3A, %gt3A_43 : i32
    %convert_element_type3A_45 = arith.extui %gt3A_44 : i1 to i32
    %cond3A_46 = arith.constant 0 : i32
    %cond3A_47 = arith.cmpi ne, %convert_element_type3A_45, %cond3A_46 : i32
    scf.if %cond3A_47 {
      %add3A_89 = arith.constant 32 : i32
      %add3A_90 = arith.addi %select_n3A_40, %add3A_89 : i32
      %multiple_of3A = tpu.assume_multiple %add3A_90, 8 : i32
      "tpu.region"() ({
        %run_scoped3A_109 = tpu.sem_alloc : memref<!tpu.dma_semaphore, #tpu.memory_space<semaphore_mem>>
        %dma_start3A_110 = arith.constant 0 : i32
        %dma_start3A_111 = tpu.memref_slice %arg3[%multiple_of3A, %dma_start3A_110] : memref<2560x128xi32, #tpu.memory_space<hbm>> -> memref<32x128xi32, #tpu.memory_space<hbm>>
        %dma_start3A_112 = arith.constant 0 : i32
        %dma_start3A_113 = tpu.memref_slice %arg3[%multiple_of3A, %dma_start3A_112] : memref<2560x128xi32, #tpu.memory_space<hbm>> -> memref<32x128xi32, #tpu.memory_space<hbm>>
        tpu.enqueue_dma source(%dma_start3A_113 : memref<32x128xi32, #tpu.memory_space<hbm>>) target(%arg6 : memref<32x128xi32, #tpu.memory_space<vmem>>) target_semaphore(%run_scoped3A_109 : memref<!tpu.dma_semaphore, #tpu.memory_space<semaphore_mem>>)
        %dma_wait3A = arith.constant 0 : i32
        %dma_wait3A_114 = tpu.memref_slice %arg3[%multiple_of3A, %dma_wait3A] : memref<2560x128xi32, #tpu.memory_space<hbm>> -> memref<32x128xi32, #tpu.memory_space<hbm>>
        %dma_wait3A_115 = arith.constant 0 : i32
        %dma_wait3A_116 = tpu.memref_slice %arg3[%multiple_of3A, %dma_wait3A_115] : memref<2560x128xi32, #tpu.memory_space<hbm>> -> memref<32x128xi32, #tpu.memory_space<hbm>>
        tpu.wait_dma2 semaphore(%run_scoped3A_109 : memref<!tpu.dma_semaphore, #tpu.memory_space<semaphore_mem>>) src(%dma_wait3A_116 : memref<32x128xi32, #tpu.memory_space<hbm>>) dst(%arg6 : memref<32x128xi32, #tpu.memory_space<vmem>>)
        tpu.yield
      }) : () -> ()
      "tpu.region"() ({
        %run_scoped3A_109 = tpu.sem_alloc : memref<!tpu.dma_semaphore, #tpu.memory_space<semaphore_mem>>
        %dma_start3A_110 = arith.constant 0 : i32
        %dma_start3A_111 = tpu.memref_slice %arg4[%multiple_of3A, %dma_start3A_110] : memref<2560x128xi32, #tpu.memory_space<hbm>> -> memref<32x128xi32, #tpu.memory_space<hbm>>
        %dma_start3A_112 = arith.constant 0 : i32
        %dma_start3A_113 = tpu.memref_slice %arg4[%multiple_of3A, %dma_start3A_112] : memref<2560x128xi32, #tpu.memory_space<hbm>> -> memref<32x128xi32, #tpu.memory_space<hbm>>
        tpu.enqueue_dma source(%dma_start3A_113 : memref<32x128xi32, #tpu.memory_space<hbm>>) target(%arg7 : memref<32x128xi32, #tpu.memory_space<vmem>>) target_semaphore(%run_scoped3A_109 : memref<!tpu.dma_semaphore, #tpu.memory_space<semaphore_mem>>)
        %dma_wait3A = arith.constant 0 : i32
        %dma_wait3A_114 = tpu.memref_slice %arg4[%multiple_of3A, %dma_wait3A] : memref<2560x128xi32, #tpu.memory_space<hbm>> -> memref<32x128xi32, #tpu.memory_space<hbm>>
        %dma_wait3A_115 = arith.constant 0 : i32
        %dma_wait3A_116 = tpu.memref_slice %arg4[%multiple_of3A, %dma_wait3A_115] : memref<2560x128xi32, #tpu.memory_space<hbm>> -> memref<32x128xi32, #tpu.memory_space<hbm>>
        tpu.wait_dma2 semaphore(%run_scoped3A_109 : memref<!tpu.dma_semaphore, #tpu.memory_space<semaphore_mem>>) src(%dma_wait3A_116 : memref<32x128xi32, #tpu.memory_space<hbm>>) dst(%arg7 : memref<32x128xi32, #tpu.memory_space<vmem>>)
        tpu.yield
      }) : () -> ()
      %dma_start3A = arith.constant 0 : i32
      %dma_start3A_91 = arith.constant 0 : i32
      %dma_start3A_92 = arith.constant 0 : i32
      %dma_start3A_93 = arith.constant 0 : i32
      %dma_start3A_94 = tpu.memref_slice %arg8[%dma_start3A_91, %dma_start3A_92, %dma_start3A_93] : memref<2x128x128xf32, #tpu.memory_space<vmem>> -> memref<1x128x128xf32, #tpu.memory_space<vmem>>
      %dma_start3A_95 = tpu.memref_squeeze %dma_start3A_94 : memref<1x128x128xf32, #tpu.memory_space<vmem>> -> memref<128x128xf32, #tpu.memory_space<vmem>>
      %dma_start3A_96 = arith.constant 0 : i32
      %dma_start3A_97 = tpu.memref_slice %arg6[%dma_start3A, %dma_start3A_96] : memref<32x128xi32, #tpu.memory_space<vmem>> -> memref<1x128xi32, #tpu.memory_space<vmem>>
      %dma_start3A_98 = tpu.memref_squeeze %dma_start3A_97 : memref<1x128xi32, #tpu.memory_space<vmem>> -> memref<128xi32, #tpu.memory_space<vmem>>
      %dma_start3A_99 = arith.constant 0 : i32
      %dma_start3A_100 = arith.constant 0 : i32
      %dma_start3A_101 = tpu.memref_slice %arg2[%dma_start3A_99, %dma_start3A_100] : memref<10000x128xf32, #tpu.memory_space<hbm>> -> memref<10000x128xf32, #tpu.memory_space<hbm>>
      tpu.enqueue_indirect_dma source(%dma_start3A_101 : memref<10000x128xf32, #tpu.memory_space<hbm>>) target(%dma_start3A_95 : memref<128x128xf32, #tpu.memory_space<vmem>>) offsets(%dma_start3A_98 : memref<128xi32, #tpu.memory_space<vmem>>) semaphore(%arg10 : memref<!tpu.dma_semaphore, #tpu.memory_space<semaphore_mem>>)
      %scan3A_102 = arith.constant 0 : i32
      %scan3A_103 = arith.constant 0 : i32
      %scan3A_104 = arith.constant 32 : i32
      %scan3A_105 = arith.addi %scan3A_103, %scan3A_104 : i32
      %scan3A_106 = arith.constant 1 : i32
      %scan3A_107 = scf.for %scan3A_109 = %scan3A_103 to %scan3A_105 step %scan3A_106 iter_args(%scan3A_110 = %scan3A_102) -> (i32)  : i32 {
        %add3A_111 = arith.constant 1 : i32
        %add3A_112 = arith.addi %scan3A_109, %add3A_111 : i32
        %lt3A = arith.constant 32 : i32
        %lt3A_113 = arith.cmpi slt, %add3A_112, %lt3A : i32
        %convert_element_type3A_114 = arith.extui %lt3A_113 : i1 to i32
        %cond3A_115 = arith.constant 0 : i32
        %cond3A_116 = arith.cmpi ne, %convert_element_type3A_114, %cond3A_115 : i32
        scf.if %cond3A_116 {
          %jit3A_140 = arith.constant 2 : i32
          %eq3A_141 = arith.constant 0 : i32
          %eq3A_142 = arith.cmpi eq, %jit3A_140, %eq3A_141 : i32
          %jit3A_143 = arith.constant 1 : i32
          %select_n3A_144 = arith.select %eq3A_142, %jit3A_143, %jit3A_140 : i32
          %rem3A_145 = arith.remsi %add3A_112, %select_n3A_144 : i32
          %ne3A_146 = arith.constant 0 : i32
          %ne3A_147 = arith.cmpi ne, %rem3A_145, %ne3A_146 : i32
          %lt3A_148 = arith.constant 0 : i32
          %lt3A_149 = arith.cmpi slt, %rem3A_145, %lt3A_148 : i32
          %lt3A_150 = arith.constant 0 : i32
          %lt3A_151 = arith.cmpi slt, %select_n3A_144, %lt3A_150 : i32
          %ne3A_152 = arith.xori %lt3A_149, %lt3A_151 : i1
          %and3A_153 = arith.andi %ne3A_152, %ne3A_147 : i1
          %add3A_154 = arith.addi %rem3A_145, %select_n3A_144 : i32
          %select_n3A_155 = arith.select %and3A_153, %add3A_154, %rem3A_145 : i32
          %dma_start3A_156 = arith.constant 0 : i32
          %dma_start3A_157 = arith.constant 0 : i32
          %dma_start3A_158 = tpu.memref_slice %arg8[%select_n3A_155, %dma_start3A_156, %dma_start3A_157] : memref<2x128x128xf32, #tpu.memory_space<vmem>> -> memref<1x128x128xf32, #tpu.memory_space<vmem>>
          %dma_start3A_159 = tpu.memref_squeeze %dma_start3A_158 : memref<1x128x128xf32, #tpu.memory_space<vmem>> -> memref<128x128xf32, #tpu.memory_space<vmem>>
          %dma_start3A_160 = arith.constant 0 : i32
          %dma_start3A_161 = tpu.memref_slice %arg6[%add3A_112, %dma_start3A_160] : memref<32x128xi32, #tpu.memory_space<vmem>> -> memref<1x128xi32, #tpu.memory_space<vmem>>
          %dma_start3A_162 = tpu.memref_squeeze %dma_start3A_161 : memref<1x128xi32, #tpu.memory_space<vmem>> -> memref<128xi32, #tpu.memory_space<vmem>>
          %dma_start3A_163 = arith.constant 0 : i32
          %dma_start3A_164 = arith.constant 0 : i32
          %dma_start3A_165 = tpu.memref_slice %arg2[%dma_start3A_163, %dma_start3A_164] : memref<10000x128xf32, #tpu.memory_space<hbm>> -> memref<10000x128xf32, #tpu.memory_space<hbm>>
          tpu.enqueue_indirect_dma source(%dma_start3A_165 : memref<10000x128xf32, #tpu.memory_space<hbm>>) target(%dma_start3A_159 : memref<128x128xf32, #tpu.memory_space<vmem>>) offsets(%dma_start3A_162 : memref<128xi32, #tpu.memory_space<vmem>>) semaphore(%arg10 : memref<!tpu.dma_semaphore, #tpu.memory_space<semaphore_mem>>)
        } else {
        }
        %jit3A_117 = arith.constant 2 : i32
        %eq3A_118 = arith.constant 0 : i32
        %eq3A_119 = arith.cmpi eq, %jit3A_117, %eq3A_118 : i32
        %jit3A_120 = arith.constant 1 : i32
        %select_n3A_121 = arith.select %eq3A_119, %jit3A_120, %jit3A_117 : i32
        %rem3A = arith.remsi %scan3A_109, %select_n3A_121 : i32
        %ne3A = arith.constant 0 : i32
        %ne3A_122 = arith.cmpi ne, %rem3A, %ne3A : i32
        %lt3A_123 = arith.constant 0 : i32
        %lt3A_124 = arith.cmpi slt, %rem3A, %lt3A_123 : i32
        %lt3A_125 = arith.constant 0 : i32
        %lt3A_126 = arith.cmpi slt, %select_n3A_121, %lt3A_125 : i32
        %ne3A_127 = arith.xori %lt3A_124, %lt3A_126 : i1
        %and3A = arith.andi %ne3A_127, %ne3A_122 : i1
        %add3A_128 = arith.addi %rem3A, %select_n3A_121 : i32
        %select_n3A_129 = arith.select %and3A, %add3A_128, %rem3A : i32
        %dma_wait3A = arith.constant 0 : i32
        %dma_wait3A_130 = arith.constant 0 : i32
        %dma_wait3A_131 = tpu.memref_slice %arg8[%select_n3A_129, %dma_wait3A, %dma_wait3A_130] : memref<2x128x128xf32, #tpu.memory_space<vmem>> -> memref<1x128x128xf32, #tpu.memory_space<vmem>>
        %dma_wait3A_132 = tpu.memref_squeeze %dma_wait3A_131 : memref<1x128x128xf32, #tpu.memory_space<vmem>> -> memref<128x128xf32, #tpu.memory_space<vmem>>
        %dma_wait3A_133 = arith.constant 0 : i32
        %dma_wait3A_134 = tpu.memref_slice %arg6[%scan3A_109, %dma_wait3A_133] : memref<32x128xi32, #tpu.memory_space<vmem>> -> memref<1x128xi32, #tpu.memory_space<vmem>>
        %dma_wait3A_135 = tpu.memref_squeeze %dma_wait3A_134 : memref<1x128xi32, #tpu.memory_space<vmem>> -> memref<128xi32, #tpu.memory_space<vmem>>
        %dma_wait3A_136 = arith.constant 0 : i32
        %dma_wait3A_137 = arith.constant 0 : i32
        %dma_wait3A_138 = tpu.memref_slice %arg2[%dma_wait3A_136, %dma_wait3A_137] : memref<10000x128xf32, #tpu.memory_space<hbm>> -> memref<10000x128xf32, #tpu.memory_space<hbm>>
        tpu.wait_indirect_dma semaphore(%arg10 : memref<!tpu.dma_semaphore, #tpu.memory_space<semaphore_mem>>) src(%dma_wait3A_138 : memref<10000x128xf32, #tpu.memory_space<hbm>>) dst(%dma_wait3A_132 : memref<128x128xf32, #tpu.memory_space<vmem>>)
        "tpu.region"() ({
          %run_scoped3A_140 = tpu.sem_alloc : memref<!tpu.dma_semaphore, #tpu.memory_space<semaphore_mem>>
          %dma_start3A_141 = arith.constant 0 : i32
          %dma_start3A_142 = arith.constant 0 : i32
          %dma_start3A_143 = tpu.memref_slice %arg8[%select_n3A_129, %dma_start3A_141, %dma_start3A_142] : memref<2x128x128xf32, #tpu.memory_space<vmem>> -> memref<1x128x128xf32, #tpu.memory_space<vmem>>
          %dma_start3A_144 = tpu.memref_squeeze %dma_start3A_143 : memref<1x128x128xf32, #tpu.memory_space<vmem>> -> memref<128x128xf32, #tpu.memory_space<vmem>>
          %dma_start3A_145 = arith.constant 0 : i32
          %dma_start3A_146 = tpu.memref_slice %arg7[%scan3A_109, %dma_start3A_145] : memref<32x128xi32, #tpu.memory_space<vmem>> -> memref<1x128xi32, #tpu.memory_space<vmem>>
          %dma_start3A_147 = tpu.memref_squeeze %dma_start3A_146 : memref<1x128xi32, #tpu.memory_space<vmem>> -> memref<128xi32, #tpu.memory_space<vmem>>
          %dma_start3A_148 = arith.constant 0 : i32
          %dma_start3A_149 = arith.constant 0 : i32
          %dma_start3A_150 = tpu.memref_slice %arg9[%dma_start3A_148, %dma_start3A_149] : memref<10240x128xf32, #tpu.memory_space<vmem_shared>> -> memref<10240x128xf32, #tpu.memory_space<vmem_shared>>
          tpu.enqueue_indirect_dma source(%dma_start3A_144 : memref<128x128xf32, #tpu.memory_space<vmem>>) target(%dma_start3A_150 : memref<10240x128xf32, #tpu.memory_space<vmem_shared>>) offsets(%dma_start3A_147 : memref<128xi32, #tpu.memory_space<vmem>>) semaphore(%run_scoped3A_140 : memref<!tpu.dma_semaphore, #tpu.memory_space<semaphore_mem>>) {add = true}
          %dma_wait3A_151 = arith.constant 0 : i32
          %dma_wait3A_152 = arith.constant 0 : i32
          %dma_wait3A_153 = tpu.memref_slice %arg8[%select_n3A_129, %dma_wait3A_151, %dma_wait3A_152] : memref<2x128x128xf32, #tpu.memory_space<vmem>> -> memref<1x128x128xf32, #tpu.memory_space<vmem>>
          %dma_wait3A_154 = tpu.memref_squeeze %dma_wait3A_153 : memref<1x128x128xf32, #tpu.memory_space<vmem>> -> memref<128x128xf32, #tpu.memory_space<vmem>>
          %dma_wait3A_155 = arith.constant 0 : i32
          %dma_wait3A_156 = tpu.memref_slice %arg7[%scan3A_109, %dma_wait3A_155] : memref<32x128xi32, #tpu.memory_space<vmem>> -> memref<1x128xi32, #tpu.memory_space<vmem>>
          %dma_wait3A_157 = tpu.memref_squeeze %dma_wait3A_156 : memref<1x128xi32, #tpu.memory_space<vmem>> -> memref<128xi32, #tpu.memory_space<vmem>>
          %dma_wait3A_158 = arith.constant 0 : i32
          %dma_wait3A_159 = arith.constant 0 : i32
          %dma_wait3A_160 = tpu.memref_slice %arg9[%dma_wait3A_158, %dma_wait3A_159] : memref<10240x128xf32, #tpu.memory_space<vmem_shared>> -> memref<10240x128xf32, #tpu.memory_space<vmem_shared>>
          tpu.wait_indirect_dma semaphore(%run_scoped3A_140 : memref<!tpu.dma_semaphore, #tpu.memory_space<semaphore_mem>>) src(%dma_wait3A_154 : memref<128x128xf32, #tpu.memory_space<vmem>>) dst(%dma_wait3A_160 : memref<10240x128xf32, #tpu.memory_space<vmem_shared>>)
          tpu.yield
        }) : () -> ()
        %scan3A_139 = arith.constant 0 : i32
        scf.yield %scan3A_139 : i32
      }
      %scan3A_108 = arith.constant 32 : i32
    } else {
    }
    %gt3A_48 = arith.constant 64 : i32
    %gt3A_49 = arith.cmpi sgt, %select_n3A, %gt3A_48 : i32
    %convert_element_type3A_50 = arith.extui %gt3A_49 : i1 to i32
    %cond3A_51 = arith.constant 0 : i32
    %cond3A_52 = arith.cmpi ne, %convert_element_type3A_50, %cond3A_51 : i32
    scf.if %cond3A_52 {
      %add3A_89 = arith.constant 64 : i32
      %add3A_90 = arith.addi %select_n3A_40, %add3A_89 : i32
      %multiple_of3A = tpu.assume_multiple %add3A_90, 8 : i32
      "tpu.region"() ({
        %run_scoped3A_109 = tpu.sem_alloc : memref<!tpu.dma_semaphore, #tpu.memory_space<semaphore_mem>>
        %dma_start3A_110 = arith.constant 0 : i32
        %dma_start3A_111 = tpu.memref_slice %arg3[%multiple_of3A, %dma_start3A_110] : memref<2560x128xi32, #tpu.memory_space<hbm>> -> memref<32x128xi32, #tpu.memory_space<hbm>>
        %dma_start3A_112 = arith.constant 0 : i32
        %dma_start3A_113 = tpu.memref_slice %arg3[%multiple_of3A, %dma_start3A_112] : memref<2560x128xi32, #tpu.memory_space<hbm>> -> memref<32x128xi32, #tpu.memory_space<hbm>>
        tpu.enqueue_dma source(%dma_start3A_113 : memref<32x128xi32, #tpu.memory_space<hbm>>) target(%arg6 : memref<32x128xi32, #tpu.memory_space<vmem>>) target_semaphore(%run_scoped3A_109 : memref<!tpu.dma_semaphore, #tpu.memory_space<semaphore_mem>>)
        %dma_wait3A = arith.constant 0 : i32
        %dma_wait3A_114 = tpu.memref_slice %arg3[%multiple_of3A, %dma_wait3A] : memref<2560x128xi32, #tpu.memory_space<hbm>> -> memref<32x128xi32, #tpu.memory_space<hbm>>
        %dma_wait3A_115 = arith.constant 0 : i32
        %dma_wait3A_116 = tpu.memref_slice %arg3[%multiple_of3A, %dma_wait3A_115] : memref<2560x128xi32, #tpu.memory_space<hbm>> -> memref<32x128xi32, #tpu.memory_space<hbm>>
        tpu.wait_dma2 semaphore(%run_scoped3A_109 : memref<!tpu.dma_semaphore, #tpu.memory_space<semaphore_mem>>) src(%dma_wait3A_116 : memref<32x128xi32, #tpu.memory_space<hbm>>) dst(%arg6 : memref<32x128xi32, #tpu.memory_space<vmem>>)
        tpu.yield
      }) : () -> ()
      "tpu.region"() ({
        %run_scoped3A_109 = tpu.sem_alloc : memref<!tpu.dma_semaphore, #tpu.memory_space<semaphore_mem>>
        %dma_start3A_110 = arith.constant 0 : i32
        %dma_start3A_111 = tpu.memref_slice %arg4[%multiple_of3A, %dma_start3A_110] : memref<2560x128xi32, #tpu.memory_space<hbm>> -> memref<32x128xi32, #tpu.memory_space<hbm>>
        %dma_start3A_112 = arith.constant 0 : i32
        %dma_start3A_113 = tpu.memref_slice %arg4[%multiple_of3A, %dma_start3A_112] : memref<2560x128xi32, #tpu.memory_space<hbm>> -> memref<32x128xi32, #tpu.memory_space<hbm>>
        tpu.enqueue_dma source(%dma_start3A_113 : memref<32x128xi32, #tpu.memory_space<hbm>>) target(%arg7 : memref<32x128xi32, #tpu.memory_space<vmem>>) target_semaphore(%run_scoped3A_109 : memref<!tpu.dma_semaphore, #tpu.memory_space<semaphore_mem>>)
        %dma_wait3A = arith.constant 0 : i32
        %dma_wait3A_114 = tpu.memref_slice %arg4[%multiple_of3A, %dma_wait3A] : memref<2560x128xi32, #tpu.memory_space<hbm>> -> memref<32x128xi32, #tpu.memory_space<hbm>>
        %dma_wait3A_115 = arith.constant 0 : i32
        %dma_wait3A_116 = tpu.memref_slice %arg4[%multiple_of3A, %dma_wait3A_115] : memref<2560x128xi32, #tpu.memory_space<hbm>> -> memref<32x128xi32, #tpu.memory_space<hbm>>
        tpu.wait_dma2 semaphore(%run_scoped3A_109 : memref<!tpu.dma_semaphore, #tpu.memory_space<semaphore_mem>>) src(%dma_wait3A_116 : memref<32x128xi32, #tpu.memory_space<hbm>>) dst(%arg7 : memref<32x128xi32, #tpu.memory_space<vmem>>)
        tpu.yield
      }) : () -> ()
      %dma_start3A = arith.constant 0 : i32
      %dma_start3A_91 = arith.constant 0 : i32
      %dma_start3A_92 = arith.constant 0 : i32
      %dma_start3A_93 = arith.constant 0 : i32
      %dma_start3A_94 = tpu.memref_slice %arg8[%dma_start3A_91, %dma_start3A_92, %dma_start3A_93] : memref<2x128x128xf32, #tpu.memory_space<vmem>> -> memref<1x128x128xf32, #tpu.memory_space<vmem>>
      %dma_start3A_95 = tpu.memref_squeeze %dma_start3A_94 : memref<1x128x128xf32, #tpu.memory_space<vmem>> -> memref<128x128xf32, #tpu.memory_space<vmem>>
      %dma_start3A_96 = arith.constant 0 : i32
      %dma_start3A_97 = tpu.memref_slice %arg6[%dma_start3A, %dma_start3A_96] : memref<32x128xi32, #tpu.memory_space<vmem>> -> memref<1x128xi32, #tpu.memory_space<vmem>>
      %dma_start3A_98 = tpu.memref_squeeze %dma_start3A_97 : memref<1x128xi32, #tpu.memory_space<vmem>> -> memref<128xi32, #tpu.memory_space<vmem>>
      %dma_start3A_99 = arith.constant 0 : i32
      %dma_start3A_100 = arith.constant 0 : i32
      %dma_start3A_101 = tpu.memref_slice %arg2[%dma_start3A_99, %dma_start3A_100] : memref<10000x128xf32, #tpu.memory_space<hbm>> -> memref<10000x128xf32, #tpu.memory_space<hbm>>
      tpu.enqueue_indirect_dma source(%dma_start3A_101 : memref<10000x128xf32, #tpu.memory_space<hbm>>) target(%dma_start3A_95 : memref<128x128xf32, #tpu.memory_space<vmem>>) offsets(%dma_start3A_98 : memref<128xi32, #tpu.memory_space<vmem>>) semaphore(%arg10 : memref<!tpu.dma_semaphore, #tpu.memory_space<semaphore_mem>>)
      %scan3A_102 = arith.constant 0 : i32
      %scan3A_103 = arith.constant 0 : i32
      %scan3A_104 = arith.constant 32 : i32
      %scan3A_105 = arith.addi %scan3A_103, %scan3A_104 : i32
      %scan3A_106 = arith.constant 1 : i32
      %scan3A_107 = scf.for %scan3A_109 = %scan3A_103 to %scan3A_105 step %scan3A_106 iter_args(%scan3A_110 = %scan3A_102) -> (i32)  : i32 {
        %add3A_111 = arith.constant 1 : i32
        %add3A_112 = arith.addi %scan3A_109, %add3A_111 : i32
        %lt3A = arith.constant 32 : i32
        %lt3A_113 = arith.cmpi slt, %add3A_112, %lt3A : i32
        %convert_element_type3A_114 = arith.extui %lt3A_113 : i1 to i32
        %cond3A_115 = arith.constant 0 : i32
        %cond3A_116 = arith.cmpi ne, %convert_element_type3A_114, %cond3A_115 : i32
        scf.if %cond3A_116 {
          %jit3A_140 = arith.constant 2 : i32
          %eq3A_141 = arith.constant 0 : i32
          %eq3A_142 = arith.cmpi eq, %jit3A_140, %eq3A_141 : i32
          %jit3A_143 = arith.constant 1 : i32
          %select_n3A_144 = arith.select %eq3A_142, %jit3A_143, %jit3A_140 : i32
          %rem3A_145 = arith.remsi %add3A_112, %select_n3A_144 : i32
          %ne3A_146 = arith.constant 0 : i32
          %ne3A_147 = arith.cmpi ne, %rem3A_145, %ne3A_146 : i32
          %lt3A_148 = arith.constant 0 : i32
          %lt3A_149 = arith.cmpi slt, %rem3A_145, %lt3A_148 : i32
          %lt3A_150 = arith.constant 0 : i32
          %lt3A_151 = arith.cmpi slt, %select_n3A_144, %lt3A_150 : i32
          %ne3A_152 = arith.xori %lt3A_149, %lt3A_151 : i1
          %and3A_153 = arith.andi %ne3A_152, %ne3A_147 : i1
          %add3A_154 = arith.addi %rem3A_145, %select_n3A_144 : i32
          %select_n3A_155 = arith.select %and3A_153, %add3A_154, %rem3A_145 : i32
          %dma_start3A_156 = arith.constant 0 : i32
          %dma_start3A_157 = arith.constant 0 : i32
          %dma_start3A_158 = tpu.memref_slice %arg8[%select_n3A_155, %dma_start3A_156, %dma_start3A_157] : memref<2x128x128xf32, #tpu.memory_space<vmem>> -> memref<1x128x128xf32, #tpu.memory_space<vmem>>
          %dma_start3A_159 = tpu.memref_squeeze %dma_start3A_158 : memref<1x128x128xf32, #tpu.memory_space<vmem>> -> memref<128x128xf32, #tpu.memory_space<vmem>>
          %dma_start3A_160 = arith.constant 0 : i32
          %dma_start3A_161 = tpu.memref_slice %arg6[%add3A_112, %dma_start3A_160] : memref<32x128xi32, #tpu.memory_space<vmem>> -> memref<1x128xi32, #tpu.memory_space<vmem>>
          %dma_start3A_162 = tpu.memref_squeeze %dma_start3A_161 : memref<1x128xi32, #tpu.memory_space<vmem>> -> memref<128xi32, #tpu.memory_space<vmem>>
          %dma_start3A_163 = arith.constant 0 : i32
          %dma_start3A_164 = arith.constant 0 : i32
          %dma_start3A_165 = tpu.memref_slice %arg2[%dma_start3A_163, %dma_start3A_164] : memref<10000x128xf32, #tpu.memory_space<hbm>> -> memref<10000x128xf32, #tpu.memory_space<hbm>>
          tpu.enqueue_indirect_dma source(%dma_start3A_165 : memref<10000x128xf32, #tpu.memory_space<hbm>>) target(%dma_start3A_159 : memref<128x128xf32, #tpu.memory_space<vmem>>) offsets(%dma_start3A_162 : memref<128xi32, #tpu.memory_space<vmem>>) semaphore(%arg10 : memref<!tpu.dma_semaphore, #tpu.memory_space<semaphore_mem>>)
        } else {
        }
        %jit3A_117 = arith.constant 2 : i32
        %eq3A_118 = arith.constant 0 : i32
        %eq3A_119 = arith.cmpi eq, %jit3A_117, %eq3A_118 : i32
        %jit3A_120 = arith.constant 1 : i32
        %select_n3A_121 = arith.select %eq3A_119, %jit3A_120, %jit3A_117 : i32
        %rem3A = arith.remsi %scan3A_109, %select_n3A_121 : i32
        %ne3A = arith.constant 0 : i32
        %ne3A_122 = arith.cmpi ne, %rem3A, %ne3A : i32
        %lt3A_123 = arith.constant 0 : i32
        %lt3A_124 = arith.cmpi slt, %rem3A, %lt3A_123 : i32
        %lt3A_125 = arith.constant 0 : i32
        %lt3A_126 = arith.cmpi slt, %select_n3A_121, %lt3A_125 : i32
        %ne3A_127 = arith.xori %lt3A_124, %lt3A_126 : i1
        %and3A = arith.andi %ne3A_127, %ne3A_122 : i1
        %add3A_128 = arith.addi %rem3A, %select_n3A_121 : i32
        %select_n3A_129 = arith.select %and3A, %add3A_128, %rem3A : i32
        %dma_wait3A = arith.constant 0 : i32
        %dma_wait3A_130 = arith.constant 0 : i32
        %dma_wait3A_131 = tpu.memref_slice %arg8[%select_n3A_129, %dma_wait3A, %dma_wait3A_130] : memref<2x128x128xf32, #tpu.memory_space<vmem>> -> memref<1x128x128xf32, #tpu.memory_space<vmem>>
        %dma_wait3A_132 = tpu.memref_squeeze %dma_wait3A_131 : memref<1x128x128xf32, #tpu.memory_space<vmem>> -> memref<128x128xf32, #tpu.memory_space<vmem>>
        %dma_wait3A_133 = arith.constant 0 : i32
        %dma_wait3A_134 = tpu.memref_slice %arg6[%scan3A_109, %dma_wait3A_133] : memref<32x128xi32, #tpu.memory_space<vmem>> -> memref<1x128xi32, #tpu.memory_space<vmem>>
        %dma_wait3A_135 = tpu.memref_squeeze %dma_wait3A_134 : memref<1x128xi32, #tpu.memory_space<vmem>> -> memref<128xi32, #tpu.memory_space<vmem>>
        %dma_wait3A_136 = arith.constant 0 : i32
        %dma_wait3A_137 = arith.constant 0 : i32
        %dma_wait3A_138 = tpu.memref_slice %arg2[%dma_wait3A_136, %dma_wait3A_137] : memref<10000x128xf32, #tpu.memory_space<hbm>> -> memref<10000x128xf32, #tpu.memory_space<hbm>>
        tpu.wait_indirect_dma semaphore(%arg10 : memref<!tpu.dma_semaphore, #tpu.memory_space<semaphore_mem>>) src(%dma_wait3A_138 : memref<10000x128xf32, #tpu.memory_space<hbm>>) dst(%dma_wait3A_132 : memref<128x128xf32, #tpu.memory_space<vmem>>)
        "tpu.region"() ({
          %run_scoped3A_140 = tpu.sem_alloc : memref<!tpu.dma_semaphore, #tpu.memory_space<semaphore_mem>>
          %dma_start3A_141 = arith.constant 0 : i32
          %dma_start3A_142 = arith.constant 0 : i32
          %dma_start3A_143 = tpu.memref_slice %arg8[%select_n3A_129, %dma_start3A_141, %dma_start3A_142] : memref<2x128x128xf32, #tpu.memory_space<vmem>> -> memref<1x128x128xf32, #tpu.memory_space<vmem>>
          %dma_start3A_144 = tpu.memref_squeeze %dma_start3A_143 : memref<1x128x128xf32, #tpu.memory_space<vmem>> -> memref<128x128xf32, #tpu.memory_space<vmem>>
          %dma_start3A_145 = arith.constant 0 : i32
          %dma_start3A_146 = tpu.memref_slice %arg7[%scan3A_109, %dma_start3A_145] : memref<32x128xi32, #tpu.memory_space<vmem>> -> memref<1x128xi32, #tpu.memory_space<vmem>>
          %dma_start3A_147 = tpu.memref_squeeze %dma_start3A_146 : memref<1x128xi32, #tpu.memory_space<vmem>> -> memref<128xi32, #tpu.memory_space<vmem>>
          %dma_start3A_148 = arith.constant 0 : i32
          %dma_start3A_149 = arith.constant 0 : i32
          %dma_start3A_150 = tpu.memref_slice %arg9[%dma_start3A_148, %dma_start3A_149] : memref<10240x128xf32, #tpu.memory_space<vmem_shared>> -> memref<10240x128xf32, #tpu.memory_space<vmem_shared>>
          tpu.enqueue_indirect_dma source(%dma_start3A_144 : memref<128x128xf32, #tpu.memory_space<vmem>>) target(%dma_start3A_150 : memref<10240x128xf32, #tpu.memory_space<vmem_shared>>) offsets(%dma_start3A_147 : memref<128xi32, #tpu.memory_space<vmem>>) semaphore(%run_scoped3A_140 : memref<!tpu.dma_semaphore, #tpu.memory_space<semaphore_mem>>) {add = true}
          %dma_wait3A_151 = arith.constant 0 : i32
          %dma_wait3A_152 = arith.constant 0 : i32
          %dma_wait3A_153 = tpu.memref_slice %arg8[%select_n3A_129, %dma_wait3A_151, %dma_wait3A_152] : memref<2x128x128xf32, #tpu.memory_space<vmem>> -> memref<1x128x128xf32, #tpu.memory_space<vmem>>
          %dma_wait3A_154 = tpu.memref_squeeze %dma_wait3A_153 : memref<1x128x128xf32, #tpu.memory_space<vmem>> -> memref<128x128xf32, #tpu.memory_space<vmem>>
          %dma_wait3A_155 = arith.constant 0 : i32
          %dma_wait3A_156 = tpu.memref_slice %arg7[%scan3A_109, %dma_wait3A_155] : memref<32x128xi32, #tpu.memory_space<vmem>> -> memref<1x128xi32, #tpu.memory_space<vmem>>
          %dma_wait3A_157 = tpu.memref_squeeze %dma_wait3A_156 : memref<1x128xi32, #tpu.memory_space<vmem>> -> memref<128xi32, #tpu.memory_space<vmem>>
          %dma_wait3A_158 = arith.constant 0 : i32
          %dma_wait3A_159 = arith.constant 0 : i32
          %dma_wait3A_160 = tpu.memref_slice %arg9[%dma_wait3A_158, %dma_wait3A_159] : memref<10240x128xf32, #tpu.memory_space<vmem_shared>> -> memref<10240x128xf32, #tpu.memory_space<vmem_shared>>
          tpu.wait_indirect_dma semaphore(%run_scoped3A_140 : memref<!tpu.dma_semaphore, #tpu.memory_space<semaphore_mem>>) src(%dma_wait3A_154 : memref<128x128xf32, #tpu.memory_space<vmem>>) dst(%dma_wait3A_160 : memref<10240x128xf32, #tpu.memory_space<vmem_shared>>)
          tpu.yield
        }) : () -> ()
        %scan3A_139 = arith.constant 0 : i32
        scf.yield %scan3A_139 : i32
      }
      %scan3A_108 = arith.constant 32 : i32
    } else {
    }
    %gt3A_53 = arith.constant 96 : i32
    %gt3A_54 = arith.cmpi sgt, %select_n3A, %gt3A_53 : i32
    %convert_element_type3A_55 = arith.extui %gt3A_54 : i1 to i32
    %cond3A_56 = arith.constant 0 : i32
    %cond3A_57 = arith.cmpi ne, %convert_element_type3A_55, %cond3A_56 : i32
    scf.if %cond3A_57 {
      %add3A_89 = arith.constant 96 : i32
      %add3A_90 = arith.addi %select_n3A_40, %add3A_89 : i32
      %multiple_of3A = tpu.assume_multiple %add3A_90, 8 : i32
      "tpu.region"() ({
        %run_scoped3A_109 = tpu.sem_alloc : memref<!tpu.dma_semaphore, #tpu.memory_space<semaphore_mem>>
        %dma_start3A_110 = arith.constant 0 : i32
        %dma_start3A_111 = tpu.memref_slice %arg3[%multiple_of3A, %dma_start3A_110] : memref<2560x128xi32, #tpu.memory_space<hbm>> -> memref<32x128xi32, #tpu.memory_space<hbm>>
        %dma_start3A_112 = arith.constant 0 : i32
        %dma_start3A_113 = tpu.memref_slice %arg3[%multiple_of3A, %dma_start3A_112] : memref<2560x128xi32, #tpu.memory_space<hbm>> -> memref<32x128xi32, #tpu.memory_space<hbm>>
        tpu.enqueue_dma source(%dma_start3A_113 : memref<32x128xi32, #tpu.memory_space<hbm>>) target(%arg6 : memref<32x128xi32, #tpu.memory_space<vmem>>) target_semaphore(%run_scoped3A_109 : memref<!tpu.dma_semaphore, #tpu.memory_space<semaphore_mem>>)
        %dma_wait3A = arith.constant 0 : i32
        %dma_wait3A_114 = tpu.memref_slice %arg3[%multiple_of3A, %dma_wait3A] : memref<2560x128xi32, #tpu.memory_space<hbm>> -> memref<32x128xi32, #tpu.memory_space<hbm>>
        %dma_wait3A_115 = arith.constant 0 : i32
        %dma_wait3A_116 = tpu.memref_slice %arg3[%multiple_of3A, %dma_wait3A_115] : memref<2560x128xi32, #tpu.memory_space<hbm>> -> memref<32x128xi32, #tpu.memory_space<hbm>>
        tpu.wait_dma2 semaphore(%run_scoped3A_109 : memref<!tpu.dma_semaphore, #tpu.memory_space<semaphore_mem>>) src(%dma_wait3A_116 : memref<32x128xi32, #tpu.memory_space<hbm>>) dst(%arg6 : memref<32x128xi32, #tpu.memory_space<vmem>>)
        tpu.yield
      }) : () -> ()
      "tpu.region"() ({
        %run_scoped3A_109 = tpu.sem_alloc : memref<!tpu.dma_semaphore, #tpu.memory_space<semaphore_mem>>
        %dma_start3A_110 = arith.constant 0 : i32
        %dma_start3A_111 = tpu.memref_slice %arg4[%multiple_of3A, %dma_start3A_110] : memref<2560x128xi32, #tpu.memory_space<hbm>> -> memref<32x128xi32, #tpu.memory_space<hbm>>
        %dma_start3A_112 = arith.constant 0 : i32
        %dma_start3A_113 = tpu.memref_slice %arg4[%multiple_of3A, %dma_start3A_112] : memref<2560x128xi32, #tpu.memory_space<hbm>> -> memref<32x128xi32, #tpu.memory_space<hbm>>
        tpu.enqueue_dma source(%dma_start3A_113 : memref<32x128xi32, #tpu.memory_space<hbm>>) target(%arg7 : memref<32x128xi32, #tpu.memory_space<vmem>>) target_semaphore(%run_scoped3A_109 : memref<!tpu.dma_semaphore, #tpu.memory_space<semaphore_mem>>)
        %dma_wait3A = arith.constant 0 : i32
        %dma_wait3A_114 = tpu.memref_slice %arg4[%multiple_of3A, %dma_wait3A] : memref<2560x128xi32, #tpu.memory_space<hbm>> -> memref<32x128xi32, #tpu.memory_space<hbm>>
        %dma_wait3A_115 = arith.constant 0 : i32
        %dma_wait3A_116 = tpu.memref_slice %arg4[%multiple_of3A, %dma_wait3A_115] : memref<2560x128xi32, #tpu.memory_space<hbm>> -> memref<32x128xi32, #tpu.memory_space<hbm>>
        tpu.wait_dma2 semaphore(%run_scoped3A_109 : memref<!tpu.dma_semaphore, #tpu.memory_space<semaphore_mem>>) src(%dma_wait3A_116 : memref<32x128xi32, #tpu.memory_space<hbm>>) dst(%arg7 : memref<32x128xi32, #tpu.memory_space<vmem>>)
        tpu.yield
      }) : () -> ()
      %dma_start3A = arith.constant 0 : i32
      %dma_start3A_91 = arith.constant 0 : i32
      %dma_start3A_92 = arith.constant 0 : i32
      %dma_start3A_93 = arith.constant 0 : i32
      %dma_start3A_94 = tpu.memref_slice %arg8[%dma_start3A_91, %dma_start3A_92, %dma_start3A_93] : memref<2x128x128xf32, #tpu.memory_space<vmem>> -> memref<1x128x128xf32, #tpu.memory_space<vmem>>
      %dma_start3A_95 = tpu.memref_squeeze %dma_start3A_94 : memref<1x128x128xf32, #tpu.memory_space<vmem>> -> memref<128x128xf32, #tpu.memory_space<vmem>>
      %dma_start3A_96 = arith.constant 0 : i32
      %dma_start3A_97 = tpu.memref_slice %arg6[%dma_start3A, %dma_start3A_96] : memref<32x128xi32, #tpu.memory_space<vmem>> -> memref<1x128xi32, #tpu.memory_space<vmem>>
      %dma_start3A_98 = tpu.memref_squeeze %dma_start3A_97 : memref<1x128xi32, #tpu.memory_space<vmem>> -> memref<128xi32, #tpu.memory_space<vmem>>
      %dma_start3A_99 = arith.constant 0 : i32
      %dma_start3A_100 = arith.constant 0 : i32
      %dma_start3A_101 = tpu.memref_slice %arg2[%dma_start3A_99, %dma_start3A_100] : memref<10000x128xf32, #tpu.memory_space<hbm>> -> memref<10000x128xf32, #tpu.memory_space<hbm>>
      tpu.enqueue_indirect_dma source(%dma_start3A_101 : memref<10000x128xf32, #tpu.memory_space<hbm>>) target(%dma_start3A_95 : memref<128x128xf32, #tpu.memory_space<vmem>>) offsets(%dma_start3A_98 : memref<128xi32, #tpu.memory_space<vmem>>) semaphore(%arg10 : memref<!tpu.dma_semaphore, #tpu.memory_space<semaphore_mem>>)
      %scan3A_102 = arith.constant 0 : i32
      %scan3A_103 = arith.constant 0 : i32
      %scan3A_104 = arith.constant 32 : i32
      %scan3A_105 = arith.addi %scan3A_103, %scan3A_104 : i32
      %scan3A_106 = arith.constant 1 : i32
      %scan3A_107 = scf.for %scan3A_109 = %scan3A_103 to %scan3A_105 step %scan3A_106 iter_args(%scan3A_110 = %scan3A_102) -> (i32)  : i32 {
        %add3A_111 = arith.constant 1 : i32
        %add3A_112 = arith.addi %scan3A_109, %add3A_111 : i32
        %lt3A = arith.constant 32 : i32
        %lt3A_113 = arith.cmpi slt, %add3A_112, %lt3A : i32
        %convert_element_type3A_114 = arith.extui %lt3A_113 : i1 to i32
        %cond3A_115 = arith.constant 0 : i32
        %cond3A_116 = arith.cmpi ne, %convert_element_type3A_114, %cond3A_115 : i32
        scf.if %cond3A_116 {
          %jit3A_140 = arith.constant 2 : i32
          %eq3A_141 = arith.constant 0 : i32
          %eq3A_142 = arith.cmpi eq, %jit3A_140, %eq3A_141 : i32
          %jit3A_143 = arith.constant 1 : i32
          %select_n3A_144 = arith.select %eq3A_142, %jit3A_143, %jit3A_140 : i32
          %rem3A_145 = arith.remsi %add3A_112, %select_n3A_144 : i32
          %ne3A_146 = arith.constant 0 : i32
          %ne3A_147 = arith.cmpi ne, %rem3A_145, %ne3A_146 : i32
          %lt3A_148 = arith.constant 0 : i32
          %lt3A_149 = arith.cmpi slt, %rem3A_145, %lt3A_148 : i32
          %lt3A_150 = arith.constant 0 : i32
          %lt3A_151 = arith.cmpi slt, %select_n3A_144, %lt3A_150 : i32
          %ne3A_152 = arith.xori %lt3A_149, %lt3A_151 : i1
          %and3A_153 = arith.andi %ne3A_152, %ne3A_147 : i1
          %add3A_154 = arith.addi %rem3A_145, %select_n3A_144 : i32
          %select_n3A_155 = arith.select %and3A_153, %add3A_154, %rem3A_145 : i32
          %dma_start3A_156 = arith.constant 0 : i32
          %dma_start3A_157 = arith.constant 0 : i32
          %dma_start3A_158 = tpu.memref_slice %arg8[%select_n3A_155, %dma_start3A_156, %dma_start3A_157] : memref<2x128x128xf32, #tpu.memory_space<vmem>> -> memref<1x128x128xf32, #tpu.memory_space<vmem>>
          %dma_start3A_159 = tpu.memref_squeeze %dma_start3A_158 : memref<1x128x128xf32, #tpu.memory_space<vmem>> -> memref<128x128xf32, #tpu.memory_space<vmem>>
          %dma_start3A_160 = arith.constant 0 : i32
          %dma_start3A_161 = tpu.memref_slice %arg6[%add3A_112, %dma_start3A_160] : memref<32x128xi32, #tpu.memory_space<vmem>> -> memref<1x128xi32, #tpu.memory_space<vmem>>
          %dma_start3A_162 = tpu.memref_squeeze %dma_start3A_161 : memref<1x128xi32, #tpu.memory_space<vmem>> -> memref<128xi32, #tpu.memory_space<vmem>>
          %dma_start3A_163 = arith.constant 0 : i32
          %dma_start3A_164 = arith.constant 0 : i32
          %dma_start3A_165 = tpu.memref_slice %arg2[%dma_start3A_163, %dma_start3A_164] : memref<10000x128xf32, #tpu.memory_space<hbm>> -> memref<10000x128xf32, #tpu.memory_space<hbm>>
          tpu.enqueue_indirect_dma source(%dma_start3A_165 : memref<10000x128xf32, #tpu.memory_space<hbm>>) target(%dma_start3A_159 : memref<128x128xf32, #tpu.memory_space<vmem>>) offsets(%dma_start3A_162 : memref<128xi32, #tpu.memory_space<vmem>>) semaphore(%arg10 : memref<!tpu.dma_semaphore, #tpu.memory_space<semaphore_mem>>)
        } else {
        }
        %jit3A_117 = arith.constant 2 : i32
        %eq3A_118 = arith.constant 0 : i32
        %eq3A_119 = arith.cmpi eq, %jit3A_117, %eq3A_118 : i32
        %jit3A_120 = arith.constant 1 : i32
        %select_n3A_121 = arith.select %eq3A_119, %jit3A_120, %jit3A_117 : i32
        %rem3A = arith.remsi %scan3A_109, %select_n3A_121 : i32
        %ne3A = arith.constant 0 : i32
        %ne3A_122 = arith.cmpi ne, %rem3A, %ne3A : i32
        %lt3A_123 = arith.constant 0 : i32
        %lt3A_124 = arith.cmpi slt, %rem3A, %lt3A_123 : i32
        %lt3A_125 = arith.constant 0 : i32
        %lt3A_126 = arith.cmpi slt, %select_n3A_121, %lt3A_125 : i32
        %ne3A_127 = arith.xori %lt3A_124, %lt3A_126 : i1
        %and3A = arith.andi %ne3A_127, %ne3A_122 : i1
        %add3A_128 = arith.addi %rem3A, %select_n3A_121 : i32
        %select_n3A_129 = arith.select %and3A, %add3A_128, %rem3A : i32
        %dma_wait3A = arith.constant 0 : i32
        %dma_wait3A_130 = arith.constant 0 : i32
        %dma_wait3A_131 = tpu.memref_slice %arg8[%select_n3A_129, %dma_wait3A, %dma_wait3A_130] : memref<2x128x128xf32, #tpu.memory_space<vmem>> -> memref<1x128x128xf32, #tpu.memory_space<vmem>>
        %dma_wait3A_132 = tpu.memref_squeeze %dma_wait3A_131 : memref<1x128x128xf32, #tpu.memory_space<vmem>> -> memref<128x128xf32, #tpu.memory_space<vmem>>
        %dma_wait3A_133 = arith.constant 0 : i32
        %dma_wait3A_134 = tpu.memref_slice %arg6[%scan3A_109, %dma_wait3A_133] : memref<32x128xi32, #tpu.memory_space<vmem>> -> memref<1x128xi32, #tpu.memory_space<vmem>>
        %dma_wait3A_135 = tpu.memref_squeeze %dma_wait3A_134 : memref<1x128xi32, #tpu.memory_space<vmem>> -> memref<128xi32, #tpu.memory_space<vmem>>
        %dma_wait3A_136 = arith.constant 0 : i32
        %dma_wait3A_137 = arith.constant 0 : i32
        %dma_wait3A_138 = tpu.memref_slice %arg2[%dma_wait3A_136, %dma_wait3A_137] : memref<10000x128xf32, #tpu.memory_space<hbm>> -> memref<10000x128xf32, #tpu.memory_space<hbm>>
        tpu.wait_indirect_dma semaphore(%arg10 : memref<!tpu.dma_semaphore, #tpu.memory_space<semaphore_mem>>) src(%dma_wait3A_138 : memref<10000x128xf32, #tpu.memory_space<hbm>>) dst(%dma_wait3A_132 : memref<128x128xf32, #tpu.memory_space<vmem>>)
        "tpu.region"() ({
          %run_scoped3A_140 = tpu.sem_alloc : memref<!tpu.dma_semaphore, #tpu.memory_space<semaphore_mem>>
          %dma_start3A_141 = arith.constant 0 : i32
          %dma_start3A_142 = arith.constant 0 : i32
          %dma_start3A_143 = tpu.memref_slice %arg8[%select_n3A_129, %dma_start3A_141, %dma_start3A_142] : memref<2x128x128xf32, #tpu.memory_space<vmem>> -> memref<1x128x128xf32, #tpu.memory_space<vmem>>
          %dma_start3A_144 = tpu.memref_squeeze %dma_start3A_143 : memref<1x128x128xf32, #tpu.memory_space<vmem>> -> memref<128x128xf32, #tpu.memory_space<vmem>>
          %dma_start3A_145 = arith.constant 0 : i32
          %dma_start3A_146 = tpu.memref_slice %arg7[%scan3A_109, %dma_start3A_145] : memref<32x128xi32, #tpu.memory_space<vmem>> -> memref<1x128xi32, #tpu.memory_space<vmem>>
          %dma_start3A_147 = tpu.memref_squeeze %dma_start3A_146 : memref<1x128xi32, #tpu.memory_space<vmem>> -> memref<128xi32, #tpu.memory_space<vmem>>
          %dma_start3A_148 = arith.constant 0 : i32
          %dma_start3A_149 = arith.constant 0 : i32
          %dma_start3A_150 = tpu.memref_slice %arg9[%dma_start3A_148, %dma_start3A_149] : memref<10240x128xf32, #tpu.memory_space<vmem_shared>> -> memref<10240x128xf32, #tpu.memory_space<vmem_shared>>
          tpu.enqueue_indirect_dma source(%dma_start3A_144 : memref<128x128xf32, #tpu.memory_space<vmem>>) target(%dma_start3A_150 : memref<10240x128xf32, #tpu.memory_space<vmem_shared>>) offsets(%dma_start3A_147 : memref<128xi32, #tpu.memory_space<vmem>>) semaphore(%run_scoped3A_140 : memref<!tpu.dma_semaphore, #tpu.memory_space<semaphore_mem>>) {add = true}
          %dma_wait3A_151 = arith.constant 0 : i32
          %dma_wait3A_152 = arith.constant 0 : i32
          %dma_wait3A_153 = tpu.memref_slice %arg8[%select_n3A_129, %dma_wait3A_151, %dma_wait3A_152] : memref<2x128x128xf32, #tpu.memory_space<vmem>> -> memref<1x128x128xf32, #tpu.memory_space<vmem>>
          %dma_wait3A_154 = tpu.memref_squeeze %dma_wait3A_153 : memref<1x128x128xf32, #tpu.memory_space<vmem>> -> memref<128x128xf32, #tpu.memory_space<vmem>>
          %dma_wait3A_155 = arith.constant 0 : i32
          %dma_wait3A_156 = tpu.memref_slice %arg7[%scan3A_109, %dma_wait3A_155] : memref<32x128xi32, #tpu.memory_space<vmem>> -> memref<1x128xi32, #tpu.memory_space<vmem>>
          %dma_wait3A_157 = tpu.memref_squeeze %dma_wait3A_156 : memref<1x128xi32, #tpu.memory_space<vmem>> -> memref<128xi32, #tpu.memory_space<vmem>>
          %dma_wait3A_158 = arith.constant 0 : i32
          %dma_wait3A_159 = arith.constant 0 : i32
          %dma_wait3A_160 = tpu.memref_slice %arg9[%dma_wait3A_158, %dma_wait3A_159] : memref<10240x128xf32, #tpu.memory_space<vmem_shared>> -> memref<10240x128xf32, #tpu.memory_space<vmem_shared>>
          tpu.wait_indirect_dma semaphore(%run_scoped3A_140 : memref<!tpu.dma_semaphore, #tpu.memory_space<semaphore_mem>>) src(%dma_wait3A_154 : memref<128x128xf32, #tpu.memory_space<vmem>>) dst(%dma_wait3A_160 : memref<10240x128xf32, #tpu.memory_space<vmem_shared>>)
          tpu.yield
        }) : () -> ()
        %scan3A_139 = arith.constant 0 : i32
        scf.yield %scan3A_139 : i32
      }
      %scan3A_108 = arith.constant 32 : i32
    } else {
    }
    %barrier3A_58 = arith.constant 0 : index
    tpu.barrier barrier_id(%barrier3A_58)
    %mul3A_59 = arith.constant 640 : i32
    %mul3A_60 = arith.muli %arg1, %mul3A_59 : i32
    %add3A_61 = arith.constant 0 : i32
    %add3A_62 = arith.addi %mul3A_60, %add3A_61 : i32
    %run_scoped3A_63 = arith.constant 0 : i32
    "tpu.region"() ({
      %run_scoped3A_89 = tpu.sem_alloc : memref<!tpu.dma_semaphore, #tpu.memory_space<semaphore_mem>>
      %dma_start3A = arith.constant 0 : i32
      %dma_start3A_90 = arith.constant 0 : i32
      %dma_start3A_91 = tpu.memref_slice %arg8[%run_scoped3A_63, %dma_start3A, %dma_start3A_90] : memref<2x128x128xf32, #tpu.memory_space<vmem>> -> memref<1x128x128xf32, #tpu.memory_space<vmem>>
      %dma_start3A_92 = tpu.memref_squeeze %dma_start3A_91 : memref<1x128x128xf32, #tpu.memory_space<vmem>> -> memref<128x128xf32, #tpu.memory_space<vmem>>
      %dma_start3A_93 = arith.constant 0 : i32
      %dma_start3A_94 = tpu.memref_slice %arg9[%add3A_62, %dma_start3A_93] : memref<10240x128xf32, #tpu.memory_space<vmem_shared>> -> memref<128x128xf32, #tpu.memory_space<vmem_shared>>
      %dma_start3A_95 = arith.constant 0 : i32
      %dma_start3A_96 = arith.constant 0 : i32
      %dma_start3A_97 = tpu.memref_slice %arg8[%run_scoped3A_63, %dma_start3A_95, %dma_start3A_96] : memref<2x128x128xf32, #tpu.memory_space<vmem>> -> memref<1x128x128xf32, #tpu.memory_space<vmem>>
      %dma_start3A_98 = tpu.memref_squeeze %dma_start3A_97 : memref<1x128x128xf32, #tpu.memory_space<vmem>> -> memref<128x128xf32, #tpu.memory_space<vmem>>
      %dma_start3A_99 = arith.constant 0 : i32
      %dma_start3A_100 = tpu.memref_slice %arg9[%add3A_62, %dma_start3A_99] : memref<10240x128xf32, #tpu.memory_space<vmem_shared>> -> memref<128x128xf32, #tpu.memory_space<vmem_shared>>
      tpu.enqueue_dma source(%dma_start3A_100 : memref<128x128xf32, #tpu.memory_space<vmem_shared>>) target(%dma_start3A_98 : memref<128x128xf32, #tpu.memory_space<vmem>>) target_semaphore(%run_scoped3A_89 : memref<!tpu.dma_semaphore, #tpu.memory_space<semaphore_mem>>)
      %dma_wait3A = arith.constant 0 : i32
      %dma_wait3A_101 = arith.constant 0 : i32
      %dma_wait3A_102 = tpu.memref_slice %arg8[%run_scoped3A_63, %dma_wait3A, %dma_wait3A_101] : memref<2x128x128xf32, #tpu.memory_space<vmem>> -> memref<1x128x128xf32, #tpu.memory_space<vmem>>
      %dma_wait3A_103 = tpu.memref_squeeze %dma_wait3A_102 : memref<1x128x128xf32, #tpu.memory_space<vmem>> -> memref<128x128xf32, #tpu.memory_space<vmem>>
      %dma_wait3A_104 = arith.constant 0 : i32
      %dma_wait3A_105 = tpu.memref_slice %arg9[%add3A_62, %dma_wait3A_104] : memref<10240x128xf32, #tpu.memory_space<vmem_shared>> -> memref<128x128xf32, #tpu.memory_space<vmem_shared>>
      %dma_wait3A_106 = arith.constant 0 : i32
      %dma_wait3A_107 = arith.constant 0 : i32
      %dma_wait3A_108 = tpu.memref_slice %arg8[%run_scoped3A_63, %dma_wait3A_106, %dma_wait3A_107] : memref<2x128x128xf32, #tpu.memory_space<vmem>> -> memref<1x128x128xf32, #tpu.memory_space<vmem>>
      %dma_wait3A_109 = tpu.memref_squeeze %dma_wait3A_108 : memref<1x128x128xf32, #tpu.memory_space<vmem>> -> memref<128x128xf32, #tpu.memory_space<vmem>>
      %dma_wait3A_110 = arith.constant 0 : i32
      %dma_wait3A_111 = tpu.memref_slice %arg9[%add3A_62, %dma_wait3A_110] : memref<10240x128xf32, #tpu.memory_space<vmem_shared>> -> memref<128x128xf32, #tpu.memory_space<vmem_shared>>
      tpu.wait_dma2 semaphore(%run_scoped3A_89 : memref<!tpu.dma_semaphore, #tpu.memory_space<semaphore_mem>>) src(%dma_wait3A_111 : memref<128x128xf32, #tpu.memory_space<vmem_shared>>) dst(%dma_wait3A_109 : memref<128x128xf32, #tpu.memory_space<vmem>>)
      tpu.yield
    }) : () -> ()
    %run_scoped3A_64 = arith.constant 0 : i32
    "tpu.region"() ({
      %run_scoped3A_89 = tpu.sem_alloc : memref<!tpu.dma_semaphore, #tpu.memory_space<semaphore_mem>>
      %dma_start3A = arith.constant 0 : i32
      %dma_start3A_90 = arith.constant 0 : i32
      %dma_start3A_91 = tpu.memref_slice %arg8[%run_scoped3A_64, %dma_start3A, %dma_start3A_90] : memref<2x128x128xf32, #tpu.memory_space<vmem>> -> memref<1x128x128xf32, #tpu.memory_space<vmem>>
      %dma_start3A_92 = tpu.memref_squeeze %dma_start3A_91 : memref<1x128x128xf32, #tpu.memory_space<vmem>> -> memref<128x128xf32, #tpu.memory_space<vmem>>
      %dma_start3A_93 = arith.constant 0 : i32
      %dma_start3A_94 = arith.constant 0 : i32
      %dma_start3A_95 = tpu.memref_slice %arg5[%arg0, %dma_start3A_93, %dma_start3A_94] : memref<2x10240x128xf32, #tpu.memory_space<hbm>> -> memref<1x10240x128xf32, #tpu.memory_space<hbm>>
      %dma_start3A_96 = tpu.memref_squeeze %dma_start3A_95 : memref<1x10240x128xf32, #tpu.memory_space<hbm>> -> memref<10240x128xf32, #tpu.memory_space<hbm>>
      %dma_start3A_97 = arith.constant 0 : i32
      %dma_start3A_98 = tpu.memref_slice %dma_start3A_96[%add3A_62, %dma_start3A_97] : memref<10240x128xf32, #tpu.memory_space<hbm>> -> memref<128x128xf32, #tpu.memory_space<hbm>>
      %dma_start3A_99 = arith.constant 0 : i32
      %dma_start3A_100 = arith.constant 0 : i32
      %dma_start3A_101 = tpu.memref_slice %arg5[%arg0, %dma_start3A_99, %dma_start3A_100] : memref<2x10240x128xf32, #tpu.memory_space<hbm>> -> memref<1x10240x128xf32, #tpu.memory_space<hbm>>
      %dma_start3A_102 = tpu.memref_squeeze %dma_start3A_101 : memref<1x10240x128xf32, #tpu.memory_space<hbm>> -> memref<10240x128xf32, #tpu.memory_space<hbm>>
      %dma_start3A_103 = arith.constant 0 : i32
      %dma_start3A_104 = tpu.memref_slice %dma_start3A_102[%add3A_62, %dma_start3A_103] : memref<10240x128xf32, #tpu.memory_space<hbm>> -> memref<128x128xf32, #tpu.memory_space<hbm>>
      %dma_start3A_105 = arith.constant 0 : i32
      %dma_start3A_106 = arith.constant 0 : i32
      %dma_start3A_107 = tpu.memref_slice %arg8[%run_scoped3A_64, %dma_start3A_105, %dma_start3A_106] : memref<2x128x128xf32, #tpu.memory_space<vmem>> -> memref<1x128x128xf32, #tpu.memory_space<vmem>>
      %dma_start3A_108 = tpu.memref_squeeze %dma_start3A_107 : memref<1x128x128xf32, #tpu.memory_space<vmem>> -> memref<128x128xf32, #tpu.memory_space<vmem>>
      tpu.enqueue_dma source(%dma_start3A_108 : memref<128x128xf32, #tpu.memory_space<vmem>>) target(%dma_start3A_104 : memref<128x128xf32, #tpu.memory_space<hbm>>) target_semaphore(%run_scoped3A_89 : memref<!tpu.dma_semaphore, #tpu.memory_space<semaphore_mem>>)
      %dma_wait3A = arith.constant 0 : i32
      %dma_wait3A_109 = arith.constant 0 : i32
      %dma_wait3A_110 = tpu.memref_slice %arg8[%run_scoped3A_64, %dma_wait3A, %dma_wait3A_109] : memref<2x128x128xf32, #tpu.memory_space<vmem>> -> memref<1x128x128xf32, #tpu.memory_space<vmem>>
      %dma_wait3A_111 = tpu.memref_squeeze %dma_wait3A_110 : memref<1x128x128xf32, #tpu.memory_space<vmem>> -> memref<128x128xf32, #tpu.memory_space<vmem>>
      %dma_wait3A_112 = arith.constant 0 : i32
      %dma_wait3A_113 = arith.constant 0 : i32
      %dma_wait3A_114 = tpu.memref_slice %arg5[%arg0, %dma_wait3A_112, %dma_wait3A_113] : memref<2x10240x128xf32, #tpu.memory_space<hbm>> -> memref<1x10240x128xf32, #tpu.memory_space<hbm>>
      %dma_wait3A_115 = tpu.memref_squeeze %dma_wait3A_114 : memref<1x10240x128xf32, #tpu.memory_space<hbm>> -> memref<10240x128xf32, #tpu.memory_space<hbm>>
      %dma_wait3A_116 = arith.constant 0 : i32
      %dma_wait3A_117 = tpu.memref_slice %dma_wait3A_115[%add3A_62, %dma_wait3A_116] : memref<10240x128xf32, #tpu.memory_space<hbm>> -> memref<128x128xf32, #tpu.memory_space<hbm>>
      %dma_wait3A_118 = arith.constant 0 : i32
      %dma_wait3A_119 = arith.constant 0 : i32
      %dma_wait3A_120 = tpu.memref_slice %arg5[%arg0, %dma_wait3A_118, %dma_wait3A_119] : memref<2x10240x128xf32, #tpu.memory_space<hbm>> -> memref<1x10240x128xf32, #tpu.memory_space<hbm>>
      %dma_wait3A_121 = tpu.memref_squeeze %dma_wait3A_120 : memref<1x10240x128xf32, #tpu.memory_space<hbm>> -> memref<10240x128xf32, #tpu.memory_space<hbm>>
      %dma_wait3A_122 = arith.constant 0 : i32
      %dma_wait3A_123 = tpu.memref_slice %dma_wait3A_121[%add3A_62, %dma_wait3A_122] : memref<10240x128xf32, #tpu.memory_space<hbm>> -> memref<128x128xf32, #tpu.memory_space<hbm>>
      %dma_wait3A_124 = arith.constant 0 : i32
      %dma_wait3A_125 = arith.constant 0 : i32
      %dma_wait3A_126 = tpu.memref_slice %arg8[%run_scoped3A_64, %dma_wait3A_124, %dma_wait3A_125] : memref<2x128x128xf32, #tpu.memory_space<vmem>> -> memref<1x128x128xf32, #tpu.memory_space<vmem>>
      %dma_wait3A_127 = tpu.memref_squeeze %dma_wait3A_126 : memref<1x128x128xf32, #tpu.memory_space<vmem>> -> memref<128x128xf32, #tpu.memory_space<vmem>>
      tpu.wait_dma2 semaphore(%run_scoped3A_89 : memref<!tpu.dma_semaphore, #tpu.memory_space<semaphore_mem>>) src(%dma_wait3A_127 : memref<128x128xf32, #tpu.memory_space<vmem>>) dst(%dma_wait3A_123 : memref<128x128xf32, #tpu.memory_space<hbm>>)
      tpu.yield
    }) : () -> ()
    %mul3A_65 = arith.constant 640 : i32
    %mul3A_66 = arith.muli %arg1, %mul3A_65 : i32
    %add3A_67 = arith.constant 128 : i32
    %add3A_68 = arith.addi %mul3A_66, %add3A_67 : i32
    %run_scoped3A_69 = arith.constant 0 : i32
    "tpu.region"() ({
      %run_scoped3A_89 = tpu.sem_alloc : memref<!tpu.dma_semaphore, #tpu.memory_space<semaphore_mem>>
      %dma_start3A = arith.constant 0 : i32
      %dma_start3A_90 = arith.constant 0 : i32
      %dma_start3A_91 = tpu.memref_slice %arg8[%run_scoped3A_69, %dma_start3A, %dma_start3A_90] : memref<2x128x128xf32, #tpu.memory_space<vmem>> -> memref<1x128x128xf32, #tpu.memory_space<vmem>>
      %dma_start3A_92 = tpu.memref_squeeze %dma_start3A_91 : memref<1x128x128xf32, #tpu.memory_space<vmem>> -> memref<128x128xf32, #tpu.memory_space<vmem>>
      %dma_start3A_93 = arith.constant 0 : i32
      %dma_start3A_94 = tpu.memref_slice %arg9[%add3A_68, %dma_start3A_93] : memref<10240x128xf32, #tpu.memory_space<vmem_shared>> -> memref<128x128xf32, #tpu.memory_space<vmem_shared>>
      %dma_start3A_95 = arith.constant 0 : i32
      %dma_start3A_96 = arith.constant 0 : i32
      %dma_start3A_97 = tpu.memref_slice %arg8[%run_scoped3A_69, %dma_start3A_95, %dma_start3A_96] : memref<2x128x128xf32, #tpu.memory_space<vmem>> -> memref<1x128x128xf32, #tpu.memory_space<vmem>>
      %dma_start3A_98 = tpu.memref_squeeze %dma_start3A_97 : memref<1x128x128xf32, #tpu.memory_space<vmem>> -> memref<128x128xf32, #tpu.memory_space<vmem>>
      %dma_start3A_99 = arith.constant 0 : i32
      %dma_start3A_100 = tpu.memref_slice %arg9[%add3A_68, %dma_start3A_99] : memref<10240x128xf32, #tpu.memory_space<vmem_shared>> -> memref<128x128xf32, #tpu.memory_space<vmem_shared>>
      tpu.enqueue_dma source(%dma_start3A_100 : memref<128x128xf32, #tpu.memory_space<vmem_shared>>) target(%dma_start3A_98 : memref<128x128xf32, #tpu.memory_space<vmem>>) target_semaphore(%run_scoped3A_89 : memref<!tpu.dma_semaphore, #tpu.memory_space<semaphore_mem>>)
      %dma_wait3A = arith.constant 0 : i32
      %dma_wait3A_101 = arith.constant 0 : i32
      %dma_wait3A_102 = tpu.memref_slice %arg8[%run_scoped3A_69, %dma_wait3A, %dma_wait3A_101] : memref<2x128x128xf32, #tpu.memory_space<vmem>> -> memref<1x128x128xf32, #tpu.memory_space<vmem>>
      %dma_wait3A_103 = tpu.memref_squeeze %dma_wait3A_102 : memref<1x128x128xf32, #tpu.memory_space<vmem>> -> memref<128x128xf32, #tpu.memory_space<vmem>>
      %dma_wait3A_104 = arith.constant 0 : i32
      %dma_wait3A_105 = tpu.memref_slice %arg9[%add3A_68, %dma_wait3A_104] : memref<10240x128xf32, #tpu.memory_space<vmem_shared>> -> memref<128x128xf32, #tpu.memory_space<vmem_shared>>
      %dma_wait3A_106 = arith.constant 0 : i32
      %dma_wait3A_107 = arith.constant 0 : i32
      %dma_wait3A_108 = tpu.memref_slice %arg8[%run_scoped3A_69, %dma_wait3A_106, %dma_wait3A_107] : memref<2x128x128xf32, #tpu.memory_space<vmem>> -> memref<1x128x128xf32, #tpu.memory_space<vmem>>
      %dma_wait3A_109 = tpu.memref_squeeze %dma_wait3A_108 : memref<1x128x128xf32, #tpu.memory_space<vmem>> -> memref<128x128xf32, #tpu.memory_space<vmem>>
      %dma_wait3A_110 = arith.constant 0 : i32
      %dma_wait3A_111 = tpu.memref_slice %arg9[%add3A_68, %dma_wait3A_110] : memref<10240x128xf32, #tpu.memory_space<vmem_shared>> -> memref<128x128xf32, #tpu.memory_space<vmem_shared>>
      tpu.wait_dma2 semaphore(%run_scoped3A_89 : memref<!tpu.dma_semaphore, #tpu.memory_space<semaphore_mem>>) src(%dma_wait3A_111 : memref<128x128xf32, #tpu.memory_space<vmem_shared>>) dst(%dma_wait3A_109 : memref<128x128xf32, #tpu.memory_space<vmem>>)
      tpu.yield
    }) : () -> ()
    %run_scoped3A_70 = arith.constant 0 : i32
    "tpu.region"() ({
      %run_scoped3A_89 = tpu.sem_alloc : memref<!tpu.dma_semaphore, #tpu.memory_space<semaphore_mem>>
      %dma_start3A = arith.constant 0 : i32
      %dma_start3A_90 = arith.constant 0 : i32
      %dma_start3A_91 = tpu.memref_slice %arg8[%run_scoped3A_70, %dma_start3A, %dma_start3A_90] : memref<2x128x128xf32, #tpu.memory_space<vmem>> -> memref<1x128x128xf32, #tpu.memory_space<vmem>>
      %dma_start3A_92 = tpu.memref_squeeze %dma_start3A_91 : memref<1x128x128xf32, #tpu.memory_space<vmem>> -> memref<128x128xf32, #tpu.memory_space<vmem>>
      %dma_start3A_93 = arith.constant 0 : i32
      %dma_start3A_94 = arith.constant 0 : i32
      %dma_start3A_95 = tpu.memref_slice %arg5[%arg0, %dma_start3A_93, %dma_start3A_94] : memref<2x10240x128xf32, #tpu.memory_space<hbm>> -> memref<1x10240x128xf32, #tpu.memory_space<hbm>>
      %dma_start3A_96 = tpu.memref_squeeze %dma_start3A_95 : memref<1x10240x128xf32, #tpu.memory_space<hbm>> -> memref<10240x128xf32, #tpu.memory_space<hbm>>
      %dma_start3A_97 = arith.constant 0 : i32
      %dma_start3A_98 = tpu.memref_slice %dma_start3A_96[%add3A_68, %dma_start3A_97] : memref<10240x128xf32, #tpu.memory_space<hbm>> -> memref<128x128xf32, #tpu.memory_space<hbm>>
      %dma_start3A_99 = arith.constant 0 : i32
      %dma_start3A_100 = arith.constant 0 : i32
      %dma_start3A_101 = tpu.memref_slice %arg5[%arg0, %dma_start3A_99, %dma_start3A_100] : memref<2x10240x128xf32, #tpu.memory_space<hbm>> -> memref<1x10240x128xf32, #tpu.memory_space<hbm>>
      %dma_start3A_102 = tpu.memref_squeeze %dma_start3A_101 : memref<1x10240x128xf32, #tpu.memory_space<hbm>> -> memref<10240x128xf32, #tpu.memory_space<hbm>>
      %dma_start3A_103 = arith.constant 0 : i32
      %dma_start3A_104 = tpu.memref_slice %dma_start3A_102[%add3A_68, %dma_start3A_103] : memref<10240x128xf32, #tpu.memory_space<hbm>> -> memref<128x128xf32, #tpu.memory_space<hbm>>
      %dma_start3A_105 = arith.constant 0 : i32
      %dma_start3A_106 = arith.constant 0 : i32
      %dma_start3A_107 = tpu.memref_slice %arg8[%run_scoped3A_70, %dma_start3A_105, %dma_start3A_106] : memref<2x128x128xf32, #tpu.memory_space<vmem>> -> memref<1x128x128xf32, #tpu.memory_space<vmem>>
      %dma_start3A_108 = tpu.memref_squeeze %dma_start3A_107 : memref<1x128x128xf32, #tpu.memory_space<vmem>> -> memref<128x128xf32, #tpu.memory_space<vmem>>
      tpu.enqueue_dma source(%dma_start3A_108 : memref<128x128xf32, #tpu.memory_space<vmem>>) target(%dma_start3A_104 : memref<128x128xf32, #tpu.memory_space<hbm>>) target_semaphore(%run_scoped3A_89 : memref<!tpu.dma_semaphore, #tpu.memory_space<semaphore_mem>>)
      %dma_wait3A = arith.constant 0 : i32
      %dma_wait3A_109 = arith.constant 0 : i32
      %dma_wait3A_110 = tpu.memref_slice %arg8[%run_scoped3A_70, %dma_wait3A, %dma_wait3A_109] : memref<2x128x128xf32, #tpu.memory_space<vmem>> -> memref<1x128x128xf32, #tpu.memory_space<vmem>>
      %dma_wait3A_111 = tpu.memref_squeeze %dma_wait3A_110 : memref<1x128x128xf32, #tpu.memory_space<vmem>> -> memref<128x128xf32, #tpu.memory_space<vmem>>
      %dma_wait3A_112 = arith.constant 0 : i32
      %dma_wait3A_113 = arith.constant 0 : i32
      %dma_wait3A_114 = tpu.memref_slice %arg5[%arg0, %dma_wait3A_112, %dma_wait3A_113] : memref<2x10240x128xf32, #tpu.memory_space<hbm>> -> memref<1x10240x128xf32, #tpu.memory_space<hbm>>
      %dma_wait3A_115 = tpu.memref_squeeze %dma_wait3A_114 : memref<1x10240x128xf32, #tpu.memory_space<hbm>> -> memref<10240x128xf32, #tpu.memory_space<hbm>>
      %dma_wait3A_116 = arith.constant 0 : i32
      %dma_wait3A_117 = tpu.memref_slice %dma_wait3A_115[%add3A_68, %dma_wait3A_116] : memref<10240x128xf32, #tpu.memory_space<hbm>> -> memref<128x128xf32, #tpu.memory_space<hbm>>
      %dma_wait3A_118 = arith.constant 0 : i32
      %dma_wait3A_119 = arith.constant 0 : i32
      %dma_wait3A_120 = tpu.memref_slice %arg5[%arg0, %dma_wait3A_118, %dma_wait3A_119] : memref<2x10240x128xf32, #tpu.memory_space<hbm>> -> memref<1x10240x128xf32, #tpu.memory_space<hbm>>
      %dma_wait3A_121 = tpu.memref_squeeze %dma_wait3A_120 : memref<1x10240x128xf32, #tpu.memory_space<hbm>> -> memref<10240x128xf32, #tpu.memory_space<hbm>>
      %dma_wait3A_122 = arith.constant 0 : i32
      %dma_wait3A_123 = tpu.memref_slice %dma_wait3A_121[%add3A_68, %dma_wait3A_122] : memref<10240x128xf32, #tpu.memory_space<hbm>> -> memref<128x128xf32, #tpu.memory_space<hbm>>
      %dma_wait3A_124 = arith.constant 0 : i32
      %dma_wait3A_125 = arith.constant 0 : i32
      %dma_wait3A_126 = tpu.memref_slice %arg8[%run_scoped3A_70, %dma_wait3A_124, %dma_wait3A_125] : memref<2x128x128xf32, #tpu.memory_space<vmem>> -> memref<1x128x128xf32, #tpu.memory_space<vmem>>
      %dma_wait3A_127 = tpu.memref_squeeze %dma_wait3A_126 : memref<1x128x128xf32, #tpu.memory_space<vmem>> -> memref<128x128xf32, #tpu.memory_space<vmem>>
      tpu.wait_dma2 semaphore(%run_scoped3A_89 : memref<!tpu.dma_semaphore, #tpu.memory_space<semaphore_mem>>) src(%dma_wait3A_127 : memref<128x128xf32, #tpu.memory_space<vmem>>) dst(%dma_wait3A_123 : memref<128x128xf32, #tpu.memory_space<hbm>>)
      tpu.yield
    }) : () -> ()
    %mul3A_71 = arith.constant 640 : i32
    %mul3A_72 = arith.muli %arg1, %mul3A_71 : i32
    %add3A_73 = arith.constant 256 : i32
    %add3A_74 = arith.addi %mul3A_72, %add3A_73 : i32
    %run_scoped3A_75 = arith.constant 0 : i32
    "tpu.region"() ({
      %run_scoped3A_89 = tpu.sem_alloc : memref<!tpu.dma_semaphore, #tpu.memory_space<semaphore_mem>>
      %dma_start3A = arith.constant 0 : i32
      %dma_start3A_90 = arith.constant 0 : i32
      %dma_start3A_91 = tpu.memref_slice %arg8[%run_scoped3A_75, %dma_start3A, %dma_start3A_90] : memref<2x128x128xf32, #tpu.memory_space<vmem>> -> memref<1x128x128xf32, #tpu.memory_space<vmem>>
      %dma_start3A_92 = tpu.memref_squeeze %dma_start3A_91 : memref<1x128x128xf32, #tpu.memory_space<vmem>> -> memref<128x128xf32, #tpu.memory_space<vmem>>
      %dma_start3A_93 = arith.constant 0 : i32
      %dma_start3A_94 = tpu.memref_slice %arg9[%add3A_74, %dma_start3A_93] : memref<10240x128xf32, #tpu.memory_space<vmem_shared>> -> memref<128x128xf32, #tpu.memory_space<vmem_shared>>
      %dma_start3A_95 = arith.constant 0 : i32
      %dma_start3A_96 = arith.constant 0 : i32
      %dma_start3A_97 = tpu.memref_slice %arg8[%run_scoped3A_75, %dma_start3A_95, %dma_start3A_96] : memref<2x128x128xf32, #tpu.memory_space<vmem>> -> memref<1x128x128xf32, #tpu.memory_space<vmem>>
      %dma_start3A_98 = tpu.memref_squeeze %dma_start3A_97 : memref<1x128x128xf32, #tpu.memory_space<vmem>> -> memref<128x128xf32, #tpu.memory_space<vmem>>
      %dma_start3A_99 = arith.constant 0 : i32
      %dma_start3A_100 = tpu.memref_slice %arg9[%add3A_74, %dma_start3A_99] : memref<10240x128xf32, #tpu.memory_space<vmem_shared>> -> memref<128x128xf32, #tpu.memory_space<vmem_shared>>
      tpu.enqueue_dma source(%dma_start3A_100 : memref<128x128xf32, #tpu.memory_space<vmem_shared>>) target(%dma_start3A_98 : memref<128x128xf32, #tpu.memory_space<vmem>>) target_semaphore(%run_scoped3A_89 : memref<!tpu.dma_semaphore, #tpu.memory_space<semaphore_mem>>)
      %dma_wait3A = arith.constant 0 : i32
      %dma_wait3A_101 = arith.constant 0 : i32
      %dma_wait3A_102 = tpu.memref_slice %arg8[%run_scoped3A_75, %dma_wait3A, %dma_wait3A_101] : memref<2x128x128xf32, #tpu.memory_space<vmem>> -> memref<1x128x128xf32, #tpu.memory_space<vmem>>
      %dma_wait3A_103 = tpu.memref_squeeze %dma_wait3A_102 : memref<1x128x128xf32, #tpu.memory_space<vmem>> -> memref<128x128xf32, #tpu.memory_space<vmem>>
      %dma_wait3A_104 = arith.constant 0 : i32
      %dma_wait3A_105 = tpu.memref_slice %arg9[%add3A_74, %dma_wait3A_104] : memref<10240x128xf32, #tpu.memory_space<vmem_shared>> -> memref<128x128xf32, #tpu.memory_space<vmem_shared>>
      %dma_wait3A_106 = arith.constant 0 : i32
      %dma_wait3A_107 = arith.constant 0 : i32
      %dma_wait3A_108 = tpu.memref_slice %arg8[%run_scoped3A_75, %dma_wait3A_106, %dma_wait3A_107] : memref<2x128x128xf32, #tpu.memory_space<vmem>> -> memref<1x128x128xf32, #tpu.memory_space<vmem>>
      %dma_wait3A_109 = tpu.memref_squeeze %dma_wait3A_108 : memref<1x128x128xf32, #tpu.memory_space<vmem>> -> memref<128x128xf32, #tpu.memory_space<vmem>>
      %dma_wait3A_110 = arith.constant 0 : i32
      %dma_wait3A_111 = tpu.memref_slice %arg9[%add3A_74, %dma_wait3A_110] : memref<10240x128xf32, #tpu.memory_space<vmem_shared>> -> memref<128x128xf32, #tpu.memory_space<vmem_shared>>
      tpu.wait_dma2 semaphore(%run_scoped3A_89 : memref<!tpu.dma_semaphore, #tpu.memory_space<semaphore_mem>>) src(%dma_wait3A_111 : memref<128x128xf32, #tpu.memory_space<vmem_shared>>) dst(%dma_wait3A_109 : memref<128x128xf32, #tpu.memory_space<vmem>>)
      tpu.yield
    }) : () -> ()
    %run_scoped3A_76 = arith.constant 0 : i32
    "tpu.region"() ({
      %run_scoped3A_89 = tpu.sem_alloc : memref<!tpu.dma_semaphore, #tpu.memory_space<semaphore_mem>>
      %dma_start3A = arith.constant 0 : i32
      %dma_start3A_90 = arith.constant 0 : i32
      %dma_start3A_91 = tpu.memref_slice %arg8[%run_scoped3A_76, %dma_start3A, %dma_start3A_90] : memref<2x128x128xf32, #tpu.memory_space<vmem>> -> memref<1x128x128xf32, #tpu.memory_space<vmem>>
      %dma_start3A_92 = tpu.memref_squeeze %dma_start3A_91 : memref<1x128x128xf32, #tpu.memory_space<vmem>> -> memref<128x128xf32, #tpu.memory_space<vmem>>
      %dma_start3A_93 = arith.constant 0 : i32
      %dma_start3A_94 = arith.constant 0 : i32
      %dma_start3A_95 = tpu.memref_slice %arg5[%arg0, %dma_start3A_93, %dma_start3A_94] : memref<2x10240x128xf32, #tpu.memory_space<hbm>> -> memref<1x10240x128xf32, #tpu.memory_space<hbm>>
      %dma_start3A_96 = tpu.memref_squeeze %dma_start3A_95 : memref<1x10240x128xf32, #tpu.memory_space<hbm>> -> memref<10240x128xf32, #tpu.memory_space<hbm>>
      %dma_start3A_97 = arith.constant 0 : i32
      %dma_start3A_98 = tpu.memref_slice %dma_start3A_96[%add3A_74, %dma_start3A_97] : memref<10240x128xf32, #tpu.memory_space<hbm>> -> memref<128x128xf32, #tpu.memory_space<hbm>>
      %dma_start3A_99 = arith.constant 0 : i32
      %dma_start3A_100 = arith.constant 0 : i32
      %dma_start3A_101 = tpu.memref_slice %arg5[%arg0, %dma_start3A_99, %dma_start3A_100] : memref<2x10240x128xf32, #tpu.memory_space<hbm>> -> memref<1x10240x128xf32, #tpu.memory_space<hbm>>
      %dma_start3A_102 = tpu.memref_squeeze %dma_start3A_101 : memref<1x10240x128xf32, #tpu.memory_space<hbm>> -> memref<10240x128xf32, #tpu.memory_space<hbm>>
      %dma_start3A_103 = arith.constant 0 : i32
      %dma_start3A_104 = tpu.memref_slice %dma_start3A_102[%add3A_74, %dma_start3A_103] : memref<10240x128xf32, #tpu.memory_space<hbm>> -> memref<128x128xf32, #tpu.memory_space<hbm>>
      %dma_start3A_105 = arith.constant 0 : i32
      %dma_start3A_106 = arith.constant 0 : i32
      %dma_start3A_107 = tpu.memref_slice %arg8[%run_scoped3A_76, %dma_start3A_105, %dma_start3A_106] : memref<2x128x128xf32, #tpu.memory_space<vmem>> -> memref<1x128x128xf32, #tpu.memory_space<vmem>>
      %dma_start3A_108 = tpu.memref_squeeze %dma_start3A_107 : memref<1x128x128xf32, #tpu.memory_space<vmem>> -> memref<128x128xf32, #tpu.memory_space<vmem>>
      tpu.enqueue_dma source(%dma_start3A_108 : memref<128x128xf32, #tpu.memory_space<vmem>>) target(%dma_start3A_104 : memref<128x128xf32, #tpu.memory_space<hbm>>) target_semaphore(%run_scoped3A_89 : memref<!tpu.dma_semaphore, #tpu.memory_space<semaphore_mem>>)
      %dma_wait3A = arith.constant 0 : i32
      %dma_wait3A_109 = arith.constant 0 : i32
      %dma_wait3A_110 = tpu.memref_slice %arg8[%run_scoped3A_76, %dma_wait3A, %dma_wait3A_109] : memref<2x128x128xf32, #tpu.memory_space<vmem>> -> memref<1x128x128xf32, #tpu.memory_space<vmem>>
      %dma_wait3A_111 = tpu.memref_squeeze %dma_wait3A_110 : memref<1x128x128xf32, #tpu.memory_space<vmem>> -> memref<128x128xf32, #tpu.memory_space<vmem>>
      %dma_wait3A_112 = arith.constant 0 : i32
      %dma_wait3A_113 = arith.constant 0 : i32
      %dma_wait3A_114 = tpu.memref_slice %arg5[%arg0, %dma_wait3A_112, %dma_wait3A_113] : memref<2x10240x128xf32, #tpu.memory_space<hbm>> -> memref<1x10240x128xf32, #tpu.memory_space<hbm>>
      %dma_wait3A_115 = tpu.memref_squeeze %dma_wait3A_114 : memref<1x10240x128xf32, #tpu.memory_space<hbm>> -> memref<10240x128xf32, #tpu.memory_space<hbm>>
      %dma_wait3A_116 = arith.constant 0 : i32
      %dma_wait3A_117 = tpu.memref_slice %dma_wait3A_115[%add3A_74, %dma_wait3A_116] : memref<10240x128xf32, #tpu.memory_space<hbm>> -> memref<128x128xf32, #tpu.memory_space<hbm>>
      %dma_wait3A_118 = arith.constant 0 : i32
      %dma_wait3A_119 = arith.constant 0 : i32
      %dma_wait3A_120 = tpu.memref_slice %arg5[%arg0, %dma_wait3A_118, %dma_wait3A_119] : memref<2x10240x128xf32, #tpu.memory_space<hbm>> -> memref<1x10240x128xf32, #tpu.memory_space<hbm>>
      %dma_wait3A_121 = tpu.memref_squeeze %dma_wait3A_120 : memref<1x10240x128xf32, #tpu.memory_space<hbm>> -> memref<10240x128xf32, #tpu.memory_space<hbm>>
      %dma_wait3A_122 = arith.constant 0 : i32
      %dma_wait3A_123 = tpu.memref_slice %dma_wait3A_121[%add3A_74, %dma_wait3A_122] : memref<10240x128xf32, #tpu.memory_space<hbm>> -> memref<128x128xf32, #tpu.memory_space<hbm>>
      %dma_wait3A_124 = arith.constant 0 : i32
      %dma_wait3A_125 = arith.constant 0 : i32
      %dma_wait3A_126 = tpu.memref_slice %arg8[%run_scoped3A_76, %dma_wait3A_124, %dma_wait3A_125] : memref<2x128x128xf32, #tpu.memory_space<vmem>> -> memref<1x128x128xf32, #tpu.memory_space<vmem>>
      %dma_wait3A_127 = tpu.memref_squeeze %dma_wait3A_126 : memref<1x128x128xf32, #tpu.memory_space<vmem>> -> memref<128x128xf32, #tpu.memory_space<vmem>>
      tpu.wait_dma2 semaphore(%run_scoped3A_89 : memref<!tpu.dma_semaphore, #tpu.memory_space<semaphore_mem>>) src(%dma_wait3A_127 : memref<128x128xf32, #tpu.memory_space<vmem>>) dst(%dma_wait3A_123 : memref<128x128xf32, #tpu.memory_space<hbm>>)
      tpu.yield
    }) : () -> ()
    %mul3A_77 = arith.constant 640 : i32
    %mul3A_78 = arith.muli %arg1, %mul3A_77 : i32
    %add3A_79 = arith.constant 384 : i32
    %add3A_80 = arith.addi %mul3A_78, %add3A_79 : i32
    %run_scoped3A_81 = arith.constant 0 : i32
    "tpu.region"() ({
      %run_scoped3A_89 = tpu.sem_alloc : memref<!tpu.dma_semaphore, #tpu.memory_space<semaphore_mem>>
      %dma_start3A = arith.constant 0 : i32
      %dma_start3A_90 = arith.constant 0 : i32
      %dma_start3A_91 = tpu.memref_slice %arg8[%run_scoped3A_81, %dma_start3A, %dma_start3A_90] : memref<2x128x128xf32, #tpu.memory_space<vmem>> -> memref<1x128x128xf32, #tpu.memory_space<vmem>>
      %dma_start3A_92 = tpu.memref_squeeze %dma_start3A_91 : memref<1x128x128xf32, #tpu.memory_space<vmem>> -> memref<128x128xf32, #tpu.memory_space<vmem>>
      %dma_start3A_93 = arith.constant 0 : i32
      %dma_start3A_94 = tpu.memref_slice %arg9[%add3A_80, %dma_start3A_93] : memref<10240x128xf32, #tpu.memory_space<vmem_shared>> -> memref<128x128xf32, #tpu.memory_space<vmem_shared>>
      %dma_start3A_95 = arith.constant 0 : i32
      %dma_start3A_96 = arith.constant 0 : i32
      %dma_start3A_97 = tpu.memref_slice %arg8[%run_scoped3A_81, %dma_start3A_95, %dma_start3A_96] : memref<2x128x128xf32, #tpu.memory_space<vmem>> -> memref<1x128x128xf32, #tpu.memory_space<vmem>>
      %dma_start3A_98 = tpu.memref_squeeze %dma_start3A_97 : memref<1x128x128xf32, #tpu.memory_space<vmem>> -> memref<128x128xf32, #tpu.memory_space<vmem>>
      %dma_start3A_99 = arith.constant 0 : i32
      %dma_start3A_100 = tpu.memref_slice %arg9[%add3A_80, %dma_start3A_99] : memref<10240x128xf32, #tpu.memory_space<vmem_shared>> -> memref<128x128xf32, #tpu.memory_space<vmem_shared>>
      tpu.enqueue_dma source(%dma_start3A_100 : memref<128x128xf32, #tpu.memory_space<vmem_shared>>) target(%dma_start3A_98 : memref<128x128xf32, #tpu.memory_space<vmem>>) target_semaphore(%run_scoped3A_89 : memref<!tpu.dma_semaphore, #tpu.memory_space<semaphore_mem>>)
      %dma_wait3A = arith.constant 0 : i32
      %dma_wait3A_101 = arith.constant 0 : i32
      %dma_wait3A_102 = tpu.memref_slice %arg8[%run_scoped3A_81, %dma_wait3A, %dma_wait3A_101] : memref<2x128x128xf32, #tpu.memory_space<vmem>> -> memref<1x128x128xf32, #tpu.memory_space<vmem>>
      %dma_wait3A_103 = tpu.memref_squeeze %dma_wait3A_102 : memref<1x128x128xf32, #tpu.memory_space<vmem>> -> memref<128x128xf32, #tpu.memory_space<vmem>>
      %dma_wait3A_104 = arith.constant 0 : i32
      %dma_wait3A_105 = tpu.memref_slice %arg9[%add3A_80, %dma_wait3A_104] : memref<10240x128xf32, #tpu.memory_space<vmem_shared>> -> memref<128x128xf32, #tpu.memory_space<vmem_shared>>
      %dma_wait3A_106 = arith.constant 0 : i32
      %dma_wait3A_107 = arith.constant 0 : i32
      %dma_wait3A_108 = tpu.memref_slice %arg8[%run_scoped3A_81, %dma_wait3A_106, %dma_wait3A_107] : memref<2x128x128xf32, #tpu.memory_space<vmem>> -> memref<1x128x128xf32, #tpu.memory_space<vmem>>
      %dma_wait3A_109 = tpu.memref_squeeze %dma_wait3A_108 : memref<1x128x128xf32, #tpu.memory_space<vmem>> -> memref<128x128xf32, #tpu.memory_space<vmem>>
      %dma_wait3A_110 = arith.constant 0 : i32
      %dma_wait3A_111 = tpu.memref_slice %arg9[%add3A_80, %dma_wait3A_110] : memref<10240x128xf32, #tpu.memory_space<vmem_shared>> -> memref<128x128xf32, #tpu.memory_space<vmem_shared>>
      tpu.wait_dma2 semaphore(%run_scoped3A_89 : memref<!tpu.dma_semaphore, #tpu.memory_space<semaphore_mem>>) src(%dma_wait3A_111 : memref<128x128xf32, #tpu.memory_space<vmem_shared>>) dst(%dma_wait3A_109 : memref<128x128xf32, #tpu.memory_space<vmem>>)
      tpu.yield
    }) : () -> ()
    %run_scoped3A_82 = arith.constant 0 : i32
    "tpu.region"() ({
      %run_scoped3A_89 = tpu.sem_alloc : memref<!tpu.dma_semaphore, #tpu.memory_space<semaphore_mem>>
      %dma_start3A = arith.constant 0 : i32
      %dma_start3A_90 = arith.constant 0 : i32
      %dma_start3A_91 = tpu.memref_slice %arg8[%run_scoped3A_82, %dma_start3A, %dma_start3A_90] : memref<2x128x128xf32, #tpu.memory_space<vmem>> -> memref<1x128x128xf32, #tpu.memory_space<vmem>>
      %dma_start3A_92 = tpu.memref_squeeze %dma_start3A_91 : memref<1x128x128xf32, #tpu.memory_space<vmem>> -> memref<128x128xf32, #tpu.memory_space<vmem>>
      %dma_start3A_93 = arith.constant 0 : i32
      %dma_start3A_94 = arith.constant 0 : i32
      %dma_start3A_95 = tpu.memref_slice %arg5[%arg0, %dma_start3A_93, %dma_start3A_94] : memref<2x10240x128xf32, #tpu.memory_space<hbm>> -> memref<1x10240x128xf32, #tpu.memory_space<hbm>>
      %dma_start3A_96 = tpu.memref_squeeze %dma_start3A_95 : memref<1x10240x128xf32, #tpu.memory_space<hbm>> -> memref<10240x128xf32, #tpu.memory_space<hbm>>
      %dma_start3A_97 = arith.constant 0 : i32
      %dma_start3A_98 = tpu.memref_slice %dma_start3A_96[%add3A_80, %dma_start3A_97] : memref<10240x128xf32, #tpu.memory_space<hbm>> -> memref<128x128xf32, #tpu.memory_space<hbm>>
      %dma_start3A_99 = arith.constant 0 : i32
      %dma_start3A_100 = arith.constant 0 : i32
      %dma_start3A_101 = tpu.memref_slice %arg5[%arg0, %dma_start3A_99, %dma_start3A_100] : memref<2x10240x128xf32, #tpu.memory_space<hbm>> -> memref<1x10240x128xf32, #tpu.memory_space<hbm>>
      %dma_start3A_102 = tpu.memref_squeeze %dma_start3A_101 : memref<1x10240x128xf32, #tpu.memory_space<hbm>> -> memref<10240x128xf32, #tpu.memory_space<hbm>>
      %dma_start3A_103 = arith.constant 0 : i32
      %dma_start3A_104 = tpu.memref_slice %dma_start3A_102[%add3A_80, %dma_start3A_103] : memref<10240x128xf32, #tpu.memory_space<hbm>> -> memref<128x128xf32, #tpu.memory_space<hbm>>
      %dma_start3A_105 = arith.constant 0 : i32
      %dma_start3A_106 = arith.constant 0 : i32
      %dma_start3A_107 = tpu.memref_slice %arg8[%run_scoped3A_82, %dma_start3A_105, %dma_start3A_106] : memref<2x128x128xf32, #tpu.memory_space<vmem>> -> memref<1x128x128xf32, #tpu.memory_space<vmem>>
      %dma_start3A_108 = tpu.memref_squeeze %dma_start3A_107 : memref<1x128x128xf32, #tpu.memory_space<vmem>> -> memref<128x128xf32, #tpu.memory_space<vmem>>
      tpu.enqueue_dma source(%dma_start3A_108 : memref<128x128xf32, #tpu.memory_space<vmem>>) target(%dma_start3A_104 : memref<128x128xf32, #tpu.memory_space<hbm>>) target_semaphore(%run_scoped3A_89 : memref<!tpu.dma_semaphore, #tpu.memory_space<semaphore_mem>>)
      %dma_wait3A = arith.constant 0 : i32
      %dma_wait3A_109 = arith.constant 0 : i32
      %dma_wait3A_110 = tpu.memref_slice %arg8[%run_scoped3A_82, %dma_wait3A, %dma_wait3A_109] : memref<2x128x128xf32, #tpu.memory_space<vmem>> -> memref<1x128x128xf32, #tpu.memory_space<vmem>>
      %dma_wait3A_111 = tpu.memref_squeeze %dma_wait3A_110 : memref<1x128x128xf32, #tpu.memory_space<vmem>> -> memref<128x128xf32, #tpu.memory_space<vmem>>
      %dma_wait3A_112 = arith.constant 0 : i32
      %dma_wait3A_113 = arith.constant 0 : i32
      %dma_wait3A_114 = tpu.memref_slice %arg5[%arg0, %dma_wait3A_112, %dma_wait3A_113] : memref<2x10240x128xf32, #tpu.memory_space<hbm>> -> memref<1x10240x128xf32, #tpu.memory_space<hbm>>
      %dma_wait3A_115 = tpu.memref_squeeze %dma_wait3A_114 : memref<1x10240x128xf32, #tpu.memory_space<hbm>> -> memref<10240x128xf32, #tpu.memory_space<hbm>>
      %dma_wait3A_116 = arith.constant 0 : i32
      %dma_wait3A_117 = tpu.memref_slice %dma_wait3A_115[%add3A_80, %dma_wait3A_116] : memref<10240x128xf32, #tpu.memory_space<hbm>> -> memref<128x128xf32, #tpu.memory_space<hbm>>
      %dma_wait3A_118 = arith.constant 0 : i32
      %dma_wait3A_119 = arith.constant 0 : i32
      %dma_wait3A_120 = tpu.memref_slice %arg5[%arg0, %dma_wait3A_118, %dma_wait3A_119] : memref<2x10240x128xf32, #tpu.memory_space<hbm>> -> memref<1x10240x128xf32, #tpu.memory_space<hbm>>
      %dma_wait3A_121 = tpu.memref_squeeze %dma_wait3A_120 : memref<1x10240x128xf32, #tpu.memory_space<hbm>> -> memref<10240x128xf32, #tpu.memory_space<hbm>>
      %dma_wait3A_122 = arith.constant 0 : i32
      %dma_wait3A_123 = tpu.memref_slice %dma_wait3A_121[%add3A_80, %dma_wait3A_122] : memref<10240x128xf32, #tpu.memory_space<hbm>> -> memref<128x128xf32, #tpu.memory_space<hbm>>
      %dma_wait3A_124 = arith.constant 0 : i32
      %dma_wait3A_125 = arith.constant 0 : i32
      %dma_wait3A_126 = tpu.memref_slice %arg8[%run_scoped3A_82, %dma_wait3A_124, %dma_wait3A_125] : memref<2x128x128xf32, #tpu.memory_space<vmem>> -> memref<1x128x128xf32, #tpu.memory_space<vmem>>
      %dma_wait3A_127 = tpu.memref_squeeze %dma_wait3A_126 : memref<1x128x128xf32, #tpu.memory_space<vmem>> -> memref<128x128xf32, #tpu.memory_space<vmem>>
      tpu.wait_dma2 semaphore(%run_scoped3A_89 : memref<!tpu.dma_semaphore, #tpu.memory_space<semaphore_mem>>) src(%dma_wait3A_127 : memref<128x128xf32, #tpu.memory_space<vmem>>) dst(%dma_wait3A_123 : memref<128x128xf32, #tpu.memory_space<hbm>>)
      tpu.yield
    }) : () -> ()
    %mul3A_83 = arith.constant 640 : i32
    %mul3A_84 = arith.muli %arg1, %mul3A_83 : i32
    %add3A_85 = arith.constant 512 : i32
    %add3A_86 = arith.addi %mul3A_84, %add3A_85 : i32
    %run_scoped3A_87 = arith.constant 0 : i32
    "tpu.region"() ({
      %run_scoped3A_89 = tpu.sem_alloc : memref<!tpu.dma_semaphore, #tpu.memory_space<semaphore_mem>>
      %dma_start3A = arith.constant 0 : i32
      %dma_start3A_90 = arith.constant 0 : i32
      %dma_start3A_91 = tpu.memref_slice %arg8[%run_scoped3A_87, %dma_start3A, %dma_start3A_90] : memref<2x128x128xf32, #tpu.memory_space<vmem>> -> memref<1x128x128xf32, #tpu.memory_space<vmem>>
      %dma_start3A_92 = tpu.memref_squeeze %dma_start3A_91 : memref<1x128x128xf32, #tpu.memory_space<vmem>> -> memref<128x128xf32, #tpu.memory_space<vmem>>
      %dma_start3A_93 = arith.constant 0 : i32
      %dma_start3A_94 = tpu.memref_slice %arg9[%add3A_86, %dma_start3A_93] : memref<10240x128xf32, #tpu.memory_space<vmem_shared>> -> memref<128x128xf32, #tpu.memory_space<vmem_shared>>
      %dma_start3A_95 = arith.constant 0 : i32
      %dma_start3A_96 = arith.constant 0 : i32
      %dma_start3A_97 = tpu.memref_slice %arg8[%run_scoped3A_87, %dma_start3A_95, %dma_start3A_96] : memref<2x128x128xf32, #tpu.memory_space<vmem>> -> memref<1x128x128xf32, #tpu.memory_space<vmem>>
      %dma_start3A_98 = tpu.memref_squeeze %dma_start3A_97 : memref<1x128x128xf32, #tpu.memory_space<vmem>> -> memref<128x128xf32, #tpu.memory_space<vmem>>
      %dma_start3A_99 = arith.constant 0 : i32
      %dma_start3A_100 = tpu.memref_slice %arg9[%add3A_86, %dma_start3A_99] : memref<10240x128xf32, #tpu.memory_space<vmem_shared>> -> memref<128x128xf32, #tpu.memory_space<vmem_shared>>
      tpu.enqueue_dma source(%dma_start3A_100 : memref<128x128xf32, #tpu.memory_space<vmem_shared>>) target(%dma_start3A_98 : memref<128x128xf32, #tpu.memory_space<vmem>>) target_semaphore(%run_scoped3A_89 : memref<!tpu.dma_semaphore, #tpu.memory_space<semaphore_mem>>)
      %dma_wait3A = arith.constant 0 : i32
      %dma_wait3A_101 = arith.constant 0 : i32
      %dma_wait3A_102 = tpu.memref_slice %arg8[%run_scoped3A_87, %dma_wait3A, %dma_wait3A_101] : memref<2x128x128xf32, #tpu.memory_space<vmem>> -> memref<1x128x128xf32, #tpu.memory_space<vmem>>
      %dma_wait3A_103 = tpu.memref_squeeze %dma_wait3A_102 : memref<1x128x128xf32, #tpu.memory_space<vmem>> -> memref<128x128xf32, #tpu.memory_space<vmem>>
      %dma_wait3A_104 = arith.constant 0 : i32
      %dma_wait3A_105 = tpu.memref_slice %arg9[%add3A_86, %dma_wait3A_104] : memref<10240x128xf32, #tpu.memory_space<vmem_shared>> -> memref<128x128xf32, #tpu.memory_space<vmem_shared>>
      %dma_wait3A_106 = arith.constant 0 : i32
      %dma_wait3A_107 = arith.constant 0 : i32
      %dma_wait3A_108 = tpu.memref_slice %arg8[%run_scoped3A_87, %dma_wait3A_106, %dma_wait3A_107] : memref<2x128x128xf32, #tpu.memory_space<vmem>> -> memref<1x128x128xf32, #tpu.memory_space<vmem>>
      %dma_wait3A_109 = tpu.memref_squeeze %dma_wait3A_108 : memref<1x128x128xf32, #tpu.memory_space<vmem>> -> memref<128x128xf32, #tpu.memory_space<vmem>>
      %dma_wait3A_110 = arith.constant 0 : i32
      %dma_wait3A_111 = tpu.memref_slice %arg9[%add3A_86, %dma_wait3A_110] : memref<10240x128xf32, #tpu.memory_space<vmem_shared>> -> memref<128x128xf32, #tpu.memory_space<vmem_shared>>
      tpu.wait_dma2 semaphore(%run_scoped3A_89 : memref<!tpu.dma_semaphore, #tpu.memory_space<semaphore_mem>>) src(%dma_wait3A_111 : memref<128x128xf32, #tpu.memory_space<vmem_shared>>) dst(%dma_wait3A_109 : memref<128x128xf32, #tpu.memory_space<vmem>>)
      tpu.yield
    }) : () -> ()
    %run_scoped3A_88 = arith.constant 0 : i32
    "tpu.region"() ({
      %run_scoped3A_89 = tpu.sem_alloc : memref<!tpu.dma_semaphore, #tpu.memory_space<semaphore_mem>>
      %dma_start3A = arith.constant 0 : i32
      %dma_start3A_90 = arith.constant 0 : i32
      %dma_start3A_91 = tpu.memref_slice %arg8[%run_scoped3A_88, %dma_start3A, %dma_start3A_90] : memref<2x128x128xf32, #tpu.memory_space<vmem>> -> memref<1x128x128xf32, #tpu.memory_space<vmem>>
      %dma_start3A_92 = tpu.memref_squeeze %dma_start3A_91 : memref<1x128x128xf32, #tpu.memory_space<vmem>> -> memref<128x128xf32, #tpu.memory_space<vmem>>
      %dma_start3A_93 = arith.constant 0 : i32
      %dma_start3A_94 = arith.constant 0 : i32
      %dma_start3A_95 = tpu.memref_slice %arg5[%arg0, %dma_start3A_93, %dma_start3A_94] : memref<2x10240x128xf32, #tpu.memory_space<hbm>> -> memref<1x10240x128xf32, #tpu.memory_space<hbm>>
      %dma_start3A_96 = tpu.memref_squeeze %dma_start3A_95 : memref<1x10240x128xf32, #tpu.memory_space<hbm>> -> memref<10240x128xf32, #tpu.memory_space<hbm>>
      %dma_start3A_97 = arith.constant 0 : i32
      %dma_start3A_98 = tpu.memref_slice %dma_start3A_96[%add3A_86, %dma_start3A_97] : memref<10240x128xf32, #tpu.memory_space<hbm>> -> memref<128x128xf32, #tpu.memory_space<hbm>>
      %dma_start3A_99 = arith.constant 0 : i32
      %dma_start3A_100 = arith.constant 0 : i32
      %dma_start3A_101 = tpu.memref_slice %arg5[%arg0, %dma_start3A_99, %dma_start3A_100] : memref<2x10240x128xf32, #tpu.memory_space<hbm>> -> memref<1x10240x128xf32, #tpu.memory_space<hbm>>
      %dma_start3A_102 = tpu.memref_squeeze %dma_start3A_101 : memref<1x10240x128xf32, #tpu.memory_space<hbm>> -> memref<10240x128xf32, #tpu.memory_space<hbm>>
      %dma_start3A_103 = arith.constant 0 : i32
      %dma_start3A_104 = tpu.memref_slice %dma_start3A_102[%add3A_86, %dma_start3A_103] : memref<10240x128xf32, #tpu.memory_space<hbm>> -> memref<128x128xf32, #tpu.memory_space<hbm>>
      %dma_start3A_105 = arith.constant 0 : i32
      %dma_start3A_106 = arith.constant 0 : i32
      %dma_start3A_107 = tpu.memref_slice %arg8[%run_scoped3A_88, %dma_start3A_105, %dma_start3A_106] : memref<2x128x128xf32, #tpu.memory_space<vmem>> -> memref<1x128x128xf32, #tpu.memory_space<vmem>>
      %dma_start3A_108 = tpu.memref_squeeze %dma_start3A_107 : memref<1x128x128xf32, #tpu.memory_space<vmem>> -> memref<128x128xf32, #tpu.memory_space<vmem>>
      tpu.enqueue_dma source(%dma_start3A_108 : memref<128x128xf32, #tpu.memory_space<vmem>>) target(%dma_start3A_104 : memref<128x128xf32, #tpu.memory_space<hbm>>) target_semaphore(%run_scoped3A_89 : memref<!tpu.dma_semaphore, #tpu.memory_space<semaphore_mem>>)
      %dma_wait3A = arith.constant 0 : i32
      %dma_wait3A_109 = arith.constant 0 : i32
      %dma_wait3A_110 = tpu.memref_slice %arg8[%run_scoped3A_88, %dma_wait3A, %dma_wait3A_109] : memref<2x128x128xf32, #tpu.memory_space<vmem>> -> memref<1x128x128xf32, #tpu.memory_space<vmem>>
      %dma_wait3A_111 = tpu.memref_squeeze %dma_wait3A_110 : memref<1x128x128xf32, #tpu.memory_space<vmem>> -> memref<128x128xf32, #tpu.memory_space<vmem>>
      %dma_wait3A_112 = arith.constant 0 : i32
      %dma_wait3A_113 = arith.constant 0 : i32
      %dma_wait3A_114 = tpu.memref_slice %arg5[%arg0, %dma_wait3A_112, %dma_wait3A_113] : memref<2x10240x128xf32, #tpu.memory_space<hbm>> -> memref<1x10240x128xf32, #tpu.memory_space<hbm>>
      %dma_wait3A_115 = tpu.memref_squeeze %dma_wait3A_114 : memref<1x10240x128xf32, #tpu.memory_space<hbm>> -> memref<10240x128xf32, #tpu.memory_space<hbm>>
      %dma_wait3A_116 = arith.constant 0 : i32
      %dma_wait3A_117 = tpu.memref_slice %dma_wait3A_115[%add3A_86, %dma_wait3A_116] : memref<10240x128xf32, #tpu.memory_space<hbm>> -> memref<128x128xf32, #tpu.memory_space<hbm>>
      %dma_wait3A_118 = arith.constant 0 : i32
      %dma_wait3A_119 = arith.constant 0 : i32
      %dma_wait3A_120 = tpu.memref_slice %arg5[%arg0, %dma_wait3A_118, %dma_wait3A_119] : memref<2x10240x128xf32, #tpu.memory_space<hbm>> -> memref<1x10240x128xf32, #tpu.memory_space<hbm>>
      %dma_wait3A_121 = tpu.memref_squeeze %dma_wait3A_120 : memref<1x10240x128xf32, #tpu.memory_space<hbm>> -> memref<10240x128xf32, #tpu.memory_space<hbm>>
      %dma_wait3A_122 = arith.constant 0 : i32
      %dma_wait3A_123 = tpu.memref_slice %dma_wait3A_121[%add3A_86, %dma_wait3A_122] : memref<10240x128xf32, #tpu.memory_space<hbm>> -> memref<128x128xf32, #tpu.memory_space<hbm>>
      %dma_wait3A_124 = arith.constant 0 : i32
      %dma_wait3A_125 = arith.constant 0 : i32
      %dma_wait3A_126 = tpu.memref_slice %arg8[%run_scoped3A_88, %dma_wait3A_124, %dma_wait3A_125] : memref<2x128x128xf32, #tpu.memory_space<vmem>> -> memref<1x128x128xf32, #tpu.memory_space<vmem>>
      %dma_wait3A_127 = tpu.memref_squeeze %dma_wait3A_126 : memref<1x128x128xf32, #tpu.memory_space<vmem>> -> memref<128x128xf32, #tpu.memory_space<vmem>>
      tpu.wait_dma2 semaphore(%run_scoped3A_89 : memref<!tpu.dma_semaphore, #tpu.memory_space<semaphore_mem>>) src(%dma_wait3A_127 : memref<128x128xf32, #tpu.memory_space<vmem>>) dst(%dma_wait3A_123 : memref<128x128xf32, #tpu.memory_space<hbm>>)
      tpu.yield
    }) : () -> ()
    return
  }
}

#map = affine_map<(d0, d1) -> (0, 0)>
#map1 = affine_map<(d0, d1) -> (0, 0, 0)>
module attributes {stable_mosaic.version = 14 : i64} {
  func.func @k(%arg0: i32, %arg1: i32, %arg2: memref<10000x128xf32, #tpu.memory_space<hbm>>, %arg3: memref<2560x128xi32, #tpu.memory_space<hbm>>, %arg4: memref<2560x128xi32, #tpu.memory_space<hbm>>, %arg5: memref<2x10240x128xf32, #tpu.memory_space<hbm>>, %arg6: memref<32x128xi32, #tpu.memory_space<vmem>>, %arg7: memref<32x128xi32, #tpu.memory_space<vmem>>, %arg8: memref<2x128x128xf32, #tpu.memory_space<vmem>>, %arg9: memref<10240x128xf32, #tpu.memory_space<vmem_shared>>, %arg10: memref<!tpu.dma_semaphore, #tpu.memory_space<semaphore_mem>>) attributes {dimension_semantics = [#tpu.dimension_semantics<core_parallel>, #tpu.dimension_semantics<subcore_parallel>], iteration_bounds = array<i64: 2, 16>, scalar_prefetch = 0 : i64, scratch_operands = 5 : i64, tpu.core_type = #tpu.core_type<sc_vector_subcore>, window_params = [{transform_indices = #map}, {transform_indices = #map}, {transform_indices = #map}, {transform_indices = #map1}]} {
    %broadcast_in_dim3A = arith.constant 0.000000e+00 : f32
    %broadcast_in_dim3A_0 = vector.broadcast %broadcast_in_dim3A : f32 to vector<16xf32>
    %scan3A = arith.constant 0 : i32
    %scan3A_1 = arith.constant 0 : i32
    %scan3A_2 = arith.constant 0 : i32
    %scan3A_3 = arith.constant 128 : i32
    %scan3A_4 = arith.addi %scan3A_2, %scan3A_3 : i32
    %scan3A_5 = arith.constant 1 : i32
    %scan3A_6 = scf.for %scan3A_89 = %scan3A_2 to %scan3A_4 step %scan3A_5 iter_args(%scan3A_90 = %scan3A_1) -> (i32)  : i32 {
      %swap3A = arith.constant 0 : i32
      %swap3A_91 = arith.constant 0 : i32
      %swap3A_92 = tpu.memref_slice %arg8[%scan3A, %swap3A, %swap3A_91] : memref<2x128x128xf32, #tpu.memory_space<vmem>> -> memref<1x128x128xf32, #tpu.memory_space<vmem>>
      %swap3A_93 = tpu.memref_squeeze %swap3A_92 : memref<1x128x128xf32, #tpu.memory_space<vmem>> -> memref<128x128xf32, #tpu.memory_space<vmem>>
      %swap3A_94 = arith.index_cast %scan3A_89 : i32 to index
      %swap3A_95 = arith.constant 0 : index
      %swap3A_96 = tpu.vector_load %swap3A_93[%swap3A_94, %swap3A_95] {strides = array<i32>} : memref<128x128xf32, #tpu.memory_space<vmem>>, vector<1x16xf32>,
      %swap3A_97 = vector.shape_cast %swap3A_96 : vector<1x16xf32> to vector<16xf32>
      %swap3A_98 = vector.shape_cast %broadcast_in_dim3A_0 : vector<16xf32> to vector<1x16xf32>
      tpu.vector_store %swap3A_93[%swap3A_94, %swap3A_95], %swap3A_98 {strides = array<i32>} : memref<128x128xf32, #tpu.memory_space<vmem>>, vector<1x16xf32>,
      %swap3A_99 = arith.constant 0 : i32
      %swap3A_100 = arith.constant 0 : i32
      %swap3A_101 = tpu.memref_slice %arg8[%scan3A, %swap3A_99, %swap3A_100] : memref<2x128x128xf32, #tpu.memory_space<vmem>> -> memref<1x128x128xf32, #tpu.memory_space<vmem>>
      %swap3A_102 = tpu.memref_squeeze %swap3A_101 : memref<1x128x128xf32, #tpu.memory_space<vmem>> -> memref<128x128xf32, #tpu.memory_space<vmem>>
      %swap3A_103 = arith.index_cast %scan3A_89 : i32 to index
      %swap3A_104 = arith.constant 16 : index
      %swap3A_105 = tpu.vector_load %swap3A_102[%swap3A_103, %swap3A_104] {strides = array<i32>} : memref<128x128xf32, #tpu.memory_space<vmem>>, vector<1x16xf32>,
      %swap3A_106 = vector.shape_cast %swap3A_105 : vector<1x16xf32> to vector<16xf32>
      %swap3A_107 = vector.shape_cast %broadcast_in_dim3A_0 : vector<16xf32> to vector<1x16xf32>
      tpu.vector_store %swap3A_102[%swap3A_103, %swap3A_104], %swap3A_107 {strides = array<i32>} : memref<128x128xf32, #tpu.memory_space<vmem>>, vector<1x16xf32>,
      %swap3A_108 = arith.constant 0 : i32
      %swap3A_109 = arith.constant 0 : i32
      %swap3A_110 = tpu.memref_slice %arg8[%scan3A, %swap3A_108, %swap3A_109] : memref<2x128x128xf32, #tpu.memory_space<vmem>> -> memref<1x128x128xf32, #tpu.memory_space<vmem>>
      %swap3A_111 = tpu.memref_squeeze %swap3A_110 : memref<1x128x128xf32, #tpu.memory_space<vmem>> -> memref<128x128xf32, #tpu.memory_space<vmem>>
      %swap3A_112 = arith.index_cast %scan3A_89 : i32 to index
      %swap3A_113 = arith.constant 32 : index
      %swap3A_114 = tpu.vector_load %swap3A_111[%swap3A_112, %swap3A_113] {strides = array<i32>} : memref<128x128xf32, #tpu.memory_space<vmem>>, vector<1x16xf32>,
      %swap3A_115 = vector.shape_cast %swap3A_114 : vector<1x16xf32> to vector<16xf32>
      %swap3A_116 = vector.shape_cast %broadcast_in_dim3A_0 : vector<16xf32> to vector<1x16xf32>
      tpu.vector_store %swap3A_111[%swap3A_112, %swap3A_113], %swap3A_116 {strides = array<i32>} : memref<128x128xf32, #tpu.memory_space<vmem>>, vector<1x16xf32>,
      %swap3A_117 = arith.constant 0 : i32
      %swap3A_118 = arith.constant 0 : i32
      %swap3A_119 = tpu.memref_slice %arg8[%scan3A, %swap3A_117, %swap3A_118] : memref<2x128x128xf32, #tpu.memory_space<vmem>> -> memref<1x128x128xf32, #tpu.memory_space<vmem>>
      %swap3A_120 = tpu.memref_squeeze %swap3A_119 : memref<1x128x128xf32, #tpu.memory_space<vmem>> -> memref<128x128xf32, #tpu.memory_space<vmem>>
      %swap3A_121 = arith.index_cast %scan3A_89 : i32 to index
      %swap3A_122 = arith.constant 48 : index
      %swap3A_123 = tpu.vector_load %swap3A_120[%swap3A_121, %swap3A_122] {strides = array<i32>} : memref<128x128xf32, #tpu.memory_space<vmem>>, vector<1x16xf32>,
      %swap3A_124 = vector.shape_cast %swap3A_123 : vector<1x16xf32> to vector<16xf32>
      %swap3A_125 = vector.shape_cast %broadcast_in_dim3A_0 : vector<16xf32> to vector<1x16xf32>
      tpu.vector_store %swap3A_120[%swap3A_121, %swap3A_122], %swap3A_125 {strides = array<i32>} : memref<128x128xf32, #tpu.memory_space<vmem>>, vector<1x16xf32>,
      %swap3A_126 = arith.constant 0 : i32
      %swap3A_127 = arith.constant 0 : i32
      %swap3A_128 = tpu.memref_slice %arg8[%scan3A, %swap3A_126, %swap3A_127] : memref<2x128x128xf32, #tpu.memory_space<vmem>> -> memref<1x128x128xf32, #tpu.memory_space<vmem>>
      %swap3A_129 = tpu.memref_squeeze %swap3A_128 : memref<1x128x128xf32, #tpu.memory_space<vmem>> -> memref<128x128xf32, #tpu.memory_space<vmem>>
      %swap3A_130 = arith.index_cast %scan3A_89 : i32 to index
      %swap3A_131 = arith.constant 64 : index
      %swap3A_132 = tpu.vector_load %swap3A_129[%swap3A_130, %swap3A_131] {strides = array<i32>} : memref<128x128xf32, #tpu.memory_space<vmem>>, vector<1x16xf32>,
      %swap3A_133 = vector.shape_cast %swap3A_132 : vector<1x16xf32> to vector<16xf32>
      %swap3A_134 = vector.shape_cast %broadcast_in_dim3A_0 : vector<16xf32> to vector<1x16xf32>
      tpu.vector_store %swap3A_129[%swap3A_130, %swap3A_131], %swap3A_134 {strides = array<i32>} : memref<128x128xf32, #tpu.memory_space<vmem>>, vector<1x16xf32>,
      %swap3A_135 = arith.constant 0 : i32
      %swap3A_136 = arith.constant 0 : i32
      %swap3A_137 = tpu.memref_slice %arg8[%scan3A, %swap3A_135, %swap3A_136] : memref<2x128x128xf32, #tpu.memory_space<vmem>> -> memref<1x128x128xf32, #tpu.memory_space<vmem>>
      %swap3A_138 = tpu.memref_squeeze %swap3A_137 : memref<1x128x128xf32, #tpu.memory_space<vmem>> -> memref<128x128xf32, #tpu.memory_space<vmem>>
      %swap3A_139 = arith.index_cast %scan3A_89 : i32 to index
      %swap3A_140 = arith.constant 80 : index
      %swap3A_141 = tpu.vector_load %swap3A_138[%swap3A_139, %swap3A_140] {strides = array<i32>} : memref<128x128xf32, #tpu.memory_space<vmem>>, vector<1x16xf32>,
      %swap3A_142 = vector.shape_cast %swap3A_141 : vector<1x16xf32> to vector<16xf32>
      %swap3A_143 = vector.shape_cast %broadcast_in_dim3A_0 : vector<16xf32> to vector<1x16xf32>
      tpu.vector_store %swap3A_138[%swap3A_139, %swap3A_140], %swap3A_143 {strides = array<i32>} : memref<128x128xf32, #tpu.memory_space<vmem>>, vector<1x16xf32>,
      %swap3A_144 = arith.constant 0 : i32
      %swap3A_145 = arith.constant 0 : i32
      %swap3A_146 = tpu.memref_slice %arg8[%scan3A, %swap3A_144, %swap3A_145] : memref<2x128x128xf32, #tpu.memory_space<vmem>> -> memref<1x128x128xf32, #tpu.memory_space<vmem>>
      %swap3A_147 = tpu.memref_squeeze %swap3A_146 : memref<1x128x128xf32, #tpu.memory_space<vmem>> -> memref<128x128xf32, #tpu.memory_space<vmem>>
      %swap3A_148 = arith.index_cast %scan3A_89 : i32 to index
      %swap3A_149 = arith.constant 96 : index
      %swap3A_150 = tpu.vector_load %swap3A_147[%swap3A_148, %swap3A_149] {strides = array<i32>} : memref<128x128xf32, #tpu.memory_space<vmem>>, vector<1x16xf32>,
      %swap3A_151 = vector.shape_cast %swap3A_150 : vector<1x16xf32> to vector<16xf32>
      %swap3A_152 = vector.shape_cast %broadcast_in_dim3A_0 : vector<16xf32> to vector<1x16xf32>
      tpu.vector_store %swap3A_147[%swap3A_148, %swap3A_149], %swap3A_152 {strides = array<i32>} : memref<128x128xf32, #tpu.memory_space<vmem>>, vector<1x16xf32>,
      %swap3A_153 = arith.constant 0 : i32
      %swap3A_154 = arith.constant 0 : i32
      %swap3A_155 = tpu.memref_slice %arg8[%scan3A, %swap3A_153, %swap3A_154] : memref<2x128x128xf32, #tpu.memory_space<vmem>> -> memref<1x128x128xf32, #tpu.memory_space<vmem>>
      %swap3A_156 = tpu.memref_squeeze %swap3A_155 : memref<1x128x128xf32, #tpu.memory_space<vmem>> -> memref<128x128xf32, #tpu.memory_space<vmem>>
      %swap3A_157 = arith.index_cast %scan3A_89 : i32 to index
      %swap3A_158 = arith.constant 112 : index
      %swap3A_159 = tpu.vector_load %swap3A_156[%swap3A_157, %swap3A_158] {strides = array<i32>} : memref<128x128xf32, #tpu.memory_space<vmem>>, vector<1x16xf32>,
      %swap3A_160 = vector.shape_cast %swap3A_159 : vector<1x16xf32> to vector<16xf32>
      %swap3A_161 = vector.shape_cast %broadcast_in_dim3A_0 : vector<16xf32> to vector<1x16xf32>
      tpu.vector_store %swap3A_156[%swap3A_157, %swap3A_158], %swap3A_161 {strides = array<i32>} : memref<128x128xf32, #tpu.memory_space<vmem>>, vector<1x16xf32>,
      %scan3A_162 = arith.constant 0 : i32
      scf.yield %scan3A_162 : i32
    }
    %scan3A_7 = arith.constant 128 : i32
    %mul3A = arith.constant 640 : i32
    %mul3A_8 = arith.muli %arg1, %mul3A : i32
    %add3A = arith.constant 0 : i32
    %add3A_9 = arith.addi %mul3A_8, %add3A : i32
    %run_scoped3A = arith.constant 0 : i32
    "tpu.region"() ({
      %run_scoped3A_89 = tpu.sem_alloc : memref<!tpu.dma_semaphore, #tpu.memory_space<semaphore_mem>>
      %dma_start3A = arith.constant 0 : i32
      %dma_start3A_90 = arith.constant 0 : i32
      %dma_start3A_91 = tpu.memref_slice %arg8[%run_scoped3A, %dma_start3A, %dma_start3A_90] : memref<2x128x128xf32, #tpu.memory_space<vmem>> -> memref<1x128x128xf32, #tpu.memory_space<vmem>>
      %dma_start3A_92 = tpu.memref_squeeze %dma_start3A_91 : memref<1x128x128xf32, #tpu.memory_space<vmem>> -> memref<128x128xf32, #tpu.memory_space<vmem>>
      %dma_start3A_93 = arith.constant 0 : i32
      %dma_start3A_94 = tpu.memref_slice %arg9[%add3A_9, %dma_start3A_93] : memref<10240x128xf32, #tpu.memory_space<vmem_shared>> -> memref<128x128xf32, #tpu.memory_space<vmem_shared>>
      %dma_start3A_95 = arith.constant 0 : i32
      %dma_start3A_96 = tpu.memref_slice %arg9[%add3A_9, %dma_start3A_95] : memref<10240x128xf32, #tpu.memory_space<vmem_shared>> -> memref<128x128xf32, #tpu.memory_space<vmem_shared>>
      %dma_start3A_97 = arith.constant 0 : i32
      %dma_start3A_98 = arith.constant 0 : i32
      %dma_start3A_99 = tpu.memref_slice %arg8[%run_scoped3A, %dma_start3A_97, %dma_start3A_98] : memref<2x128x128xf32, #tpu.memory_space<vmem>> -> memref<1x128x128xf32, #tpu.memory_space<vmem>>
      %dma_start3A_100 = tpu.memref_squeeze %dma_start3A_99 : memref<1x128x128xf32, #tpu.memory_space<vmem>> -> memref<128x128xf32, #tpu.memory_space<vmem>>
      tpu.enqueue_dma source(%dma_start3A_100 : memref<128x128xf32, #tpu.memory_space<vmem>>) target(%dma_start3A_96 : memref<128x128xf32, #tpu.memory_space<vmem_shared>>) target_semaphore(%run_scoped3A_89 : memref<!tpu.dma_semaphore, #tpu.memory_space<semaphore_mem>>)
      %dma_wait3A = arith.constant 0 : i32
      %dma_wait3A_101 = arith.constant 0 : i32
      %dma_wait3A_102 = tpu.memref_slice %arg8[%run_scoped3A, %dma_wait3A, %dma_wait3A_101] : memref<2x128x128xf32, #tpu.memory_space<vmem>> -> memref<1x128x128xf32, #tpu.memory_space<vmem>>
      %dma_wait3A_103 = tpu.memref_squeeze %dma_wait3A_102 : memref<1x128x128xf32, #tpu.memory_space<vmem>> -> memref<128x128xf32, #tpu.memory_space<vmem>>
      %dma_wait3A_104 = arith.constant 0 : i32
      %dma_wait3A_105 = tpu.memref_slice %arg9[%add3A_9, %dma_wait3A_104] : memref<10240x128xf32, #tpu.memory_space<vmem_shared>> -> memref<128x128xf32, #tpu.memory_space<vmem_shared>>
      %dma_wait3A_106 = arith.constant 0 : i32
      %dma_wait3A_107 = tpu.memref_slice %arg9[%add3A_9, %dma_wait3A_106] : memref<10240x128xf32, #tpu.memory_space<vmem_shared>> -> memref<128x128xf32, #tpu.memory_space<vmem_shared>>
      %dma_wait3A_108 = arith.constant 0 : i32
      %dma_wait3A_109 = arith.constant 0 : i32
      %dma_wait3A_110 = tpu.memref_slice %arg8[%run_scoped3A, %dma_wait3A_108, %dma_wait3A_109] : memref<2x128x128xf32, #tpu.memory_space<vmem>> -> memref<1x128x128xf32, #tpu.memory_space<vmem>>
      %dma_wait3A_111 = tpu.memref_squeeze %dma_wait3A_110 : memref<1x128x128xf32, #tpu.memory_space<vmem>> -> memref<128x128xf32, #tpu.memory_space<vmem>>
      tpu.wait_dma2 semaphore(%run_scoped3A_89 : memref<!tpu.dma_semaphore, #tpu.memory_space<semaphore_mem>>) src(%dma_wait3A_111 : memref<128x128xf32, #tpu.memory_space<vmem>>) dst(%dma_wait3A_107 : memref<128x128xf32, #tpu.memory_space<vmem_shared>>)
      tpu.yield
    }) : () -> ()
    %mul3A_10 = arith.constant 640 : i32
    %mul3A_11 = arith.muli %arg1, %mul3A_10 : i32
    %add3A_12 = arith.constant 128 : i32
    %add3A_13 = arith.addi %mul3A_11, %add3A_12 : i32
    %run_scoped3A_14 = arith.constant 0 : i32
    "tpu.region"() ({
      %run_scoped3A_89 = tpu.sem_alloc : memref<!tpu.dma_semaphore, #tpu.memory_space<semaphore_mem>>
      %dma_start3A = arith.constant 0 : i32
      %dma_start3A_90 = arith.constant 0 : i32
      %dma_start3A_91 = tpu.memref_slice %arg8[%run_scoped3A_14, %dma_start3A, %dma_start3A_90] : memref<2x128x128xf32, #tpu.memory_space<vmem>> -> memref<1x128x128xf32, #tpu.memory_space<vmem>>
      %dma_start3A_92 = tpu.memref_squeeze %dma_start3A_91 : memref<1x128x128xf32, #tpu.memory_space<vmem>> -> memref<128x128xf32, #tpu.memory_space<vmem>>
      %dma_start3A_93 = arith.constant 0 : i32
      %dma_start3A_94 = tpu.memref_slice %arg9[%add3A_13, %dma_start3A_93] : memref<10240x128xf32, #tpu.memory_space<vmem_shared>> -> memref<128x128xf32, #tpu.memory_space<vmem_shared>>
      %dma_start3A_95 = arith.constant 0 : i32
      %dma_start3A_96 = tpu.memref_slice %arg9[%add3A_13, %dma_start3A_95] : memref<10240x128xf32, #tpu.memory_space<vmem_shared>> -> memref<128x128xf32, #tpu.memory_space<vmem_shared>>
      %dma_start3A_97 = arith.constant 0 : i32
      %dma_start3A_98 = arith.constant 0 : i32
      %dma_start3A_99 = tpu.memref_slice %arg8[%run_scoped3A_14, %dma_start3A_97, %dma_start3A_98] : memref<2x128x128xf32, #tpu.memory_space<vmem>> -> memref<1x128x128xf32, #tpu.memory_space<vmem>>
      %dma_start3A_100 = tpu.memref_squeeze %dma_start3A_99 : memref<1x128x128xf32, #tpu.memory_space<vmem>> -> memref<128x128xf32, #tpu.memory_space<vmem>>
      tpu.enqueue_dma source(%dma_start3A_100 : memref<128x128xf32, #tpu.memory_space<vmem>>) target(%dma_start3A_96 : memref<128x128xf32, #tpu.memory_space<vmem_shared>>) target_semaphore(%run_scoped3A_89 : memref<!tpu.dma_semaphore, #tpu.memory_space<semaphore_mem>>)
      %dma_wait3A = arith.constant 0 : i32
      %dma_wait3A_101 = arith.constant 0 : i32
      %dma_wait3A_102 = tpu.memref_slice %arg8[%run_scoped3A_14, %dma_wait3A, %dma_wait3A_101] : memref<2x128x128xf32, #tpu.memory_space<vmem>> -> memref<1x128x128xf32, #tpu.memory_space<vmem>>
      %dma_wait3A_103 = tpu.memref_squeeze %dma_wait3A_102 : memref<1x128x128xf32, #tpu.memory_space<vmem>> -> memref<128x128xf32, #tpu.memory_space<vmem>>
      %dma_wait3A_104 = arith.constant 0 : i32
      %dma_wait3A_105 = tpu.memref_slice %arg9[%add3A_13, %dma_wait3A_104] : memref<10240x128xf32, #tpu.memory_space<vmem_shared>> -> memref<128x128xf32, #tpu.memory_space<vmem_shared>>
      %dma_wait3A_106 = arith.constant 0 : i32
      %dma_wait3A_107 = tpu.memref_slice %arg9[%add3A_13, %dma_wait3A_106] : memref<10240x128xf32, #tpu.memory_space<vmem_shared>> -> memref<128x128xf32, #tpu.memory_space<vmem_shared>>
      %dma_wait3A_108 = arith.constant 0 : i32
      %dma_wait3A_109 = arith.constant 0 : i32
      %dma_wait3A_110 = tpu.memref_slice %arg8[%run_scoped3A_14, %dma_wait3A_108, %dma_wait3A_109] : memref<2x128x128xf32, #tpu.memory_space<vmem>> -> memref<1x128x128xf32, #tpu.memory_space<vmem>>
      %dma_wait3A_111 = tpu.memref_squeeze %dma_wait3A_110 : memref<1x128x128xf32, #tpu.memory_space<vmem>> -> memref<128x128xf32, #tpu.memory_space<vmem>>
      tpu.wait_dma2 semaphore(%run_scoped3A_89 : memref<!tpu.dma_semaphore, #tpu.memory_space<semaphore_mem>>) src(%dma_wait3A_111 : memref<128x128xf32, #tpu.memory_space<vmem>>) dst(%dma_wait3A_107 : memref<128x128xf32, #tpu.memory_space<vmem_shared>>)
      tpu.yield
    }) : () -> ()
    %mul3A_15 = arith.constant 640 : i32
    %mul3A_16 = arith.muli %arg1, %mul3A_15 : i32
    %add3A_17 = arith.constant 256 : i32
    %add3A_18 = arith.addi %mul3A_16, %add3A_17 : i32
    %run_scoped3A_19 = arith.constant 0 : i32
    "tpu.region"() ({
      %run_scoped3A_89 = tpu.sem_alloc : memref<!tpu.dma_semaphore, #tpu.memory_space<semaphore_mem>>
      %dma_start3A = arith.constant 0 : i32
      %dma_start3A_90 = arith.constant 0 : i32
      %dma_start3A_91 = tpu.memref_slice %arg8[%run_scoped3A_19, %dma_start3A, %dma_start3A_90] : memref<2x128x128xf32, #tpu.memory_space<vmem>> -> memref<1x128x128xf32, #tpu.memory_space<vmem>>
      %dma_start3A_92 = tpu.memref_squeeze %dma_start3A_91 : memref<1x128x128xf32, #tpu.memory_space<vmem>> -> memref<128x128xf32, #tpu.memory_space<vmem>>
      %dma_start3A_93 = arith.constant 0 : i32
      %dma_start3A_94 = tpu.memref_slice %arg9[%add3A_18, %dma_start3A_93] : memref<10240x128xf32, #tpu.memory_space<vmem_shared>> -> memref<128x128xf32, #tpu.memory_space<vmem_shared>>
      %dma_start3A_95 = arith.constant 0 : i32
      %dma_start3A_96 = tpu.memref_slice %arg9[%add3A_18, %dma_start3A_95] : memref<10240x128xf32, #tpu.memory_space<vmem_shared>> -> memref<128x128xf32, #tpu.memory_space<vmem_shared>>
      %dma_start3A_97 = arith.constant 0 : i32
      %dma_start3A_98 = arith.constant 0 : i32
      %dma_start3A_99 = tpu.memref_slice %arg8[%run_scoped3A_19, %dma_start3A_97, %dma_start3A_98] : memref<2x128x128xf32, #tpu.memory_space<vmem>> -> memref<1x128x128xf32, #tpu.memory_space<vmem>>
      %dma_start3A_100 = tpu.memref_squeeze %dma_start3A_99 : memref<1x128x128xf32, #tpu.memory_space<vmem>> -> memref<128x128xf32, #tpu.memory_space<vmem>>
      tpu.enqueue_dma source(%dma_start3A_100 : memref<128x128xf32, #tpu.memory_space<vmem>>) target(%dma_start3A_96 : memref<128x128xf32, #tpu.memory_space<vmem_shared>>) target_semaphore(%run_scoped3A_89 : memref<!tpu.dma_semaphore, #tpu.memory_space<semaphore_mem>>)
      %dma_wait3A = arith.constant 0 : i32
      %dma_wait3A_101 = arith.constant 0 : i32
      %dma_wait3A_102 = tpu.memref_slice %arg8[%run_scoped3A_19, %dma_wait3A, %dma_wait3A_101] : memref<2x128x128xf32, #tpu.memory_space<vmem>> -> memref<1x128x128xf32, #tpu.memory_space<vmem>>
      %dma_wait3A_103 = tpu.memref_squeeze %dma_wait3A_102 : memref<1x128x128xf32, #tpu.memory_space<vmem>> -> memref<128x128xf32, #tpu.memory_space<vmem>>
      %dma_wait3A_104 = arith.constant 0 : i32
      %dma_wait3A_105 = tpu.memref_slice %arg9[%add3A_18, %dma_wait3A_104] : memref<10240x128xf32, #tpu.memory_space<vmem_shared>> -> memref<128x128xf32, #tpu.memory_space<vmem_shared>>
      %dma_wait3A_106 = arith.constant 0 : i32
      %dma_wait3A_107 = tpu.memref_slice %arg9[%add3A_18, %dma_wait3A_106] : memref<10240x128xf32, #tpu.memory_space<vmem_shared>> -> memref<128x128xf32, #tpu.memory_space<vmem_shared>>
      %dma_wait3A_108 = arith.constant 0 : i32
      %dma_wait3A_109 = arith.constant 0 : i32
      %dma_wait3A_110 = tpu.memref_slice %arg8[%run_scoped3A_19, %dma_wait3A_108, %dma_wait3A_109] : memref<2x128x128xf32, #tpu.memory_space<vmem>> -> memref<1x128x128xf32, #tpu.memory_space<vmem>>
      %dma_wait3A_111 = tpu.memref_squeeze %dma_wait3A_110 : memref<1x128x128xf32, #tpu.memory_space<vmem>> -> memref<128x128xf32, #tpu.memory_space<vmem>>
      tpu.wait_dma2 semaphore(%run_scoped3A_89 : memref<!tpu.dma_semaphore, #tpu.memory_space<semaphore_mem>>) src(%dma_wait3A_111 : memref<128x128xf32, #tpu.memory_space<vmem>>) dst(%dma_wait3A_107 : memref<128x128xf32, #tpu.memory_space<vmem_shared>>)
      tpu.yield
    }) : () -> ()
    %mul3A_20 = arith.constant 640 : i32
    %mul3A_21 = arith.muli %arg1, %mul3A_20 : i32
    %add3A_22 = arith.constant 384 : i32
    %add3A_23 = arith.addi %mul3A_21, %add3A_22 : i32
    %run_scoped3A_24 = arith.constant 0 : i32
    "tpu.region"() ({
      %run_scoped3A_89 = tpu.sem_alloc : memref<!tpu.dma_semaphore, #tpu.memory_space<semaphore_mem>>
      %dma_start3A = arith.constant 0 : i32
      %dma_start3A_90 = arith.constant 0 : i32
      %dma_start3A_91 = tpu.memref_slice %arg8[%run_scoped3A_24, %dma_start3A, %dma_start3A_90] : memref<2x128x128xf32, #tpu.memory_space<vmem>> -> memref<1x128x128xf32, #tpu.memory_space<vmem>>
      %dma_start3A_92 = tpu.memref_squeeze %dma_start3A_91 : memref<1x128x128xf32, #tpu.memory_space<vmem>> -> memref<128x128xf32, #tpu.memory_space<vmem>>
      %dma_start3A_93 = arith.constant 0 : i32
      %dma_start3A_94 = tpu.memref_slice %arg9[%add3A_23, %dma_start3A_93] : memref<10240x128xf32, #tpu.memory_space<vmem_shared>> -> memref<128x128xf32, #tpu.memory_space<vmem_shared>>
      %dma_start3A_95 = arith.constant 0 : i32
      %dma_start3A_96 = tpu.memref_slice %arg9[%add3A_23, %dma_start3A_95] : memref<10240x128xf32, #tpu.memory_space<vmem_shared>> -> memref<128x128xf32, #tpu.memory_space<vmem_shared>>
      %dma_start3A_97 = arith.constant 0 : i32
      %dma_start3A_98 = arith.constant 0 : i32
      %dma_start3A_99 = tpu.memref_slice %arg8[%run_scoped3A_24, %dma_start3A_97, %dma_start3A_98] : memref<2x128x128xf32, #tpu.memory_space<vmem>> -> memref<1x128x128xf32, #tpu.memory_space<vmem>>
      %dma_start3A_100 = tpu.memref_squeeze %dma_start3A_99 : memref<1x128x128xf32, #tpu.memory_space<vmem>> -> memref<128x128xf32, #tpu.memory_space<vmem>>
      tpu.enqueue_dma source(%dma_start3A_100 : memref<128x128xf32, #tpu.memory_space<vmem>>) target(%dma_start3A_96 : memref<128x128xf32, #tpu.memory_space<vmem_shared>>) target_semaphore(%run_scoped3A_89 : memref<!tpu.dma_semaphore, #tpu.memory_space<semaphore_mem>>)
      %dma_wait3A = arith.constant 0 : i32
      %dma_wait3A_101 = arith.constant 0 : i32
      %dma_wait3A_102 = tpu.memref_slice %arg8[%run_scoped3A_24, %dma_wait3A, %dma_wait3A_101] : memref<2x128x128xf32, #tpu.memory_space<vmem>> -> memref<1x128x128xf32, #tpu.memory_space<vmem>>
      %dma_wait3A_103 = tpu.memref_squeeze %dma_wait3A_102 : memref<1x128x128xf32, #tpu.memory_space<vmem>> -> memref<128x128xf32, #tpu.memory_space<vmem>>
      %dma_wait3A_104 = arith.constant 0 : i32
      %dma_wait3A_105 = tpu.memref_slice %arg9[%add3A_23, %dma_wait3A_104] : memref<10240x128xf32, #tpu.memory_space<vmem_shared>> -> memref<128x128xf32, #tpu.memory_space<vmem_shared>>
      %dma_wait3A_106 = arith.constant 0 : i32
      %dma_wait3A_107 = tpu.memref_slice %arg9[%add3A_23, %dma_wait3A_106] : memref<10240x128xf32, #tpu.memory_space<vmem_shared>> -> memref<128x128xf32, #tpu.memory_space<vmem_shared>>
      %dma_wait3A_108 = arith.constant 0 : i32
      %dma_wait3A_109 = arith.constant 0 : i32
      %dma_wait3A_110 = tpu.memref_slice %arg8[%run_scoped3A_24, %dma_wait3A_108, %dma_wait3A_109] : memref<2x128x128xf32, #tpu.memory_space<vmem>> -> memref<1x128x128xf32, #tpu.memory_space<vmem>>
      %dma_wait3A_111 = tpu.memref_squeeze %dma_wait3A_110 : memref<1x128x128xf32, #tpu.memory_space<vmem>> -> memref<128x128xf32, #tpu.memory_space<vmem>>
      tpu.wait_dma2 semaphore(%run_scoped3A_89 : memref<!tpu.dma_semaphore, #tpu.memory_space<semaphore_mem>>) src(%dma_wait3A_111 : memref<128x128xf32, #tpu.memory_space<vmem>>) dst(%dma_wait3A_107 : memref<128x128xf32, #tpu.memory_space<vmem_shared>>)
      tpu.yield
    }) : () -> ()
    %mul3A_25 = arith.constant 640 : i32
    %mul3A_26 = arith.muli %arg1, %mul3A_25 : i32
    %add3A_27 = arith.constant 512 : i32
    %add3A_28 = arith.addi %mul3A_26, %add3A_27 : i32
    %run_scoped3A_29 = arith.constant 0 : i32
    "tpu.region"() ({
      %run_scoped3A_89 = tpu.sem_alloc : memref<!tpu.dma_semaphore, #tpu.memory_space<semaphore_mem>>
      %dma_start3A = arith.constant 0 : i32
      %dma_start3A_90 = arith.constant 0 : i32
      %dma_start3A_91 = tpu.memref_slice %arg8[%run_scoped3A_29, %dma_start3A, %dma_start3A_90] : memref<2x128x128xf32, #tpu.memory_space<vmem>> -> memref<1x128x128xf32, #tpu.memory_space<vmem>>
      %dma_start3A_92 = tpu.memref_squeeze %dma_start3A_91 : memref<1x128x128xf32, #tpu.memory_space<vmem>> -> memref<128x128xf32, #tpu.memory_space<vmem>>
      %dma_start3A_93 = arith.constant 0 : i32
      %dma_start3A_94 = tpu.memref_slice %arg9[%add3A_28, %dma_start3A_93] : memref<10240x128xf32, #tpu.memory_space<vmem_shared>> -> memref<128x128xf32, #tpu.memory_space<vmem_shared>>
      %dma_start3A_95 = arith.constant 0 : i32
      %dma_start3A_96 = tpu.memref_slice %arg9[%add3A_28, %dma_start3A_95] : memref<10240x128xf32, #tpu.memory_space<vmem_shared>> -> memref<128x128xf32, #tpu.memory_space<vmem_shared>>
      %dma_start3A_97 = arith.constant 0 : i32
      %dma_start3A_98 = arith.constant 0 : i32
      %dma_start3A_99 = tpu.memref_slice %arg8[%run_scoped3A_29, %dma_start3A_97, %dma_start3A_98] : memref<2x128x128xf32, #tpu.memory_space<vmem>> -> memref<1x128x128xf32, #tpu.memory_space<vmem>>
      %dma_start3A_100 = tpu.memref_squeeze %dma_start3A_99 : memref<1x128x128xf32, #tpu.memory_space<vmem>> -> memref<128x128xf32, #tpu.memory_space<vmem>>
      tpu.enqueue_dma source(%dma_start3A_100 : memref<128x128xf32, #tpu.memory_space<vmem>>) target(%dma_start3A_96 : memref<128x128xf32, #tpu.memory_space<vmem_shared>>) target_semaphore(%run_scoped3A_89 : memref<!tpu.dma_semaphore, #tpu.memory_space<semaphore_mem>>)
      %dma_wait3A = arith.constant 0 : i32
      %dma_wait3A_101 = arith.constant 0 : i32
      %dma_wait3A_102 = tpu.memref_slice %arg8[%run_scoped3A_29, %dma_wait3A, %dma_wait3A_101] : memref<2x128x128xf32, #tpu.memory_space<vmem>> -> memref<1x128x128xf32, #tpu.memory_space<vmem>>
      %dma_wait3A_103 = tpu.memref_squeeze %dma_wait3A_102 : memref<1x128x128xf32, #tpu.memory_space<vmem>> -> memref<128x128xf32, #tpu.memory_space<vmem>>
      %dma_wait3A_104 = arith.constant 0 : i32
      %dma_wait3A_105 = tpu.memref_slice %arg9[%add3A_28, %dma_wait3A_104] : memref<10240x128xf32, #tpu.memory_space<vmem_shared>> -> memref<128x128xf32, #tpu.memory_space<vmem_shared>>
      %dma_wait3A_106 = arith.constant 0 : i32
      %dma_wait3A_107 = tpu.memref_slice %arg9[%add3A_28, %dma_wait3A_106] : memref<10240x128xf32, #tpu.memory_space<vmem_shared>> -> memref<128x128xf32, #tpu.memory_space<vmem_shared>>
      %dma_wait3A_108 = arith.constant 0 : i32
      %dma_wait3A_109 = arith.constant 0 : i32
      %dma_wait3A_110 = tpu.memref_slice %arg8[%run_scoped3A_29, %dma_wait3A_108, %dma_wait3A_109] : memref<2x128x128xf32, #tpu.memory_space<vmem>> -> memref<1x128x128xf32, #tpu.memory_space<vmem>>
      %dma_wait3A_111 = tpu.memref_squeeze %dma_wait3A_110 : memref<1x128x128xf32, #tpu.memory_space<vmem>> -> memref<128x128xf32, #tpu.memory_space<vmem>>
      tpu.wait_dma2 semaphore(%run_scoped3A_89 : memref<!tpu.dma_semaphore, #tpu.memory_space<semaphore_mem>>) src(%dma_wait3A_111 : memref<128x128xf32, #tpu.memory_space<vmem>>) dst(%dma_wait3A_107 : memref<128x128xf32, #tpu.memory_space<vmem_shared>>)
      tpu.yield
    }) : () -> ()
    %barrier3A = arith.constant 0 : index
    tpu.barrier barrier_id(%barrier3A)
    %eq3A = arith.constant 0 : i32
    %eq3A_30 = arith.cmpi eq, %arg0, %eq3A : i32
    %jit3A = arith.constant 128 : i32
    %jit3A_31 = arith.constant 32 : i32
    %select_n3A = arith.select %eq3A_30, %jit3A, %jit3A_31 : i32
    %eq3A_32 = arith.constant 0 : i32
    %eq3A_33 = arith.cmpi eq, %arg0, %eq3A_32 : i32
    %mul3A_34 = arith.constant 128 : i32
    %mul3A_35 = arith.muli %arg1, %mul3A_34 : i32
    %mul3A_36 = arith.constant 32 : i32
    %mul3A_37 = arith.muli %arg1, %mul3A_36 : i32
    %add3A_38 = arith.constant 2048 : i32
    %add3A_39 = arith.addi %add3A_38, %mul3A_37 : i32
    %select_n3A_40 = arith.select %eq3A_33, %mul3A_35, %add3A_39 : i32
    %gt3A = arith.constant 0 : i32
    %gt3A_41 = arith.cmpi sgt, %select_n3A, %gt3A : i32
    %convert_element_type3A = arith.extui %gt3A_41 : i1 to i32
    %cond3A = arith.constant 0 : i32
    %cond3A_42 = arith.cmpi ne, %convert_element_type3A, %cond3A : i32
    scf.if %cond3A_42 {
      %add3A_89 = arith.constant 0 : i32
      %add3A_90 = arith.addi %select_n3A_40, %add3A_89 : i32
      %multiple_of3A = tpu.assume_multiple %add3A_90, 8 : i32
      "tpu.region"() ({
        %run_scoped3A_109 = tpu.sem_alloc : memref<!tpu.dma_semaphore, #tpu.memory_space<semaphore_mem>>
        %dma_start3A_110 = arith.constant 0 : i32
        %dma_start3A_111 = tpu.memref_slice %arg3[%multiple_of3A, %dma_start3A_110] : memref<2560x128xi32, #tpu.memory_space<hbm>> -> memref<32x128xi32, #tpu.memory_space<hbm>>
        %dma_start3A_112 = arith.constant 0 : i32
        %dma_start3A_113 = tpu.memref_slice %arg3[%multiple_of3A, %dma_start3A_112] : memref<2560x128xi32, #tpu.memory_space<hbm>> -> memref<32x128xi32, #tpu.memory_space<hbm>>
        tpu.enqueue_dma source(%dma_start3A_113 : memref<32x128xi32, #tpu.memory_space<hbm>>) target(%arg6 : memref<32x128xi32, #tpu.memory_space<vmem>>) target_semaphore(%run_scoped3A_109 : memref<!tpu.dma_semaphore, #tpu.memory_space<semaphore_mem>>)
        %dma_wait3A = arith.constant 0 : i32
        %dma_wait3A_114 = tpu.memref_slice %arg3[%multiple_of3A, %dma_wait3A] : memref<2560x128xi32, #tpu.memory_space<hbm>> -> memref<32x128xi32, #tpu.memory_space<hbm>>
        %dma_wait3A_115 = arith.constant 0 : i32
        %dma_wait3A_116 = tpu.memref_slice %arg3[%multiple_of3A, %dma_wait3A_115] : memref<2560x128xi32, #tpu.memory_space<hbm>> -> memref<32x128xi32, #tpu.memory_space<hbm>>
        tpu.wait_dma2 semaphore(%run_scoped3A_109 : memref<!tpu.dma_semaphore, #tpu.memory_space<semaphore_mem>>) src(%dma_wait3A_116 : memref<32x128xi32, #tpu.memory_space<hbm>>) dst(%arg6 : memref<32x128xi32, #tpu.memory_space<vmem>>)
        tpu.yield
      }) : () -> ()
      "tpu.region"() ({
        %run_scoped3A_109 = tpu.sem_alloc : memref<!tpu.dma_semaphore, #tpu.memory_space<semaphore_mem>>
        %dma_start3A_110 = arith.constant 0 : i32
        %dma_start3A_111 = tpu.memref_slice %arg4[%multiple_of3A, %dma_start3A_110] : memref<2560x128xi32, #tpu.memory_space<hbm>> -> memref<32x128xi32, #tpu.memory_space<hbm>>
        %dma_start3A_112 = arith.constant 0 : i32
        %dma_start3A_113 = tpu.memref_slice %arg4[%multiple_of3A, %dma_start3A_112] : memref<2560x128xi32, #tpu.memory_space<hbm>> -> memref<32x128xi32, #tpu.memory_space<hbm>>
        tpu.enqueue_dma source(%dma_start3A_113 : memref<32x128xi32, #tpu.memory_space<hbm>>) target(%arg7 : memref<32x128xi32, #tpu.memory_space<vmem>>) target_semaphore(%run_scoped3A_109 : memref<!tpu.dma_semaphore, #tpu.memory_space<semaphore_mem>>)
        %dma_wait3A = arith.constant 0 : i32
        %dma_wait3A_114 = tpu.memref_slice %arg4[%multiple_of3A, %dma_wait3A] : memref<2560x128xi32, #tpu.memory_space<hbm>> -> memref<32x128xi32, #tpu.memory_space<hbm>>
        %dma_wait3A_115 = arith.constant 0 : i32
        %dma_wait3A_116 = tpu.memref_slice %arg4[%multiple_of3A, %dma_wait3A_115] : memref<2560x128xi32, #tpu.memory_space<hbm>> -> memref<32x128xi32, #tpu.memory_space<hbm>>
        tpu.wait_dma2 semaphore(%run_scoped3A_109 : memref<!tpu.dma_semaphore, #tpu.memory_space<semaphore_mem>>) src(%dma_wait3A_116 : memref<32x128xi32, #tpu.memory_space<hbm>>) dst(%arg7 : memref<32x128xi32, #tpu.memory_space<vmem>>)
        tpu.yield
      }) : () -> ()
      %dma_start3A = arith.constant 0 : i32
      %dma_start3A_91 = arith.constant 0 : i32
      %dma_start3A_92 = arith.constant 0 : i32
      %dma_start3A_93 = arith.constant 0 : i32
      %dma_start3A_94 = tpu.memref_slice %arg8[%dma_start3A_91, %dma_start3A_92, %dma_start3A_93] : memref<2x128x128xf32, #tpu.memory_space<vmem>> -> memref<1x128x128xf32, #tpu.memory_space<vmem>>
      %dma_start3A_95 = tpu.memref_squeeze %dma_start3A_94 : memref<1x128x128xf32, #tpu.memory_space<vmem>> -> memref<128x128xf32, #tpu.memory_space<vmem>>
      %dma_start3A_96 = arith.constant 0 : i32
      %dma_start3A_97 = tpu.memref_slice %arg6[%dma_start3A, %dma_start3A_96] : memref<32x128xi32, #tpu.memory_space<vmem>> -> memref<1x128xi32, #tpu.memory_space<vmem>>
      %dma_start3A_98 = tpu.memref_squeeze %dma_start3A_97 : memref<1x128xi32, #tpu.memory_space<vmem>> -> memref<128xi32, #tpu.memory_space<vmem>>
      %dma_start3A_99 = arith.constant 0 : i32
      %dma_start3A_100 = arith.constant 0 : i32
      %dma_start3A_101 = tpu.memref_slice %arg2[%dma_start3A_99, %dma_start3A_100] : memref<10000x128xf32, #tpu.memory_space<hbm>> -> memref<10000x128xf32, #tpu.memory_space<hbm>>
      tpu.enqueue_indirect_dma source(%dma_start3A_101 : memref<10000x128xf32, #tpu.memory_space<hbm>>) target(%dma_start3A_95 : memref<128x128xf32, #tpu.memory_space<vmem>>) offsets(%dma_start3A_98 : memref<128xi32, #tpu.memory_space<vmem>>) semaphore(%arg10 : memref<!tpu.dma_semaphore, #tpu.memory_space<semaphore_mem>>)
      %scan3A_102 = arith.constant 0 : i32
      %scan3A_103 = arith.constant 0 : i32
      %scan3A_104 = arith.constant 32 : i32
      %scan3A_105 = arith.addi %scan3A_103, %scan3A_104 : i32
      %scan3A_106 = arith.constant 1 : i32
      %scan3A_107 = scf.for %scan3A_109 = %scan3A_103 to %scan3A_105 step %scan3A_106 iter_args(%scan3A_110 = %scan3A_102) -> (i32)  : i32 {
        %add3A_111 = arith.constant 1 : i32
        %add3A_112 = arith.addi %scan3A_109, %add3A_111 : i32
        %lt3A = arith.constant 32 : i32
        %lt3A_113 = arith.cmpi slt, %add3A_112, %lt3A : i32
        %convert_element_type3A_114 = arith.extui %lt3A_113 : i1 to i32
        %cond3A_115 = arith.constant 0 : i32
        %cond3A_116 = arith.cmpi ne, %convert_element_type3A_114, %cond3A_115 : i32
        scf.if %cond3A_116 {
          %jit3A_140 = arith.constant 2 : i32
          %eq3A_141 = arith.constant 0 : i32
          %eq3A_142 = arith.cmpi eq, %jit3A_140, %eq3A_141 : i32
          %jit3A_143 = arith.constant 1 : i32
          %select_n3A_144 = arith.select %eq3A_142, %jit3A_143, %jit3A_140 : i32
          %rem3A_145 = arith.remsi %add3A_112, %select_n3A_144 : i32
          %ne3A_146 = arith.constant 0 : i32
          %ne3A_147 = arith.cmpi ne, %rem3A_145, %ne3A_146 : i32
          %lt3A_148 = arith.constant 0 : i32
          %lt3A_149 = arith.cmpi slt, %rem3A_145, %lt3A_148 : i32
          %lt3A_150 = arith.constant 0 : i32
          %lt3A_151 = arith.cmpi slt, %select_n3A_144, %lt3A_150 : i32
          %ne3A_152 = arith.xori %lt3A_149, %lt3A_151 : i1
          %and3A_153 = arith.andi %ne3A_152, %ne3A_147 : i1
          %add3A_154 = arith.addi %rem3A_145, %select_n3A_144 : i32
          %select_n3A_155 = arith.select %and3A_153, %add3A_154, %rem3A_145 : i32
          %dma_start3A_156 = arith.constant 0 : i32
          %dma_start3A_157 = arith.constant 0 : i32
          %dma_start3A_158 = tpu.memref_slice %arg8[%select_n3A_155, %dma_start3A_156, %dma_start3A_157] : memref<2x128x128xf32, #tpu.memory_space<vmem>> -> memref<1x128x128xf32, #tpu.memory_space<vmem>>
          %dma_start3A_159 = tpu.memref_squeeze %dma_start3A_158 : memref<1x128x128xf32, #tpu.memory_space<vmem>> -> memref<128x128xf32, #tpu.memory_space<vmem>>
          %dma_start3A_160 = arith.constant 0 : i32
          %dma_start3A_161 = tpu.memref_slice %arg6[%add3A_112, %dma_start3A_160] : memref<32x128xi32, #tpu.memory_space<vmem>> -> memref<1x128xi32, #tpu.memory_space<vmem>>
          %dma_start3A_162 = tpu.memref_squeeze %dma_start3A_161 : memref<1x128xi32, #tpu.memory_space<vmem>> -> memref<128xi32, #tpu.memory_space<vmem>>
          %dma_start3A_163 = arith.constant 0 : i32
          %dma_start3A_164 = arith.constant 0 : i32
          %dma_start3A_165 = tpu.memref_slice %arg2[%dma_start3A_163, %dma_start3A_164] : memref<10000x128xf32, #tpu.memory_space<hbm>> -> memref<10000x128xf32, #tpu.memory_space<hbm>>
          tpu.enqueue_indirect_dma source(%dma_start3A_165 : memref<10000x128xf32, #tpu.memory_space<hbm>>) target(%dma_start3A_159 : memref<128x128xf32, #tpu.memory_space<vmem>>) offsets(%dma_start3A_162 : memref<128xi32, #tpu.memory_space<vmem>>) semaphore(%arg10 : memref<!tpu.dma_semaphore, #tpu.memory_space<semaphore_mem>>)
        } else {
        }
        %jit3A_117 = arith.constant 2 : i32
        %eq3A_118 = arith.constant 0 : i32
        %eq3A_119 = arith.cmpi eq, %jit3A_117, %eq3A_118 : i32
        %jit3A_120 = arith.constant 1 : i32
        %select_n3A_121 = arith.select %eq3A_119, %jit3A_120, %jit3A_117 : i32
        %rem3A = arith.remsi %scan3A_109, %select_n3A_121 : i32
        %ne3A = arith.constant 0 : i32
        %ne3A_122 = arith.cmpi ne, %rem3A, %ne3A : i32
        %lt3A_123 = arith.constant 0 : i32
        %lt3A_124 = arith.cmpi slt, %rem3A, %lt3A_123 : i32
        %lt3A_125 = arith.constant 0 : i32
        %lt3A_126 = arith.cmpi slt, %select_n3A_121, %lt3A_125 : i32
        %ne3A_127 = arith.xori %lt3A_124, %lt3A_126 : i1
        %and3A = arith.andi %ne3A_127, %ne3A_122 : i1
        %add3A_128 = arith.addi %rem3A, %select_n3A_121 : i32
        %select_n3A_129 = arith.select %and3A, %add3A_128, %rem3A : i32
        %dma_wait3A = arith.constant 0 : i32
        %dma_wait3A_130 = arith.constant 0 : i32
        %dma_wait3A_131 = tpu.memref_slice %arg8[%select_n3A_129, %dma_wait3A, %dma_wait3A_130] : memref<2x128x128xf32, #tpu.memory_space<vmem>> -> memref<1x128x128xf32, #tpu.memory_space<vmem>>
        %dma_wait3A_132 = tpu.memref_squeeze %dma_wait3A_131 : memref<1x128x128xf32, #tpu.memory_space<vmem>> -> memref<128x128xf32, #tpu.memory_space<vmem>>
        %dma_wait3A_133 = arith.constant 0 : i32
        %dma_wait3A_134 = tpu.memref_slice %arg6[%scan3A_109, %dma_wait3A_133] : memref<32x128xi32, #tpu.memory_space<vmem>> -> memref<1x128xi32, #tpu.memory_space<vmem>>
        %dma_wait3A_135 = tpu.memref_squeeze %dma_wait3A_134 : memref<1x128xi32, #tpu.memory_space<vmem>> -> memref<128xi32, #tpu.memory_space<vmem>>
        %dma_wait3A_136 = arith.constant 0 : i32
        %dma_wait3A_137 = arith.constant 0 : i32
        %dma_wait3A_138 = tpu.memref_slice %arg2[%dma_wait3A_136, %dma_wait3A_137] : memref<10000x128xf32, #tpu.memory_space<hbm>> -> memref<10000x128xf32, #tpu.memory_space<hbm>>
        tpu.wait_indirect_dma semaphore(%arg10 : memref<!tpu.dma_semaphore, #tpu.memory_space<semaphore_mem>>) src(%dma_wait3A_138 : memref<10000x128xf32, #tpu.memory_space<hbm>>) dst(%dma_wait3A_132 : memref<128x128xf32, #tpu.memory_space<vmem>>)
        "tpu.region"() ({
          %run_scoped3A_140 = tpu.sem_alloc : memref<!tpu.dma_semaphore, #tpu.memory_space<semaphore_mem>>
          %dma_start3A_141 = arith.constant 0 : i32
          %dma_start3A_142 = arith.constant 0 : i32
          %dma_start3A_143 = tpu.memref_slice %arg8[%select_n3A_129, %dma_start3A_141, %dma_start3A_142] : memref<2x128x128xf32, #tpu.memory_space<vmem>> -> memref<1x128x128xf32, #tpu.memory_space<vmem>>
          %dma_start3A_144 = tpu.memref_squeeze %dma_start3A_143 : memref<1x128x128xf32, #tpu.memory_space<vmem>> -> memref<128x128xf32, #tpu.memory_space<vmem>>
          %dma_start3A_145 = arith.constant 0 : i32
          %dma_start3A_146 = tpu.memref_slice %arg7[%scan3A_109, %dma_start3A_145] : memref<32x128xi32, #tpu.memory_space<vmem>> -> memref<1x128xi32, #tpu.memory_space<vmem>>
          %dma_start3A_147 = tpu.memref_squeeze %dma_start3A_146 : memref<1x128xi32, #tpu.memory_space<vmem>> -> memref<128xi32, #tpu.memory_space<vmem>>
          %dma_start3A_148 = arith.constant 0 : i32
          %dma_start3A_149 = arith.constant 0 : i32
          %dma_start3A_150 = tpu.memref_slice %arg9[%dma_start3A_148, %dma_start3A_149] : memref<10240x128xf32, #tpu.memory_space<vmem_shared>> -> memref<10240x128xf32, #tpu.memory_space<vmem_shared>>
          tpu.enqueue_indirect_dma source(%dma_start3A_144 : memref<128x128xf32, #tpu.memory_space<vmem>>) target(%dma_start3A_150 : memref<10240x128xf32, #tpu.memory_space<vmem_shared>>) offsets(%dma_start3A_147 : memref<128xi32, #tpu.memory_space<vmem>>) semaphore(%run_scoped3A_140 : memref<!tpu.dma_semaphore, #tpu.memory_space<semaphore_mem>>) {add = true}
          %dma_wait3A_151 = arith.constant 0 : i32
          %dma_wait3A_152 = arith.constant 0 : i32
          %dma_wait3A_153 = tpu.memref_slice %arg8[%select_n3A_129, %dma_wait3A_151, %dma_wait3A_152] : memref<2x128x128xf32, #tpu.memory_space<vmem>> -> memref<1x128x128xf32, #tpu.memory_space<vmem>>
          %dma_wait3A_154 = tpu.memref_squeeze %dma_wait3A_153 : memref<1x128x128xf32, #tpu.memory_space<vmem>> -> memref<128x128xf32, #tpu.memory_space<vmem>>
          %dma_wait3A_155 = arith.constant 0 : i32
          %dma_wait3A_156 = tpu.memref_slice %arg7[%scan3A_109, %dma_wait3A_155] : memref<32x128xi32, #tpu.memory_space<vmem>> -> memref<1x128xi32, #tpu.memory_space<vmem>>
          %dma_wait3A_157 = tpu.memref_squeeze %dma_wait3A_156 : memref<1x128xi32, #tpu.memory_space<vmem>> -> memref<128xi32, #tpu.memory_space<vmem>>
          %dma_wait3A_158 = arith.constant 0 : i32
          %dma_wait3A_159 = arith.constant 0 : i32
          %dma_wait3A_160 = tpu.memref_slice %arg9[%dma_wait3A_158, %dma_wait3A_159] : memref<10240x128xf32, #tpu.memory_space<vmem_shared>> -> memref<10240x128xf32, #tpu.memory_space<vmem_shared>>
          tpu.wait_indirect_dma semaphore(%run_scoped3A_140 : memref<!tpu.dma_semaphore, #tpu.memory_space<semaphore_mem>>) src(%dma_wait3A_154 : memref<128x128xf32, #tpu.memory_space<vmem>>) dst(%dma_wait3A_160 : memref<10240x128xf32, #tpu.memory_space<vmem_shared>>)
          tpu.yield
        }) : () -> ()
        %scan3A_139 = arith.constant 0 : i32
        scf.yield %scan3A_139 : i32
      }
      %scan3A_108 = arith.constant 32 : i32
    } else {
    }
    %gt3A_43 = arith.constant 32 : i32
    %gt3A_44 = arith.cmpi sgt, %select_n3A, %gt3A_43 : i32
    %convert_element_type3A_45 = arith.extui %gt3A_44 : i1 to i32
    %cond3A_46 = arith.constant 0 : i32
    %cond3A_47 = arith.cmpi ne, %convert_element_type3A_45, %cond3A_46 : i32
    scf.if %cond3A_47 {
      %add3A_89 = arith.constant 32 : i32
      %add3A_90 = arith.addi %select_n3A_40, %add3A_89 : i32
      %multiple_of3A = tpu.assume_multiple %add3A_90, 8 : i32
      "tpu.region"() ({
        %run_scoped3A_109 = tpu.sem_alloc : memref<!tpu.dma_semaphore, #tpu.memory_space<semaphore_mem>>
        %dma_start3A_110 = arith.constant 0 : i32
        %dma_start3A_111 = tpu.memref_slice %arg3[%multiple_of3A, %dma_start3A_110] : memref<2560x128xi32, #tpu.memory_space<hbm>> -> memref<32x128xi32, #tpu.memory_space<hbm>>
        %dma_start3A_112 = arith.constant 0 : i32
        %dma_start3A_113 = tpu.memref_slice %arg3[%multiple_of3A, %dma_start3A_112] : memref<2560x128xi32, #tpu.memory_space<hbm>> -> memref<32x128xi32, #tpu.memory_space<hbm>>
        tpu.enqueue_dma source(%dma_start3A_113 : memref<32x128xi32, #tpu.memory_space<hbm>>) target(%arg6 : memref<32x128xi32, #tpu.memory_space<vmem>>) target_semaphore(%run_scoped3A_109 : memref<!tpu.dma_semaphore, #tpu.memory_space<semaphore_mem>>)
        %dma_wait3A = arith.constant 0 : i32
        %dma_wait3A_114 = tpu.memref_slice %arg3[%multiple_of3A, %dma_wait3A] : memref<2560x128xi32, #tpu.memory_space<hbm>> -> memref<32x128xi32, #tpu.memory_space<hbm>>
        %dma_wait3A_115 = arith.constant 0 : i32
        %dma_wait3A_116 = tpu.memref_slice %arg3[%multiple_of3A, %dma_wait3A_115] : memref<2560x128xi32, #tpu.memory_space<hbm>> -> memref<32x128xi32, #tpu.memory_space<hbm>>
        tpu.wait_dma2 semaphore(%run_scoped3A_109 : memref<!tpu.dma_semaphore, #tpu.memory_space<semaphore_mem>>) src(%dma_wait3A_116 : memref<32x128xi32, #tpu.memory_space<hbm>>) dst(%arg6 : memref<32x128xi32, #tpu.memory_space<vmem>>)
        tpu.yield
      }) : () -> ()
      "tpu.region"() ({
        %run_scoped3A_109 = tpu.sem_alloc : memref<!tpu.dma_semaphore, #tpu.memory_space<semaphore_mem>>
        %dma_start3A_110 = arith.constant 0 : i32
        %dma_start3A_111 = tpu.memref_slice %arg4[%multiple_of3A, %dma_start3A_110] : memref<2560x128xi32, #tpu.memory_space<hbm>> -> memref<32x128xi32, #tpu.memory_space<hbm>>
        %dma_start3A_112 = arith.constant 0 : i32
        %dma_start3A_113 = tpu.memref_slice %arg4[%multiple_of3A, %dma_start3A_112] : memref<2560x128xi32, #tpu.memory_space<hbm>> -> memref<32x128xi32, #tpu.memory_space<hbm>>
        tpu.enqueue_dma source(%dma_start3A_113 : memref<32x128xi32, #tpu.memory_space<hbm>>) target(%arg7 : memref<32x128xi32, #tpu.memory_space<vmem>>) target_semaphore(%run_scoped3A_109 : memref<!tpu.dma_semaphore, #tpu.memory_space<semaphore_mem>>)
        %dma_wait3A = arith.constant 0 : i32
        %dma_wait3A_114 = tpu.memref_slice %arg4[%multiple_of3A, %dma_wait3A] : memref<2560x128xi32, #tpu.memory_space<hbm>> -> memref<32x128xi32, #tpu.memory_space<hbm>>
        %dma_wait3A_115 = arith.constant 0 : i32
        %dma_wait3A_116 = tpu.memref_slice %arg4[%multiple_of3A, %dma_wait3A_115] : memref<2560x128xi32, #tpu.memory_space<hbm>> -> memref<32x128xi32, #tpu.memory_space<hbm>>
        tpu.wait_dma2 semaphore(%run_scoped3A_109 : memref<!tpu.dma_semaphore, #tpu.memory_space<semaphore_mem>>) src(%dma_wait3A_116 : memref<32x128xi32, #tpu.memory_space<hbm>>) dst(%arg7 : memref<32x128xi32, #tpu.memory_space<vmem>>)
        tpu.yield
      }) : () -> ()
      %dma_start3A = arith.constant 0 : i32
      %dma_start3A_91 = arith.constant 0 : i32
      %dma_start3A_92 = arith.constant 0 : i32
      %dma_start3A_93 = arith.constant 0 : i32
      %dma_start3A_94 = tpu.memref_slice %arg8[%dma_start3A_91, %dma_start3A_92, %dma_start3A_93] : memref<2x128x128xf32, #tpu.memory_space<vmem>> -> memref<1x128x128xf32, #tpu.memory_space<vmem>>
      %dma_start3A_95 = tpu.memref_squeeze %dma_start3A_94 : memref<1x128x128xf32, #tpu.memory_space<vmem>> -> memref<128x128xf32, #tpu.memory_space<vmem>>
      %dma_start3A_96 = arith.constant 0 : i32
      %dma_start3A_97 = tpu.memref_slice %arg6[%dma_start3A, %dma_start3A_96] : memref<32x128xi32, #tpu.memory_space<vmem>> -> memref<1x128xi32, #tpu.memory_space<vmem>>
      %dma_start3A_98 = tpu.memref_squeeze %dma_start3A_97 : memref<1x128xi32, #tpu.memory_space<vmem>> -> memref<128xi32, #tpu.memory_space<vmem>>
      %dma_start3A_99 = arith.constant 0 : i32
      %dma_start3A_100 = arith.constant 0 : i32
      %dma_start3A_101 = tpu.memref_slice %arg2[%dma_start3A_99, %dma_start3A_100] : memref<10000x128xf32, #tpu.memory_space<hbm>> -> memref<10000x128xf32, #tpu.memory_space<hbm>>
      tpu.enqueue_indirect_dma source(%dma_start3A_101 : memref<10000x128xf32, #tpu.memory_space<hbm>>) target(%dma_start3A_95 : memref<128x128xf32, #tpu.memory_space<vmem>>) offsets(%dma_start3A_98 : memref<128xi32, #tpu.memory_space<vmem>>) semaphore(%arg10 : memref<!tpu.dma_semaphore, #tpu.memory_space<semaphore_mem>>)
      %scan3A_102 = arith.constant 0 : i32
      %scan3A_103 = arith.constant 0 : i32
      %scan3A_104 = arith.constant 32 : i32
      %scan3A_105 = arith.addi %scan3A_103, %scan3A_104 : i32
      %scan3A_106 = arith.constant 1 : i32
      %scan3A_107 = scf.for %scan3A_109 = %scan3A_103 to %scan3A_105 step %scan3A_106 iter_args(%scan3A_110 = %scan3A_102) -> (i32)  : i32 {
        %add3A_111 = arith.constant 1 : i32
        %add3A_112 = arith.addi %scan3A_109, %add3A_111 : i32
        %lt3A = arith.constant 32 : i32
        %lt3A_113 = arith.cmpi slt, %add3A_112, %lt3A : i32
        %convert_element_type3A_114 = arith.extui %lt3A_113 : i1 to i32
        %cond3A_115 = arith.constant 0 : i32
        %cond3A_116 = arith.cmpi ne, %convert_element_type3A_114, %cond3A_115 : i32
        scf.if %cond3A_116 {
          %jit3A_140 = arith.constant 2 : i32
          %eq3A_141 = arith.constant 0 : i32
          %eq3A_142 = arith.cmpi eq, %jit3A_140, %eq3A_141 : i32
          %jit3A_143 = arith.constant 1 : i32
          %select_n3A_144 = arith.select %eq3A_142, %jit3A_143, %jit3A_140 : i32
          %rem3A_145 = arith.remsi %add3A_112, %select_n3A_144 : i32
          %ne3A_146 = arith.constant 0 : i32
          %ne3A_147 = arith.cmpi ne, %rem3A_145, %ne3A_146 : i32
          %lt3A_148 = arith.constant 0 : i32
          %lt3A_149 = arith.cmpi slt, %rem3A_145, %lt3A_148 : i32
          %lt3A_150 = arith.constant 0 : i32
          %lt3A_151 = arith.cmpi slt, %select_n3A_144, %lt3A_150 : i32
          %ne3A_152 = arith.xori %lt3A_149, %lt3A_151 : i1
          %and3A_153 = arith.andi %ne3A_152, %ne3A_147 : i1
          %add3A_154 = arith.addi %rem3A_145, %select_n3A_144 : i32
          %select_n3A_155 = arith.select %and3A_153, %add3A_154, %rem3A_145 : i32
          %dma_start3A_156 = arith.constant 0 : i32
          %dma_start3A_157 = arith.constant 0 : i32
          %dma_start3A_158 = tpu.memref_slice %arg8[%select_n3A_155, %dma_start3A_156, %dma_start3A_157] : memref<2x128x128xf32, #tpu.memory_space<vmem>> -> memref<1x128x128xf32, #tpu.memory_space<vmem>>
          %dma_start3A_159 = tpu.memref_squeeze %dma_start3A_158 : memref<1x128x128xf32, #tpu.memory_space<vmem>> -> memref<128x128xf32, #tpu.memory_space<vmem>>
          %dma_start3A_160 = arith.constant 0 : i32
          %dma_start3A_161 = tpu.memref_slice %arg6[%add3A_112, %dma_start3A_160] : memref<32x128xi32, #tpu.memory_space<vmem>> -> memref<1x128xi32, #tpu.memory_space<vmem>>
          %dma_start3A_162 = tpu.memref_squeeze %dma_start3A_161 : memref<1x128xi32, #tpu.memory_space<vmem>> -> memref<128xi32, #tpu.memory_space<vmem>>
          %dma_start3A_163 = arith.constant 0 : i32
          %dma_start3A_164 = arith.constant 0 : i32
          %dma_start3A_165 = tpu.memref_slice %arg2[%dma_start3A_163, %dma_start3A_164] : memref<10000x128xf32, #tpu.memory_space<hbm>> -> memref<10000x128xf32, #tpu.memory_space<hbm>>
          tpu.enqueue_indirect_dma source(%dma_start3A_165 : memref<10000x128xf32, #tpu.memory_space<hbm>>) target(%dma_start3A_159 : memref<128x128xf32, #tpu.memory_space<vmem>>) offsets(%dma_start3A_162 : memref<128xi32, #tpu.memory_space<vmem>>) semaphore(%arg10 : memref<!tpu.dma_semaphore, #tpu.memory_space<semaphore_mem>>)
        } else {
        }
        %jit3A_117 = arith.constant 2 : i32
        %eq3A_118 = arith.constant 0 : i32
        %eq3A_119 = arith.cmpi eq, %jit3A_117, %eq3A_118 : i32
        %jit3A_120 = arith.constant 1 : i32
        %select_n3A_121 = arith.select %eq3A_119, %jit3A_120, %jit3A_117 : i32
        %rem3A = arith.remsi %scan3A_109, %select_n3A_121 : i32
        %ne3A = arith.constant 0 : i32
        %ne3A_122 = arith.cmpi ne, %rem3A, %ne3A : i32
        %lt3A_123 = arith.constant 0 : i32
        %lt3A_124 = arith.cmpi slt, %rem3A, %lt3A_123 : i32
        %lt3A_125 = arith.constant 0 : i32
        %lt3A_126 = arith.cmpi slt, %select_n3A_121, %lt3A_125 : i32
        %ne3A_127 = arith.xori %lt3A_124, %lt3A_126 : i1
        %and3A = arith.andi %ne3A_127, %ne3A_122 : i1
        %add3A_128 = arith.addi %rem3A, %select_n3A_121 : i32
        %select_n3A_129 = arith.select %and3A, %add3A_128, %rem3A : i32
        %dma_wait3A = arith.constant 0 : i32
        %dma_wait3A_130 = arith.constant 0 : i32
        %dma_wait3A_131 = tpu.memref_slice %arg8[%select_n3A_129, %dma_wait3A, %dma_wait3A_130] : memref<2x128x128xf32, #tpu.memory_space<vmem>> -> memref<1x128x128xf32, #tpu.memory_space<vmem>>
        %dma_wait3A_132 = tpu.memref_squeeze %dma_wait3A_131 : memref<1x128x128xf32, #tpu.memory_space<vmem>> -> memref<128x128xf32, #tpu.memory_space<vmem>>
        %dma_wait3A_133 = arith.constant 0 : i32
        %dma_wait3A_134 = tpu.memref_slice %arg6[%scan3A_109, %dma_wait3A_133] : memref<32x128xi32, #tpu.memory_space<vmem>> -> memref<1x128xi32, #tpu.memory_space<vmem>>
        %dma_wait3A_135 = tpu.memref_squeeze %dma_wait3A_134 : memref<1x128xi32, #tpu.memory_space<vmem>> -> memref<128xi32, #tpu.memory_space<vmem>>
        %dma_wait3A_136 = arith.constant 0 : i32
        %dma_wait3A_137 = arith.constant 0 : i32
        %dma_wait3A_138 = tpu.memref_slice %arg2[%dma_wait3A_136, %dma_wait3A_137] : memref<10000x128xf32, #tpu.memory_space<hbm>> -> memref<10000x128xf32, #tpu.memory_space<hbm>>
        tpu.wait_indirect_dma semaphore(%arg10 : memref<!tpu.dma_semaphore, #tpu.memory_space<semaphore_mem>>) src(%dma_wait3A_138 : memref<10000x128xf32, #tpu.memory_space<hbm>>) dst(%dma_wait3A_132 : memref<128x128xf32, #tpu.memory_space<vmem>>)
        "tpu.region"() ({
          %run_scoped3A_140 = tpu.sem_alloc : memref<!tpu.dma_semaphore, #tpu.memory_space<semaphore_mem>>
          %dma_start3A_141 = arith.constant 0 : i32
          %dma_start3A_142 = arith.constant 0 : i32
          %dma_start3A_143 = tpu.memref_slice %arg8[%select_n3A_129, %dma_start3A_141, %dma_start3A_142] : memref<2x128x128xf32, #tpu.memory_space<vmem>> -> memref<1x128x128xf32, #tpu.memory_space<vmem>>
          %dma_start3A_144 = tpu.memref_squeeze %dma_start3A_143 : memref<1x128x128xf32, #tpu.memory_space<vmem>> -> memref<128x128xf32, #tpu.memory_space<vmem>>
          %dma_start3A_145 = arith.constant 0 : i32
          %dma_start3A_146 = tpu.memref_slice %arg7[%scan3A_109, %dma_start3A_145] : memref<32x128xi32, #tpu.memory_space<vmem>> -> memref<1x128xi32, #tpu.memory_space<vmem>>
          %dma_start3A_147 = tpu.memref_squeeze %dma_start3A_146 : memref<1x128xi32, #tpu.memory_space<vmem>> -> memref<128xi32, #tpu.memory_space<vmem>>
          %dma_start3A_148 = arith.constant 0 : i32
          %dma_start3A_149 = arith.constant 0 : i32
          %dma_start3A_150 = tpu.memref_slice %arg9[%dma_start3A_148, %dma_start3A_149] : memref<10240x128xf32, #tpu.memory_space<vmem_shared>> -> memref<10240x128xf32, #tpu.memory_space<vmem_shared>>
          tpu.enqueue_indirect_dma source(%dma_start3A_144 : memref<128x128xf32, #tpu.memory_space<vmem>>) target(%dma_start3A_150 : memref<10240x128xf32, #tpu.memory_space<vmem_shared>>) offsets(%dma_start3A_147 : memref<128xi32, #tpu.memory_space<vmem>>) semaphore(%run_scoped3A_140 : memref<!tpu.dma_semaphore, #tpu.memory_space<semaphore_mem>>) {add = true}
          %dma_wait3A_151 = arith.constant 0 : i32
          %dma_wait3A_152 = arith.constant 0 : i32
          %dma_wait3A_153 = tpu.memref_slice %arg8[%select_n3A_129, %dma_wait3A_151, %dma_wait3A_152] : memref<2x128x128xf32, #tpu.memory_space<vmem>> -> memref<1x128x128xf32, #tpu.memory_space<vmem>>
          %dma_wait3A_154 = tpu.memref_squeeze %dma_wait3A_153 : memref<1x128x128xf32, #tpu.memory_space<vmem>> -> memref<128x128xf32, #tpu.memory_space<vmem>>
          %dma_wait3A_155 = arith.constant 0 : i32
          %dma_wait3A_156 = tpu.memref_slice %arg7[%scan3A_109, %dma_wait3A_155] : memref<32x128xi32, #tpu.memory_space<vmem>> -> memref<1x128xi32, #tpu.memory_space<vmem>>
          %dma_wait3A_157 = tpu.memref_squeeze %dma_wait3A_156 : memref<1x128xi32, #tpu.memory_space<vmem>> -> memref<128xi32, #tpu.memory_space<vmem>>
          %dma_wait3A_158 = arith.constant 0 : i32
          %dma_wait3A_159 = arith.constant 0 : i32
          %dma_wait3A_160 = tpu.memref_slice %arg9[%dma_wait3A_158, %dma_wait3A_159] : memref<10240x128xf32, #tpu.memory_space<vmem_shared>> -> memref<10240x128xf32, #tpu.memory_space<vmem_shared>>
          tpu.wait_indirect_dma semaphore(%run_scoped3A_140 : memref<!tpu.dma_semaphore, #tpu.memory_space<semaphore_mem>>) src(%dma_wait3A_154 : memref<128x128xf32, #tpu.memory_space<vmem>>) dst(%dma_wait3A_160 : memref<10240x128xf32, #tpu.memory_space<vmem_shared>>)
          tpu.yield
        }) : () -> ()
        %scan3A_139 = arith.constant 0 : i32
        scf.yield %scan3A_139 : i32
      }
      %scan3A_108 = arith.constant 32 : i32
    } else {
    }
    %gt3A_48 = arith.constant 64 : i32
    %gt3A_49 = arith.cmpi sgt, %select_n3A, %gt3A_48 : i32
    %convert_element_type3A_50 = arith.extui %gt3A_49 : i1 to i32
    %cond3A_51 = arith.constant 0 : i32
    %cond3A_52 = arith.cmpi ne, %convert_element_type3A_50, %cond3A_51 : i32
    scf.if %cond3A_52 {
      %add3A_89 = arith.constant 64 : i32
      %add3A_90 = arith.addi %select_n3A_40, %add3A_89 : i32
      %multiple_of3A = tpu.assume_multiple %add3A_90, 8 : i32
      "tpu.region"() ({
        %run_scoped3A_109 = tpu.sem_alloc : memref<!tpu.dma_semaphore, #tpu.memory_space<semaphore_mem>>
        %dma_start3A_110 = arith.constant 0 : i32
        %dma_start3A_111 = tpu.memref_slice %arg3[%multiple_of3A, %dma_start3A_110] : memref<2560x128xi32, #tpu.memory_space<hbm>> -> memref<32x128xi32, #tpu.memory_space<hbm>>
        %dma_start3A_112 = arith.constant 0 : i32
        %dma_start3A_113 = tpu.memref_slice %arg3[%multiple_of3A, %dma_start3A_112] : memref<2560x128xi32, #tpu.memory_space<hbm>> -> memref<32x128xi32, #tpu.memory_space<hbm>>
        tpu.enqueue_dma source(%dma_start3A_113 : memref<32x128xi32, #tpu.memory_space<hbm>>) target(%arg6 : memref<32x128xi32, #tpu.memory_space<vmem>>) target_semaphore(%run_scoped3A_109 : memref<!tpu.dma_semaphore, #tpu.memory_space<semaphore_mem>>)
        %dma_wait3A = arith.constant 0 : i32
        %dma_wait3A_114 = tpu.memref_slice %arg3[%multiple_of3A, %dma_wait3A] : memref<2560x128xi32, #tpu.memory_space<hbm>> -> memref<32x128xi32, #tpu.memory_space<hbm>>
        %dma_wait3A_115 = arith.constant 0 : i32
        %dma_wait3A_116 = tpu.memref_slice %arg3[%multiple_of3A, %dma_wait3A_115] : memref<2560x128xi32, #tpu.memory_space<hbm>> -> memref<32x128xi32, #tpu.memory_space<hbm>>
        tpu.wait_dma2 semaphore(%run_scoped3A_109 : memref<!tpu.dma_semaphore, #tpu.memory_space<semaphore_mem>>) src(%dma_wait3A_116 : memref<32x128xi32, #tpu.memory_space<hbm>>) dst(%arg6 : memref<32x128xi32, #tpu.memory_space<vmem>>)
        tpu.yield
      }) : () -> ()
      "tpu.region"() ({
        %run_scoped3A_109 = tpu.sem_alloc : memref<!tpu.dma_semaphore, #tpu.memory_space<semaphore_mem>>
        %dma_start3A_110 = arith.constant 0 : i32
        %dma_start3A_111 = tpu.memref_slice %arg4[%multiple_of3A, %dma_start3A_110] : memref<2560x128xi32, #tpu.memory_space<hbm>> -> memref<32x128xi32, #tpu.memory_space<hbm>>
        %dma_start3A_112 = arith.constant 0 : i32
        %dma_start3A_113 = tpu.memref_slice %arg4[%multiple_of3A, %dma_start3A_112] : memref<2560x128xi32, #tpu.memory_space<hbm>> -> memref<32x128xi32, #tpu.memory_space<hbm>>
        tpu.enqueue_dma source(%dma_start3A_113 : memref<32x128xi32, #tpu.memory_space<hbm>>) target(%arg7 : memref<32x128xi32, #tpu.memory_space<vmem>>) target_semaphore(%run_scoped3A_109 : memref<!tpu.dma_semaphore, #tpu.memory_space<semaphore_mem>>)
        %dma_wait3A = arith.constant 0 : i32
        %dma_wait3A_114 = tpu.memref_slice %arg4[%multiple_of3A, %dma_wait3A] : memref<2560x128xi32, #tpu.memory_space<hbm>> -> memref<32x128xi32, #tpu.memory_space<hbm>>
        %dma_wait3A_115 = arith.constant 0 : i32
        %dma_wait3A_116 = tpu.memref_slice %arg4[%multiple_of3A, %dma_wait3A_115] : memref<2560x128xi32, #tpu.memory_space<hbm>> -> memref<32x128xi32, #tpu.memory_space<hbm>>
        tpu.wait_dma2 semaphore(%run_scoped3A_109 : memref<!tpu.dma_semaphore, #tpu.memory_space<semaphore_mem>>) src(%dma_wait3A_116 : memref<32x128xi32, #tpu.memory_space<hbm>>) dst(%arg7 : memref<32x128xi32, #tpu.memory_space<vmem>>)
        tpu.yield
      }) : () -> ()
      %dma_start3A = arith.constant 0 : i32
      %dma_start3A_91 = arith.constant 0 : i32
      %dma_start3A_92 = arith.constant 0 : i32
      %dma_start3A_93 = arith.constant 0 : i32
      %dma_start3A_94 = tpu.memref_slice %arg8[%dma_start3A_91, %dma_start3A_92, %dma_start3A_93] : memref<2x128x128xf32, #tpu.memory_space<vmem>> -> memref<1x128x128xf32, #tpu.memory_space<vmem>>
      %dma_start3A_95 = tpu.memref_squeeze %dma_start3A_94 : memref<1x128x128xf32, #tpu.memory_space<vmem>> -> memref<128x128xf32, #tpu.memory_space<vmem>>
      %dma_start3A_96 = arith.constant 0 : i32
      %dma_start3A_97 = tpu.memref_slice %arg6[%dma_start3A, %dma_start3A_96] : memref<32x128xi32, #tpu.memory_space<vmem>> -> memref<1x128xi32, #tpu.memory_space<vmem>>
      %dma_start3A_98 = tpu.memref_squeeze %dma_start3A_97 : memref<1x128xi32, #tpu.memory_space<vmem>> -> memref<128xi32, #tpu.memory_space<vmem>>
      %dma_start3A_99 = arith.constant 0 : i32
      %dma_start3A_100 = arith.constant 0 : i32
      %dma_start3A_101 = tpu.memref_slice %arg2[%dma_start3A_99, %dma_start3A_100] : memref<10000x128xf32, #tpu.memory_space<hbm>> -> memref<10000x128xf32, #tpu.memory_space<hbm>>
      tpu.enqueue_indirect_dma source(%dma_start3A_101 : memref<10000x128xf32, #tpu.memory_space<hbm>>) target(%dma_start3A_95 : memref<128x128xf32, #tpu.memory_space<vmem>>) offsets(%dma_start3A_98 : memref<128xi32, #tpu.memory_space<vmem>>) semaphore(%arg10 : memref<!tpu.dma_semaphore, #tpu.memory_space<semaphore_mem>>)
      %scan3A_102 = arith.constant 0 : i32
      %scan3A_103 = arith.constant 0 : i32
      %scan3A_104 = arith.constant 32 : i32
      %scan3A_105 = arith.addi %scan3A_103, %scan3A_104 : i32
      %scan3A_106 = arith.constant 1 : i32
      %scan3A_107 = scf.for %scan3A_109 = %scan3A_103 to %scan3A_105 step %scan3A_106 iter_args(%scan3A_110 = %scan3A_102) -> (i32)  : i32 {
        %add3A_111 = arith.constant 1 : i32
        %add3A_112 = arith.addi %scan3A_109, %add3A_111 : i32
        %lt3A = arith.constant 32 : i32
        %lt3A_113 = arith.cmpi slt, %add3A_112, %lt3A : i32
        %convert_element_type3A_114 = arith.extui %lt3A_113 : i1 to i32
        %cond3A_115 = arith.constant 0 : i32
        %cond3A_116 = arith.cmpi ne, %convert_element_type3A_114, %cond3A_115 : i32
        scf.if %cond3A_116 {
          %jit3A_140 = arith.constant 2 : i32
          %eq3A_141 = arith.constant 0 : i32
          %eq3A_142 = arith.cmpi eq, %jit3A_140, %eq3A_141 : i32
          %jit3A_143 = arith.constant 1 : i32
          %select_n3A_144 = arith.select %eq3A_142, %jit3A_143, %jit3A_140 : i32
          %rem3A_145 = arith.remsi %add3A_112, %select_n3A_144 : i32
          %ne3A_146 = arith.constant 0 : i32
          %ne3A_147 = arith.cmpi ne, %rem3A_145, %ne3A_146 : i32
          %lt3A_148 = arith.constant 0 : i32
          %lt3A_149 = arith.cmpi slt, %rem3A_145, %lt3A_148 : i32
          %lt3A_150 = arith.constant 0 : i32
          %lt3A_151 = arith.cmpi slt, %select_n3A_144, %lt3A_150 : i32
          %ne3A_152 = arith.xori %lt3A_149, %lt3A_151 : i1
          %and3A_153 = arith.andi %ne3A_152, %ne3A_147 : i1
          %add3A_154 = arith.addi %rem3A_145, %select_n3A_144 : i32
          %select_n3A_155 = arith.select %and3A_153, %add3A_154, %rem3A_145 : i32
          %dma_start3A_156 = arith.constant 0 : i32
          %dma_start3A_157 = arith.constant 0 : i32
          %dma_start3A_158 = tpu.memref_slice %arg8[%select_n3A_155, %dma_start3A_156, %dma_start3A_157] : memref<2x128x128xf32, #tpu.memory_space<vmem>> -> memref<1x128x128xf32, #tpu.memory_space<vmem>>
          %dma_start3A_159 = tpu.memref_squeeze %dma_start3A_158 : memref<1x128x128xf32, #tpu.memory_space<vmem>> -> memref<128x128xf32, #tpu.memory_space<vmem>>
          %dma_start3A_160 = arith.constant 0 : i32
          %dma_start3A_161 = tpu.memref_slice %arg6[%add3A_112, %dma_start3A_160] : memref<32x128xi32, #tpu.memory_space<vmem>> -> memref<1x128xi32, #tpu.memory_space<vmem>>
          %dma_start3A_162 = tpu.memref_squeeze %dma_start3A_161 : memref<1x128xi32, #tpu.memory_space<vmem>> -> memref<128xi32, #tpu.memory_space<vmem>>
          %dma_start3A_163 = arith.constant 0 : i32
          %dma_start3A_164 = arith.constant 0 : i32
          %dma_start3A_165 = tpu.memref_slice %arg2[%dma_start3A_163, %dma_start3A_164] : memref<10000x128xf32, #tpu.memory_space<hbm>> -> memref<10000x128xf32, #tpu.memory_space<hbm>>
          tpu.enqueue_indirect_dma source(%dma_start3A_165 : memref<10000x128xf32, #tpu.memory_space<hbm>>) target(%dma_start3A_159 : memref<128x128xf32, #tpu.memory_space<vmem>>) offsets(%dma_start3A_162 : memref<128xi32, #tpu.memory_space<vmem>>) semaphore(%arg10 : memref<!tpu.dma_semaphore, #tpu.memory_space<semaphore_mem>>)
        } else {
        }
        %jit3A_117 = arith.constant 2 : i32
        %eq3A_118 = arith.constant 0 : i32
        %eq3A_119 = arith.cmpi eq, %jit3A_117, %eq3A_118 : i32
        %jit3A_120 = arith.constant 1 : i32
        %select_n3A_121 = arith.select %eq3A_119, %jit3A_120, %jit3A_117 : i32
        %rem3A = arith.remsi %scan3A_109, %select_n3A_121 : i32
        %ne3A = arith.constant 0 : i32
        %ne3A_122 = arith.cmpi ne, %rem3A, %ne3A : i32
        %lt3A_123 = arith.constant 0 : i32
        %lt3A_124 = arith.cmpi slt, %rem3A, %lt3A_123 : i32
        %lt3A_125 = arith.constant 0 : i32
        %lt3A_126 = arith.cmpi slt, %select_n3A_121, %lt3A_125 : i32
        %ne3A_127 = arith.xori %lt3A_124, %lt3A_126 : i1
        %and3A = arith.andi %ne3A_127, %ne3A_122 : i1
        %add3A_128 = arith.addi %rem3A, %select_n3A_121 : i32
        %select_n3A_129 = arith.select %and3A, %add3A_128, %rem3A : i32
        %dma_wait3A = arith.constant 0 : i32
        %dma_wait3A_130 = arith.constant 0 : i32
        %dma_wait3A_131 = tpu.memref_slice %arg8[%select_n3A_129, %dma_wait3A, %dma_wait3A_130] : memref<2x128x128xf32, #tpu.memory_space<vmem>> -> memref<1x128x128xf32, #tpu.memory_space<vmem>>
        %dma_wait3A_132 = tpu.memref_squeeze %dma_wait3A_131 : memref<1x128x128xf32, #tpu.memory_space<vmem>> -> memref<128x128xf32, #tpu.memory_space<vmem>>
        %dma_wait3A_133 = arith.constant 0 : i32
        %dma_wait3A_134 = tpu.memref_slice %arg6[%scan3A_109, %dma_wait3A_133] : memref<32x128xi32, #tpu.memory_space<vmem>> -> memref<1x128xi32, #tpu.memory_space<vmem>>
        %dma_wait3A_135 = tpu.memref_squeeze %dma_wait3A_134 : memref<1x128xi32, #tpu.memory_space<vmem>> -> memref<128xi32, #tpu.memory_space<vmem>>
        %dma_wait3A_136 = arith.constant 0 : i32
        %dma_wait3A_137 = arith.constant 0 : i32
        %dma_wait3A_138 = tpu.memref_slice %arg2[%dma_wait3A_136, %dma_wait3A_137] : memref<10000x128xf32, #tpu.memory_space<hbm>> -> memref<10000x128xf32, #tpu.memory_space<hbm>>
        tpu.wait_indirect_dma semaphore(%arg10 : memref<!tpu.dma_semaphore, #tpu.memory_space<semaphore_mem>>) src(%dma_wait3A_138 : memref<10000x128xf32, #tpu.memory_space<hbm>>) dst(%dma_wait3A_132 : memref<128x128xf32, #tpu.memory_space<vmem>>)
        "tpu.region"() ({
          %run_scoped3A_140 = tpu.sem_alloc : memref<!tpu.dma_semaphore, #tpu.memory_space<semaphore_mem>>
          %dma_start3A_141 = arith.constant 0 : i32
          %dma_start3A_142 = arith.constant 0 : i32
          %dma_start3A_143 = tpu.memref_slice %arg8[%select_n3A_129, %dma_start3A_141, %dma_start3A_142] : memref<2x128x128xf32, #tpu.memory_space<vmem>> -> memref<1x128x128xf32, #tpu.memory_space<vmem>>
          %dma_start3A_144 = tpu.memref_squeeze %dma_start3A_143 : memref<1x128x128xf32, #tpu.memory_space<vmem>> -> memref<128x128xf32, #tpu.memory_space<vmem>>
          %dma_start3A_145 = arith.constant 0 : i32
          %dma_start3A_146 = tpu.memref_slice %arg7[%scan3A_109, %dma_start3A_145] : memref<32x128xi32, #tpu.memory_space<vmem>> -> memref<1x128xi32, #tpu.memory_space<vmem>>
          %dma_start3A_147 = tpu.memref_squeeze %dma_start3A_146 : memref<1x128xi32, #tpu.memory_space<vmem>> -> memref<128xi32, #tpu.memory_space<vmem>>
          %dma_start3A_148 = arith.constant 0 : i32
          %dma_start3A_149 = arith.constant 0 : i32
          %dma_start3A_150 = tpu.memref_slice %arg9[%dma_start3A_148, %dma_start3A_149] : memref<10240x128xf32, #tpu.memory_space<vmem_shared>> -> memref<10240x128xf32, #tpu.memory_space<vmem_shared>>
          tpu.enqueue_indirect_dma source(%dma_start3A_144 : memref<128x128xf32, #tpu.memory_space<vmem>>) target(%dma_start3A_150 : memref<10240x128xf32, #tpu.memory_space<vmem_shared>>) offsets(%dma_start3A_147 : memref<128xi32, #tpu.memory_space<vmem>>) semaphore(%run_scoped3A_140 : memref<!tpu.dma_semaphore, #tpu.memory_space<semaphore_mem>>) {add = true}
          %dma_wait3A_151 = arith.constant 0 : i32
          %dma_wait3A_152 = arith.constant 0 : i32
          %dma_wait3A_153 = tpu.memref_slice %arg8[%select_n3A_129, %dma_wait3A_151, %dma_wait3A_152] : memref<2x128x128xf32, #tpu.memory_space<vmem>> -> memref<1x128x128xf32, #tpu.memory_space<vmem>>
          %dma_wait3A_154 = tpu.memref_squeeze %dma_wait3A_153 : memref<1x128x128xf32, #tpu.memory_space<vmem>> -> memref<128x128xf32, #tpu.memory_space<vmem>>
          %dma_wait3A_155 = arith.constant 0 : i32
          %dma_wait3A_156 = tpu.memref_slice %arg7[%scan3A_109, %dma_wait3A_155] : memref<32x128xi32, #tpu.memory_space<vmem>> -> memref<1x128xi32, #tpu.memory_space<vmem>>
          %dma_wait3A_157 = tpu.memref_squeeze %dma_wait3A_156 : memref<1x128xi32, #tpu.memory_space<vmem>> -> memref<128xi32, #tpu.memory_space<vmem>>
          %dma_wait3A_158 = arith.constant 0 : i32
          %dma_wait3A_159 = arith.constant 0 : i32
          %dma_wait3A_160 = tpu.memref_slice %arg9[%dma_wait3A_158, %dma_wait3A_159] : memref<10240x128xf32, #tpu.memory_space<vmem_shared>> -> memref<10240x128xf32, #tpu.memory_space<vmem_shared>>
          tpu.wait_indirect_dma semaphore(%run_scoped3A_140 : memref<!tpu.dma_semaphore, #tpu.memory_space<semaphore_mem>>) src(%dma_wait3A_154 : memref<128x128xf32, #tpu.memory_space<vmem>>) dst(%dma_wait3A_160 : memref<10240x128xf32, #tpu.memory_space<vmem_shared>>)
          tpu.yield
        }) : () -> ()
        %scan3A_139 = arith.constant 0 : i32
        scf.yield %scan3A_139 : i32
      }
      %scan3A_108 = arith.constant 32 : i32
    } else {
    }
    %gt3A_53 = arith.constant 96 : i32
    %gt3A_54 = arith.cmpi sgt, %select_n3A, %gt3A_53 : i32
    %convert_element_type3A_55 = arith.extui %gt3A_54 : i1 to i32
    %cond3A_56 = arith.constant 0 : i32
    %cond3A_57 = arith.cmpi ne, %convert_element_type3A_55, %cond3A_56 : i32
    scf.if %cond3A_57 {
      %add3A_89 = arith.constant 96 : i32
      %add3A_90 = arith.addi %select_n3A_40, %add3A_89 : i32
      %multiple_of3A = tpu.assume_multiple %add3A_90, 8 : i32
      "tpu.region"() ({
        %run_scoped3A_109 = tpu.sem_alloc : memref<!tpu.dma_semaphore, #tpu.memory_space<semaphore_mem>>
        %dma_start3A_110 = arith.constant 0 : i32
        %dma_start3A_111 = tpu.memref_slice %arg3[%multiple_of3A, %dma_start3A_110] : memref<2560x128xi32, #tpu.memory_space<hbm>> -> memref<32x128xi32, #tpu.memory_space<hbm>>
        %dma_start3A_112 = arith.constant 0 : i32
        %dma_start3A_113 = tpu.memref_slice %arg3[%multiple_of3A, %dma_start3A_112] : memref<2560x128xi32, #tpu.memory_space<hbm>> -> memref<32x128xi32, #tpu.memory_space<hbm>>
        tpu.enqueue_dma source(%dma_start3A_113 : memref<32x128xi32, #tpu.memory_space<hbm>>) target(%arg6 : memref<32x128xi32, #tpu.memory_space<vmem>>) target_semaphore(%run_scoped3A_109 : memref<!tpu.dma_semaphore, #tpu.memory_space<semaphore_mem>>)
        %dma_wait3A = arith.constant 0 : i32
        %dma_wait3A_114 = tpu.memref_slice %arg3[%multiple_of3A, %dma_wait3A] : memref<2560x128xi32, #tpu.memory_space<hbm>> -> memref<32x128xi32, #tpu.memory_space<hbm>>
        %dma_wait3A_115 = arith.constant 0 : i32
        %dma_wait3A_116 = tpu.memref_slice %arg3[%multiple_of3A, %dma_wait3A_115] : memref<2560x128xi32, #tpu.memory_space<hbm>> -> memref<32x128xi32, #tpu.memory_space<hbm>>
        tpu.wait_dma2 semaphore(%run_scoped3A_109 : memref<!tpu.dma_semaphore, #tpu.memory_space<semaphore_mem>>) src(%dma_wait3A_116 : memref<32x128xi32, #tpu.memory_space<hbm>>) dst(%arg6 : memref<32x128xi32, #tpu.memory_space<vmem>>)
        tpu.yield
      }) : () -> ()
      "tpu.region"() ({
        %run_scoped3A_109 = tpu.sem_alloc : memref<!tpu.dma_semaphore, #tpu.memory_space<semaphore_mem>>
        %dma_start3A_110 = arith.constant 0 : i32
        %dma_start3A_111 = tpu.memref_slice %arg4[%multiple_of3A, %dma_start3A_110] : memref<2560x128xi32, #tpu.memory_space<hbm>> -> memref<32x128xi32, #tpu.memory_space<hbm>>
        %dma_start3A_112 = arith.constant 0 : i32
        %dma_start3A_113 = tpu.memref_slice %arg4[%multiple_of3A, %dma_start3A_112] : memref<2560x128xi32, #tpu.memory_space<hbm>> -> memref<32x128xi32, #tpu.memory_space<hbm>>
        tpu.enqueue_dma source(%dma_start3A_113 : memref<32x128xi32, #tpu.memory_space<hbm>>) target(%arg7 : memref<32x128xi32, #tpu.memory_space<vmem>>) target_semaphore(%run_scoped3A_109 : memref<!tpu.dma_semaphore, #tpu.memory_space<semaphore_mem>>)
        %dma_wait3A = arith.constant 0 : i32
        %dma_wait3A_114 = tpu.memref_slice %arg4[%multiple_of3A, %dma_wait3A] : memref<2560x128xi32, #tpu.memory_space<hbm>> -> memref<32x128xi32, #tpu.memory_space<hbm>>
        %dma_wait3A_115 = arith.constant 0 : i32
        %dma_wait3A_116 = tpu.memref_slice %arg4[%multiple_of3A, %dma_wait3A_115] : memref<2560x128xi32, #tpu.memory_space<hbm>> -> memref<32x128xi32, #tpu.memory_space<hbm>>
        tpu.wait_dma2 semaphore(%run_scoped3A_109 : memref<!tpu.dma_semaphore, #tpu.memory_space<semaphore_mem>>) src(%dma_wait3A_116 : memref<32x128xi32, #tpu.memory_space<hbm>>) dst(%arg7 : memref<32x128xi32, #tpu.memory_space<vmem>>)
        tpu.yield
      }) : () -> ()
      %dma_start3A = arith.constant 0 : i32
      %dma_start3A_91 = arith.constant 0 : i32
      %dma_start3A_92 = arith.constant 0 : i32
      %dma_start3A_93 = arith.constant 0 : i32
      %dma_start3A_94 = tpu.memref_slice %arg8[%dma_start3A_91, %dma_start3A_92, %dma_start3A_93] : memref<2x128x128xf32, #tpu.memory_space<vmem>> -> memref<1x128x128xf32, #tpu.memory_space<vmem>>
      %dma_start3A_95 = tpu.memref_squeeze %dma_start3A_94 : memref<1x128x128xf32, #tpu.memory_space<vmem>> -> memref<128x128xf32, #tpu.memory_space<vmem>>
      %dma_start3A_96 = arith.constant 0 : i32
      %dma_start3A_97 = tpu.memref_slice %arg6[%dma_start3A, %dma_start3A_96] : memref<32x128xi32, #tpu.memory_space<vmem>> -> memref<1x128xi32, #tpu.memory_space<vmem>>
      %dma_start3A_98 = tpu.memref_squeeze %dma_start3A_97 : memref<1x128xi32, #tpu.memory_space<vmem>> -> memref<128xi32, #tpu.memory_space<vmem>>
      %dma_start3A_99 = arith.constant 0 : i32
      %dma_start3A_100 = arith.constant 0 : i32
      %dma_start3A_101 = tpu.memref_slice %arg2[%dma_start3A_99, %dma_start3A_100] : memref<10000x128xf32, #tpu.memory_space<hbm>> -> memref<10000x128xf32, #tpu.memory_space<hbm>>
      tpu.enqueue_indirect_dma source(%dma_start3A_101 : memref<10000x128xf32, #tpu.memory_space<hbm>>) target(%dma_start3A_95 : memref<128x128xf32, #tpu.memory_space<vmem>>) offsets(%dma_start3A_98 : memref<128xi32, #tpu.memory_space<vmem>>) semaphore(%arg10 : memref<!tpu.dma_semaphore, #tpu.memory_space<semaphore_mem>>)
      %scan3A_102 = arith.constant 0 : i32
      %scan3A_103 = arith.constant 0 : i32
      %scan3A_104 = arith.constant 32 : i32
      %scan3A_105 = arith.addi %scan3A_103, %scan3A_104 : i32
      %scan3A_106 = arith.constant 1 : i32
      %scan3A_107 = scf.for %scan3A_109 = %scan3A_103 to %scan3A_105 step %scan3A_106 iter_args(%scan3A_110 = %scan3A_102) -> (i32)  : i32 {
        %add3A_111 = arith.constant 1 : i32
        %add3A_112 = arith.addi %scan3A_109, %add3A_111 : i32
        %lt3A = arith.constant 32 : i32
        %lt3A_113 = arith.cmpi slt, %add3A_112, %lt3A : i32
        %convert_element_type3A_114 = arith.extui %lt3A_113 : i1 to i32
        %cond3A_115 = arith.constant 0 : i32
        %cond3A_116 = arith.cmpi ne, %convert_element_type3A_114, %cond3A_115 : i32
        scf.if %cond3A_116 {
          %jit3A_140 = arith.constant 2 : i32
          %eq3A_141 = arith.constant 0 : i32
          %eq3A_142 = arith.cmpi eq, %jit3A_140, %eq3A_141 : i32
          %jit3A_143 = arith.constant 1 : i32
          %select_n3A_144 = arith.select %eq3A_142, %jit3A_143, %jit3A_140 : i32
          %rem3A_145 = arith.remsi %add3A_112, %select_n3A_144 : i32
          %ne3A_146 = arith.constant 0 : i32
          %ne3A_147 = arith.cmpi ne, %rem3A_145, %ne3A_146 : i32
          %lt3A_148 = arith.constant 0 : i32
          %lt3A_149 = arith.cmpi slt, %rem3A_145, %lt3A_148 : i32
          %lt3A_150 = arith.constant 0 : i32
          %lt3A_151 = arith.cmpi slt, %select_n3A_144, %lt3A_150 : i32
          %ne3A_152 = arith.xori %lt3A_149, %lt3A_151 : i1
          %and3A_153 = arith.andi %ne3A_152, %ne3A_147 : i1
          %add3A_154 = arith.addi %rem3A_145, %select_n3A_144 : i32
          %select_n3A_155 = arith.select %and3A_153, %add3A_154, %rem3A_145 : i32
          %dma_start3A_156 = arith.constant 0 : i32
          %dma_start3A_157 = arith.constant 0 : i32
          %dma_start3A_158 = tpu.memref_slice %arg8[%select_n3A_155, %dma_start3A_156, %dma_start3A_157] : memref<2x128x128xf32, #tpu.memory_space<vmem>> -> memref<1x128x128xf32, #tpu.memory_space<vmem>>
          %dma_start3A_159 = tpu.memref_squeeze %dma_start3A_158 : memref<1x128x128xf32, #tpu.memory_space<vmem>> -> memref<128x128xf32, #tpu.memory_space<vmem>>
          %dma_start3A_160 = arith.constant 0 : i32
          %dma_start3A_161 = tpu.memref_slice %arg6[%add3A_112, %dma_start3A_160] : memref<32x128xi32, #tpu.memory_space<vmem>> -> memref<1x128xi32, #tpu.memory_space<vmem>>
          %dma_start3A_162 = tpu.memref_squeeze %dma_start3A_161 : memref<1x128xi32, #tpu.memory_space<vmem>> -> memref<128xi32, #tpu.memory_space<vmem>>
          %dma_start3A_163 = arith.constant 0 : i32
          %dma_start3A_164 = arith.constant 0 : i32
          %dma_start3A_165 = tpu.memref_slice %arg2[%dma_start3A_163, %dma_start3A_164] : memref<10000x128xf32, #tpu.memory_space<hbm>> -> memref<10000x128xf32, #tpu.memory_space<hbm>>
          tpu.enqueue_indirect_dma source(%dma_start3A_165 : memref<10000x128xf32, #tpu.memory_space<hbm>>) target(%dma_start3A_159 : memref<128x128xf32, #tpu.memory_space<vmem>>) offsets(%dma_start3A_162 : memref<128xi32, #tpu.memory_space<vmem>>) semaphore(%arg10 : memref<!tpu.dma_semaphore, #tpu.memory_space<semaphore_mem>>)
        } else {
        }
        %jit3A_117 = arith.constant 2 : i32
        %eq3A_118 = arith.constant 0 : i32
        %eq3A_119 = arith.cmpi eq, %jit3A_117, %eq3A_118 : i32
        %jit3A_120 = arith.constant 1 : i32
        %select_n3A_121 = arith.select %eq3A_119, %jit3A_120, %jit3A_117 : i32
        %rem3A = arith.remsi %scan3A_109, %select_n3A_121 : i32
        %ne3A = arith.constant 0 : i32
        %ne3A_122 = arith.cmpi ne, %rem3A, %ne3A : i32
        %lt3A_123 = arith.constant 0 : i32
        %lt3A_124 = arith.cmpi slt, %rem3A, %lt3A_123 : i32
        %lt3A_125 = arith.constant 0 : i32
        %lt3A_126 = arith.cmpi slt, %select_n3A_121, %lt3A_125 : i32
        %ne3A_127 = arith.xori %lt3A_124, %lt3A_126 : i1
        %and3A = arith.andi %ne3A_127, %ne3A_122 : i1
        %add3A_128 = arith.addi %rem3A, %select_n3A_121 : i32
        %select_n3A_129 = arith.select %and3A, %add3A_128, %rem3A : i32
        %dma_wait3A = arith.constant 0 : i32
        %dma_wait3A_130 = arith.constant 0 : i32
        %dma_wait3A_131 = tpu.memref_slice %arg8[%select_n3A_129, %dma_wait3A, %dma_wait3A_130] : memref<2x128x128xf32, #tpu.memory_space<vmem>> -> memref<1x128x128xf32, #tpu.memory_space<vmem>>
        %dma_wait3A_132 = tpu.memref_squeeze %dma_wait3A_131 : memref<1x128x128xf32, #tpu.memory_space<vmem>> -> memref<128x128xf32, #tpu.memory_space<vmem>>
        %dma_wait3A_133 = arith.constant 0 : i32
        %dma_wait3A_134 = tpu.memref_slice %arg6[%scan3A_109, %dma_wait3A_133] : memref<32x128xi32, #tpu.memory_space<vmem>> -> memref<1x128xi32, #tpu.memory_space<vmem>>
        %dma_wait3A_135 = tpu.memref_squeeze %dma_wait3A_134 : memref<1x128xi32, #tpu.memory_space<vmem>> -> memref<128xi32, #tpu.memory_space<vmem>>
        %dma_wait3A_136 = arith.constant 0 : i32
        %dma_wait3A_137 = arith.constant 0 : i32
        %dma_wait3A_138 = tpu.memref_slice %arg2[%dma_wait3A_136, %dma_wait3A_137] : memref<10000x128xf32, #tpu.memory_space<hbm>> -> memref<10000x128xf32, #tpu.memory_space<hbm>>
        tpu.wait_indirect_dma semaphore(%arg10 : memref<!tpu.dma_semaphore, #tpu.memory_space<semaphore_mem>>) src(%dma_wait3A_138 : memref<10000x128xf32, #tpu.memory_space<hbm>>) dst(%dma_wait3A_132 : memref<128x128xf32, #tpu.memory_space<vmem>>)
        "tpu.region"() ({
          %run_scoped3A_140 = tpu.sem_alloc : memref<!tpu.dma_semaphore, #tpu.memory_space<semaphore_mem>>
          %dma_start3A_141 = arith.constant 0 : i32
          %dma_start3A_142 = arith.constant 0 : i32
          %dma_start3A_143 = tpu.memref_slice %arg8[%select_n3A_129, %dma_start3A_141, %dma_start3A_142] : memref<2x128x128xf32, #tpu.memory_space<vmem>> -> memref<1x128x128xf32, #tpu.memory_space<vmem>>
          %dma_start3A_144 = tpu.memref_squeeze %dma_start3A_143 : memref<1x128x128xf32, #tpu.memory_space<vmem>> -> memref<128x128xf32, #tpu.memory_space<vmem>>
          %dma_start3A_145 = arith.constant 0 : i32
          %dma_start3A_146 = tpu.memref_slice %arg7[%scan3A_109, %dma_start3A_145] : memref<32x128xi32, #tpu.memory_space<vmem>> -> memref<1x128xi32, #tpu.memory_space<vmem>>
          %dma_start3A_147 = tpu.memref_squeeze %dma_start3A_146 : memref<1x128xi32, #tpu.memory_space<vmem>> -> memref<128xi32, #tpu.memory_space<vmem>>
          %dma_start3A_148 = arith.constant 0 : i32
          %dma_start3A_149 = arith.constant 0 : i32
          %dma_start3A_150 = tpu.memref_slice %arg9[%dma_start3A_148, %dma_start3A_149] : memref<10240x128xf32, #tpu.memory_space<vmem_shared>> -> memref<10240x128xf32, #tpu.memory_space<vmem_shared>>
          tpu.enqueue_indirect_dma source(%dma_start3A_144 : memref<128x128xf32, #tpu.memory_space<vmem>>) target(%dma_start3A_150 : memref<10240x128xf32, #tpu.memory_space<vmem_shared>>) offsets(%dma_start3A_147 : memref<128xi32, #tpu.memory_space<vmem>>) semaphore(%run_scoped3A_140 : memref<!tpu.dma_semaphore, #tpu.memory_space<semaphore_mem>>) {add = true}
          %dma_wait3A_151 = arith.constant 0 : i32
          %dma_wait3A_152 = arith.constant 0 : i32
          %dma_wait3A_153 = tpu.memref_slice %arg8[%select_n3A_129, %dma_wait3A_151, %dma_wait3A_152] : memref<2x128x128xf32, #tpu.memory_space<vmem>> -> memref<1x128x128xf32, #tpu.memory_space<vmem>>
          %dma_wait3A_154 = tpu.memref_squeeze %dma_wait3A_153 : memref<1x128x128xf32, #tpu.memory_space<vmem>> -> memref<128x128xf32, #tpu.memory_space<vmem>>
          %dma_wait3A_155 = arith.constant 0 : i32
          %dma_wait3A_156 = tpu.memref_slice %arg7[%scan3A_109, %dma_wait3A_155] : memref<32x128xi32, #tpu.memory_space<vmem>> -> memref<1x128xi32, #tpu.memory_space<vmem>>
          %dma_wait3A_157 = tpu.memref_squeeze %dma_wait3A_156 : memref<1x128xi32, #tpu.memory_space<vmem>> -> memref<128xi32, #tpu.memory_space<vmem>>
          %dma_wait3A_158 = arith.constant 0 : i32
          %dma_wait3A_159 = arith.constant 0 : i32
          %dma_wait3A_160 = tpu.memref_slice %arg9[%dma_wait3A_158, %dma_wait3A_159] : memref<10240x128xf32, #tpu.memory_space<vmem_shared>> -> memref<10240x128xf32, #tpu.memory_space<vmem_shared>>
          tpu.wait_indirect_dma semaphore(%run_scoped3A_140 : memref<!tpu.dma_semaphore, #tpu.memory_space<semaphore_mem>>) src(%dma_wait3A_154 : memref<128x128xf32, #tpu.memory_space<vmem>>) dst(%dma_wait3A_160 : memref<10240x128xf32, #tpu.memory_space<vmem_shared>>)
          tpu.yield
        }) : () -> ()
        %scan3A_139 = arith.constant 0 : i32
        scf.yield %scan3A_139 : i32
      }
      %scan3A_108 = arith.constant 32 : i32
    } else {
    }
    %barrier3A_58 = arith.constant 0 : index
    tpu.barrier barrier_id(%barrier3A_58)
    %mul3A_59 = arith.constant 640 : i32
    %mul3A_60 = arith.muli %arg1, %mul3A_59 : i32
    %add3A_61 = arith.constant 0 : i32
    %add3A_62 = arith.addi %mul3A_60, %add3A_61 : i32
    %run_scoped3A_63 = arith.constant 0 : i32
    "tpu.region"() ({
      %run_scoped3A_89 = tpu.sem_alloc : memref<!tpu.dma_semaphore, #tpu.memory_space<semaphore_mem>>
      %dma_start3A = arith.constant 0 : i32
      %dma_start3A_90 = arith.constant 0 : i32
      %dma_start3A_91 = tpu.memref_slice %arg8[%run_scoped3A_63, %dma_start3A, %dma_start3A_90] : memref<2x128x128xf32, #tpu.memory_space<vmem>> -> memref<1x128x128xf32, #tpu.memory_space<vmem>>
      %dma_start3A_92 = tpu.memref_squeeze %dma_start3A_91 : memref<1x128x128xf32, #tpu.memory_space<vmem>> -> memref<128x128xf32, #tpu.memory_space<vmem>>
      %dma_start3A_93 = arith.constant 0 : i32
      %dma_start3A_94 = tpu.memref_slice %arg9[%add3A_62, %dma_start3A_93] : memref<10240x128xf32, #tpu.memory_space<vmem_shared>> -> memref<128x128xf32, #tpu.memory_space<vmem_shared>>
      %dma_start3A_95 = arith.constant 0 : i32
      %dma_start3A_96 = arith.constant 0 : i32
      %dma_start3A_97 = tpu.memref_slice %arg8[%run_scoped3A_63, %dma_start3A_95, %dma_start3A_96] : memref<2x128x128xf32, #tpu.memory_space<vmem>> -> memref<1x128x128xf32, #tpu.memory_space<vmem>>
      %dma_start3A_98 = tpu.memref_squeeze %dma_start3A_97 : memref<1x128x128xf32, #tpu.memory_space<vmem>> -> memref<128x128xf32, #tpu.memory_space<vmem>>
      %dma_start3A_99 = arith.constant 0 : i32
      %dma_start3A_100 = tpu.memref_slice %arg9[%add3A_62, %dma_start3A_99] : memref<10240x128xf32, #tpu.memory_space<vmem_shared>> -> memref<128x128xf32, #tpu.memory_space<vmem_shared>>
      tpu.enqueue_dma source(%dma_start3A_100 : memref<128x128xf32, #tpu.memory_space<vmem_shared>>) target(%dma_start3A_98 : memref<128x128xf32, #tpu.memory_space<vmem>>) target_semaphore(%run_scoped3A_89 : memref<!tpu.dma_semaphore, #tpu.memory_space<semaphore_mem>>)
      %dma_wait3A = arith.constant 0 : i32
      %dma_wait3A_101 = arith.constant 0 : i32
      %dma_wait3A_102 = tpu.memref_slice %arg8[%run_scoped3A_63, %dma_wait3A, %dma_wait3A_101] : memref<2x128x128xf32, #tpu.memory_space<vmem>> -> memref<1x128x128xf32, #tpu.memory_space<vmem>>
      %dma_wait3A_103 = tpu.memref_squeeze %dma_wait3A_102 : memref<1x128x128xf32, #tpu.memory_space<vmem>> -> memref<128x128xf32, #tpu.memory_space<vmem>>
      %dma_wait3A_104 = arith.constant 0 : i32
      %dma_wait3A_105 = tpu.memref_slice %arg9[%add3A_62, %dma_wait3A_104] : memref<10240x128xf32, #tpu.memory_space<vmem_shared>> -> memref<128x128xf32, #tpu.memory_space<vmem_shared>>
      %dma_wait3A_106 = arith.constant 0 : i32
      %dma_wait3A_107 = arith.constant 0 : i32
      %dma_wait3A_108 = tpu.memref_slice %arg8[%run_scoped3A_63, %dma_wait3A_106, %dma_wait3A_107] : memref<2x128x128xf32, #tpu.memory_space<vmem>> -> memref<1x128x128xf32, #tpu.memory_space<vmem>>
      %dma_wait3A_109 = tpu.memref_squeeze %dma_wait3A_108 : memref<1x128x128xf32, #tpu.memory_space<vmem>> -> memref<128x128xf32, #tpu.memory_space<vmem>>
      %dma_wait3A_110 = arith.constant 0 : i32
      %dma_wait3A_111 = tpu.memref_slice %arg9[%add3A_62, %dma_wait3A_110] : memref<10240x128xf32, #tpu.memory_space<vmem_shared>> -> memref<128x128xf32, #tpu.memory_space<vmem_shared>>
      tpu.wait_dma2 semaphore(%run_scoped3A_89 : memref<!tpu.dma_semaphore, #tpu.memory_space<semaphore_mem>>) src(%dma_wait3A_111 : memref<128x128xf32, #tpu.memory_space<vmem_shared>>) dst(%dma_wait3A_109 : memref<128x128xf32, #tpu.memory_space<vmem>>)
      tpu.yield
    }) : () -> ()
    %run_scoped3A_64 = arith.constant 0 : i32
    "tpu.region"() ({
      %run_scoped3A_89 = tpu.sem_alloc : memref<!tpu.dma_semaphore, #tpu.memory_space<semaphore_mem>>
      %dma_start3A = arith.constant 0 : i32
      %dma_start3A_90 = arith.constant 0 : i32
      %dma_start3A_91 = tpu.memref_slice %arg8[%run_scoped3A_64, %dma_start3A, %dma_start3A_90] : memref<2x128x128xf32, #tpu.memory_space<vmem>> -> memref<1x128x128xf32, #tpu.memory_space<vmem>>
      %dma_start3A_92 = tpu.memref_squeeze %dma_start3A_91 : memref<1x128x128xf32, #tpu.memory_space<vmem>> -> memref<128x128xf32, #tpu.memory_space<vmem>>
      %dma_start3A_93 = arith.constant 0 : i32
      %dma_start3A_94 = arith.constant 0 : i32
      %dma_start3A_95 = tpu.memref_slice %arg5[%arg0, %dma_start3A_93, %dma_start3A_94] : memref<2x10240x128xf32, #tpu.memory_space<hbm>> -> memref<1x10240x128xf32, #tpu.memory_space<hbm>>
      %dma_start3A_96 = tpu.memref_squeeze %dma_start3A_95 : memref<1x10240x128xf32, #tpu.memory_space<hbm>> -> memref<10240x128xf32, #tpu.memory_space<hbm>>
      %dma_start3A_97 = arith.constant 0 : i32
      %dma_start3A_98 = tpu.memref_slice %dma_start3A_96[%add3A_62, %dma_start3A_97] : memref<10240x128xf32, #tpu.memory_space<hbm>> -> memref<128x128xf32, #tpu.memory_space<hbm>>
      %dma_start3A_99 = arith.constant 0 : i32
      %dma_start3A_100 = arith.constant 0 : i32
      %dma_start3A_101 = tpu.memref_slice %arg5[%arg0, %dma_start3A_99, %dma_start3A_100] : memref<2x10240x128xf32, #tpu.memory_space<hbm>> -> memref<1x10240x128xf32, #tpu.memory_space<hbm>>
      %dma_start3A_102 = tpu.memref_squeeze %dma_start3A_101 : memref<1x10240x128xf32, #tpu.memory_space<hbm>> -> memref<10240x128xf32, #tpu.memory_space<hbm>>
      %dma_start3A_103 = arith.constant 0 : i32
      %dma_start3A_104 = tpu.memref_slice %dma_start3A_102[%add3A_62, %dma_start3A_103] : memref<10240x128xf32, #tpu.memory_space<hbm>> -> memref<128x128xf32, #tpu.memory_space<hbm>>
      %dma_start3A_105 = arith.constant 0 : i32
      %dma_start3A_106 = arith.constant 0 : i32
      %dma_start3A_107 = tpu.memref_slice %arg8[%run_scoped3A_64, %dma_start3A_105, %dma_start3A_106] : memref<2x128x128xf32, #tpu.memory_space<vmem>> -> memref<1x128x128xf32, #tpu.memory_space<vmem>>
      %dma_start3A_108 = tpu.memref_squeeze %dma_start3A_107 : memref<1x128x128xf32, #tpu.memory_space<vmem>> -> memref<128x128xf32, #tpu.memory_space<vmem>>
      tpu.enqueue_dma source(%dma_start3A_108 : memref<128x128xf32, #tpu.memory_space<vmem>>) target(%dma_start3A_104 : memref<128x128xf32, #tpu.memory_space<hbm>>) target_semaphore(%run_scoped3A_89 : memref<!tpu.dma_semaphore, #tpu.memory_space<semaphore_mem>>)
      %dma_wait3A = arith.constant 0 : i32
      %dma_wait3A_109 = arith.constant 0 : i32
      %dma_wait3A_110 = tpu.memref_slice %arg8[%run_scoped3A_64, %dma_wait3A, %dma_wait3A_109] : memref<2x128x128xf32, #tpu.memory_space<vmem>> -> memref<1x128x128xf32, #tpu.memory_space<vmem>>
      %dma_wait3A_111 = tpu.memref_squeeze %dma_wait3A_110 : memref<1x128x128xf32, #tpu.memory_space<vmem>> -> memref<128x128xf32, #tpu.memory_space<vmem>>
      %dma_wait3A_112 = arith.constant 0 : i32
      %dma_wait3A_113 = arith.constant 0 : i32
      %dma_wait3A_114 = tpu.memref_slice %arg5[%arg0, %dma_wait3A_112, %dma_wait3A_113] : memref<2x10240x128xf32, #tpu.memory_space<hbm>> -> memref<1x10240x128xf32, #tpu.memory_space<hbm>>
      %dma_wait3A_115 = tpu.memref_squeeze %dma_wait3A_114 : memref<1x10240x128xf32, #tpu.memory_space<hbm>> -> memref<10240x128xf32, #tpu.memory_space<hbm>>
      %dma_wait3A_116 = arith.constant 0 : i32
      %dma_wait3A_117 = tpu.memref_slice %dma_wait3A_115[%add3A_62, %dma_wait3A_116] : memref<10240x128xf32, #tpu.memory_space<hbm>> -> memref<128x128xf32, #tpu.memory_space<hbm>>
      %dma_wait3A_118 = arith.constant 0 : i32
      %dma_wait3A_119 = arith.constant 0 : i32
      %dma_wait3A_120 = tpu.memref_slice %arg5[%arg0, %dma_wait3A_118, %dma_wait3A_119] : memref<2x10240x128xf32, #tpu.memory_space<hbm>> -> memref<1x10240x128xf32, #tpu.memory_space<hbm>>
      %dma_wait3A_121 = tpu.memref_squeeze %dma_wait3A_120 : memref<1x10240x128xf32, #tpu.memory_space<hbm>> -> memref<10240x128xf32, #tpu.memory_space<hbm>>
      %dma_wait3A_122 = arith.constant 0 : i32
      %dma_wait3A_123 = tpu.memref_slice %dma_wait3A_121[%add3A_62, %dma_wait3A_122] : memref<10240x128xf32, #tpu.memory_space<hbm>> -> memref<128x128xf32, #tpu.memory_space<hbm>>
      %dma_wait3A_124 = arith.constant 0 : i32
      %dma_wait3A_125 = arith.constant 0 : i32
      %dma_wait3A_126 = tpu.memref_slice %arg8[%run_scoped3A_64, %dma_wait3A_124, %dma_wait3A_125] : memref<2x128x128xf32, #tpu.memory_space<vmem>> -> memref<1x128x128xf32, #tpu.memory_space<vmem>>
      %dma_wait3A_127 = tpu.memref_squeeze %dma_wait3A_126 : memref<1x128x128xf32, #tpu.memory_space<vmem>> -> memref<128x128xf32, #tpu.memory_space<vmem>>
      tpu.wait_dma2 semaphore(%run_scoped3A_89 : memref<!tpu.dma_semaphore, #tpu.memory_space<semaphore_mem>>) src(%dma_wait3A_127 : memref<128x128xf32, #tpu.memory_space<vmem>>) dst(%dma_wait3A_123 : memref<128x128xf32, #tpu.memory_space<hbm>>)
      tpu.yield
    }) : () -> ()
    %mul3A_65 = arith.constant 640 : i32
    %mul3A_66 = arith.muli %arg1, %mul3A_65 : i32
    %add3A_67 = arith.constant 128 : i32
    %add3A_68 = arith.addi %mul3A_66, %add3A_67 : i32
    %run_scoped3A_69 = arith.constant 0 : i32
    "tpu.region"() ({
      %run_scoped3A_89 = tpu.sem_alloc : memref<!tpu.dma_semaphore, #tpu.memory_space<semaphore_mem>>
      %dma_start3A = arith.constant 0 : i32
      %dma_start3A_90 = arith.constant 0 : i32
      %dma_start3A_91 = tpu.memref_slice %arg8[%run_scoped3A_69, %dma_start3A, %dma_start3A_90] : memref<2x128x128xf32, #tpu.memory_space<vmem>> -> memref<1x128x128xf32, #tpu.memory_space<vmem>>
      %dma_start3A_92 = tpu.memref_squeeze %dma_start3A_91 : memref<1x128x128xf32, #tpu.memory_space<vmem>> -> memref<128x128xf32, #tpu.memory_space<vmem>>
      %dma_start3A_93 = arith.constant 0 : i32
      %dma_start3A_94 = tpu.memref_slice %arg9[%add3A_68, %dma_start3A_93] : memref<10240x128xf32, #tpu.memory_space<vmem_shared>> -> memref<128x128xf32, #tpu.memory_space<vmem_shared>>
      %dma_start3A_95 = arith.constant 0 : i32
      %dma_start3A_96 = arith.constant 0 : i32
      %dma_start3A_97 = tpu.memref_slice %arg8[%run_scoped3A_69, %dma_start3A_95, %dma_start3A_96] : memref<2x128x128xf32, #tpu.memory_space<vmem>> -> memref<1x128x128xf32, #tpu.memory_space<vmem>>
      %dma_start3A_98 = tpu.memref_squeeze %dma_start3A_97 : memref<1x128x128xf32, #tpu.memory_space<vmem>> -> memref<128x128xf32, #tpu.memory_space<vmem>>
      %dma_start3A_99 = arith.constant 0 : i32
      %dma_start3A_100 = tpu.memref_slice %arg9[%add3A_68, %dma_start3A_99] : memref<10240x128xf32, #tpu.memory_space<vmem_shared>> -> memref<128x128xf32, #tpu.memory_space<vmem_shared>>
      tpu.enqueue_dma source(%dma_start3A_100 : memref<128x128xf32, #tpu.memory_space<vmem_shared>>) target(%dma_start3A_98 : memref<128x128xf32, #tpu.memory_space<vmem>>) target_semaphore(%run_scoped3A_89 : memref<!tpu.dma_semaphore, #tpu.memory_space<semaphore_mem>>)
      %dma_wait3A = arith.constant 0 : i32
      %dma_wait3A_101 = arith.constant 0 : i32
      %dma_wait3A_102 = tpu.memref_slice %arg8[%run_scoped3A_69, %dma_wait3A, %dma_wait3A_101] : memref<2x128x128xf32, #tpu.memory_space<vmem>> -> memref<1x128x128xf32, #tpu.memory_space<vmem>>
      %dma_wait3A_103 = tpu.memref_squeeze %dma_wait3A_102 : memref<1x128x128xf32, #tpu.memory_space<vmem>> -> memref<128x128xf32, #tpu.memory_space<vmem>>
      %dma_wait3A_104 = arith.constant 0 : i32
      %dma_wait3A_105 = tpu.memref_slice %arg9[%add3A_68, %dma_wait3A_104] : memref<10240x128xf32, #tpu.memory_space<vmem_shared>> -> memref<128x128xf32, #tpu.memory_space<vmem_shared>>
      %dma_wait3A_106 = arith.constant 0 : i32
      %dma_wait3A_107 = arith.constant 0 : i32
      %dma_wait3A_108 = tpu.memref_slice %arg8[%run_scoped3A_69, %dma_wait3A_106, %dma_wait3A_107] : memref<2x128x128xf32, #tpu.memory_space<vmem>> -> memref<1x128x128xf32, #tpu.memory_space<vmem>>
      %dma_wait3A_109 = tpu.memref_squeeze %dma_wait3A_108 : memref<1x128x128xf32, #tpu.memory_space<vmem>> -> memref<128x128xf32, #tpu.memory_space<vmem>>
      %dma_wait3A_110 = arith.constant 0 : i32
      %dma_wait3A_111 = tpu.memref_slice %arg9[%add3A_68, %dma_wait3A_110] : memref<10240x128xf32, #tpu.memory_space<vmem_shared>> -> memref<128x128xf32, #tpu.memory_space<vmem_shared>>
      tpu.wait_dma2 semaphore(%run_scoped3A_89 : memref<!tpu.dma_semaphore, #tpu.memory_space<semaphore_mem>>) src(%dma_wait3A_111 : memref<128x128xf32, #tpu.memory_space<vmem_shared>>) dst(%dma_wait3A_109 : memref<128x128xf32, #tpu.memory_space<vmem>>)
      tpu.yield
    }) : () -> ()
    %run_scoped3A_70 = arith.constant 0 : i32
    "tpu.region"() ({
      %run_scoped3A_89 = tpu.sem_alloc : memref<!tpu.dma_semaphore, #tpu.memory_space<semaphore_mem>>
      %dma_start3A = arith.constant 0 : i32
      %dma_start3A_90 = arith.constant 0 : i32
      %dma_start3A_91 = tpu.memref_slice %arg8[%run_scoped3A_70, %dma_start3A, %dma_start3A_90] : memref<2x128x128xf32, #tpu.memory_space<vmem>> -> memref<1x128x128xf32, #tpu.memory_space<vmem>>
      %dma_start3A_92 = tpu.memref_squeeze %dma_start3A_91 : memref<1x128x128xf32, #tpu.memory_space<vmem>> -> memref<128x128xf32, #tpu.memory_space<vmem>>
      %dma_start3A_93 = arith.constant 0 : i32
      %dma_start3A_94 = arith.constant 0 : i32
      %dma_start3A_95 = tpu.memref_slice %arg5[%arg0, %dma_start3A_93, %dma_start3A_94] : memref<2x10240x128xf32, #tpu.memory_space<hbm>> -> memref<1x10240x128xf32, #tpu.memory_space<hbm>>
      %dma_start3A_96 = tpu.memref_squeeze %dma_start3A_95 : memref<1x10240x128xf32, #tpu.memory_space<hbm>> -> memref<10240x128xf32, #tpu.memory_space<hbm>>
      %dma_start3A_97 = arith.constant 0 : i32
      %dma_start3A_98 = tpu.memref_slice %dma_start3A_96[%add3A_68, %dma_start3A_97] : memref<10240x128xf32, #tpu.memory_space<hbm>> -> memref<128x128xf32, #tpu.memory_space<hbm>>
      %dma_start3A_99 = arith.constant 0 : i32
      %dma_start3A_100 = arith.constant 0 : i32
      %dma_start3A_101 = tpu.memref_slice %arg5[%arg0, %dma_start3A_99, %dma_start3A_100] : memref<2x10240x128xf32, #tpu.memory_space<hbm>> -> memref<1x10240x128xf32, #tpu.memory_space<hbm>>
      %dma_start3A_102 = tpu.memref_squeeze %dma_start3A_101 : memref<1x10240x128xf32, #tpu.memory_space<hbm>> -> memref<10240x128xf32, #tpu.memory_space<hbm>>
      %dma_start3A_103 = arith.constant 0 : i32
      %dma_start3A_104 = tpu.memref_slice %dma_start3A_102[%add3A_68, %dma_start3A_103] : memref<10240x128xf32, #tpu.memory_space<hbm>> -> memref<128x128xf32, #tpu.memory_space<hbm>>
      %dma_start3A_105 = arith.constant 0 : i32
      %dma_start3A_106 = arith.constant 0 : i32
      %dma_start3A_107 = tpu.memref_slice %arg8[%run_scoped3A_70, %dma_start3A_105, %dma_start3A_106] : memref<2x128x128xf32, #tpu.memory_space<vmem>> -> memref<1x128x128xf32, #tpu.memory_space<vmem>>
      %dma_start3A_108 = tpu.memref_squeeze %dma_start3A_107 : memref<1x128x128xf32, #tpu.memory_space<vmem>> -> memref<128x128xf32, #tpu.memory_space<vmem>>
      tpu.enqueue_dma source(%dma_start3A_108 : memref<128x128xf32, #tpu.memory_space<vmem>>) target(%dma_start3A_104 : memref<128x128xf32, #tpu.memory_space<hbm>>) target_semaphore(%run_scoped3A_89 : memref<!tpu.dma_semaphore, #tpu.memory_space<semaphore_mem>>)
      %dma_wait3A = arith.constant 0 : i32
      %dma_wait3A_109 = arith.constant 0 : i32
      %dma_wait3A_110 = tpu.memref_slice %arg8[%run_scoped3A_70, %dma_wait3A, %dma_wait3A_109] : memref<2x128x128xf32, #tpu.memory_space<vmem>> -> memref<1x128x128xf32, #tpu.memory_space<vmem>>
      %dma_wait3A_111 = tpu.memref_squeeze %dma_wait3A_110 : memref<1x128x128xf32, #tpu.memory_space<vmem>> -> memref<128x128xf32, #tpu.memory_space<vmem>>
      %dma_wait3A_112 = arith.constant 0 : i32
      %dma_wait3A_113 = arith.constant 0 : i32
      %dma_wait3A_114 = tpu.memref_slice %arg5[%arg0, %dma_wait3A_112, %dma_wait3A_113] : memref<2x10240x128xf32, #tpu.memory_space<hbm>> -> memref<1x10240x128xf32, #tpu.memory_space<hbm>>
      %dma_wait3A_115 = tpu.memref_squeeze %dma_wait3A_114 : memref<1x10240x128xf32, #tpu.memory_space<hbm>> -> memref<10240x128xf32, #tpu.memory_space<hbm>>
      %dma_wait3A_116 = arith.constant 0 : i32
      %dma_wait3A_117 = tpu.memref_slice %dma_wait3A_115[%add3A_68, %dma_wait3A_116] : memref<10240x128xf32, #tpu.memory_space<hbm>> -> memref<128x128xf32, #tpu.memory_space<hbm>>
      %dma_wait3A_118 = arith.constant 0 : i32
      %dma_wait3A_119 = arith.constant 0 : i32
      %dma_wait3A_120 = tpu.memref_slice %arg5[%arg0, %dma_wait3A_118, %dma_wait3A_119] : memref<2x10240x128xf32, #tpu.memory_space<hbm>> -> memref<1x10240x128xf32, #tpu.memory_space<hbm>>
      %dma_wait3A_121 = tpu.memref_squeeze %dma_wait3A_120 : memref<1x10240x128xf32, #tpu.memory_space<hbm>> -> memref<10240x128xf32, #tpu.memory_space<hbm>>
      %dma_wait3A_122 = arith.constant 0 : i32
      %dma_wait3A_123 = tpu.memref_slice %dma_wait3A_121[%add3A_68, %dma_wait3A_122] : memref<10240x128xf32, #tpu.memory_space<hbm>> -> memref<128x128xf32, #tpu.memory_space<hbm>>
      %dma_wait3A_124 = arith.constant 0 : i32
      %dma_wait3A_125 = arith.constant 0 : i32
      %dma_wait3A_126 = tpu.memref_slice %arg8[%run_scoped3A_70, %dma_wait3A_124, %dma_wait3A_125] : memref<2x128x128xf32, #tpu.memory_space<vmem>> -> memref<1x128x128xf32, #tpu.memory_space<vmem>>
      %dma_wait3A_127 = tpu.memref_squeeze %dma_wait3A_126 : memref<1x128x128xf32, #tpu.memory_space<vmem>> -> memref<128x128xf32, #tpu.memory_space<vmem>>
      tpu.wait_dma2 semaphore(%run_scoped3A_89 : memref<!tpu.dma_semaphore, #tpu.memory_space<semaphore_mem>>) src(%dma_wait3A_127 : memref<128x128xf32, #tpu.memory_space<vmem>>) dst(%dma_wait3A_123 : memref<128x128xf32, #tpu.memory_space<hbm>>)
      tpu.yield
    }) : () -> ()
    %mul3A_71 = arith.constant 640 : i32
    %mul3A_72 = arith.muli %arg1, %mul3A_71 : i32
    %add3A_73 = arith.constant 256 : i32
    %add3A_74 = arith.addi %mul3A_72, %add3A_73 : i32
    %run_scoped3A_75 = arith.constant 0 : i32
    "tpu.region"() ({
      %run_scoped3A_89 = tpu.sem_alloc : memref<!tpu.dma_semaphore, #tpu.memory_space<semaphore_mem>>
      %dma_start3A = arith.constant 0 : i32
      %dma_start3A_90 = arith.constant 0 : i32
      %dma_start3A_91 = tpu.memref_slice %arg8[%run_scoped3A_75, %dma_start3A, %dma_start3A_90] : memref<2x128x128xf32, #tpu.memory_space<vmem>> -> memref<1x128x128xf32, #tpu.memory_space<vmem>>
      %dma_start3A_92 = tpu.memref_squeeze %dma_start3A_91 : memref<1x128x128xf32, #tpu.memory_space<vmem>> -> memref<128x128xf32, #tpu.memory_space<vmem>>
      %dma_start3A_93 = arith.constant 0 : i32
      %dma_start3A_94 = tpu.memref_slice %arg9[%add3A_74, %dma_start3A_93] : memref<10240x128xf32, #tpu.memory_space<vmem_shared>> -> memref<128x128xf32, #tpu.memory_space<vmem_shared>>
      %dma_start3A_95 = arith.constant 0 : i32
      %dma_start3A_96 = arith.constant 0 : i32
      %dma_start3A_97 = tpu.memref_slice %arg8[%run_scoped3A_75, %dma_start3A_95, %dma_start3A_96] : memref<2x128x128xf32, #tpu.memory_space<vmem>> -> memref<1x128x128xf32, #tpu.memory_space<vmem>>
      %dma_start3A_98 = tpu.memref_squeeze %dma_start3A_97 : memref<1x128x128xf32, #tpu.memory_space<vmem>> -> memref<128x128xf32, #tpu.memory_space<vmem>>
      %dma_start3A_99 = arith.constant 0 : i32
      %dma_start3A_100 = tpu.memref_slice %arg9[%add3A_74, %dma_start3A_99] : memref<10240x128xf32, #tpu.memory_space<vmem_shared>> -> memref<128x128xf32, #tpu.memory_space<vmem_shared>>
      tpu.enqueue_dma source(%dma_start3A_100 : memref<128x128xf32, #tpu.memory_space<vmem_shared>>) target(%dma_start3A_98 : memref<128x128xf32, #tpu.memory_space<vmem>>) target_semaphore(%run_scoped3A_89 : memref<!tpu.dma_semaphore, #tpu.memory_space<semaphore_mem>>)
      %dma_wait3A = arith.constant 0 : i32
      %dma_wait3A_101 = arith.constant 0 : i32
      %dma_wait3A_102 = tpu.memref_slice %arg8[%run_scoped3A_75, %dma_wait3A, %dma_wait3A_101] : memref<2x128x128xf32, #tpu.memory_space<vmem>> -> memref<1x128x128xf32, #tpu.memory_space<vmem>>
      %dma_wait3A_103 = tpu.memref_squeeze %dma_wait3A_102 : memref<1x128x128xf32, #tpu.memory_space<vmem>> -> memref<128x128xf32, #tpu.memory_space<vmem>>
      %dma_wait3A_104 = arith.constant 0 : i32
      %dma_wait3A_105 = tpu.memref_slice %arg9[%add3A_74, %dma_wait3A_104] : memref<10240x128xf32, #tpu.memory_space<vmem_shared>> -> memref<128x128xf32, #tpu.memory_space<vmem_shared>>
      %dma_wait3A_106 = arith.constant 0 : i32
      %dma_wait3A_107 = arith.constant 0 : i32
      %dma_wait3A_108 = tpu.memref_slice %arg8[%run_scoped3A_75, %dma_wait3A_106, %dma_wait3A_107] : memref<2x128x128xf32, #tpu.memory_space<vmem>> -> memref<1x128x128xf32, #tpu.memory_space<vmem>>
      %dma_wait3A_109 = tpu.memref_squeeze %dma_wait3A_108 : memref<1x128x128xf32, #tpu.memory_space<vmem>> -> memref<128x128xf32, #tpu.memory_space<vmem>>
      %dma_wait3A_110 = arith.constant 0 : i32
      %dma_wait3A_111 = tpu.memref_slice %arg9[%add3A_74, %dma_wait3A_110] : memref<10240x128xf32, #tpu.memory_space<vmem_shared>> -> memref<128x128xf32, #tpu.memory_space<vmem_shared>>
      tpu.wait_dma2 semaphore(%run_scoped3A_89 : memref<!tpu.dma_semaphore, #tpu.memory_space<semaphore_mem>>) src(%dma_wait3A_111 : memref<128x128xf32, #tpu.memory_space<vmem_shared>>) dst(%dma_wait3A_109 : memref<128x128xf32, #tpu.memory_space<vmem>>)
      tpu.yield
    }) : () -> ()
    %run_scoped3A_76 = arith.constant 0 : i32
    "tpu.region"() ({
      %run_scoped3A_89 = tpu.sem_alloc : memref<!tpu.dma_semaphore, #tpu.memory_space<semaphore_mem>>
      %dma_start3A = arith.constant 0 : i32
      %dma_start3A_90 = arith.constant 0 : i32
      %dma_start3A_91 = tpu.memref_slice %arg8[%run_scoped3A_76, %dma_start3A, %dma_start3A_90] : memref<2x128x128xf32, #tpu.memory_space<vmem>> -> memref<1x128x128xf32, #tpu.memory_space<vmem>>
      %dma_start3A_92 = tpu.memref_squeeze %dma_start3A_91 : memref<1x128x128xf32, #tpu.memory_space<vmem>> -> memref<128x128xf32, #tpu.memory_space<vmem>>
      %dma_start3A_93 = arith.constant 0 : i32
      %dma_start3A_94 = arith.constant 0 : i32
      %dma_start3A_95 = tpu.memref_slice %arg5[%arg0, %dma_start3A_93, %dma_start3A_94] : memref<2x10240x128xf32, #tpu.memory_space<hbm>> -> memref<1x10240x128xf32, #tpu.memory_space<hbm>>
      %dma_start3A_96 = tpu.memref_squeeze %dma_start3A_95 : memref<1x10240x128xf32, #tpu.memory_space<hbm>> -> memref<10240x128xf32, #tpu.memory_space<hbm>>
      %dma_start3A_97 = arith.constant 0 : i32
      %dma_start3A_98 = tpu.memref_slice %dma_start3A_96[%add3A_74, %dma_start3A_97] : memref<10240x128xf32, #tpu.memory_space<hbm>> -> memref<128x128xf32, #tpu.memory_space<hbm>>
      %dma_start3A_99 = arith.constant 0 : i32
      %dma_start3A_100 = arith.constant 0 : i32
      %dma_start3A_101 = tpu.memref_slice %arg5[%arg0, %dma_start3A_99, %dma_start3A_100] : memref<2x10240x128xf32, #tpu.memory_space<hbm>> -> memref<1x10240x128xf32, #tpu.memory_space<hbm>>
      %dma_start3A_102 = tpu.memref_squeeze %dma_start3A_101 : memref<1x10240x128xf32, #tpu.memory_space<hbm>> -> memref<10240x128xf32, #tpu.memory_space<hbm>>
      %dma_start3A_103 = arith.constant 0 : i32
      %dma_start3A_104 = tpu.memref_slice %dma_start3A_102[%add3A_74, %dma_start3A_103] : memref<10240x128xf32, #tpu.memory_space<hbm>> -> memref<128x128xf32, #tpu.memory_space<hbm>>
      %dma_start3A_105 = arith.constant 0 : i32
      %dma_start3A_106 = arith.constant 0 : i32
      %dma_start3A_107 = tpu.memref_slice %arg8[%run_scoped3A_76, %dma_start3A_105, %dma_start3A_106] : memref<2x128x128xf32, #tpu.memory_space<vmem>> -> memref<1x128x128xf32, #tpu.memory_space<vmem>>
      %dma_start3A_108 = tpu.memref_squeeze %dma_start3A_107 : memref<1x128x128xf32, #tpu.memory_space<vmem>> -> memref<128x128xf32, #tpu.memory_space<vmem>>
      tpu.enqueue_dma source(%dma_start3A_108 : memref<128x128xf32, #tpu.memory_space<vmem>>) target(%dma_start3A_104 : memref<128x128xf32, #tpu.memory_space<hbm>>) target_semaphore(%run_scoped3A_89 : memref<!tpu.dma_semaphore, #tpu.memory_space<semaphore_mem>>)
      %dma_wait3A = arith.constant 0 : i32
      %dma_wait3A_109 = arith.constant 0 : i32
      %dma_wait3A_110 = tpu.memref_slice %arg8[%run_scoped3A_76, %dma_wait3A, %dma_wait3A_109] : memref<2x128x128xf32, #tpu.memory_space<vmem>> -> memref<1x128x128xf32, #tpu.memory_space<vmem>>
      %dma_wait3A_111 = tpu.memref_squeeze %dma_wait3A_110 : memref<1x128x128xf32, #tpu.memory_space<vmem>> -> memref<128x128xf32, #tpu.memory_space<vmem>>
      %dma_wait3A_112 = arith.constant 0 : i32
      %dma_wait3A_113 = arith.constant 0 : i32
      %dma_wait3A_114 = tpu.memref_slice %arg5[%arg0, %dma_wait3A_112, %dma_wait3A_113] : memref<2x10240x128xf32, #tpu.memory_space<hbm>> -> memref<1x10240x128xf32, #tpu.memory_space<hbm>>
      %dma_wait3A_115 = tpu.memref_squeeze %dma_wait3A_114 : memref<1x10240x128xf32, #tpu.memory_space<hbm>> -> memref<10240x128xf32, #tpu.memory_space<hbm>>
      %dma_wait3A_116 = arith.constant 0 : i32
      %dma_wait3A_117 = tpu.memref_slice %dma_wait3A_115[%add3A_74, %dma_wait3A_116] : memref<10240x128xf32, #tpu.memory_space<hbm>> -> memref<128x128xf32, #tpu.memory_space<hbm>>
      %dma_wait3A_118 = arith.constant 0 : i32
      %dma_wait3A_119 = arith.constant 0 : i32
      %dma_wait3A_120 = tpu.memref_slice %arg5[%arg0, %dma_wait3A_118, %dma_wait3A_119] : memref<2x10240x128xf32, #tpu.memory_space<hbm>> -> memref<1x10240x128xf32, #tpu.memory_space<hbm>>
      %dma_wait3A_121 = tpu.memref_squeeze %dma_wait3A_120 : memref<1x10240x128xf32, #tpu.memory_space<hbm>> -> memref<10240x128xf32, #tpu.memory_space<hbm>>
      %dma_wait3A_122 = arith.constant 0 : i32
      %dma_wait3A_123 = tpu.memref_slice %dma_wait3A_121[%add3A_74, %dma_wait3A_122] : memref<10240x128xf32, #tpu.memory_space<hbm>> -> memref<128x128xf32, #tpu.memory_space<hbm>>
      %dma_wait3A_124 = arith.constant 0 : i32
      %dma_wait3A_125 = arith.constant 0 : i32
      %dma_wait3A_126 = tpu.memref_slice %arg8[%run_scoped3A_76, %dma_wait3A_124, %dma_wait3A_125] : memref<2x128x128xf32, #tpu.memory_space<vmem>> -> memref<1x128x128xf32, #tpu.memory_space<vmem>>
      %dma_wait3A_127 = tpu.memref_squeeze %dma_wait3A_126 : memref<1x128x128xf32, #tpu.memory_space<vmem>> -> memref<128x128xf32, #tpu.memory_space<vmem>>
      tpu.wait_dma2 semaphore(%run_scoped3A_89 : memref<!tpu.dma_semaphore, #tpu.memory_space<semaphore_mem>>) src(%dma_wait3A_127 : memref<128x128xf32, #tpu.memory_space<vmem>>) dst(%dma_wait3A_123 : memref<128x128xf32, #tpu.memory_space<hbm>>)
      tpu.yield
    }) : () -> ()
    %mul3A_77 = arith.constant 640 : i32
    %mul3A_78 = arith.muli %arg1, %mul3A_77 : i32
    %add3A_79 = arith.constant 384 : i32
    %add3A_80 = arith.addi %mul3A_78, %add3A_79 : i32
    %run_scoped3A_81 = arith.constant 0 : i32
    "tpu.region"() ({
      %run_scoped3A_89 = tpu.sem_alloc : memref<!tpu.dma_semaphore, #tpu.memory_space<semaphore_mem>>
      %dma_start3A = arith.constant 0 : i32
      %dma_start3A_90 = arith.constant 0 : i32
      %dma_start3A_91 = tpu.memref_slice %arg8[%run_scoped3A_81, %dma_start3A, %dma_start3A_90] : memref<2x128x128xf32, #tpu.memory_space<vmem>> -> memref<1x128x128xf32, #tpu.memory_space<vmem>>
      %dma_start3A_92 = tpu.memref_squeeze %dma_start3A_91 : memref<1x128x128xf32, #tpu.memory_space<vmem>> -> memref<128x128xf32, #tpu.memory_space<vmem>>
      %dma_start3A_93 = arith.constant 0 : i32
      %dma_start3A_94 = tpu.memref_slice %arg9[%add3A_80, %dma_start3A_93] : memref<10240x128xf32, #tpu.memory_space<vmem_shared>> -> memref<128x128xf32, #tpu.memory_space<vmem_shared>>
      %dma_start3A_95 = arith.constant 0 : i32
      %dma_start3A_96 = arith.constant 0 : i32
      %dma_start3A_97 = tpu.memref_slice %arg8[%run_scoped3A_81, %dma_start3A_95, %dma_start3A_96] : memref<2x128x128xf32, #tpu.memory_space<vmem>> -> memref<1x128x128xf32, #tpu.memory_space<vmem>>
      %dma_start3A_98 = tpu.memref_squeeze %dma_start3A_97 : memref<1x128x128xf32, #tpu.memory_space<vmem>> -> memref<128x128xf32, #tpu.memory_space<vmem>>
      %dma_start3A_99 = arith.constant 0 : i32
      %dma_start3A_100 = tpu.memref_slice %arg9[%add3A_80, %dma_start3A_99] : memref<10240x128xf32, #tpu.memory_space<vmem_shared>> -> memref<128x128xf32, #tpu.memory_space<vmem_shared>>
      tpu.enqueue_dma source(%dma_start3A_100 : memref<128x128xf32, #tpu.memory_space<vmem_shared>>) target(%dma_start3A_98 : memref<128x128xf32, #tpu.memory_space<vmem>>) target_semaphore(%run_scoped3A_89 : memref<!tpu.dma_semaphore, #tpu.memory_space<semaphore_mem>>)
      %dma_wait3A = arith.constant 0 : i32
      %dma_wait3A_101 = arith.constant 0 : i32
      %dma_wait3A_102 = tpu.memref_slice %arg8[%run_scoped3A_81, %dma_wait3A, %dma_wait3A_101] : memref<2x128x128xf32, #tpu.memory_space<vmem>> -> memref<1x128x128xf32, #tpu.memory_space<vmem>>
      %dma_wait3A_103 = tpu.memref_squeeze %dma_wait3A_102 : memref<1x128x128xf32, #tpu.memory_space<vmem>> -> memref<128x128xf32, #tpu.memory_space<vmem>>
      %dma_wait3A_104 = arith.constant 0 : i32
      %dma_wait3A_105 = tpu.memref_slice %arg9[%add3A_80, %dma_wait3A_104] : memref<10240x128xf32, #tpu.memory_space<vmem_shared>> -> memref<128x128xf32, #tpu.memory_space<vmem_shared>>
      %dma_wait3A_106 = arith.constant 0 : i32
      %dma_wait3A_107 = arith.constant 0 : i32
      %dma_wait3A_108 = tpu.memref_slice %arg8[%run_scoped3A_81, %dma_wait3A_106, %dma_wait3A_107] : memref<2x128x128xf32, #tpu.memory_space<vmem>> -> memref<1x128x128xf32, #tpu.memory_space<vmem>>
      %dma_wait3A_109 = tpu.memref_squeeze %dma_wait3A_108 : memref<1x128x128xf32, #tpu.memory_space<vmem>> -> memref<128x128xf32, #tpu.memory_space<vmem>>
      %dma_wait3A_110 = arith.constant 0 : i32
      %dma_wait3A_111 = tpu.memref_slice %arg9[%add3A_80, %dma_wait3A_110] : memref<10240x128xf32, #tpu.memory_space<vmem_shared>> -> memref<128x128xf32, #tpu.memory_space<vmem_shared>>
      tpu.wait_dma2 semaphore(%run_scoped3A_89 : memref<!tpu.dma_semaphore, #tpu.memory_space<semaphore_mem>>) src(%dma_wait3A_111 : memref<128x128xf32, #tpu.memory_space<vmem_shared>>) dst(%dma_wait3A_109 : memref<128x128xf32, #tpu.memory_space<vmem>>)
      tpu.yield
    }) : () -> ()
    %run_scoped3A_82 = arith.constant 0 : i32
    "tpu.region"() ({
      %run_scoped3A_89 = tpu.sem_alloc : memref<!tpu.dma_semaphore, #tpu.memory_space<semaphore_mem>>
      %dma_start3A = arith.constant 0 : i32
      %dma_start3A_90 = arith.constant 0 : i32
      %dma_start3A_91 = tpu.memref_slice %arg8[%run_scoped3A_82, %dma_start3A, %dma_start3A_90] : memref<2x128x128xf32, #tpu.memory_space<vmem>> -> memref<1x128x128xf32, #tpu.memory_space<vmem>>
      %dma_start3A_92 = tpu.memref_squeeze %dma_start3A_91 : memref<1x128x128xf32, #tpu.memory_space<vmem>> -> memref<128x128xf32, #tpu.memory_space<vmem>>
      %dma_start3A_93 = arith.constant 0 : i32
      %dma_start3A_94 = arith.constant 0 : i32
      %dma_start3A_95 = tpu.memref_slice %arg5[%arg0, %dma_start3A_93, %dma_start3A_94] : memref<2x10240x128xf32, #tpu.memory_space<hbm>> -> memref<1x10240x128xf32, #tpu.memory_space<hbm>>
      %dma_start3A_96 = tpu.memref_squeeze %dma_start3A_95 : memref<1x10240x128xf32, #tpu.memory_space<hbm>> -> memref<10240x128xf32, #tpu.memory_space<hbm>>
      %dma_start3A_97 = arith.constant 0 : i32
      %dma_start3A_98 = tpu.memref_slice %dma_start3A_96[%add3A_80, %dma_start3A_97] : memref<10240x128xf32, #tpu.memory_space<hbm>> -> memref<128x128xf32, #tpu.memory_space<hbm>>
      %dma_start3A_99 = arith.constant 0 : i32
      %dma_start3A_100 = arith.constant 0 : i32
      %dma_start3A_101 = tpu.memref_slice %arg5[%arg0, %dma_start3A_99, %dma_start3A_100] : memref<2x10240x128xf32, #tpu.memory_space<hbm>> -> memref<1x10240x128xf32, #tpu.memory_space<hbm>>
      %dma_start3A_102 = tpu.memref_squeeze %dma_start3A_101 : memref<1x10240x128xf32, #tpu.memory_space<hbm>> -> memref<10240x128xf32, #tpu.memory_space<hbm>>
      %dma_start3A_103 = arith.constant 0 : i32
      %dma_start3A_104 = tpu.memref_slice %dma_start3A_102[%add3A_80, %dma_start3A_103] : memref<10240x128xf32, #tpu.memory_space<hbm>> -> memref<128x128xf32, #tpu.memory_space<hbm>>
      %dma_start3A_105 = arith.constant 0 : i32
      %dma_start3A_106 = arith.constant 0 : i32
      %dma_start3A_107 = tpu.memref_slice %arg8[%run_scoped3A_82, %dma_start3A_105, %dma_start3A_106] : memref<2x128x128xf32, #tpu.memory_space<vmem>> -> memref<1x128x128xf32, #tpu.memory_space<vmem>>
      %dma_start3A_108 = tpu.memref_squeeze %dma_start3A_107 : memref<1x128x128xf32, #tpu.memory_space<vmem>> -> memref<128x128xf32, #tpu.memory_space<vmem>>
      tpu.enqueue_dma source(%dma_start3A_108 : memref<128x128xf32, #tpu.memory_space<vmem>>) target(%dma_start3A_104 : memref<128x128xf32, #tpu.memory_space<hbm>>) target_semaphore(%run_scoped3A_89 : memref<!tpu.dma_semaphore, #tpu.memory_space<semaphore_mem>>)
      %dma_wait3A = arith.constant 0 : i32
      %dma_wait3A_109 = arith.constant 0 : i32
      %dma_wait3A_110 = tpu.memref_slice %arg8[%run_scoped3A_82, %dma_wait3A, %dma_wait3A_109] : memref<2x128x128xf32, #tpu.memory_space<vmem>> -> memref<1x128x128xf32, #tpu.memory_space<vmem>>
      %dma_wait3A_111 = tpu.memref_squeeze %dma_wait3A_110 : memref<1x128x128xf32, #tpu.memory_space<vmem>> -> memref<128x128xf32, #tpu.memory_space<vmem>>
      %dma_wait3A_112 = arith.constant 0 : i32
      %dma_wait3A_113 = arith.constant 0 : i32
      %dma_wait3A_114 = tpu.memref_slice %arg5[%arg0, %dma_wait3A_112, %dma_wait3A_113] : memref<2x10240x128xf32, #tpu.memory_space<hbm>> -> memref<1x10240x128xf32, #tpu.memory_space<hbm>>
      %dma_wait3A_115 = tpu.memref_squeeze %dma_wait3A_114 : memref<1x10240x128xf32, #tpu.memory_space<hbm>> -> memref<10240x128xf32, #tpu.memory_space<hbm>>
      %dma_wait3A_116 = arith.constant 0 : i32
      %dma_wait3A_117 = tpu.memref_slice %dma_wait3A_115[%add3A_80, %dma_wait3A_116] : memref<10240x128xf32, #tpu.memory_space<hbm>> -> memref<128x128xf32, #tpu.memory_space<hbm>>
      %dma_wait3A_118 = arith.constant 0 : i32
      %dma_wait3A_119 = arith.constant 0 : i32
      %dma_wait3A_120 = tpu.memref_slice %arg5[%arg0, %dma_wait3A_118, %dma_wait3A_119] : memref<2x10240x128xf32, #tpu.memory_space<hbm>> -> memref<1x10240x128xf32, #tpu.memory_space<hbm>>
      %dma_wait3A_121 = tpu.memref_squeeze %dma_wait3A_120 : memref<1x10240x128xf32, #tpu.memory_space<hbm>> -> memref<10240x128xf32, #tpu.memory_space<hbm>>
      %dma_wait3A_122 = arith.constant 0 : i32
      %dma_wait3A_123 = tpu.memref_slice %dma_wait3A_121[%add3A_80, %dma_wait3A_122] : memref<10240x128xf32, #tpu.memory_space<hbm>> -> memref<128x128xf32, #tpu.memory_space<hbm>>
      %dma_wait3A_124 = arith.constant 0 : i32
      %dma_wait3A_125 = arith.constant 0 : i32
      %dma_wait3A_126 = tpu.memref_slice %arg8[%run_scoped3A_82, %dma_wait3A_124, %dma_wait3A_125] : memref<2x128x128xf32, #tpu.memory_space<vmem>> -> memref<1x128x128xf32, #tpu.memory_space<vmem>>
      %dma_wait3A_127 = tpu.memref_squeeze %dma_wait3A_126 : memref<1x128x128xf32, #tpu.memory_space<vmem>> -> memref<128x128xf32, #tpu.memory_space<vmem>>
      tpu.wait_dma2 semaphore(%run_scoped3A_89 : memref<!tpu.dma_semaphore, #tpu.memory_space<semaphore_mem>>) src(%dma_wait3A_127 : memref<128x128xf32, #tpu.memory_space<vmem>>) dst(%dma_wait3A_123 : memref<128x128xf32, #tpu.memory_space<hbm>>)
      tpu.yield
    }) : () -> ()
    %mul3A_83 = arith.constant 640 : i32
    %mul3A_84 = arith.muli %arg1, %mul3A_83 : i32
    %add3A_85 = arith.constant 512 : i32
    %add3A_86 = arith.addi %mul3A_84, %add3A_85 : i32
    %run_scoped3A_87 = arith.constant 0 : i32
    "tpu.region"() ({
      %run_scoped3A_89 = tpu.sem_alloc : memref<!tpu.dma_semaphore, #tpu.memory_space<semaphore_mem>>
      %dma_start3A = arith.constant 0 : i32
      %dma_start3A_90 = arith.constant 0 : i32
      %dma_start3A_91 = tpu.memref_slice %arg8[%run_scoped3A_87, %dma_start3A, %dma_start3A_90] : memref<2x128x128xf32, #tpu.memory_space<vmem>> -> memref<1x128x128xf32, #tpu.memory_space<vmem>>
      %dma_start3A_92 = tpu.memref_squeeze %dma_start3A_91 : memref<1x128x128xf32, #tpu.memory_space<vmem>> -> memref<128x128xf32, #tpu.memory_space<vmem>>
      %dma_start3A_93 = arith.constant 0 : i32
      %dma_start3A_94 = tpu.memref_slice %arg9[%add3A_86, %dma_start3A_93] : memref<10240x128xf32, #tpu.memory_space<vmem_shared>> -> memref<128x128xf32, #tpu.memory_space<vmem_shared>>
      %dma_start3A_95 = arith.constant 0 : i32
      %dma_start3A_96 = arith.constant 0 : i32
      %dma_start3A_97 = tpu.memref_slice %arg8[%run_scoped3A_87, %dma_start3A_95, %dma_start3A_96] : memref<2x128x128xf32, #tpu.memory_space<vmem>> -> memref<1x128x128xf32, #tpu.memory_space<vmem>>
      %dma_start3A_98 = tpu.memref_squeeze %dma_start3A_97 : memref<1x128x128xf32, #tpu.memory_space<vmem>> -> memref<128x128xf32, #tpu.memory_space<vmem>>
      %dma_start3A_99 = arith.constant 0 : i32
      %dma_start3A_100 = tpu.memref_slice %arg9[%add3A_86, %dma_start3A_99] : memref<10240x128xf32, #tpu.memory_space<vmem_shared>> -> memref<128x128xf32, #tpu.memory_space<vmem_shared>>
      tpu.enqueue_dma source(%dma_start3A_100 : memref<128x128xf32, #tpu.memory_space<vmem_shared>>) target(%dma_start3A_98 : memref<128x128xf32, #tpu.memory_space<vmem>>) target_semaphore(%run_scoped3A_89 : memref<!tpu.dma_semaphore, #tpu.memory_space<semaphore_mem>>)
      %dma_wait3A = arith.constant 0 : i32
      %dma_wait3A_101 = arith.constant 0 : i32
      %dma_wait3A_102 = tpu.memref_slice %arg8[%run_scoped3A_87, %dma_wait3A, %dma_wait3A_101] : memref<2x128x128xf32, #tpu.memory_space<vmem>> -> memref<1x128x128xf32, #tpu.memory_space<vmem>>
      %dma_wait3A_103 = tpu.memref_squeeze %dma_wait3A_102 : memref<1x128x128xf32, #tpu.memory_space<vmem>> -> memref<128x128xf32, #tpu.memory_space<vmem>>
      %dma_wait3A_104 = arith.constant 0 : i32
      %dma_wait3A_105 = tpu.memref_slice %arg9[%add3A_86, %dma_wait3A_104] : memref<10240x128xf32, #tpu.memory_space<vmem_shared>> -> memref<128x128xf32, #tpu.memory_space<vmem_shared>>
      %dma_wait3A_106 = arith.constant 0 : i32
      %dma_wait3A_107 = arith.constant 0 : i32
      %dma_wait3A_108 = tpu.memref_slice %arg8[%run_scoped3A_87, %dma_wait3A_106, %dma_wait3A_107] : memref<2x128x128xf32, #tpu.memory_space<vmem>> -> memref<1x128x128xf32, #tpu.memory_space<vmem>>
      %dma_wait3A_109 = tpu.memref_squeeze %dma_wait3A_108 : memref<1x128x128xf32, #tpu.memory_space<vmem>> -> memref<128x128xf32, #tpu.memory_space<vmem>>
      %dma_wait3A_110 = arith.constant 0 : i32
      %dma_wait3A_111 = tpu.memref_slice %arg9[%add3A_86, %dma_wait3A_110] : memref<10240x128xf32, #tpu.memory_space<vmem_shared>> -> memref<128x128xf32, #tpu.memory_space<vmem_shared>>
      tpu.wait_dma2 semaphore(%run_scoped3A_89 : memref<!tpu.dma_semaphore, #tpu.memory_space<semaphore_mem>>) src(%dma_wait3A_111 : memref<128x128xf32, #tpu.memory_space<vmem_shared>>) dst(%dma_wait3A_109 : memref<128x128xf32, #tpu.memory_space<vmem>>)
      tpu.yield
    }) : () -> ()
    %run_scoped3A_88 = arith.constant 0 : i32
    "tpu.region"() ({
      %run_scoped3A_89 = tpu.sem_alloc : memref<!tpu.dma_semaphore, #tpu.memory_space<semaphore_mem>>
      %dma_start3A = arith.constant 0 : i32
      %dma_start3A_90 = arith.constant 0 : i32
      %dma_start3A_91 = tpu.memref_slice %arg8[%run_scoped3A_88, %dma_start3A, %dma_start3A_90] : memref<2x128x128xf32, #tpu.memory_space<vmem>> -> memref<1x128x128xf32, #tpu.memory_space<vmem>>
      %dma_start3A_92 = tpu.memref_squeeze %dma_start3A_91 : memref<1x128x128xf32, #tpu.memory_space<vmem>> -> memref<128x128xf32, #tpu.memory_space<vmem>>
      %dma_start3A_93 = arith.constant 0 : i32
      %dma_start3A_94 = arith.constant 0 : i32
      %dma_start3A_95 = tpu.memref_slice %arg5[%arg0, %dma_start3A_93, %dma_start3A_94] : memref<2x10240x128xf32, #tpu.memory_space<hbm>> -> memref<1x10240x128xf32, #tpu.memory_space<hbm>>
      %dma_start3A_96 = tpu.memref_squeeze %dma_start3A_95 : memref<1x10240x128xf32, #tpu.memory_space<hbm>> -> memref<10240x128xf32, #tpu.memory_space<hbm>>
      %dma_start3A_97 = arith.constant 0 : i32
      %dma_start3A_98 = tpu.memref_slice %dma_start3A_96[%add3A_86, %dma_start3A_97] : memref<10240x128xf32, #tpu.memory_space<hbm>> -> memref<128x128xf32, #tpu.memory_space<hbm>>
      %dma_start3A_99 = arith.constant 0 : i32
      %dma_start3A_100 = arith.constant 0 : i32
      %dma_start3A_101 = tpu.memref_slice %arg5[%arg0, %dma_start3A_99, %dma_start3A_100] : memref<2x10240x128xf32, #tpu.memory_space<hbm>> -> memref<1x10240x128xf32, #tpu.memory_space<hbm>>
      %dma_start3A_102 = tpu.memref_squeeze %dma_start3A_101 : memref<1x10240x128xf32, #tpu.memory_space<hbm>> -> memref<10240x128xf32, #tpu.memory_space<hbm>>
      %dma_start3A_103 = arith.constant 0 : i32
      %dma_start3A_104 = tpu.memref_slice %dma_start3A_102[%add3A_86, %dma_start3A_103] : memref<10240x128xf32, #tpu.memory_space<hbm>> -> memref<128x128xf32, #tpu.memory_space<hbm>>
      %dma_start3A_105 = arith.constant 0 : i32
      %dma_start3A_106 = arith.constant 0 : i32
      %dma_start3A_107 = tpu.memref_slice %arg8[%run_scoped3A_88, %dma_start3A_105, %dma_start3A_106] : memref<2x128x128xf32, #tpu.memory_space<vmem>> -> memref<1x128x128xf32, #tpu.memory_space<vmem>>
      %dma_start3A_108 = tpu.memref_squeeze %dma_start3A_107 : memref<1x128x128xf32, #tpu.memory_space<vmem>> -> memref<128x128xf32, #tpu.memory_space<vmem>>
      tpu.enqueue_dma source(%dma_start3A_108 : memref<128x128xf32, #tpu.memory_space<vmem>>) target(%dma_start3A_104 : memref<128x128xf32, #tpu.memory_space<hbm>>) target_semaphore(%run_scoped3A_89 : memref<!tpu.dma_semaphore, #tpu.memory_space<semaphore_mem>>)
      %dma_wait3A = arith.constant 0 : i32
      %dma_wait3A_109 = arith.constant 0 : i32
      %dma_wait3A_110 = tpu.memref_slice %arg8[%run_scoped3A_88, %dma_wait3A, %dma_wait3A_109] : memref<2x128x128xf32, #tpu.memory_space<vmem>> -> memref<1x128x128xf32, #tpu.memory_space<vmem>>
      %dma_wait3A_111 = tpu.memref_squeeze %dma_wait3A_110 : memref<1x128x128xf32, #tpu.memory_space<vmem>> -> memref<128x128xf32, #tpu.memory_space<vmem>>
      %dma_wait3A_112 = arith.constant 0 : i32
      %dma_wait3A_113 = arith.constant 0 : i32
      %dma_wait3A_114 = tpu.memref_slice %arg5[%arg0, %dma_wait3A_112, %dma_wait3A_113] : memref<2x10240x128xf32, #tpu.memory_space<hbm>> -> memref<1x10240x128xf32, #tpu.memory_space<hbm>>
      %dma_wait3A_115 = tpu.memref_squeeze %dma_wait3A_114 : memref<1x10240x128xf32, #tpu.memory_space<hbm>> -> memref<10240x128xf32, #tpu.memory_space<hbm>>
      %dma_wait3A_116 = arith.constant 0 : i32
      %dma_wait3A_117 = tpu.memref_slice %dma_wait3A_115[%add3A_86, %dma_wait3A_116] : memref<10240x128xf32, #tpu.memory_space<hbm>> -> memref<128x128xf32, #tpu.memory_space<hbm>>
      %dma_wait3A_118 = arith.constant 0 : i32
      %dma_wait3A_119 = arith.constant 0 : i32
      %dma_wait3A_120 = tpu.memref_slice %arg5[%arg0, %dma_wait3A_118, %dma_wait3A_119] : memref<2x10240x128xf32, #tpu.memory_space<hbm>> -> memref<1x10240x128xf32, #tpu.memory_space<hbm>>
      %dma_wait3A_121 = tpu.memref_squeeze %dma_wait3A_120 : memref<1x10240x128xf32, #tpu.memory_space<hbm>> -> memref<10240x128xf32, #tpu.memory_space<hbm>>
      %dma_wait3A_122 = arith.constant 0 : i32
      %dma_wait3A_123 = tpu.memref_slice %dma_wait3A_121[%add3A_86, %dma_wait3A_122] : memref<10240x128xf32, #tpu.memory_space<hbm>> -> memref<128x128xf32, #tpu.memory_space<hbm>>
      %dma_wait3A_124 = arith.constant 0 : i32
      %dma_wait3A_125 = arith.constant 0 : i32
      %dma_wait3A_126 = tpu.memref_slice %arg8[%run_scoped3A_88, %dma_wait3A_124, %dma_wait3A_125] : memref<2x128x128xf32, #tpu.memory_space<vmem>> -> memref<1x128x128xf32, #tpu.memory_space<vmem>>
      %dma_wait3A_127 = tpu.memref_squeeze %dma_wait3A_126 : memref<1x128x128xf32, #tpu.memory_space<vmem>> -> memref<128x128xf32, #tpu.memory_space<vmem>>
      tpu.wait_dma2 semaphore(%run_scoped3A_89 : memref<!tpu.dma_semaphore, #tpu.memory_space<semaphore_mem>>) src(%dma_wait3A_127 : memref<128x128xf32, #tpu.memory_space<vmem>>) dst(%dma_wait3A_123 : memref<128x128xf32, #tpu.memory_space<hbm>>)
      tpu.yield
    }) : () -> ()
    return
  }
}

module attributes {stable_mosaic.version = 14 : i64} {
  func.func @_tc_layer_body(%arg0: memref<10000x128xf32, #tpu.memory_space<vmem>>, %arg1: memref<2x10240x128xf32, #tpu.memory_space<vmem>>, %arg2: memref<1x1xf32, #tpu.memory_space<vmem>>, %arg3: memref<128x64xf32, #tpu.memory_space<vmem>>, %arg4: memref<1x64xf32, #tpu.memory_space<vmem>>, %arg5: memref<1x64xf32, #tpu.memory_space<vmem>>, %arg6: memref<1x64xf32, #tpu.memory_space<vmem>>, %arg7: memref<64x64xf32, #tpu.memory_space<vmem>>, %arg8: memref<1x64xf32, #tpu.memory_space<vmem>>, %arg9: memref<1x64xf32, #tpu.memory_space<vmem>>, %arg10: memref<1x64xf32, #tpu.memory_space<vmem>>, %arg11: memref<1x10000xi32, #tpu.memory_space<vmem>>, %arg12: memref<10000x128xf32, #tpu.memory_space<vmem>>, %arg13: memref<64x64xf32, #tpu.memory_space<vmem>>) attributes {dimension_semantics = [], scalar_prefetch = 0 : i64, scratch_operands = 0 : i64, tpu.core_type = #tpu.core_type<tc>} {
    %get3A = arith.constant 0 : index
    %get3A_0 = arith.constant 0 : index
    %get3A_1 = vector.load %arg0[%get3A, %get3A_0] : memref<10000x128xf32, #tpu.memory_space<vmem>>, vector<10000x128xf32>
    %get3A_2 = arith.constant 0 : index
    %get3A_3 = arith.constant 0 : index
    %get3A_4 = vector.load %arg2[%get3A_2, %get3A_3] : memref<1x1xf32, #tpu.memory_space<vmem>>, vector<1x1xf32>
    %get3A_5 = vector.extract %get3A_4[0, 0] : f32 from vector<1x1xf32>
    %add3A = arith.constant 1.000000e+00 : f32
    %add3A_6 = arith.addf %add3A, %get3A_5 : f32
    %mul3A = vector.broadcast %add3A_6 : f32 to vector<10000x128xf32>
    %mul3A_7 = arith.mulf %mul3A, %get3A_1 : vector<10000x128xf32>
    %get3A_8 = arith.constant 0 : index
    %get3A_9 = arith.constant 0 : index
    %get3A_10 = arith.constant 0 : index
    %get3A_11 = vector.load %arg1[%get3A_8, %get3A_9, %get3A_10] : memref<2x10240x128xf32, #tpu.memory_space<vmem>>, vector<1x10000x128xf32>
    %get3A_12 = vector.shape_cast %get3A_11 : vector<1x10000x128xf32> to vector<10000x128xf32>
    %get3A_13 = arith.constant 1 : index
    %get3A_14 = arith.constant 0 : index
    %get3A_15 = arith.constant 0 : index
    %get3A_16 = vector.load %arg1[%get3A_13, %get3A_14, %get3A_15] : memref<2x10240x128xf32, #tpu.memory_space<vmem>>, vector<1x10000x128xf32>
    %get3A_17 = vector.shape_cast %get3A_16 : vector<1x10000x128xf32> to vector<10000x128xf32>
    %add3A_18 = arith.addf %get3A_12, %get3A_17 : vector<10000x128xf32>
    %add3A_19 = arith.addf %mul3A_7, %add3A_18 : vector<10000x128xf32>
    %get3A_20 = arith.constant 0 : index
    %get3A_21 = arith.constant 0 : index
    %get3A_22 = vector.load %arg3[%get3A_20, %get3A_21] : memref<128x64xf32, #tpu.memory_space<vmem>>, vector<128x64xf32>
    %dot_general3A = arith.constant dense<0.000000e+00> : vector<10000x64xf32>
    %dot_general3A_23 = tpu.matmul %add3A_19, %get3A_22, %dot_general3A {dimension_numbers = #tpu.dot_dimension_numbers<[1], [0], [0], [1], [0, 0, 1, 1], [], []>, transpose_lhs_hint = false} : vector<10000x128xf32>, vector<128x64xf32>, vector<10000x64xf32> -> vector<10000x64xf32>
    %get3A_24 = arith.constant 0 : index
    %get3A_25 = arith.constant 0 : index
    %get3A_26 = vector.load %arg4[%get3A_24, %get3A_25] : memref<1x64xf32, #tpu.memory_space<vmem>>, vector<1x64xf32>
    %add3A_27 = vector.broadcast %get3A_26 : vector<1x64xf32> to vector<10000x64xf32>
    %add3A_28 = arith.addf %dot_general3A_23, %add3A_27 : vector<10000x64xf32>
    %reduce_sum3A = arith.constant dense<0.000000e+00> : vector<64xf32>
    %reduce_sum3A_29 = vector.multi_reduction <add>, %add3A_28, %reduce_sum3A [0] : vector<10000x64xf32> to vector<64xf32>
    %broadcast_in_dim3A = vector.shape_cast %reduce_sum3A_29 : vector<64xf32> to vector<1x64xf32>
    %div3A = arith.constant 1.000000e+04 : f32
    %div3A_30 = vector.broadcast %div3A : f32 to vector<1x64xf32>
    %div3A_31 = arith.divf %broadcast_in_dim3A, %div3A_30 : vector<1x64xf32>
    %sub3A = vector.broadcast %div3A_31 : vector<1x64xf32> to vector<10000x64xf32>
    %sub3A_32 = arith.subf %add3A_28, %sub3A : vector<10000x64xf32>
    %integer_pow3A = arith.mulf %sub3A_32, %sub3A_32 : vector<10000x64xf32>
    %reduce_sum3A_33 = arith.constant dense<0.000000e+00> : vector<64xf32>
    %reduce_sum3A_34 = vector.multi_reduction <add>, %integer_pow3A, %reduce_sum3A_33 [0] : vector<10000x64xf32> to vector<64xf32>
    %broadcast_in_dim3A_35 = vector.shape_cast %reduce_sum3A_34 : vector<64xf32> to vector<1x64xf32>
    %div3A_36 = arith.constant 1.000000e+04 : f32
    %div3A_37 = vector.broadcast %div3A_36 : f32 to vector<1x64xf32>
    %div3A_38 = arith.divf %broadcast_in_dim3A_35, %div3A_37 : vector<1x64xf32>
    %sub3A_39 = vector.broadcast %div3A_31 : vector<1x64xf32> to vector<10000x64xf32>
    %sub3A_40 = arith.subf %add3A_28, %sub3A_39 : vector<10000x64xf32>
    %add3A_41 = arith.constant 9.99999974E-6 : f32
    %add3A_42 = vector.broadcast %add3A_41 : f32 to vector<1x64xf32>
    %add3A_43 = arith.addf %div3A_38, %add3A_42 : vector<1x64xf32>
    %rsqrt3A = math.rsqrt %add3A_43 : vector<1x64xf32>
    %mul3A_44 = vector.broadcast %rsqrt3A : vector<1x64xf32> to vector<10000x64xf32>
    %mul3A_45 = arith.mulf %sub3A_40, %mul3A_44 : vector<10000x64xf32>
    %get3A_46 = arith.constant 0 : index
    %get3A_47 = arith.constant 0 : index
    %get3A_48 = vector.load %arg5[%get3A_46, %get3A_47] : memref<1x64xf32, #tpu.memory_space<vmem>>, vector<1x64xf32>
    %mul3A_49 = vector.broadcast %get3A_48 : vector<1x64xf32> to vector<10000x64xf32>
    %mul3A_50 = arith.mulf %mul3A_45, %mul3A_49 : vector<10000x64xf32>
    %get3A_51 = arith.constant 0 : index
    %get3A_52 = arith.constant 0 : index
    %get3A_53 = vector.load %arg6[%get3A_51, %get3A_52] : memref<1x64xf32, #tpu.memory_space<vmem>>, vector<1x64xf32>
    %add3A_54 = vector.broadcast %get3A_53 : vector<1x64xf32> to vector<10000x64xf32>
    %add3A_55 = arith.addf %mul3A_50, %add3A_54 : vector<10000x64xf32>
    %max3A = arith.constant 0.000000e+00 : f32
    %max3A_56 = vector.broadcast %max3A : f32 to vector<10000x64xf32>
    %max3A_57 = arith.maximumf %add3A_55, %max3A_56 : vector<10000x64xf32>
    %get3A_58 = arith.constant 0 : index
    %get3A_59 = arith.constant 0 : index
    %get3A_60 = vector.load %arg7[%get3A_58, %get3A_59] : memref<64x64xf32, #tpu.memory_space<vmem>>, vector<64x64xf32>
    %dot_general3A_61 = arith.constant dense<0.000000e+00> : vector<10000x64xf32>
    %dot_general3A_62 = tpu.matmul %max3A_57, %get3A_60, %dot_general3A_61 {dimension_numbers = #tpu.dot_dimension_numbers<[1], [0], [0], [1], [0, 0, 1, 1], [], []>, transpose_lhs_hint = false} : vector<10000x64xf32>, vector<64x64xf32>, vector<10000x64xf32> -> vector<10000x64xf32>
    %get3A_63 = arith.constant 0 : index
    %get3A_64 = arith.constant 0 : index
    %get3A_65 = vector.load %arg8[%get3A_63, %get3A_64] : memref<1x64xf32, #tpu.memory_space<vmem>>, vector<1x64xf32>
    %add3A_66 = vector.broadcast %get3A_65 : vector<1x64xf32> to vector<10000x64xf32>
    %add3A_67 = arith.addf %dot_general3A_62, %add3A_66 : vector<10000x64xf32>
    %reduce_sum3A_68 = arith.constant dense<0.000000e+00> : vector<64xf32>
    %reduce_sum3A_69 = vector.multi_reduction <add>, %add3A_67, %reduce_sum3A_68 [0] : vector<10000x64xf32> to vector<64xf32>
    %broadcast_in_dim3A_70 = vector.shape_cast %reduce_sum3A_69 : vector<64xf32> to vector<1x64xf32>
    %div3A_71 = arith.constant 1.000000e+04 : f32
    %div3A_72 = vector.broadcast %div3A_71 : f32 to vector<1x64xf32>
    %div3A_73 = arith.divf %broadcast_in_dim3A_70, %div3A_72 : vector<1x64xf32>
    %sub3A_74 = vector.broadcast %div3A_73 : vector<1x64xf32> to vector<10000x64xf32>
    %sub3A_75 = arith.subf %add3A_67, %sub3A_74 : vector<10000x64xf32>
    %integer_pow3A_76 = arith.mulf %sub3A_75, %sub3A_75 : vector<10000x64xf32>
    %reduce_sum3A_77 = arith.constant dense<0.000000e+00> : vector<64xf32>
    %reduce_sum3A_78 = vector.multi_reduction <add>, %integer_pow3A_76, %reduce_sum3A_77 [0] : vector<10000x64xf32> to vector<64xf32>
    %broadcast_in_dim3A_79 = vector.shape_cast %reduce_sum3A_78 : vector<64xf32> to vector<1x64xf32>
    %div3A_80 = arith.constant 1.000000e+04 : f32
    %div3A_81 = vector.broadcast %div3A_80 : f32 to vector<1x64xf32>
    %div3A_82 = arith.divf %broadcast_in_dim3A_79, %div3A_81 : vector<1x64xf32>
    %sub3A_83 = vector.broadcast %div3A_73 : vector<1x64xf32> to vector<10000x64xf32>
    %sub3A_84 = arith.subf %add3A_67, %sub3A_83 : vector<10000x64xf32>
    %add3A_85 = arith.constant 9.99999974E-6 : f32
    %add3A_86 = vector.broadcast %add3A_85 : f32 to vector<1x64xf32>
    %add3A_87 = arith.addf %div3A_82, %add3A_86 : vector<1x64xf32>
    %rsqrt3A_88 = math.rsqrt %add3A_87 : vector<1x64xf32>
    %mul3A_89 = vector.broadcast %rsqrt3A_88 : vector<1x64xf32> to vector<10000x64xf32>
    %mul3A_90 = arith.mulf %sub3A_84, %mul3A_89 : vector<10000x64xf32>
    %get3A_91 = arith.constant 0 : index
    %get3A_92 = arith.constant 0 : index
    %get3A_93 = vector.load %arg9[%get3A_91, %get3A_92] : memref<1x64xf32, #tpu.memory_space<vmem>>, vector<1x64xf32>
    %mul3A_94 = vector.broadcast %get3A_93 : vector<1x64xf32> to vector<10000x64xf32>
    %mul3A_95 = arith.mulf %mul3A_90, %mul3A_94 : vector<10000x64xf32>
    %get3A_96 = arith.constant 0 : index
    %get3A_97 = arith.constant 0 : index
    %get3A_98 = vector.load %arg10[%get3A_96, %get3A_97] : memref<1x64xf32, #tpu.memory_space<vmem>>, vector<1x64xf32>
    %add3A_99 = vector.broadcast %get3A_98 : vector<1x64xf32> to vector<10000x64xf32>
    %add3A_100 = arith.addf %mul3A_95, %add3A_99 : vector<10000x64xf32>
    %max3A_101 = arith.constant 0.000000e+00 : f32
    %max3A_102 = vector.broadcast %max3A_101 : f32 to vector<10000x64xf32>
    %max3A_103 = arith.maximumf %add3A_100, %max3A_102 : vector<10000x64xf32>
    %broadcast_in_dim3A_104 = arith.constant 0.000000e+00 : f32
    %broadcast_in_dim3A_105 = vector.broadcast %broadcast_in_dim3A_104 : f32 to vector<10000x64xf32>
    %concatenate3A = tpu.concatenate %max3A_103, %broadcast_in_dim3A_105 in 1 : vector<10000x64xf32>, vector<10000x64xf32> -> vector<10000x128xf32>
    %swap3A = arith.constant 0 : index
    %swap3A_106 = arith.constant 0 : index
    %swap3A_107 = vector.load %arg12[%swap3A, %swap3A_106] : memref<10000x128xf32, #tpu.memory_space<vmem>>, vector<10000x128xf32>
    tpu.vector_store %arg12[%swap3A, %swap3A_106], %concatenate3A {strides = array<i32>} : memref<10000x128xf32, #tpu.memory_space<vmem>>, vector<10000x128xf32>,
    %iota3A = tpu.iota {dimensions = array<i32: 0>} : vector<64x10000xi32>
    %get3A_108 = arith.constant 0 : index
    %get3A_109 = arith.constant 0 : index
    %get3A_110 = vector.load %arg11[%get3A_108, %get3A_109] : memref<1x10000xi32, #tpu.memory_space<vmem>>, vector<1x10000xi32>
    %eq3A = vector.broadcast %get3A_110 : vector<1x10000xi32> to vector<64x10000xi32>
    %eq3A_111 = arith.cmpi eq, %iota3A, %eq3A : vector<64x10000xi32>
    %convert_element_type3A = arith.extui %eq3A_111 : vector<64x10000xi1> to vector<64x10000xi32>
    %convert_element_type3A_112 = arith.sitofp %convert_element_type3A : vector<64x10000xi32> to vector<64x10000xf32>
    %dot_general3A_113 = arith.constant dense<0.000000e+00> : vector<64x64xf32>
    %dot_general3A_114 = tpu.matmul %convert_element_type3A_112, %max3A_103, %dot_general3A_113 {dimension_numbers = #tpu.dot_dimension_numbers<[1], [0], [0], [1], [0, 0, 1, 1], [], []>, transpose_lhs_hint = false} : vector<64x10000xf32>, vector<10000x64xf32>, vector<64x64xf32> -> vector<64x64xf32>
    %swap3A_115 = arith.constant 0 : index
    %swap3A_116 = arith.constant 0 : index
    %swap3A_117 = vector.load %arg13[%swap3A_115, %swap3A_116] : memref<64x64xf32, #tpu.memory_space<vmem>>, vector<64x64xf32>
    tpu.vector_store %arg13[%swap3A_115, %swap3A_116], %dot_general3A_114 {strides = array<i32>} : memref<64x64xf32, #tpu.memory_space<vmem>>, vector<64x64xf32>,
    return
  }
}

module attributes {stable_mosaic.version = 14 : i64} {
  func.func @_tc_layer_body(%arg0: memref<10000x128xf32, #tpu.memory_space<vmem>>, %arg1: memref<2x10240x128xf32, #tpu.memory_space<vmem>>, %arg2: memref<1x1xf32, #tpu.memory_space<vmem>>, %arg3: memref<64x64xf32, #tpu.memory_space<vmem>>, %arg4: memref<1x64xf32, #tpu.memory_space<vmem>>, %arg5: memref<1x64xf32, #tpu.memory_space<vmem>>, %arg6: memref<1x64xf32, #tpu.memory_space<vmem>>, %arg7: memref<64x64xf32, #tpu.memory_space<vmem>>, %arg8: memref<1x64xf32, #tpu.memory_space<vmem>>, %arg9: memref<1x64xf32, #tpu.memory_space<vmem>>, %arg10: memref<1x64xf32, #tpu.memory_space<vmem>>, %arg11: memref<1x10000xi32, #tpu.memory_space<vmem>>, %arg12: memref<10000x128xf32, #tpu.memory_space<vmem>>, %arg13: memref<64x64xf32, #tpu.memory_space<vmem>>) attributes {dimension_semantics = [], scalar_prefetch = 0 : i64, scratch_operands = 0 : i64, tpu.core_type = #tpu.core_type<tc>} {
    %get3A = arith.constant 0 : index
    %get3A_0 = arith.constant 0 : index
    %get3A_1 = vector.load %arg0[%get3A, %get3A_0] : memref<10000x128xf32, #tpu.memory_space<vmem>>, vector<10000x64xf32>
    %get3A_2 = arith.constant 0 : index
    %get3A_3 = arith.constant 0 : index
    %get3A_4 = vector.load %arg2[%get3A_2, %get3A_3] : memref<1x1xf32, #tpu.memory_space<vmem>>, vector<1x1xf32>
    %get3A_5 = vector.extract %get3A_4[0, 0] : f32 from vector<1x1xf32>
    %add3A = arith.constant 1.000000e+00 : f32
    %add3A_6 = arith.addf %add3A, %get3A_5 : f32
    %mul3A = vector.broadcast %add3A_6 : f32 to vector<10000x64xf32>
    %mul3A_7 = arith.mulf %mul3A, %get3A_1 : vector<10000x64xf32>
    %get3A_8 = arith.constant 0 : index
    %get3A_9 = arith.constant 0 : index
    %get3A_10 = arith.constant 0 : index
    %get3A_11 = vector.load %arg1[%get3A_8, %get3A_9, %get3A_10] : memref<2x10240x128xf32, #tpu.memory_space<vmem>>, vector<1x10000x64xf32>
    %get3A_12 = vector.shape_cast %get3A_11 : vector<1x10000x64xf32> to vector<10000x64xf32>
    %get3A_13 = arith.constant 1 : index
    %get3A_14 = arith.constant 0 : index
    %get3A_15 = arith.constant 0 : index
    %get3A_16 = vector.load %arg1[%get3A_13, %get3A_14, %get3A_15] : memref<2x10240x128xf32, #tpu.memory_space<vmem>>, vector<1x10000x64xf32>
    %get3A_17 = vector.shape_cast %get3A_16 : vector<1x10000x64xf32> to vector<10000x64xf32>
    %add3A_18 = arith.addf %get3A_12, %get3A_17 : vector<10000x64xf32>
    %add3A_19 = arith.addf %mul3A_7, %add3A_18 : vector<10000x64xf32>
    %get3A_20 = arith.constant 0 : index
    %get3A_21 = arith.constant 0 : index
    %get3A_22 = vector.load %arg3[%get3A_20, %get3A_21] : memref<64x64xf32, #tpu.memory_space<vmem>>, vector<64x64xf32>
    %dot_general3A = arith.constant dense<0.000000e+00> : vector<10000x64xf32>
    %dot_general3A_23 = tpu.matmul %add3A_19, %get3A_22, %dot_general3A {dimension_numbers = #tpu.dot_dimension_numbers<[1], [0], [0], [1], [0, 0, 1, 1], [], []>, transpose_lhs_hint = false} : vector<10000x64xf32>, vector<64x64xf32>, vector<10000x64xf32> -> vector<10000x64xf32>
    %get3A_24 = arith.constant 0 : index
    %get3A_25 = arith.constant 0 : index
    %get3A_26 = vector.load %arg4[%get3A_24, %get3A_25] : memref<1x64xf32, #tpu.memory_space<vmem>>, vector<1x64xf32>
    %add3A_27 = vector.broadcast %get3A_26 : vector<1x64xf32> to vector<10000x64xf32>
    %add3A_28 = arith.addf %dot_general3A_23, %add3A_27 : vector<10000x64xf32>
    %reduce_sum3A = arith.constant dense<0.000000e+00> : vector<64xf32>
    %reduce_sum3A_29 = vector.multi_reduction <add>, %add3A_28, %reduce_sum3A [0] : vector<10000x64xf32> to vector<64xf32>
    %broadcast_in_dim3A = vector.shape_cast %reduce_sum3A_29 : vector<64xf32> to vector<1x64xf32>
    %div3A = arith.constant 1.000000e+04 : f32
    %div3A_30 = vector.broadcast %div3A : f32 to vector<1x64xf32>
    %div3A_31 = arith.divf %broadcast_in_dim3A, %div3A_30 : vector<1x64xf32>
    %sub3A = vector.broadcast %div3A_31 : vector<1x64xf32> to vector<10000x64xf32>
    %sub3A_32 = arith.subf %add3A_28, %sub3A : vector<10000x64xf32>
    %integer_pow3A = arith.mulf %sub3A_32, %sub3A_32 : vector<10000x64xf32>
    %reduce_sum3A_33 = arith.constant dense<0.000000e+00> : vector<64xf32>
    %reduce_sum3A_34 = vector.multi_reduction <add>, %integer_pow3A, %reduce_sum3A_33 [0] : vector<10000x64xf32> to vector<64xf32>
    %broadcast_in_dim3A_35 = vector.shape_cast %reduce_sum3A_34 : vector<64xf32> to vector<1x64xf32>
    %div3A_36 = arith.constant 1.000000e+04 : f32
    %div3A_37 = vector.broadcast %div3A_36 : f32 to vector<1x64xf32>
    %div3A_38 = arith.divf %broadcast_in_dim3A_35, %div3A_37 : vector<1x64xf32>
    %sub3A_39 = vector.broadcast %div3A_31 : vector<1x64xf32> to vector<10000x64xf32>
    %sub3A_40 = arith.subf %add3A_28, %sub3A_39 : vector<10000x64xf32>
    %add3A_41 = arith.constant 9.99999974E-6 : f32
    %add3A_42 = vector.broadcast %add3A_41 : f32 to vector<1x64xf32>
    %add3A_43 = arith.addf %div3A_38, %add3A_42 : vector<1x64xf32>
    %rsqrt3A = math.rsqrt %add3A_43 : vector<1x64xf32>
    %mul3A_44 = vector.broadcast %rsqrt3A : vector<1x64xf32> to vector<10000x64xf32>
    %mul3A_45 = arith.mulf %sub3A_40, %mul3A_44 : vector<10000x64xf32>
    %get3A_46 = arith.constant 0 : index
    %get3A_47 = arith.constant 0 : index
    %get3A_48 = vector.load %arg5[%get3A_46, %get3A_47] : memref<1x64xf32, #tpu.memory_space<vmem>>, vector<1x64xf32>
    %mul3A_49 = vector.broadcast %get3A_48 : vector<1x64xf32> to vector<10000x64xf32>
    %mul3A_50 = arith.mulf %mul3A_45, %mul3A_49 : vector<10000x64xf32>
    %get3A_51 = arith.constant 0 : index
    %get3A_52 = arith.constant 0 : index
    %get3A_53 = vector.load %arg6[%get3A_51, %get3A_52] : memref<1x64xf32, #tpu.memory_space<vmem>>, vector<1x64xf32>
    %add3A_54 = vector.broadcast %get3A_53 : vector<1x64xf32> to vector<10000x64xf32>
    %add3A_55 = arith.addf %mul3A_50, %add3A_54 : vector<10000x64xf32>
    %max3A = arith.constant 0.000000e+00 : f32
    %max3A_56 = vector.broadcast %max3A : f32 to vector<10000x64xf32>
    %max3A_57 = arith.maximumf %add3A_55, %max3A_56 : vector<10000x64xf32>
    %get3A_58 = arith.constant 0 : index
    %get3A_59 = arith.constant 0 : index
    %get3A_60 = vector.load %arg7[%get3A_58, %get3A_59] : memref<64x64xf32, #tpu.memory_space<vmem>>, vector<64x64xf32>
    %dot_general3A_61 = arith.constant dense<0.000000e+00> : vector<10000x64xf32>
    %dot_general3A_62 = tpu.matmul %max3A_57, %get3A_60, %dot_general3A_61 {dimension_numbers = #tpu.dot_dimension_numbers<[1], [0], [0], [1], [0, 0, 1, 1], [], []>, transpose_lhs_hint = false} : vector<10000x64xf32>, vector<64x64xf32>, vector<10000x64xf32> -> vector<10000x64xf32>
    %get3A_63 = arith.constant 0 : index
    %get3A_64 = arith.constant 0 : index
    %get3A_65 = vector.load %arg8[%get3A_63, %get3A_64] : memref<1x64xf32, #tpu.memory_space<vmem>>, vector<1x64xf32>
    %add3A_66 = vector.broadcast %get3A_65 : vector<1x64xf32> to vector<10000x64xf32>
    %add3A_67 = arith.addf %dot_general3A_62, %add3A_66 : vector<10000x64xf32>
    %reduce_sum3A_68 = arith.constant dense<0.000000e+00> : vector<64xf32>
    %reduce_sum3A_69 = vector.multi_reduction <add>, %add3A_67, %reduce_sum3A_68 [0] : vector<10000x64xf32> to vector<64xf32>
    %broadcast_in_dim3A_70 = vector.shape_cast %reduce_sum3A_69 : vector<64xf32> to vector<1x64xf32>
    %div3A_71 = arith.constant 1.000000e+04 : f32
    %div3A_72 = vector.broadcast %div3A_71 : f32 to vector<1x64xf32>
    %div3A_73 = arith.divf %broadcast_in_dim3A_70, %div3A_72 : vector<1x64xf32>
    %sub3A_74 = vector.broadcast %div3A_73 : vector<1x64xf32> to vector<10000x64xf32>
    %sub3A_75 = arith.subf %add3A_67, %sub3A_74 : vector<10000x64xf32>
    %integer_pow3A_76 = arith.mulf %sub3A_75, %sub3A_75 : vector<10000x64xf32>
    %reduce_sum3A_77 = arith.constant dense<0.000000e+00> : vector<64xf32>
    %reduce_sum3A_78 = vector.multi_reduction <add>, %integer_pow3A_76, %reduce_sum3A_77 [0] : vector<10000x64xf32> to vector<64xf32>
    %broadcast_in_dim3A_79 = vector.shape_cast %reduce_sum3A_78 : vector<64xf32> to vector<1x64xf32>
    %div3A_80 = arith.constant 1.000000e+04 : f32
    %div3A_81 = vector.broadcast %div3A_80 : f32 to vector<1x64xf32>
    %div3A_82 = arith.divf %broadcast_in_dim3A_79, %div3A_81 : vector<1x64xf32>
    %sub3A_83 = vector.broadcast %div3A_73 : vector<1x64xf32> to vector<10000x64xf32>
    %sub3A_84 = arith.subf %add3A_67, %sub3A_83 : vector<10000x64xf32>
    %add3A_85 = arith.constant 9.99999974E-6 : f32
    %add3A_86 = vector.broadcast %add3A_85 : f32 to vector<1x64xf32>
    %add3A_87 = arith.addf %div3A_82, %add3A_86 : vector<1x64xf32>
    %rsqrt3A_88 = math.rsqrt %add3A_87 : vector<1x64xf32>
    %mul3A_89 = vector.broadcast %rsqrt3A_88 : vector<1x64xf32> to vector<10000x64xf32>
    %mul3A_90 = arith.mulf %sub3A_84, %mul3A_89 : vector<10000x64xf32>
    %get3A_91 = arith.constant 0 : index
    %get3A_92 = arith.constant 0 : index
    %get3A_93 = vector.load %arg9[%get3A_91, %get3A_92] : memref<1x64xf32, #tpu.memory_space<vmem>>, vector<1x64xf32>
    %mul3A_94 = vector.broadcast %get3A_93 : vector<1x64xf32> to vector<10000x64xf32>
    %mul3A_95 = arith.mulf %mul3A_90, %mul3A_94 : vector<10000x64xf32>
    %get3A_96 = arith.constant 0 : index
    %get3A_97 = arith.constant 0 : index
    %get3A_98 = vector.load %arg10[%get3A_96, %get3A_97] : memref<1x64xf32, #tpu.memory_space<vmem>>, vector<1x64xf32>
    %add3A_99 = vector.broadcast %get3A_98 : vector<1x64xf32> to vector<10000x64xf32>
    %add3A_100 = arith.addf %mul3A_95, %add3A_99 : vector<10000x64xf32>
    %max3A_101 = arith.constant 0.000000e+00 : f32
    %max3A_102 = vector.broadcast %max3A_101 : f32 to vector<10000x64xf32>
    %max3A_103 = arith.maximumf %add3A_100, %max3A_102 : vector<10000x64xf32>
    %broadcast_in_dim3A_104 = arith.constant 0.000000e+00 : f32
    %broadcast_in_dim3A_105 = vector.broadcast %broadcast_in_dim3A_104 : f32 to vector<10000x64xf32>
    %concatenate3A = tpu.concatenate %max3A_103, %broadcast_in_dim3A_105 in 1 : vector<10000x64xf32>, vector<10000x64xf32> -> vector<10000x128xf32>
    %swap3A = arith.constant 0 : index
    %swap3A_106 = arith.constant 0 : index
    %swap3A_107 = vector.load %arg12[%swap3A, %swap3A_106] : memref<10000x128xf32, #tpu.memory_space<vmem>>, vector<10000x128xf32>
    tpu.vector_store %arg12[%swap3A, %swap3A_106], %concatenate3A {strides = array<i32>} : memref<10000x128xf32, #tpu.memory_space<vmem>>, vector<10000x128xf32>,
    %iota3A = tpu.iota {dimensions = array<i32: 0>} : vector<64x10000xi32>
    %get3A_108 = arith.constant 0 : index
    %get3A_109 = arith.constant 0 : index
    %get3A_110 = vector.load %arg11[%get3A_108, %get3A_109] : memref<1x10000xi32, #tpu.memory_space<vmem>>, vector<1x10000xi32>
    %eq3A = vector.broadcast %get3A_110 : vector<1x10000xi32> to vector<64x10000xi32>
    %eq3A_111 = arith.cmpi eq, %iota3A, %eq3A : vector<64x10000xi32>
    %convert_element_type3A = arith.extui %eq3A_111 : vector<64x10000xi1> to vector<64x10000xi32>
    %convert_element_type3A_112 = arith.sitofp %convert_element_type3A : vector<64x10000xi32> to vector<64x10000xf32>
    %dot_general3A_113 = arith.constant dense<0.000000e+00> : vector<64x64xf32>
    %dot_general3A_114 = tpu.matmul %convert_element_type3A_112, %max3A_103, %dot_general3A_113 {dimension_numbers = #tpu.dot_dimension_numbers<[1], [0], [0], [1], [0, 0, 1, 1], [], []>, transpose_lhs_hint = false} : vector<64x10000xf32>, vector<10000x64xf32>, vector<64x64xf32> -> vector<64x64xf32>
    %swap3A_115 = arith.constant 0 : index
    %swap3A_116 = arith.constant 0 : index
    %swap3A_117 = vector.load %arg13[%swap3A_115, %swap3A_116] : memref<64x64xf32, #tpu.memory_space<vmem>>, vector<64x64xf32>
    tpu.vector_store %arg13[%swap3A_115, %swap3A_116], %dot_general3A_114 {strides = array<i32>} : memref<64x64xf32, #tpu.memory_space<vmem>>, vector<64x64xf32>,
    return
  }
}

module attributes {stable_mosaic.version = 14 : i64} {
  func.func @_tc_layer_body(%arg0: memref<10000x128xf32, #tpu.memory_space<vmem>>, %arg1: memref<2x10240x128xf32, #tpu.memory_space<vmem>>, %arg2: memref<1x1xf32, #tpu.memory_space<vmem>>, %arg3: memref<64x64xf32, #tpu.memory_space<vmem>>, %arg4: memref<1x64xf32, #tpu.memory_space<vmem>>, %arg5: memref<1x64xf32, #tpu.memory_space<vmem>>, %arg6: memref<1x64xf32, #tpu.memory_space<vmem>>, %arg7: memref<64x64xf32, #tpu.memory_space<vmem>>, %arg8: memref<1x64xf32, #tpu.memory_space<vmem>>, %arg9: memref<1x64xf32, #tpu.memory_space<vmem>>, %arg10: memref<1x64xf32, #tpu.memory_space<vmem>>, %arg11: memref<1x10000xi32, #tpu.memory_space<vmem>>, %arg12: memref<10000x128xf32, #tpu.memory_space<vmem>>, %arg13: memref<64x64xf32, #tpu.memory_space<vmem>>) attributes {dimension_semantics = [], scalar_prefetch = 0 : i64, scratch_operands = 0 : i64, tpu.core_type = #tpu.core_type<tc>} {
    %get3A = arith.constant 0 : index
    %get3A_0 = arith.constant 0 : index
    %get3A_1 = vector.load %arg0[%get3A, %get3A_0] : memref<10000x128xf32, #tpu.memory_space<vmem>>, vector<10000x64xf32>
    %get3A_2 = arith.constant 0 : index
    %get3A_3 = arith.constant 0 : index
    %get3A_4 = vector.load %arg2[%get3A_2, %get3A_3] : memref<1x1xf32, #tpu.memory_space<vmem>>, vector<1x1xf32>
    %get3A_5 = vector.extract %get3A_4[0, 0] : f32 from vector<1x1xf32>
    %add3A = arith.constant 1.000000e+00 : f32
    %add3A_6 = arith.addf %add3A, %get3A_5 : f32
    %mul3A = vector.broadcast %add3A_6 : f32 to vector<10000x64xf32>
    %mul3A_7 = arith.mulf %mul3A, %get3A_1 : vector<10000x64xf32>
    %get3A_8 = arith.constant 0 : index
    %get3A_9 = arith.constant 0 : index
    %get3A_10 = arith.constant 0 : index
    %get3A_11 = vector.load %arg1[%get3A_8, %get3A_9, %get3A_10] : memref<2x10240x128xf32, #tpu.memory_space<vmem>>, vector<1x10000x64xf32>
    %get3A_12 = vector.shape_cast %get3A_11 : vector<1x10000x64xf32> to vector<10000x64xf32>
    %get3A_13 = arith.constant 1 : index
    %get3A_14 = arith.constant 0 : index
    %get3A_15 = arith.constant 0 : index
    %get3A_16 = vector.load %arg1[%get3A_13, %get3A_14, %get3A_15] : memref<2x10240x128xf32, #tpu.memory_space<vmem>>, vector<1x10000x64xf32>
    %get3A_17 = vector.shape_cast %get3A_16 : vector<1x10000x64xf32> to vector<10000x64xf32>
    %add3A_18 = arith.addf %get3A_12, %get3A_17 : vector<10000x64xf32>
    %add3A_19 = arith.addf %mul3A_7, %add3A_18 : vector<10000x64xf32>
    %get3A_20 = arith.constant 0 : index
    %get3A_21 = arith.constant 0 : index
    %get3A_22 = vector.load %arg3[%get3A_20, %get3A_21] : memref<64x64xf32, #tpu.memory_space<vmem>>, vector<64x64xf32>
    %dot_general3A = arith.constant dense<0.000000e+00> : vector<10000x64xf32>
    %dot_general3A_23 = tpu.matmul %add3A_19, %get3A_22, %dot_general3A {dimension_numbers = #tpu.dot_dimension_numbers<[1], [0], [0], [1], [0, 0, 1, 1], [], []>, transpose_lhs_hint = false} : vector<10000x64xf32>, vector<64x64xf32>, vector<10000x64xf32> -> vector<10000x64xf32>
    %get3A_24 = arith.constant 0 : index
    %get3A_25 = arith.constant 0 : index
    %get3A_26 = vector.load %arg4[%get3A_24, %get3A_25] : memref<1x64xf32, #tpu.memory_space<vmem>>, vector<1x64xf32>
    %add3A_27 = vector.broadcast %get3A_26 : vector<1x64xf32> to vector<10000x64xf32>
    %add3A_28 = arith.addf %dot_general3A_23, %add3A_27 : vector<10000x64xf32>
    %reduce_sum3A = arith.constant dense<0.000000e+00> : vector<64xf32>
    %reduce_sum3A_29 = vector.multi_reduction <add>, %add3A_28, %reduce_sum3A [0] : vector<10000x64xf32> to vector<64xf32>
    %broadcast_in_dim3A = vector.shape_cast %reduce_sum3A_29 : vector<64xf32> to vector<1x64xf32>
    %div3A = arith.constant 1.000000e+04 : f32
    %div3A_30 = vector.broadcast %div3A : f32 to vector<1x64xf32>
    %div3A_31 = arith.divf %broadcast_in_dim3A, %div3A_30 : vector<1x64xf32>
    %sub3A = vector.broadcast %div3A_31 : vector<1x64xf32> to vector<10000x64xf32>
    %sub3A_32 = arith.subf %add3A_28, %sub3A : vector<10000x64xf32>
    %integer_pow3A = arith.mulf %sub3A_32, %sub3A_32 : vector<10000x64xf32>
    %reduce_sum3A_33 = arith.constant dense<0.000000e+00> : vector<64xf32>
    %reduce_sum3A_34 = vector.multi_reduction <add>, %integer_pow3A, %reduce_sum3A_33 [0] : vector<10000x64xf32> to vector<64xf32>
    %broadcast_in_dim3A_35 = vector.shape_cast %reduce_sum3A_34 : vector<64xf32> to vector<1x64xf32>
    %div3A_36 = arith.constant 1.000000e+04 : f32
    %div3A_37 = vector.broadcast %div3A_36 : f32 to vector<1x64xf32>
    %div3A_38 = arith.divf %broadcast_in_dim3A_35, %div3A_37 : vector<1x64xf32>
    %sub3A_39 = vector.broadcast %div3A_31 : vector<1x64xf32> to vector<10000x64xf32>
    %sub3A_40 = arith.subf %add3A_28, %sub3A_39 : vector<10000x64xf32>
    %add3A_41 = arith.constant 9.99999974E-6 : f32
    %add3A_42 = vector.broadcast %add3A_41 : f32 to vector<1x64xf32>
    %add3A_43 = arith.addf %div3A_38, %add3A_42 : vector<1x64xf32>
    %rsqrt3A = math.rsqrt %add3A_43 : vector<1x64xf32>
    %mul3A_44 = vector.broadcast %rsqrt3A : vector<1x64xf32> to vector<10000x64xf32>
    %mul3A_45 = arith.mulf %sub3A_40, %mul3A_44 : vector<10000x64xf32>
    %get3A_46 = arith.constant 0 : index
    %get3A_47 = arith.constant 0 : index
    %get3A_48 = vector.load %arg5[%get3A_46, %get3A_47] : memref<1x64xf32, #tpu.memory_space<vmem>>, vector<1x64xf32>
    %mul3A_49 = vector.broadcast %get3A_48 : vector<1x64xf32> to vector<10000x64xf32>
    %mul3A_50 = arith.mulf %mul3A_45, %mul3A_49 : vector<10000x64xf32>
    %get3A_51 = arith.constant 0 : index
    %get3A_52 = arith.constant 0 : index
    %get3A_53 = vector.load %arg6[%get3A_51, %get3A_52] : memref<1x64xf32, #tpu.memory_space<vmem>>, vector<1x64xf32>
    %add3A_54 = vector.broadcast %get3A_53 : vector<1x64xf32> to vector<10000x64xf32>
    %add3A_55 = arith.addf %mul3A_50, %add3A_54 : vector<10000x64xf32>
    %max3A = arith.constant 0.000000e+00 : f32
    %max3A_56 = vector.broadcast %max3A : f32 to vector<10000x64xf32>
    %max3A_57 = arith.maximumf %add3A_55, %max3A_56 : vector<10000x64xf32>
    %get3A_58 = arith.constant 0 : index
    %get3A_59 = arith.constant 0 : index
    %get3A_60 = vector.load %arg7[%get3A_58, %get3A_59] : memref<64x64xf32, #tpu.memory_space<vmem>>, vector<64x64xf32>
    %dot_general3A_61 = arith.constant dense<0.000000e+00> : vector<10000x64xf32>
    %dot_general3A_62 = tpu.matmul %max3A_57, %get3A_60, %dot_general3A_61 {dimension_numbers = #tpu.dot_dimension_numbers<[1], [0], [0], [1], [0, 0, 1, 1], [], []>, transpose_lhs_hint = false} : vector<10000x64xf32>, vector<64x64xf32>, vector<10000x64xf32> -> vector<10000x64xf32>
    %get3A_63 = arith.constant 0 : index
    %get3A_64 = arith.constant 0 : index
    %get3A_65 = vector.load %arg8[%get3A_63, %get3A_64] : memref<1x64xf32, #tpu.memory_space<vmem>>, vector<1x64xf32>
    %add3A_66 = vector.broadcast %get3A_65 : vector<1x64xf32> to vector<10000x64xf32>
    %add3A_67 = arith.addf %dot_general3A_62, %add3A_66 : vector<10000x64xf32>
    %reduce_sum3A_68 = arith.constant dense<0.000000e+00> : vector<64xf32>
    %reduce_sum3A_69 = vector.multi_reduction <add>, %add3A_67, %reduce_sum3A_68 [0] : vector<10000x64xf32> to vector<64xf32>
    %broadcast_in_dim3A_70 = vector.shape_cast %reduce_sum3A_69 : vector<64xf32> to vector<1x64xf32>
    %div3A_71 = arith.constant 1.000000e+04 : f32
    %div3A_72 = vector.broadcast %div3A_71 : f32 to vector<1x64xf32>
    %div3A_73 = arith.divf %broadcast_in_dim3A_70, %div3A_72 : vector<1x64xf32>
    %sub3A_74 = vector.broadcast %div3A_73 : vector<1x64xf32> to vector<10000x64xf32>
    %sub3A_75 = arith.subf %add3A_67, %sub3A_74 : vector<10000x64xf32>
    %integer_pow3A_76 = arith.mulf %sub3A_75, %sub3A_75 : vector<10000x64xf32>
    %reduce_sum3A_77 = arith.constant dense<0.000000e+00> : vector<64xf32>
    %reduce_sum3A_78 = vector.multi_reduction <add>, %integer_pow3A_76, %reduce_sum3A_77 [0] : vector<10000x64xf32> to vector<64xf32>
    %broadcast_in_dim3A_79 = vector.shape_cast %reduce_sum3A_78 : vector<64xf32> to vector<1x64xf32>
    %div3A_80 = arith.constant 1.000000e+04 : f32
    %div3A_81 = vector.broadcast %div3A_80 : f32 to vector<1x64xf32>
    %div3A_82 = arith.divf %broadcast_in_dim3A_79, %div3A_81 : vector<1x64xf32>
    %sub3A_83 = vector.broadcast %div3A_73 : vector<1x64xf32> to vector<10000x64xf32>
    %sub3A_84 = arith.subf %add3A_67, %sub3A_83 : vector<10000x64xf32>
    %add3A_85 = arith.constant 9.99999974E-6 : f32
    %add3A_86 = vector.broadcast %add3A_85 : f32 to vector<1x64xf32>
    %add3A_87 = arith.addf %div3A_82, %add3A_86 : vector<1x64xf32>
    %rsqrt3A_88 = math.rsqrt %add3A_87 : vector<1x64xf32>
    %mul3A_89 = vector.broadcast %rsqrt3A_88 : vector<1x64xf32> to vector<10000x64xf32>
    %mul3A_90 = arith.mulf %sub3A_84, %mul3A_89 : vector<10000x64xf32>
    %get3A_91 = arith.constant 0 : index
    %get3A_92 = arith.constant 0 : index
    %get3A_93 = vector.load %arg9[%get3A_91, %get3A_92] : memref<1x64xf32, #tpu.memory_space<vmem>>, vector<1x64xf32>
    %mul3A_94 = vector.broadcast %get3A_93 : vector<1x64xf32> to vector<10000x64xf32>
    %mul3A_95 = arith.mulf %mul3A_90, %mul3A_94 : vector<10000x64xf32>
    %get3A_96 = arith.constant 0 : index
    %get3A_97 = arith.constant 0 : index
    %get3A_98 = vector.load %arg10[%get3A_96, %get3A_97] : memref<1x64xf32, #tpu.memory_space<vmem>>, vector<1x64xf32>
    %add3A_99 = vector.broadcast %get3A_98 : vector<1x64xf32> to vector<10000x64xf32>
    %add3A_100 = arith.addf %mul3A_95, %add3A_99 : vector<10000x64xf32>
    %max3A_101 = arith.constant 0.000000e+00 : f32
    %max3A_102 = vector.broadcast %max3A_101 : f32 to vector<10000x64xf32>
    %max3A_103 = arith.maximumf %add3A_100, %max3A_102 : vector<10000x64xf32>
    %broadcast_in_dim3A_104 = arith.constant 0.000000e+00 : f32
    %broadcast_in_dim3A_105 = vector.broadcast %broadcast_in_dim3A_104 : f32 to vector<10000x64xf32>
    %concatenate3A = tpu.concatenate %max3A_103, %broadcast_in_dim3A_105 in 1 : vector<10000x64xf32>, vector<10000x64xf32> -> vector<10000x128xf32>
    %swap3A = arith.constant 0 : index
    %swap3A_106 = arith.constant 0 : index
    %swap3A_107 = vector.load %arg12[%swap3A, %swap3A_106] : memref<10000x128xf32, #tpu.memory_space<vmem>>, vector<10000x128xf32>
    tpu.vector_store %arg12[%swap3A, %swap3A_106], %concatenate3A {strides = array<i32>} : memref<10000x128xf32, #tpu.memory_space<vmem>>, vector<10000x128xf32>,
    %iota3A = tpu.iota {dimensions = array<i32: 0>} : vector<64x10000xi32>
    %get3A_108 = arith.constant 0 : index
    %get3A_109 = arith.constant 0 : index
    %get3A_110 = vector.load %arg11[%get3A_108, %get3A_109] : memref<1x10000xi32, #tpu.memory_space<vmem>>, vector<1x10000xi32>
    %eq3A = vector.broadcast %get3A_110 : vector<1x10000xi32> to vector<64x10000xi32>
    %eq3A_111 = arith.cmpi eq, %iota3A, %eq3A : vector<64x10000xi32>
    %convert_element_type3A = arith.extui %eq3A_111 : vector<64x10000xi1> to vector<64x10000xi32>
    %convert_element_type3A_112 = arith.sitofp %convert_element_type3A : vector<64x10000xi32> to vector<64x10000xf32>
    %dot_general3A_113 = arith.constant dense<0.000000e+00> : vector<64x64xf32>
    %dot_general3A_114 = tpu.matmul %convert_element_type3A_112, %max3A_103, %dot_general3A_113 {dimension_numbers = #tpu.dot_dimension_numbers<[1], [0], [0], [1], [0, 0, 1, 1], [], []>, transpose_lhs_hint = false} : vector<64x10000xf32>, vector<10000x64xf32>, vector<64x64xf32> -> vector<64x64xf32>
    %swap3A_115 = arith.constant 0 : index
    %swap3A_116 = arith.constant 0 : index
    %swap3A_117 = vector.load %arg13[%swap3A_115, %swap3A_116] : memref<64x64xf32, #tpu.memory_space<vmem>>, vector<64x64xf32>
    tpu.vector_store %arg13[%swap3A_115, %swap3A_116], %dot_general3A_114 {strides = array<i32>} : memref<64x64xf32, #tpu.memory_space<vmem>>, vector<64x64xf32>,
    return
  }
}

module attributes {stable_mosaic.version = 14 : i64} {
  func.func @_tc_head_body(%arg0: memref<64x64xf32, #tpu.memory_space<vmem>>, %arg1: memref<64x64xf32, #tpu.memory_space<vmem>>, %arg2: memref<64x64xf32, #tpu.memory_space<vmem>>, %arg3: memref<192x64xf32, #tpu.memory_space<vmem>>, %arg4: memref<1x64xf32, #tpu.memory_space<vmem>>, %arg5: memref<64x128xf32, #tpu.memory_space<vmem>>, %arg6: memref<1x128xf32, #tpu.memory_space<vmem>>, %arg7: memref<64x128xf32, #tpu.memory_space<vmem>>) attributes {dimension_semantics = [], scalar_prefetch = 0 : i64, scratch_operands = 0 : i64, tpu.core_type = #tpu.core_type<tc>} {
    %get3A = arith.constant 0 : index
    %get3A_0 = arith.constant 0 : index
    %get3A_1 = vector.load %arg0[%get3A, %get3A_0] : memref<64x64xf32, #tpu.memory_space<vmem>>, vector<64x64xf32>
    %get3A_2 = arith.constant 0 : index
    %get3A_3 = arith.constant 0 : index
    %get3A_4 = vector.load %arg3[%get3A_2, %get3A_3] : memref<192x64xf32, #tpu.memory_space<vmem>>, vector<64x64xf32>
    %dot_general3A = arith.constant dense<0.000000e+00> : vector<64x64xf32>
    %dot_general3A_5 = tpu.matmul %get3A_1, %get3A_4, %dot_general3A {dimension_numbers = #tpu.dot_dimension_numbers<[1], [0], [0], [1], [0, 0, 1, 1], [], []>, transpose_lhs_hint = false} : vector<64x64xf32>, vector<64x64xf32>, vector<64x64xf32> -> vector<64x64xf32>
    %get3A_6 = arith.constant 0 : index
    %get3A_7 = arith.constant 0 : index
    %get3A_8 = vector.load %arg1[%get3A_6, %get3A_7] : memref<64x64xf32, #tpu.memory_space<vmem>>, vector<64x64xf32>
    %get3A_9 = arith.constant 64 : index
    %get3A_10 = arith.constant 0 : index
    %get3A_11 = vector.load %arg3[%get3A_9, %get3A_10] : memref<192x64xf32, #tpu.memory_space<vmem>>, vector<64x64xf32>
    %dot_general3A_12 = arith.constant dense<0.000000e+00> : vector<64x64xf32>
    %dot_general3A_13 = tpu.matmul %get3A_8, %get3A_11, %dot_general3A_12 {dimension_numbers = #tpu.dot_dimension_numbers<[1], [0], [0], [1], [0, 0, 1, 1], [], []>, transpose_lhs_hint = false} : vector<64x64xf32>, vector<64x64xf32>, vector<64x64xf32> -> vector<64x64xf32>
    %add3A = arith.addf %dot_general3A_5, %dot_general3A_13 : vector<64x64xf32>
    %get3A_14 = arith.constant 0 : index
    %get3A_15 = arith.constant 0 : index
    %get3A_16 = vector.load %arg2[%get3A_14, %get3A_15] : memref<64x64xf32, #tpu.memory_space<vmem>>, vector<64x64xf32>
    %get3A_17 = arith.constant 128 : index
    %get3A_18 = arith.constant 0 : index
    %get3A_19 = vector.load %arg3[%get3A_17, %get3A_18] : memref<192x64xf32, #tpu.memory_space<vmem>>, vector<64x64xf32>
    %dot_general3A_20 = arith.constant dense<0.000000e+00> : vector<64x64xf32>
    %dot_general3A_21 = tpu.matmul %get3A_16, %get3A_19, %dot_general3A_20 {dimension_numbers = #tpu.dot_dimension_numbers<[1], [0], [0], [1], [0, 0, 1, 1], [], []>, transpose_lhs_hint = false} : vector<64x64xf32>, vector<64x64xf32>, vector<64x64xf32> -> vector<64x64xf32>
    %add3A_22 = arith.addf %add3A, %dot_general3A_21 : vector<64x64xf32>
    %get3A_23 = arith.constant 0 : index
    %get3A_24 = arith.constant 0 : index
    %get3A_25 = vector.load %arg4[%get3A_23, %get3A_24] : memref<1x64xf32, #tpu.memory_space<vmem>>, vector<1x64xf32>
    %add3A_26 = vector.broadcast %get3A_25 : vector<1x64xf32> to vector<64x64xf32>
    %add3A_27 = arith.addf %add3A_22, %add3A_26 : vector<64x64xf32>
    %max3A = arith.constant 0.000000e+00 : f32
    %max3A_28 = vector.broadcast %max3A : f32 to vector<64x64xf32>
    %max3A_29 = arith.maximumf %add3A_27, %max3A_28 : vector<64x64xf32>
    %get3A_30 = arith.constant 0 : index
    %get3A_31 = arith.constant 0 : index
    %get3A_32 = vector.load %arg5[%get3A_30, %get3A_31] : memref<64x128xf32, #tpu.memory_space<vmem>>, vector<64x128xf32>
    %dot_general3A_33 = arith.constant dense<0.000000e+00> : vector<64x128xf32>
    %dot_general3A_34 = tpu.matmul %max3A_29, %get3A_32, %dot_general3A_33 {dimension_numbers = #tpu.dot_dimension_numbers<[1], [0], [0], [1], [0, 0, 1, 1], [], []>, transpose_lhs_hint = false} : vector<64x64xf32>, vector<64x128xf32>, vector<64x128xf32> -> vector<64x128xf32>
    %get3A_35 = arith.constant 0 : index
    %get3A_36 = arith.constant 0 : index
    %get3A_37 = vector.load %arg6[%get3A_35, %get3A_36] : memref<1x128xf32, #tpu.memory_space<vmem>>, vector<1x128xf32>
    %add3A_38 = vector.broadcast %get3A_37 : vector<1x128xf32> to vector<64x128xf32>
    %add3A_39 = arith.addf %dot_general3A_34, %add3A_38 : vector<64x128xf32>
    %swap3A = arith.constant 0 : index
    %swap3A_40 = arith.constant 0 : index
    %swap3A_41 = vector.load %arg7[%swap3A, %swap3A_40] : memref<64x128xf32, #tpu.memory_space<vmem>>, vector<64x128xf32>
    tpu.vector_store %arg7[%swap3A, %swap3A_40], %add3A_39 {strides = array<i32>} : memref<64x128xf32, #tpu.memory_space<vmem>>, vector<64x128xf32>,
    return
  }
}

</mosaic_0001>

<sc_bundles>
// kernel: kernel.12.cloned.1.call-start
scs
__scs_entry_jumppad:
0x0: {  	(pc) =	sbr.rel $0x88, $3  }
0x1: {  	(tag) =	ssettag $0x0;
	lr =	simm.s32 $0x1  }
0x2: {  	[smem:$0x3F7F] =	sst lr;
	_ =	strace $0xD0000000  }
0x3: {  	_ = 	snop  }
0x4: {  	_ = 	snop  }
0x5: {  	_ = 	snop  }
0x6: {  	_ = 	snop  }
0x7: {  	_ = 	snop  }
__scs_overlays_trampoline_lowered:
0x8: {  	[smem:$0x3F8E] =	sst s0  }
0x9: {  	[smem:$0x3F8F] =	sst s1  }
0xa: {  	[smem:$0x3F90] =	sst s2  }
0xb: {  	[smem:$0x3F91] =	sst s3  }
0xc: {  	[smem:$0x3F92] =	sst s4  }
0xd: {  	[smem:$0x3F93] =	sst s5  }
0xe: {  	[smem:$0x3F94] =	sst s6  }
0xf: {  	[smem:$0x3F95] =	sst s7  }
0x10: {  	[smem:$0x3F96] =	sst s8  }
0x11: {  	[smem:$0x3F97] =	sst s9;
	s0 =	simm.s32 @!p0 $0x0  }
0x12: {  	s1 =	sld [smem:$0x3F7D];
	s0 =	simm.s32 @p0 $0x1  }
0x13: {  	[smem:$0x3F98] =	sst s0;
	s0 =	simm.s32 @!p1 $0x0  }
0x14: {  	s2 =	sld [smem:$0x3F7C];
	s0 =	simm.s32 @p1 $0x1  }
0x15: {  	[smem:$0x3F99] =	sst s0;
	s0 =	simm.s32 @!p2 $0x0  }
0x16: {  	s3 =	sld [smem:$0x3FDB];
	s0 =	simm.s32 @p2 $0x1  }
0x17: {  	s4 =	simm.s32 $0x1BF5;
	[smem:$0x3F9B] =	sst s0  }
0x18: {  	s0 =	sld [smem:$0x3F7E];
	_ =	swait.ge [sflag:s4], $0x0  }
0x19: {  	s7 =	sld [smem:$0x3F7F]  }
0x1a: {  	s8 =	sadd.s32 $0xFFFFE003, lr  }
0x1b: {  	s9 =	sadd.s32 $0xFFFFFEF7, lr;
	s5 =	simm.s32 $0xFFFFFFFF;
	p2 =	slt.u32 s8, $0xFFFFF086  }
0x1c: {  	p1 =	slt.u32 s9, $0xF7A;
	s5 =	simm.s32 @!p2 $0x0  }
0x1d: {  	s5 =	simm.s32 @p1 $0x1;
	p0 =	seq.s32 s7, s2  }
0x1e: {  	s7 =	smul.u32 @!p0 $0xF7A, s2;
	p2 =	seq.s32 @!p0 s5, $0x0  }
0x1f: {  	s9 =	smul.u32 $0xF7A, s1;
	s8 =	simm.s32 @!p0 $0x1BF5;
	p2 =	por !p2, p0  }
0x20: {  	[sflag:s8] =	ssyncset.s32 @!p0 $0xFFFFF086;
	s6 =	sadd.s32 @!p0 s3, s7;
	s7 =	simm.s32 @!p0 $0x108  }
0x21: {  	s3 =	sadd.s32 s3, s9;
	s6 =	sadd.s32 @!p0 $0x88, s6;
	s7 =	simm.s32 @p2 $0x1082  }
0x22: {  	[simem:s7], [sflag:s8] =	dma.local @!p0 [hbm:s6], $0xF7A  }
0x23: {  	s9 =	sor.u32 $0xD0000000, s2;
	s6 =	simm.s32 $0x108;
	_ =	swait.ge @!p0 [sflag:s8], $0x0  }
0x24: {  	s3 =	sadd.s32 $0x88, s3;
	s6 =	simm.s32 @!p1 $0x1082;
	[sflag:s4] =	ssyncset.s32 $0xFFFFF086  }
0x25: {  	[simem:s6], [sflag:s4] =	dma.local [hbm:s3], $0xF7A  }
0x26: {  	[smem:$0x3F7F] =	sst s1;
	(tag) =	ssettag s2;
	_ =	strace s9  }
0x27: {  	s1 =	sld [smem:$0x3F8F]  }
0x28: {  	s2 =	sld [smem:$0x3F90]  }
0x29: {  	s4 =	sld [smem:$0x3F92]  }
0x2a: {  	p0 =	seq.s32 s5, $0x0;
	s5 =	sld [smem:$0x3F93]  }
0x2b: {  	s6 =	sld [smem:$0x3F94]  }
0x2c: {  	s7 =	sld [smem:$0x3F95]  }
0x2d: {  	s3 =	simm.s32 $0x108;
	s8 =	sld [smem:$0x3F96]  }
0x2e: {  	s3 =	simm.s32 @!p0 $0x1082;
	s9 =	sld [smem:$0x3F97]  }
0x2f: {  	lr =	sadd.s32 s0, s3;
	s0 =	sld [smem:$0x3F8E]  }
0x30: {  	s3 =	sld [smem:$0x3F91]  }
0x31: {  	[smem:$0x3F9A] =	sst s10  }
0x32: {  	s10 =	sld [smem:$0x3F98];
	_ =	sdelay $0x3  }
0x33: {  	p0 =	seq.s32 s10, $0x1;
	s10 =	sld [smem:$0x3F9A];
	_ =	sdelay $0x3  }
0x34: {  	[smem:$0x3F9A] =	sst s10  }
0x35: {  	s10 =	sld [smem:$0x3F99];
	_ =	sdelay $0x3  }
0x36: {  	p1 =	seq.s32 s10, $0x1;
	s10 =	sld [smem:$0x3F9A];
	_ =	sdelay $0x3  }
0x37: {  	[smem:$0x3F9A] =	sst s10  }
0x38: {  	s10 =	sld [smem:$0x3F9B]  }
0x39: {  	_ = 	snop;
	(pc) =	sbr.ind lr, $3  }
0x3a: {  	_ = 	snop  }
0x3b: {  	_ = 	snop  }
0x3c: {  	p2 =	seq.s32 s10, $0x1;
	s10 =	sld [smem:$0x3F9A]  }
0x3d: {  	_ =	shalt  }
0x3e: {  	_ =	shalt  }
0x3f: {  	_ =	shalt  }
0x40: {  	_ =	shalt  }
0x41: {  	_ =	shalt  }
0x42: {  	_ =	shalt  }
0x43: {  	_ =	shalt  }
0x44: {  	_ =	shalt  }
0x45: {  	_ =	shalt  }
0x46: {  	_ =	shalt  }
0x47: {  	_ =	shalt  }
0x48: {  	_ =	shalt  }
0x49: {  	_ =	shalt  }
0x4a: {  	_ =	shalt  }
0x4b: {  	_ =	shalt  }
0x4c: {  	_ =	shalt  }
0x4d: {  	_ =	shalt  }
0x4e: {  	_ =	shalt  }
0x4f: {  	_ =	shalt  }
0x50: {  	_ =	shalt  }
0x51: {  	_ =	shalt  }
0x52: {  	_ =	shalt  }
0x53: {  	_ =	shalt  }
0x54: {  	_ =	shalt  }
0x55: {  	_ =	shalt  }
0x56: {  	_ =	shalt  }
0x57: {  	_ =	shalt  }
0x58: {  	_ =	shalt  }
0x59: {  	_ =	shalt  }
0x5a: {  	_ =	shalt  }
0x5b: {  	_ =	shalt  }
0x5c: {  	_ =	shalt  }
0x5d: {  	_ =	shalt  }
0x5e: {  	_ =	shalt  }
0x5f: {  	_ =	shalt  }
0x60: {  	_ =	shalt  }
0x61: {  	_ =	shalt  }
0x62: {  	_ =	shalt  }
0x63: {  	_ =	shalt  }
0x64: {  	_ =	shalt  }
0x65: {  	_ =	shalt  }
0x66: {  	_ =	shalt  }
0x67: {  	_ =	shalt  }
0x68: {  	_ =	shalt  }
0x69: {  	_ =	shalt  }
0x6a: {  	_ =	shalt  }
0x6b: {  	_ =	shalt  }
0x6c: {  	_ =	shalt  }
0x6d: {  	_ =	shalt  }
0x6e: {  	_ =	shalt  }
0x6f: {  	_ =	shalt  }
0x70: {  	_ =	shalt  }
0x71: {  	_ =	shalt  }
0x72: {  	_ =	shalt  }
0x73: {  	_ =	shalt  }
0x74: {  	_ =	shalt  }
0x75: {  	_ =	shalt  }
0x76: {  	_ =	shalt  }
0x77: {  	_ =	shalt  }
0x78: {  	_ =	shalt  }
0x79: {  	_ =	shalt  }
0x7a: {  	_ =	shalt  }
0x7b: {  	_ =	shalt  }
0x7c: {  	_ =	shalt  }
0x7d: {  	_ =	shalt  }
0x7e: {  	_ =	shalt  }
0x7f: {  	_ =	shalt  }
0x80: {  	_ =	shalt  }
0x81: {  	_ =	shalt  }
0x82: {  	_ =	shalt  }
0x83: {  	_ =	shalt  }
0x84: {  	_ =	shalt  }
0x85: {  	_ =	shalt  }
0x86: {  	_ =	shalt  }
0x87: {  	_ =	shalt  }
.Lfunc_end0:
.L_simem_size_0:
called_computation.1_lowered:
.L_overlay_start_0:
0x88: {  	s2 =	sld [smem:$0x3FD9]  }
0x89: {  	s3 =	sld [smem:$0x3FFE];
	_ =	sdelay $0x1  }
0x8a: {  	s1 =	srdreg.scid  }
0x8b: {  	s0 =	sand.u32 $0x1, s1  }
0x8c: {  	s16 =	sshll.u32 s0, $0xA;
	s2 =	sadd.s32 s3, s2  }
0x8d: {  	s2 =	sadd.s32 s2, s16  }
0x8e: {  	[smem:$0x3FA6] =	sst s2  }
0x8f: {  	_ = 	snop  }
0x90: {  	(tm) =	ssettm $0x1  }
0x91: {  	s17 =	sld [smem:$0x3FFB];
	_ =	sdelay $0x3  }
0x92: {  	_ =	strace s17  }
0x93: {  	s2 =	sld [smem:$0x3FFC];
	_ =	sdelay $0x3  }
0x94: {  	_ =	strace s2  }
0x95: {  	s2 =	sld [smem:$0x3FFD];
	_ =	sdelay $0x3  }
0x96: {  	_ =	strace s2  }
0x97: {  	_ =	strace $0x8FFFFFFF  }
0x98: {  	s18 =	sld [smem:$0x3FDB];
	_ =	sdelay $0x1  }
0x99: {  	s19 =	simm.s32 $_scs_section_size  }
0x9a: {  	s4 =	simm.s32 $_size__tile_overlayer_lowered;
	s5 =	simm.s32 $_tile_overlayer_lowered  }
0x9b: {  	s22 =	simm.s32 $0x1BFF;
	s21 =	sshll.u32 s5, $0x1;
	s2 =	sadd.s32 s19, s18  }
0x9c: {  	s6 =	simm.s32 $0x0;
	s20 =	sshll.u32 s4, $0x1;
	s4 =	sadd.s32 s21, s2  }
0x9d: {  	[timem:s6], [sflag:s22] =	dma.local [hbm:s4], s20  }
0x9e: {  	_ =	swait.ge [sflag:s22], s20  }
0x9f: {  	s3 =	ssub.s32 $0x0, s20;
	[sflag:s22] =	ssyncset.done $0x0  }
0xa0: {  	[sflag:s22] =	ssyncadd.s32 s3;
	_ =	sdelay $0x1  }
0xa1: {  	s23 =	simm.s32 $0x1B8B  }
0xa2: {  	_ =	swait.ge [sflag:s23], $0x1  }
0xa3: {  	[sflag:s23] =	ssyncset.done $0x0  }
0xa4: {  	s25 =	simm.s32 $0x1B8E;
	s24 =	sld [smem:$0x3FFE];
	[sflag:s23] =	ssyncadd.s32 $0xFFFFFFFF  }
0xa5: {  	s26 =	simm.s32 $execute0_lowered;
	[smem:$0x3FD2] =	sst s25  }
0xa6: {  	s4 =	sshll.u32 s26, $0x1;
	_ =	strace $0x80000049;
	[dreg:$0x1] =	wrdreg $0xFFFFFFFF  }
0xa7: {  	s28 =	simm.s32 $_size_execute0_lowered;
	s2 =	sadd.s32 s2, s4;
	[dreg:$0x0] =	wrdreg $0x0  }
0xa8: {  	s4 =	sshll.u32 s28, $0x1;
	[dreg:$0x2] =	wrdreg s2  }
0xa9: {  	[dreg:$0x3] =	wrdreg s4  }
0xaa: {  	[dreg:$0x4] =	wrdreg $0xC0  }
0xab: {  	_ =	task [dreg:s6], $0x5FFFF  }
0xac: {  	[dreg:$0x1] =	wrdreg $0xFFFFFFFF  }
0xad: {  	[dreg:$0x0] =	wrdreg $0x60  }
0xae: {  	[dreg:$0x2] =	wrdreg s24  }
0xaf: {  	[dreg:$0x3] =	wrdreg $0xA0000  }
0xb0: {  	[dreg:$0x4] =	wrdreg $0x9  }
0xb1: {  	_ =	task.clear_ibuf [dreg:s6], $0x5FFFF;
	_ =	strace $0x90000049  }
0xb2: {  	s29 =	simm.s32 $0x9;
	_ =	strace $0x8000004B  }
0xb3: {  	_ =	swait.ge [sflag:s29], $0x1  }
0xb4: {  	[sflag:s29] =	ssyncadd.s32 $0xFFFFFFFF  }
0xb5: {  	_ =	strace $0x9000004B  }
0xb6: {  	_ =	sfence  }
0xb7: {  	s30 =	sld [smem:$0x0];
	_ =	sdelay $0x2  }
0xb8: {  	s31 =	sshll.u32 s1, $0xD;
	s1 =	sshrl.u32 s1, $0x2  }
0xb9: {  	s3 =	sand.u32 $0x4000, s31;
	s1 =	sadd.s32 s1, s30  }
0xba: {  	s0 =	sor.u32 s3, s0;
	s1 =	sshll.u32 s1, $0x11  }
0xbb: {  	s0 =	sor.u32 s1, s0  }
0xbc: {  	s0 =	sadd.s32 $0x8F2B, s0  }
0xbd: {  	[sflag:s0] =	ssyncadd.remote.s32 $0x1  }
0xbe: {  	_ =	sfence.sel $0xFFFF  }
0xbf: {  	[dreg:$0x0] =	wrdreg $0xFFFFFFFF;
	(pc) =	sbr.abs _section_cstart, $3  }
0xc0: {  	[dreg:$0x1] =	wrdreg $0xFFFFFFFF  }
0xc1: {  	_ =	task.clear_ibuf [dreg:s6], $0x2FFFF;
	_ =	strace $0x9FFFFFFF  }
0xc2: {  	(tm) =	ssettm $0x7FFFFFFF  }
0xc3: {  	_ =	shalt  }
tec
execute0_lowered:
.L_overlay_start_1:
0x0: {  	(tag) =	ssettag $0x1  }
0x1: {  	s0 =	rddreg [dreg:$0x0]  }
0x2: {  	s1 =	rddreg [dreg:$0x1];
	s2 =	simm.s32 $0x0  }
0x3: {  	s3 =	srdreg.scid;
	s23 =	stileid.u32;
	s28 =	simm.s32 $0x1  }
0x4: {  	s29 =	simm.s32 $0x1F80;
	s30 =	simm.s32 $0x6000;
	s31 =	simm.s32 $0x0  }
0x5: {  	[smem:$0x7FF] =	sst s2;
	s3 =	sand.u32 $0x1, s3;
	s8 =	smul.u32 $0x280, s23  }
0x6: {  	s4 =	sadd.s32 $0x1A200, s0;
	s12 =	sadd.s32 $0x10200, s0;
	s7 =	smul.u32 $0x50000, s23  }
0x7: {  	s13 =	sadd.s32 $0x6200, s0;
	s10 =	sshll.u32 s23, $0x9;
	s14 =	sshll.u32 s23, $0xB  }
0x8: {  	s5 =	smul.u32 $0x28000, s3;
	_ =	strace $0x8000004A;
	s6 =	ssub.s32 $0x2, s3  }
0x9: {  	p0 =	seq.s32 s3, $0x0;
	s11 =	sor.u32 $0x8000, s10;
	s15 =	sor.u32 $0x200, s14  }
0xa: {  	s25 =	sor.u32 $0x400, s14;
	s17 =	sor.u32 $0x600, s14;
	s19 =	sshrl.u32 s6, $0x1  }
0xb: {  	s20 =	sshrl.u32 s7, $0x2;
	s11 =	smov.u32 @p0 s14;
	s16 =	sadd.s32 s12, s15  }
0xc: {  	s15 =	sadd.s32 s13, s15;
	s26 =	sadd.s32 s12, s25;
	s14 =	smul.u32 $0x2800, s23  }
0xd: {  	p0 =	sne.s32 s3, $0x0;
	s0 =	sadd.s32 s5, s0;
	s18 =	ssub.s32 s6, s19  }
0xe: {  	s19 =	sadd.s32 $0x80, s8;
	s5 =	sadd.s32 s20, s1;
	[dreg:$0x3] =	wrdreg s16  }
0xf: {  	s20 =	sadd.s32 $0x100, s8;
	s10 =	sadd.s32 s12, s11;
	[dreg:$0x4] =	wrdreg s15  }
0x10: {  	s11 =	sadd.s32 s13, s11;
	[dreg:$0x5] =	wrdreg s26;
	s15 =	sadd.s32 s13, s25  }
0x11: {  	s16 =	sadd.s32 s12, s17;
	s17 =	sadd.s32 s13, s17;
	s21 =	sshll.u32 s19, $0x7  }
0x12: {  	s22 =	sshll.u32 s20, $0x7;
	s0 =	sadd.s32 $0x41400, s0;
	s23 =	sshll.u32 s19, $0x4  }
0x13: {  	s26 =	sshll.u32 s20, $0x4;
	s18 =	smax.u32 s18, $0x1;
	s19 =	simm.s32 $0x2000  }
0x14: {  	s6 =	sadd.s32 s21, s1;
	s21 =	sadd.s32 $0x180, s8;
	s7 =	sadd.s32 s22, s1  }
.Ltmp0:
0x15: {  	s22 =	sadd.s32 $0x200, s8;
	s20 =	sadd.s32 s14, s0;
	(pc) =	sbr.rel .LBB2_1-.Ltmp0, $4  }
0x16: {  	s9 =	sshll.u32 s21, $0x7;
	s24 =	sshll.u32 s22, $0x7;
	s25 =	sshll.u32 s22, $0x4  }
0x17: {  	s22 =	sadd.s32 s26, s0;
	s26 =	simm.s32 $0x80;
	s8 =	sadd.s32 s9, s1  }
0x18: {  	s9 =	sadd.s32 s24, s1;
	s24 =	sshll.u32 s21, $0x4;
	s21 =	sadd.s32 s23, s0  }
0x19: {  	v0 =	vimm.f32 $0.0e+00;
	s23 =	sadd.s32 s24, s0;
	s24 =	sadd.s32 s25, s0;
	s25 =	simm.s32 $0x2  }
.LBB2_12:
0x1a: {  	[spmem:s1] =	stream.indirect.scatter.add.f32 [tilespmem:s13], [sflag:$0x2], $0x80, s3, s26, $0xb8;
	[tilespmem:$0x1E000] =	vst v63  }
0x1b: {  	_ =	swait.ge [sflag:s25], $0x4000  }
0x1c: {  	[sflag:s25] =	ssyncset.done $0x0  }
0x1d: {  	[sflag:s25] =	ssyncadd.s32 $0xFFFFC000  }
0x1e: {  	_ =	swait.ge [sflag:s28], $0x4000  }
0x1f: {  	[sflag:s28] =	ssyncset.done $0x0  }
0x20: {  	[sflag:s28] =	ssyncadd.s32 $0xFFFFC000  }
0x21: {  	[spmem:s1] =	stream.indirect.scatter.add.f32 [tilespmem:s30], [sflag:$0x2], $0x80, s29, s26, $0xb8;
	[tilespmem:$0x1E000] =	vst v63  }
0x22: {  	_ =	swait.ge [sflag:s25], $0x4000  }
0x23: {  	[sflag:s25] =	ssyncset.done $0x0  }
0x24: {  	[sflag:s25] =	ssyncadd.s32 $0xFFFFC000  }
.LBB2_13:
0x25: {  	[bflag:$0x0] =	sbarrier.arrive $0xFFFF  }
0x26: {  	[tilespmem:s19], [sflag:$0x2] =	stream.linear.gather [spmem:s5], $0x4000, $0x38;
	[tilespmem:$0x1E000] =	vst v63  }
0x27: {  	_ =	swait.ge [sflag:s25], $0x4000  }
0x28: {  	[sflag:s25] =	ssyncset.done $0x0  }
0x29: {  	[sflag:s25] =	ssyncadd.s32 $0xFFFFC000  }
0x2a: {  	[hbm4b:s20+s2] =	stream.linear.scatter [tilespmem:s19], [sflag:$0x2], $0x4000, $0x38;
	[tilespmem:$0x1E000] =	vst v63  }
0x2b: {  	_ =	swait.ge [sflag:s25], $0x4000  }
0x2c: {  	[sflag:s25] =	ssyncset.done $0x0  }
0x2d: {  	[sflag:s25] =	ssyncadd.s32 $0xFFFFC000  }
0x2e: {  	[tilespmem:s19], [sflag:$0x2] =	stream.linear.gather [spmem:s6], $0x4000, $0x38;
	[tilespmem:$0x1E000] =	vst v63  }
0x2f: {  	_ =	swait.ge [sflag:s25], $0x4000  }
0x30: {  	[sflag:s25] =	ssyncset.done $0x0  }
0x31: {  	[sflag:s25] =	ssyncadd.s32 $0xFFFFC000  }
0x32: {  	[hbm4b:s21+s2] =	stream.linear.scatter [tilespmem:s19], [sflag:$0x2], $0x4000, $0x38;
	[tilespmem:$0x1E000] =	vst v63  }
0x33: {  	_ =	swait.ge [sflag:s25], $0x4000  }
0x34: {  	[sflag:s25] =	ssyncset.done $0x0  }
0x35: {  	[sflag:s25] =	ssyncadd.s32 $0xFFFFC000  }
0x36: {  	[tilespmem:s19], [sflag:$0x2] =	stream.linear.gather [spmem:s7], $0x4000, $0x38;
	[tilespmem:$0x1E000] =	vst v63  }
0x37: {  	_ =	swait.ge [sflag:s25], $0x4000  }
0x38: {  	[sflag:s25] =	ssyncset.done $0x0  }
0x39: {  	[sflag:s25] =	ssyncadd.s32 $0xFFFFC000  }
0x3a: {  	[hbm4b:s22+s2] =	stream.linear.scatter [tilespmem:s19], [sflag:$0x2], $0x4000, $0x38;
	[tilespmem:$0x1E000] =	vst v63  }
0x3b: {  	_ =	swait.ge [sflag:s25], $0x4000  }
0x3c: {  	[sflag:s25] =	ssyncset.done $0x0  }
0x3d: {  	[sflag:s25] =	ssyncadd.s32 $0xFFFFC000  }
0x3e: {  	[tilespmem:s19], [sflag:$0x2] =	stream.linear.gather [spmem:s8], $0x4000, $0x38;
	[tilespmem:$0x1E000] =	vst v63  }
0x3f: {  	_ =	swait.ge [sflag:s25], $0x4000  }
0x40: {  	[sflag:s25] =	ssyncset.done $0x0  }
0x41: {  	[sflag:s25] =	ssyncadd.s32 $0xFFFFC000  }
0x42: {  	[hbm4b:s23+s2] =	stream.linear.scatter [tilespmem:s19], [sflag:$0x2], $0x4000, $0x38;
	[tilespmem:$0x1E000] =	vst v63  }
0x43: {  	_ =	swait.ge [sflag:s25], $0x4000  }
0x44: {  	[sflag:s25] =	ssyncset.done $0x0  }
0x45: {  	[sflag:s25] =	ssyncadd.s32 $0xFFFFC000  }
0x46: {  	[tilespmem:s19], [sflag:$0x2] =	stream.linear.gather [spmem:s9], $0x4000, $0x38;
	[tilespmem:$0x1E000] =	vst v63  }
0x47: {  	s31 =	sadd.s32 $0x1, s31;
	_ =	swait.ge [sflag:s25], $0x4000  }
0x48: {  	p1 =	sne.s32 s31, s18;
	[sflag:s25] =	ssyncset.done $0x0  }
.Ltmp1:
0x49: {  	[sflag:s25] =	ssyncadd.s32 $0xFFFFC000;
	(pc) =	sbr.rel @!p1 .LBB2_14-.Ltmp1, $4  }
0x4a: {  	[hbm4b:s24+s2] =	stream.linear.scatter [tilespmem:s19], [sflag:$0x2], $0x4000, $0x38;
	[tilespmem:$0x1E000] =	vst v63  }
0x4b: {  	_ =	swait.ge [sflag:s25], $0x4000  }
0x4c: {  	[sflag:s25] =	ssyncset.done $0x0  }
0x4d: {  	[sflag:s25] =	ssyncadd.s32 $0xFFFFC000  }
.LBB2_1:
0x4e: {  	s0 =	simm.s32 $0x0;
	s3 =	simm.s32 $0x200  }
.LBB2_2:
0x4f: {  	p1 =	sne.s32 s3, $0xFE00;
	[tilespmem:s0+$0x2070] =	vst v0  }
0x50: {  	[tilespmem:s0+$0x2000] =	vst v0  }
0x51: {  	[tilespmem:s0+$0x2010] =	vst v0  }
.Ltmp2:
0x52: {  	[tilespmem:s0+$0x2020] =	vst v0;
	(pc) =	sbr.rel @p1 .LBB2_2-.Ltmp2, $4  }
0x53: {  	[tilespmem:s0+$0x2030] =	vst v0  }
0x54: {  	[tilespmem:s0+$0x2040] =	vst v0  }
0x55: {  	[tilespmem:s0+$0x2050] =	vst v0  }
0x56: {  	[tilespmem:s0+$0x2060] =	vst v0;
	s0 =	sshra.s32 s3, $0x2;
	s3 =	sadd.s32 $0x200, s3  }
0x57: {  	[tilespmem:s0+$0x2070] =	vst v0  }
0x58: {  	[tilespmem:s0+$0x2000] =	vst v0  }
0x59: {  	[tilespmem:s0+$0x2010] =	vst v0  }
0x5a: {  	[tilespmem:s0+$0x2020] =	vst v0  }
0x5b: {  	[tilespmem:s0+$0x2030] =	vst v0  }
0x5c: {  	[tilespmem:s0+$0x2040] =	vst v0  }
0x5d: {  	[tilespmem:s0+$0x2050] =	vst v0  }
0x5e: {  	[tilespmem:s0+$0x2060] =	vst v0  }
0x5f: {  	[spmem:s5] =	stream.linear.scatter [tilespmem:s19], [sflag:$0x2], $0x4000, $0x38;
	[tilespmem:$0x1E000] =	vst v63  }
0x60: {  	_ =	swait.ge [sflag:s25], $0x4000  }
0x61: {  	[sflag:s25] =	ssyncset.done $0x0  }
0x62: {  	[sflag:s25] =	ssyncadd.s32 $0xFFFFC000  }
0x63: {  	[spmem:s6] =	stream.linear.scatter [tilespmem:s19], [sflag:$0x2], $0x4000, $0x38;
	[tilespmem:$0x1E000] =	vst v63  }
0x64: {  	_ =	swait.ge [sflag:s25], $0x4000  }
0x65: {  	[sflag:s25] =	ssyncset.done $0x0  }
0x66: {  	[sflag:s25] =	ssyncadd.s32 $0xFFFFC000  }
0x67: {  	[spmem:s7] =	stream.linear.scatter [tilespmem:s19], [sflag:$0x2], $0x4000, $0x38;
	[tilespmem:$0x1E000] =	vst v63  }
0x68: {  	_ =	swait.ge [sflag:s25], $0x4000  }
0x69: {  	[sflag:s25] =	ssyncset.done $0x0  }
0x6a: {  	[sflag:s25] =	ssyncadd.s32 $0xFFFFC000  }
0x6b: {  	[spmem:s8] =	stream.linear.scatter [tilespmem:s19], [sflag:$0x2], $0x4000, $0x38;
	[tilespmem:$0x1E000] =	vst v63  }
0x6c: {  	_ =	swait.ge [sflag:s25], $0x4000  }
0x6d: {  	[sflag:s25] =	ssyncset.done $0x0  }
0x6e: {  	[sflag:s25] =	ssyncadd.s32 $0xFFFFC000  }
0x6f: {  	[spmem:s9] =	stream.linear.scatter [tilespmem:s19], [sflag:$0x2], $0x4000, $0x38;
	[tilespmem:$0x1E000] =	vst v63  }
0x70: {  	_ =	swait.ge [sflag:s25], $0x4000  }
0x71: {  	[sflag:s25] =	ssyncset.done $0x0  }
0x72: {  	[sflag:s25] =	ssyncadd.s32 $0xFFFFC000  }
0x73: {  	s13 =	simm.s32 $0x0;
	[bflag:$0x0] =	sbarrier.arrive $0xFFFF  }
0x74: {  	[tilespmem:s13], [sflag:$0x2] =	stream.linear.gather [hbm4b:s10+s13], $0x1000, $0x38;
	[tilespmem:$0x1E000] =	vst v63  }
0x75: {  	_ =	swait.ge [sflag:s25], $0x1000  }
0x76: {  	[sflag:s25] =	ssyncset.done $0x0  }
0x77: {  	s0 =	simm.s32 $0x1000;
	[sflag:s25] =	ssyncadd.s32 $0xFFFFF000  }
0x78: {  	[tilespmem:s0], [sflag:$0x2] =	stream.linear.gather [hbm4b:s11+s13], $0x1000, $0x38;
	[tilespmem:$0x1E000] =	vst v63  }
0x79: {  	_ =	swait.ge [sflag:s25], $0x1000  }
0x7a: {  	s12 =	simm.s32 $0x4000;
	[sflag:s25] =	ssyncset.done $0x0  }
0x7b: {  	s3 =	simm.s32 $0x80;
	s14 =	sand.u32 $0x4000, s12;
	[sflag:s25] =	ssyncadd.s32 $0xFFFFF000  }
0x7c: {  	[tilespmem:s19], [sflag:$0x1] =	stream.indirect.gather [hbm4b:s4+s3], $0x80, s13, s3, $0xb8;
	[tilespmem:$0x1E000] =	vst v63  }
0x7d: {  	s14 =	sor.u32 $0x2000, s14  }
0x7e: {  	[tilespmem:s14], [sflag:$0x1] =	stream.indirect.gather [hbm4b:s4+s26], $0x80, s3, s26, $0xb8;
	[tilespmem:$0x1E000] =	vst v63  }
0x7f: {  	_ =	swait.ge [sflag:s28], $0x4000  }
0x80: {  	s13 =	sand.u32 $0x4000, s13;
	[sflag:s28] =	ssyncset.done $0x0  }
0x81: {  	s13 =	sor.u32 $0x2000, s13;
	[sflag:s28] =	ssyncadd.s32 $0xFFFFC000  }
.LBB2_4:
0x82: {  	[spmem:s1] =	stream.indirect.scatter.add.f32 [tilespmem:s13], [sflag:$0x2], $0x80, s0, s26, $0xb8;
	[tilespmem:$0x1E000] =	vst v63  }
0x83: {  	s13 =	smov.u32 s12  }
0x84: {  	p1 =	sne.s32 s12, $0x78000;
	s12 =	sadd.s32 $0x4000, s12;
	_ =	swait.ge [sflag:s25], $0x4000  }
0x85: {  	s3 =	sadd.s32 $0x80, s3;
	s14 =	sand.u32 $0x4000, s12;
	[sflag:s25] =	ssyncset.done $0x0  }
.Ltmp3:
0x86: {  	s14 =	sor.u32 $0x2000, s14;
	[sflag:s25] =	ssyncadd.s32 $0xFFFFC000;
	(pc) =	sbr.rel @p1 .LBB2_4-.Ltmp3, $4  }
0x87: {  	[tilespmem:s14], [sflag:$0x1] =	stream.indirect.gather [hbm4b:s4+s26], $0x80, s3, s26, $0xb8;
	[tilespmem:$0x1E000] =	vst v63  }
0x88: {  	_ =	swait.ge [sflag:s28], $0x4000  }
0x89: {  	s13 =	sand.u32 $0x4000, s13;
	[sflag:s28] =	ssyncset.done $0x0  }
0x8a: {  	s0 =	sadd.s32 $0x80, s0;
	s13 =	sor.u32 $0x2000, s13;
	[sflag:s28] =	ssyncadd.s32 $0xFFFFC000  }
0x8b: {  	[spmem:s1] =	stream.indirect.scatter.add.f32 [tilespmem:s13], [sflag:$0x2], $0x80, s0, s26, $0xb8;
	[tilespmem:$0x1E000] =	vst v63  }
0x8c: {  	_ =	swait.ge [sflag:s25], $0x4000  }
0x8d: {  	[sflag:s25] =	ssyncset.done $0x0  }
0x8e: {  	[sflag:s25] =	ssyncadd.s32 $0xFFFFC000  }
0x8f: {  	_ =	swait.ge [sflag:s28], $0x4000  }
0x90: {  	[sflag:s28] =	ssyncset.done $0x0  }
.Ltmp4:
0x91: {  	[sflag:s28] =	ssyncadd.s32 $0xFFFFC000;
	(pc) =	sbr.rel @p0 .LBB2_13-.Ltmp4, $4  }
0x92: {  	[spmem:s1] =	stream.indirect.scatter.add.f32 [tilespmem:s30], [sflag:$0x2], $0x80, s29, s26, $0xb8;
	[tilespmem:$0x1E000] =	vst v63  }
0x93: {  	_ =	swait.ge [sflag:s25], $0x4000  }
0x94: {  	[sflag:s25] =	ssyncset.done $0x0  }
0x95: {  	[sflag:s25] =	ssyncadd.s32 $0xFFFFC000  }
0x96: {  	s13 =	simm.s32 $0x0;
	s0 =	rddreg [dreg:$0x3]  }
0x97: {  	[tilespmem:s13], [sflag:$0x2] =	stream.linear.gather [hbm4b:s0+s13], $0x1000, $0x38;
	[tilespmem:$0x1E000] =	vst v63  }
0x98: {  	_ =	swait.ge [sflag:s25], $0x1000  }
0x99: {  	[sflag:s25] =	ssyncset.done $0x0  }
0x9a: {  	s0 =	simm.s32 $0x1000;
	s3 =	rddreg [dreg:$0x4];
	[sflag:s25] =	ssyncadd.s32 $0xFFFFF000  }
0x9b: {  	[tilespmem:s0], [sflag:$0x2] =	stream.linear.gather [hbm4b:s3+s13], $0x1000, $0x38;
	[tilespmem:$0x1E000] =	vst v63  }
0x9c: {  	_ =	swait.ge [sflag:s25], $0x1000  }
0x9d: {  	s12 =	simm.s32 $0x4000;
	[sflag:s25] =	ssyncset.done $0x0  }
0x9e: {  	s14 =	sand.u32 $0x4000, s12;
	s3 =	simm.s32 $0x80;
	[sflag:s25] =	ssyncadd.s32 $0xFFFFF000  }
0x9f: {  	[tilespmem:s19], [sflag:$0x1] =	stream.indirect.gather [hbm4b:s4+s3], $0x80, s13, s3, $0xb8;
	[tilespmem:$0x1E000] =	vst v63  }
0xa0: {  	s14 =	sor.u32 $0x2000, s14  }
0xa1: {  	[tilespmem:s14], [sflag:$0x1] =	stream.indirect.gather [hbm4b:s4+s26], $0x80, s3, s26, $0xb8;
	[tilespmem:$0x1E000] =	vst v63  }
0xa2: {  	_ =	swait.ge [sflag:s28], $0x4000  }
0xa3: {  	s13 =	sand.u32 $0x4000, s13;
	[sflag:s28] =	ssyncset.done $0x0  }
0xa4: {  	s13 =	sor.u32 $0x2000, s13;
	[sflag:s28] =	ssyncadd.s32 $0xFFFFC000  }
.LBB2_7:
0xa5: {  	[spmem:s1] =	stream.indirect.scatter.add.f32 [tilespmem:s13], [sflag:$0x2], $0x80, s0, s26, $0xb8;
	[tilespmem:$0x1E000] =	vst v63  }
0xa6: {  	s13 =	smov.u32 s12  }
0xa7: {  	p1 =	sne.s32 s12, $0x78000;
	s12 =	sadd.s32 $0x4000, s12;
	_ =	swait.ge [sflag:s25], $0x4000  }
0xa8: {  	s3 =	sadd.s32 $0x80, s3;
	s14 =	sand.u32 $0x4000, s12;
	[sflag:s25] =	ssyncset.done $0x0  }
.Ltmp5:
0xa9: {  	s14 =	sor.u32 $0x2000, s14;
	[sflag:s25] =	ssyncadd.s32 $0xFFFFC000;
	(pc) =	sbr.rel @p1 .LBB2_7-.Ltmp5, $4  }
0xaa: {  	[tilespmem:s14], [sflag:$0x1] =	stream.indirect.gather [hbm4b:s4+s26], $0x80, s3, s26, $0xb8;
	[tilespmem:$0x1E000] =	vst v63  }
0xab: {  	_ =	swait.ge [sflag:s28], $0x4000  }
0xac: {  	s13 =	sand.u32 $0x4000, s13;
	[sflag:s28] =	ssyncset.done $0x0  }
0xad: {  	s0 =	sadd.s32 $0x80, s0;
	s13 =	sor.u32 $0x2000, s13;
	[sflag:s28] =	ssyncadd.s32 $0xFFFFC000  }
0xae: {  	[spmem:s1] =	stream.indirect.scatter.add.f32 [tilespmem:s13], [sflag:$0x2], $0x80, s0, s26, $0xb8;
	[tilespmem:$0x1E000] =	vst v63  }
0xaf: {  	_ =	swait.ge [sflag:s25], $0x4000  }
0xb0: {  	[sflag:s25] =	ssyncset.done $0x0  }
0xb1: {  	[sflag:s25] =	ssyncadd.s32 $0xFFFFC000  }
0xb2: {  	_ =	swait.ge [sflag:s28], $0x4000  }
0xb3: {  	[sflag:s28] =	ssyncset.done $0x0  }
0xb4: {  	s0 =	simm.s32 $0x80;
	[sflag:s28] =	ssyncadd.s32 $0xFFFFC000  }
0xb5: {  	[spmem:s1] =	stream.indirect.scatter.add.f32 [tilespmem:s30], [sflag:$0x2], $0x80, s29, s0, $0xb8;
	[tilespmem:$0x1E000] =	vst v63  }
0xb6: {  	_ =	swait.ge [sflag:s25], $0x4000  }
0xb7: {  	[sflag:s25] =	ssyncset.done $0x0  }
0xb8: {  	s13 =	simm.s32 $0x0;
	s3 =	rddreg [dreg:$0x5];
	[sflag:s25] =	ssyncadd.s32 $0xFFFFC000  }
0xb9: {  	[tilespmem:s13], [sflag:$0x2] =	stream.linear.gather [hbm4b:s3+s13], $0x1000, $0x38;
	[tilespmem:$0x1E000] =	vst v63  }
0xba: {  	_ =	swait.ge [sflag:s25], $0x1000  }
0xbb: {  	[sflag:s25] =	ssyncset.done $0x0  }
0xbc: {  	s3 =	simm.s32 $0x1000;
	[sflag:s25] =	ssyncadd.s32 $0xFFFFF000  }
0xbd: {  	[tilespmem:s3], [sflag:$0x2] =	stream.linear.gather [hbm4b:s15+s13], $0x1000, $0x38;
	[tilespmem:$0x1E000] =	vst v63  }
0xbe: {  	_ =	swait.ge [sflag:s25], $0x1000  }
0xbf: {  	s12 =	simm.s32 $0x4000;
	[sflag:s25] =	ssyncset.done $0x0  }
0xc0: {  	s14 =	sand.u32 $0x4000, s12;
	[sflag:s25] =	ssyncadd.s32 $0xFFFFF000  }
0xc1: {  	[tilespmem:s19], [sflag:$0x1] =	stream.indirect.gather [hbm4b:s4+s0], $0x80, s13, s0, $0xb8;
	[tilespmem:$0x1E000] =	vst v63  }
0xc2: {  	s14 =	sor.u32 $0x2000, s14  }
0xc3: {  	[tilespmem:s14], [sflag:$0x1] =	stream.indirect.gather [hbm4b:s4+s26], $0x80, s0, s26, $0xb8;
	[tilespmem:$0x1E000] =	vst v63  }
0xc4: {  	_ =	swait.ge [sflag:s28], $0x4000  }
0xc5: {  	s13 =	sand.u32 $0x4000, s13;
	[sflag:s28] =	ssyncset.done $0x0  }
0xc6: {  	s13 =	sor.u32 $0x2000, s13;
	[sflag:s28] =	ssyncadd.s32 $0xFFFFC000  }
.LBB2_9:
0xc7: {  	[spmem:s1] =	stream.indirect.scatter.add.f32 [tilespmem:s13], [sflag:$0x2], $0x80, s3, s26, $0xb8;
	[tilespmem:$0x1E000] =	vst v63  }
0xc8: {  	s13 =	smov.u32 s12  }
0xc9: {  	p1 =	sne.s32 s12, $0x78000;
	s12 =	sadd.s32 $0x4000, s12;
	_ =	swait.ge [sflag:s25], $0x4000  }
0xca: {  	s0 =	sadd.s32 $0x80, s0;
	s14 =	sand.u32 $0x4000, s12;
	[sflag:s25] =	ssyncset.done $0x0  }
.Ltmp6:
0xcb: {  	s14 =	sor.u32 $0x2000, s14;
	[sflag:s25] =	ssyncadd.s32 $0xFFFFC000;
	(pc) =	sbr.rel @p1 .LBB2_9-.Ltmp6, $4  }
0xcc: {  	[tilespmem:s14], [sflag:$0x1] =	stream.indirect.gather [hbm4b:s4+s26], $0x80, s0, s26, $0xb8;
	[tilespmem:$0x1E000] =	vst v63  }
0xcd: {  	_ =	swait.ge [sflag:s28], $0x4000  }
0xce: {  	s13 =	sand.u32 $0x4000, s13;
	[sflag:s28] =	ssyncset.done $0x0  }
0xcf: {  	s3 =	sadd.s32 $0x80, s3;
	s13 =	sor.u32 $0x2000, s13;
	[sflag:s28] =	ssyncadd.s32 $0xFFFFC000  }
0xd0: {  	[spmem:s1] =	stream.indirect.scatter.add.f32 [tilespmem:s13], [sflag:$0x2], $0x80, s3, s26, $0xb8;
	[tilespmem:$0x1E000] =	vst v63  }
0xd1: {  	_ =	swait.ge [sflag:s25], $0x4000  }
0xd2: {  	[sflag:s25] =	ssyncset.done $0x0  }
0xd3: {  	[sflag:s25] =	ssyncadd.s32 $0xFFFFC000  }
0xd4: {  	_ =	swait.ge [sflag:s28], $0x4000  }
0xd5: {  	[sflag:s28] =	ssyncset.done $0x0  }
0xd6: {  	s0 =	simm.s32 $0x80;
	[sflag:s28] =	ssyncadd.s32 $0xFFFFC000  }
0xd7: {  	[spmem:s1] =	stream.indirect.scatter.add.f32 [tilespmem:s30], [sflag:$0x2], $0x80, s29, s0, $0xb8;
	[tilespmem:$0x1E000] =	vst v63  }
0xd8: {  	_ =	swait.ge [sflag:s25], $0x4000  }
0xd9: {  	[sflag:s25] =	ssyncset.done $0x0  }
0xda: {  	s13 =	simm.s32 $0x0;
	[sflag:s25] =	ssyncadd.s32 $0xFFFFC000  }
0xdb: {  	[tilespmem:s13], [sflag:$0x2] =	stream.linear.gather [hbm4b:s16+s13], $0x1000, $0x38;
	[tilespmem:$0x1E000] =	vst v63  }
0xdc: {  	_ =	swait.ge [sflag:s25], $0x1000  }
0xdd: {  	[sflag:s25] =	ssyncset.done $0x0  }
0xde: {  	s3 =	simm.s32 $0x1000;
	[sflag:s25] =	ssyncadd.s32 $0xFFFFF000  }
0xdf: {  	[tilespmem:s3], [sflag:$0x2] =	stream.linear.gather [hbm4b:s17+s13], $0x1000, $0x38;
	[tilespmem:$0x1E000] =	vst v63  }
0xe0: {  	_ =	swait.ge [sflag:s25], $0x1000  }
0xe1: {  	s12 =	simm.s32 $0x4000;
	[sflag:s25] =	ssyncset.done $0x0  }
0xe2: {  	s14 =	sand.u32 $0x4000, s12;
	[sflag:s25] =	ssyncadd.s32 $0xFFFFF000  }
0xe3: {  	[tilespmem:s19], [sflag:$0x1] =	stream.indirect.gather [hbm4b:s4+s0], $0x80, s13, s0, $0xb8;
	[tilespmem:$0x1E000] =	vst v63  }
0xe4: {  	s14 =	sor.u32 $0x2000, s14  }
0xe5: {  	[tilespmem:s14], [sflag:$0x1] =	stream.indirect.gather [hbm4b:s4+s26], $0x80, s0, s26, $0xb8;
	[tilespmem:$0x1E000] =	vst v63  }
0xe6: {  	_ =	swait.ge [sflag:s28], $0x4000  }
0xe7: {  	s13 =	sand.u32 $0x4000, s13;
	[sflag:s28] =	ssyncset.done $0x0  }
0xe8: {  	s13 =	sor.u32 $0x2000, s13;
	[sflag:s28] =	ssyncadd.s32 $0xFFFFC000  }
.LBB2_11:
0xe9: {  	[spmem:s1] =	stream.indirect.scatter.add.f32 [tilespmem:s13], [sflag:$0x2], $0x80, s3, s26, $0xb8;
	[tilespmem:$0x1E000] =	vst v63  }
0xea: {  	s13 =	smov.u32 s12  }
0xeb: {  	p1 =	sne.s32 s12, $0x78000;
	s12 =	sadd.s32 $0x4000, s12;
	_ =	swait.ge [sflag:s25], $0x4000  }
0xec: {  	s0 =	sadd.s32 $0x80, s0;
	s14 =	sand.u32 $0x4000, s12;
	[sflag:s25] =	ssyncset.done $0x0  }
.Ltmp7:
0xed: {  	s14 =	sor.u32 $0x2000, s14;
	[sflag:s25] =	ssyncadd.s32 $0xFFFFC000;
	(pc) =	sbr.rel @p1 .LBB2_11-.Ltmp7, $4  }
0xee: {  	[tilespmem:s14], [sflag:$0x1] =	stream.indirect.gather [hbm4b:s4+s26], $0x80, s0, s26, $0xb8;
	[tilespmem:$0x1E000] =	vst v63  }
0xef: {  	_ =	swait.ge [sflag:s28], $0x4000  }
0xf0: {  	s13 =	sand.u32 $0x4000, s13;
	[sflag:s28] =	ssyncset.done $0x0  }
0xf1: {  	s3 =	sadd.s32 $0x80, s3;
	s13 =	sor.u32 $0x2000, s13;
	[sflag:s28] =	ssyncadd.s32 $0xFFFFC000  }
.Ltmp8:
0xf2: {  	_ = 	snop;
	(pc) =	sbr.rel .LBB2_12-.Ltmp8, $1  }
0xf3: {  	_ =	sdelay $0x3  }
.LBB2_14:
0xf4: {  	_ =	sfence.sel $0x180000  }
0xf5: {  	[bflag:$0x0] =	sbarrier.arrive $0xFFFF  }
0xf6: {  	_ =	strace $0x9000004A  }
0xf7: {  	s0 =	stileid.u32;
	[bflag:$0x2] =	sbarrier.arrive $0xFFFF  }
0xf8: {  	p0 =	sne.s32 s0, $0x0;
	s0 =	rddreg [dreg:$0x2]  }
0xf9: {  	s0 =	sadd.s32 @!p0 $0x100000, s0  }
0xfa: {  	[sflag:s0] =	ssyncadd.tile.s32 @!p0 $0x1;
	_ =	shalt  }
.Lfunc_end2:
_tile_overlayer_lowered:
.L_overlay_start_2:
0xfb: {  	(tag) =	ssettag $0x2  }
0xfc: {  	s0 =	rddreg [dreg:$0x0];
	s2 =	stileid.u32  }
0xfd: {  	s1 =	rddreg [dreg:$0x1];
	p0 =	sne.s32 s2, $0x0  }
0xfe: {  	s3 =	rddreg [dreg:$0x2];
	[bflag:$0x3] =	sbarrier.arrive $0xFFFF;
	s2 =	simm.s32 @!p0 $0x1C02  }
0xff: {  	[timem:s3], [sflag:s2] =	dma.local @!p0 [hbm:s0], s1  }
0x100: {  	s0 =	simm.s32 @!p0 $0x2  }
0x101: {  	_ =	swait.ge @!p0 [sflag:s0], s1  }
0x102: {  	s1 =	ssub.s32 @!p0 $0x0, s1;
	[sflag:s0] =	ssyncset.done @!p0 $0x0  }
0x103: {  	[sflag:s0] =	ssyncadd.s32 @!p0 s1  }
0x104: {  	[bflag:$0x3] =	sbarrier.arrive $0xFFFF  }
0x105: {  	_ =	shalt  }

// kernel: kernel.15.cloned.1.call-start
scs
__scs_entry_jumppad:
0x0: {  	(pc) =	sbr.rel $0x88, $3  }
0x1: {  	(tag) =	ssettag $0x0;
	lr =	simm.s32 $0x1  }
0x2: {  	[smem:$0x3F7F] =	sst lr;
	_ =	strace $0xD0000000  }
0x3: {  	_ = 	snop  }
0x4: {  	_ = 	snop  }
0x5: {  	_ = 	snop  }
0x6: {  	_ = 	snop  }
0x7: {  	_ = 	snop  }
__scs_overlays_trampoline_lowered:
0x8: {  	[smem:$0x3F8E] =	sst s0  }
0x9: {  	[smem:$0x3F8F] =	sst s1  }
0xa: {  	[smem:$0x3F90] =	sst s2  }
0xb: {  	[smem:$0x3F91] =	sst s3  }
0xc: {  	[smem:$0x3F92] =	sst s4  }
0xd: {  	[smem:$0x3F93] =	sst s5  }
0xe: {  	[smem:$0x3F94] =	sst s6  }
0xf: {  	[smem:$0x3F95] =	sst s7  }
0x10: {  	[smem:$0x3F96] =	sst s8  }
0x11: {  	[smem:$0x3F97] =	sst s9;
	s0 =	simm.s32 @!p0 $0x0  }
0x12: {  	s1 =	sld [smem:$0x3F7D];
	s0 =	simm.s32 @p0 $0x1  }
0x13: {  	[smem:$0x3F98] =	sst s0;
	s0 =	simm.s32 @!p1 $0x0  }
0x14: {  	s2 =	sld [smem:$0x3F7C];
	s0 =	simm.s32 @p1 $0x1  }
0x15: {  	[smem:$0x3F99] =	sst s0;
	s0 =	simm.s32 @!p2 $0x0  }
0x16: {  	s3 =	sld [smem:$0x3FDB];
	s0 =	simm.s32 @p2 $0x1  }
0x17: {  	s4 =	simm.s32 $0x1BF5;
	[smem:$0x3F9B] =	sst s0  }
0x18: {  	s0 =	sld [smem:$0x3F7E];
	_ =	swait.ge [sflag:s4], $0x0  }
0x19: {  	s7 =	sld [smem:$0x3F7F]  }
0x1a: {  	s8 =	sadd.s32 $0xFFFFE003, lr  }
0x1b: {  	s9 =	sadd.s32 $0xFFFFFEF7, lr;
	s5 =	simm.s32 $0xFFFFFFFF;
	p2 =	slt.u32 s8, $0xFFFFF086  }
0x1c: {  	p1 =	slt.u32 s9, $0xF7A;
	s5 =	simm.s32 @!p2 $0x0  }
0x1d: {  	s5 =	simm.s32 @p1 $0x1;
	p0 =	seq.s32 s7, s2  }
0x1e: {  	s7 =	smul.u32 @!p0 $0xF7A, s2;
	p2 =	seq.s32 @!p0 s5, $0x0  }
0x1f: {  	s9 =	smul.u32 $0xF7A, s1;
	s8 =	simm.s32 @!p0 $0x1BF5;
	p2 =	por !p2, p0  }
0x20: {  	[sflag:s8] =	ssyncset.s32 @!p0 $0xFFFFF086;
	s6 =	sadd.s32 @!p0 s3, s7;
	s7 =	simm.s32 @!p0 $0x108  }
0x21: {  	s3 =	sadd.s32 s3, s9;
	s6 =	sadd.s32 @!p0 $0x88, s6;
	s7 =	simm.s32 @p2 $0x1082  }
0x22: {  	[simem:s7], [sflag:s8] =	dma.local @!p0 [hbm:s6], $0xF7A  }
0x23: {  	s9 =	sor.u32 $0xD0000000, s2;
	s6 =	simm.s32 $0x108;
	_ =	swait.ge @!p0 [sflag:s8], $0x0  }
0x24: {  	s3 =	sadd.s32 $0x88, s3;
	s6 =	simm.s32 @!p1 $0x1082;
	[sflag:s4] =	ssyncset.s32 $0xFFFFF086  }
0x25: {  	[simem:s6], [sflag:s4] =	dma.local [hbm:s3], $0xF7A  }
0x26: {  	[smem:$0x3F7F] =	sst s1;
	(tag) =	ssettag s2;
	_ =	strace s9  }
0x27: {  	s1 =	sld [smem:$0x3F8F]  }
0x28: {  	s2 =	sld [smem:$0x3F90]  }
0x29: {  	s4 =	sld [smem:$0x3F92]  }
0x2a: {  	p0 =	seq.s32 s5, $0x0;
	s5 =	sld [smem:$0x3F93]  }
0x2b: {  	s6 =	sld [smem:$0x3F94]  }
0x2c: {  	s7 =	sld [smem:$0x3F95]  }
0x2d: {  	s3 =	simm.s32 $0x108;
	s8 =	sld [smem:$0x3F96]  }
0x2e: {  	s3 =	simm.s32 @!p0 $0x1082;
	s9 =	sld [smem:$0x3F97]  }
0x2f: {  	lr =	sadd.s32 s0, s3;
	s0 =	sld [smem:$0x3F8E]  }
0x30: {  	s3 =	sld [smem:$0x3F91]  }
0x31: {  	[smem:$0x3F9A] =	sst s10  }
0x32: {  	s10 =	sld [smem:$0x3F98];
	_ =	sdelay $0x3  }
0x33: {  	p0 =	seq.s32 s10, $0x1;
	s10 =	sld [smem:$0x3F9A];
	_ =	sdelay $0x3  }
0x34: {  	[smem:$0x3F9A] =	sst s10  }
0x35: {  	s10 =	sld [smem:$0x3F99];
	_ =	sdelay $0x3  }
0x36: {  	p1 =	seq.s32 s10, $0x1;
	s10 =	sld [smem:$0x3F9A];
	_ =	sdelay $0x3  }
0x37: {  	[smem:$0x3F9A] =	sst s10  }
0x38: {  	s10 =	sld [smem:$0x3F9B]  }
0x39: {  	_ = 	snop;
	(pc) =	sbr.ind lr, $3  }
0x3a: {  	_ = 	snop  }
0x3b: {  	_ = 	snop  }
0x3c: {  	p2 =	seq.s32 s10, $0x1;
	s10 =	sld [smem:$0x3F9A]  }
0x3d: {  	_ =	shalt  }
0x3e: {  	_ =	shalt  }
0x3f: {  	_ =	shalt  }
0x40: {  	_ =	shalt  }
0x41: {  	_ =	shalt  }
0x42: {  	_ =	shalt  }
0x43: {  	_ =	shalt  }
0x44: {  	_ =	shalt  }
0x45: {  	_ =	shalt  }
0x46: {  	_ =	shalt  }
0x47: {  	_ =	shalt  }
0x48: {  	_ =	shalt  }
0x49: {  	_ =	shalt  }
0x4a: {  	_ =	shalt  }
0x4b: {  	_ =	shalt  }
0x4c: {  	_ =	shalt  }
0x4d: {  	_ =	shalt  }
0x4e: {  	_ =	shalt  }
0x4f: {  	_ =	shalt  }
0x50: {  	_ =	shalt  }
0x51: {  	_ =	shalt  }
0x52: {  	_ =	shalt  }
0x53: {  	_ =	shalt  }
0x54: {  	_ =	shalt  }
0x55: {  	_ =	shalt  }
0x56: {  	_ =	shalt  }
0x57: {  	_ =	shalt  }
0x58: {  	_ =	shalt  }
0x59: {  	_ =	shalt  }
0x5a: {  	_ =	shalt  }
0x5b: {  	_ =	shalt  }
0x5c: {  	_ =	shalt  }
0x5d: {  	_ =	shalt  }
0x5e: {  	_ =	shalt  }
0x5f: {  	_ =	shalt  }
0x60: {  	_ =	shalt  }
0x61: {  	_ =	shalt  }
0x62: {  	_ =	shalt  }
0x63: {  	_ =	shalt  }
0x64: {  	_ =	shalt  }
0x65: {  	_ =	shalt  }
0x66: {  	_ =	shalt  }
0x67: {  	_ =	shalt  }
0x68: {  	_ =	shalt  }
0x69: {  	_ =	shalt  }
0x6a: {  	_ =	shalt  }
0x6b: {  	_ =	shalt  }
0x6c: {  	_ =	shalt  }
0x6d: {  	_ =	shalt  }
0x6e: {  	_ =	shalt  }
0x6f: {  	_ =	shalt  }
0x70: {  	_ =	shalt  }
0x71: {  	_ =	shalt  }
0x72: {  	_ =	shalt  }
0x73: {  	_ =	shalt  }
0x74: {  	_ =	shalt  }
0x75: {  	_ =	shalt  }
0x76: {  	_ =	shalt  }
0x77: {  	_ =	shalt  }
0x78: {  	_ =	shalt  }
0x79: {  	_ =	shalt  }
0x7a: {  	_ =	shalt  }
0x7b: {  	_ =	shalt  }
0x7c: {  	_ =	shalt  }
0x7d: {  	_ =	shalt  }
0x7e: {  	_ =	shalt  }
0x7f: {  	_ =	shalt  }
0x80: {  	_ =	shalt  }
0x81: {  	_ =	shalt  }
0x82: {  	_ =	shalt  }
0x83: {  	_ =	shalt  }
0x84: {  	_ =	shalt  }
0x85: {  	_ =	shalt  }
0x86: {  	_ =	shalt  }
0x87: {  	_ =	shalt  }
.Lfunc_end0:
.L_simem_size_0:
called_computation.2_lowered:
.L_overlay_start_0:
0x88: {  	s2 =	sld [smem:$0x3FD9]  }
0x89: {  	s3 =	sld [smem:$0x3FFE];
	_ =	sdelay $0x1  }
0x8a: {  	s1 =	srdreg.scid  }
0x8b: {  	s0 =	sand.u32 $0x1, s1  }
0x8c: {  	s16 =	sshll.u32 s0, $0xA;
	s2 =	sadd.s32 s3, s2  }
0x8d: {  	s2 =	sadd.s32 s2, s16  }
0x8e: {  	[smem:$0x3FA6] =	sst s2  }
0x8f: {  	_ = 	snop  }
0x90: {  	(tm) =	ssettm $0x1  }
0x91: {  	s17 =	sld [smem:$0x3FFB];
	_ =	sdelay $0x3  }
0x92: {  	_ =	strace s17  }
0x93: {  	s2 =	sld [smem:$0x3FFC];
	_ =	sdelay $0x3  }
0x94: {  	_ =	strace s2  }
0x95: {  	s2 =	sld [smem:$0x3FFD];
	_ =	sdelay $0x3  }
0x96: {  	_ =	strace s2  }
0x97: {  	_ =	strace $0x8FFFFFFF  }
0x98: {  	s18 =	sld [smem:$0x3FDB];
	_ =	sdelay $0x1  }
0x99: {  	s19 =	simm.s32 $_scs_section_size  }
0x9a: {  	s4 =	simm.s32 $_size__tile_overlayer_lowered;
	s5 =	simm.s32 $_tile_overlayer_lowered  }
0x9b: {  	s22 =	simm.s32 $0x1BFF;
	s21 =	sshll.u32 s5, $0x1;
	s2 =	sadd.s32 s19, s18  }
0x9c: {  	s6 =	simm.s32 $0x0;
	s20 =	sshll.u32 s4, $0x1;
	s4 =	sadd.s32 s21, s2  }
0x9d: {  	[timem:s6], [sflag:s22] =	dma.local [hbm:s4], s20  }
0x9e: {  	_ =	swait.ge [sflag:s22], s20  }
0x9f: {  	s3 =	ssub.s32 $0x0, s20;
	[sflag:s22] =	ssyncset.done $0x0  }
0xa0: {  	[sflag:s22] =	ssyncadd.s32 s3;
	_ =	sdelay $0x1  }
0xa1: {  	s23 =	simm.s32 $0x1B8B  }
0xa2: {  	_ =	swait.ge [sflag:s23], $0x1  }
0xa3: {  	[sflag:s23] =	ssyncset.done $0x0  }
0xa4: {  	s25 =	simm.s32 $0x1B8E;
	s24 =	sld [smem:$0x3FFE];
	[sflag:s23] =	ssyncadd.s32 $0xFFFFFFFF  }
0xa5: {  	s26 =	simm.s32 $execute0_lowered;
	[smem:$0x3FD2] =	sst s25  }
0xa6: {  	s4 =	sshll.u32 s26, $0x1;
	_ =	strace $0x8000004C;
	[dreg:$0x1] =	wrdreg $0xFFFFFFFF  }
0xa7: {  	s28 =	simm.s32 $_size_execute0_lowered;
	s2 =	sadd.s32 s2, s4;
	[dreg:$0x0] =	wrdreg $0x0  }
0xa8: {  	s4 =	sshll.u32 s28, $0x1;
	[dreg:$0x2] =	wrdreg s2  }
0xa9: {  	[dreg:$0x3] =	wrdreg s4  }
0xaa: {  	[dreg:$0x4] =	wrdreg $0xC0  }
0xab: {  	_ =	task [dreg:s6], $0x5FFFF  }
0xac: {  	[dreg:$0x1] =	wrdreg $0xFFFFFFFF  }
0xad: {  	[dreg:$0x0] =	wrdreg $0x60  }
0xae: {  	[dreg:$0x2] =	wrdreg s24  }
0xaf: {  	[dreg:$0x3] =	wrdreg $0xA0000  }
0xb0: {  	[dreg:$0x4] =	wrdreg $0x9  }
0xb1: {  	_ =	task.clear_ibuf [dreg:s6], $0x5FFFF;
	_ =	strace $0x9000004C  }
0xb2: {  	s29 =	simm.s32 $0x9;
	_ =	strace $0x8000004E  }
0xb3: {  	_ =	swait.ge [sflag:s29], $0x1  }
0xb4: {  	[sflag:s29] =	ssyncadd.s32 $0xFFFFFFFF  }
0xb5: {  	_ =	strace $0x9000004E  }
0xb6: {  	_ =	sfence  }
0xb7: {  	s30 =	sld [smem:$0x0];
	_ =	sdelay $0x2  }
0xb8: {  	s31 =	sshll.u32 s1, $0xD;
	s1 =	sshrl.u32 s1, $0x2  }
0xb9: {  	s3 =	sand.u32 $0x4000, s31;
	s1 =	sadd.s32 s1, s30  }
0xba: {  	s0 =	sor.u32 s3, s0;
	s1 =	sshll.u32 s1, $0x11  }
0xbb: {  	s0 =	sor.u32 s1, s0  }
0xbc: {  	s0 =	sadd.s32 $0x8F2B, s0  }
0xbd: {  	[sflag:s0] =	ssyncadd.remote.s32 $0x1  }
0xbe: {  	_ =	sfence.sel $0xFFFF  }
0xbf: {  	[dreg:$0x0] =	wrdreg $0xFFFFFFFF;
	(pc) =	sbr.abs _section_cstart, $3  }
0xc0: {  	[dreg:$0x1] =	wrdreg $0xFFFFFFFF  }
0xc1: {  	_ =	task.clear_ibuf [dreg:s6], $0x2FFFF;
	_ =	strace $0x9FFFFFFF  }
0xc2: {  	(tm) =	ssettm $0x7FFFFFFF  }
0xc3: {  	_ =	shalt  }
tec
execute0_lowered:
.L_overlay_start_1:
0x0: {  	(tag) =	ssettag $0x1  }
0x1: {  	s0 =	rddreg [dreg:$0x0]  }
0x2: {  	s1 =	rddreg [dreg:$0x1];
	s2 =	simm.s32 $0x0  }
0x3: {  	s3 =	srdreg.scid;
	s23 =	stileid.u32;
	s28 =	simm.s32 $0x1  }
0x4: {  	s29 =	simm.s32 $0x1F80;
	s30 =	simm.s32 $0x6000;
	s31 =	simm.s32 $0x0  }
0x5: {  	[smem:$0x7FF] =	sst s2;
	s3 =	sand.u32 $0x1, s3;
	s8 =	smul.u32 $0x280, s23  }
0x6: {  	s4 =	sadd.s32 $0x1A200, s0;
	s12 =	sadd.s32 $0x10200, s0;
	s7 =	smul.u32 $0x50000, s23  }
0x7: {  	s13 =	sadd.s32 $0x6200, s0;
	s10 =	sshll.u32 s23, $0x9;
	s14 =	sshll.u32 s23, $0xB  }
0x8: {  	s5 =	smul.u32 $0x28000, s3;
	_ =	strace $0x8000004D;
	s6 =	ssub.s32 $0x2, s3  }
0x9: {  	p0 =	seq.s32 s3, $0x0;
	s11 =	sor.u32 $0x8000, s10;
	s15 =	sor.u32 $0x200, s14  }
0xa: {  	s25 =	sor.u32 $0x400, s14;
	s17 =	sor.u32 $0x600, s14;
	s19 =	sshrl.u32 s6, $0x1  }
0xb: {  	s20 =	sshrl.u32 s7, $0x2;
	s11 =	smov.u32 @p0 s14;
	s16 =	sadd.s32 s12, s15  }
0xc: {  	s15 =	sadd.s32 s13, s15;
	s26 =	sadd.s32 s12, s25;
	s14 =	smul.u32 $0x2800, s23  }
0xd: {  	p0 =	sne.s32 s3, $0x0;
	s0 =	sadd.s32 s5, s0;
	s18 =	ssub.s32 s6, s19  }
0xe: {  	s19 =	sadd.s32 $0x80, s8;
	s5 =	sadd.s32 s20, s1;
	[dreg:$0x3] =	wrdreg s16  }
0xf: {  	s20 =	sadd.s32 $0x100, s8;
	s10 =	sadd.s32 s12, s11;
	[dreg:$0x4] =	wrdreg s15  }
0x10: {  	s11 =	sadd.s32 s13, s11;
	[dreg:$0x5] =	wrdreg s26;
	s15 =	sadd.s32 s13, s25  }
0x11: {  	s16 =	sadd.s32 s12, s17;
	s17 =	sadd.s32 s13, s17;
	s21 =	sshll.u32 s19, $0x7  }
0x12: {  	s22 =	sshll.u32 s20, $0x7;
	s0 =	sadd.s32 $0x41400, s0;
	s23 =	sshll.u32 s19, $0x4  }
0x13: {  	s26 =	sshll.u32 s20, $0x4;
	s18 =	smax.u32 s18, $0x1;
	s19 =	simm.s32 $0x2000  }
0x14: {  	s6 =	sadd.s32 s21, s1;
	s21 =	sadd.s32 $0x180, s8;
	s7 =	sadd.s32 s22, s1  }
.Ltmp0:
0x15: {  	s22 =	sadd.s32 $0x200, s8;
	s20 =	sadd.s32 s14, s0;
	(pc) =	sbr.rel .LBB2_1-.Ltmp0, $4  }
0x16: {  	s9 =	sshll.u32 s21, $0x7;
	s24 =	sshll.u32 s22, $0x7;
	s25 =	sshll.u32 s22, $0x4  }
0x17: {  	s22 =	sadd.s32 s26, s0;
	s26 =	simm.s32 $0x80;
	s8 =	sadd.s32 s9, s1  }
0x18: {  	s9 =	sadd.s32 s24, s1;
	s24 =	sshll.u32 s21, $0x4;
	s21 =	sadd.s32 s23, s0  }
0x19: {  	v0 =	vimm.f32 $0.0e+00;
	s23 =	sadd.s32 s24, s0;
	s24 =	sadd.s32 s25, s0;
	s25 =	simm.s32 $0x2  }
.LBB2_12:
0x1a: {  	[spmem:s1] =	stream.indirect.scatter.add.f32 [tilespmem:s13], [sflag:$0x2], $0x80, s3, s26, $0xb8;
	[tilespmem:$0x1E000] =	vst v63  }
0x1b: {  	_ =	swait.ge [sflag:s25], $0x4000  }
0x1c: {  	[sflag:s25] =	ssyncset.done $0x0  }
0x1d: {  	[sflag:s25] =	ssyncadd.s32 $0xFFFFC000  }
0x1e: {  	_ =	swait.ge [sflag:s28], $0x4000  }
0x1f: {  	[sflag:s28] =	ssyncset.done $0x0  }
0x20: {  	[sflag:s28] =	ssyncadd.s32 $0xFFFFC000  }
0x21: {  	[spmem:s1] =	stream.indirect.scatter.add.f32 [tilespmem:s30], [sflag:$0x2], $0x80, s29, s26, $0xb8;
	[tilespmem:$0x1E000] =	vst v63  }
0x22: {  	_ =	swait.ge [sflag:s25], $0x4000  }
0x23: {  	[sflag:s25] =	ssyncset.done $0x0  }
0x24: {  	[sflag:s25] =	ssyncadd.s32 $0xFFFFC000  }
.LBB2_13:
0x25: {  	[bflag:$0x0] =	sbarrier.arrive $0xFFFF  }
0x26: {  	[tilespmem:s19], [sflag:$0x2] =	stream.linear.gather [spmem:s5], $0x4000, $0x38;
	[tilespmem:$0x1E000] =	vst v63  }
0x27: {  	_ =	swait.ge [sflag:s25], $0x4000  }
0x28: {  	[sflag:s25] =	ssyncset.done $0x0  }
0x29: {  	[sflag:s25] =	ssyncadd.s32 $0xFFFFC000  }
0x2a: {  	[hbm4b:s20+s2] =	stream.linear.scatter [tilespmem:s19], [sflag:$0x2], $0x4000, $0x38;
	[tilespmem:$0x1E000] =	vst v63  }
0x2b: {  	_ =	swait.ge [sflag:s25], $0x4000  }
0x2c: {  	[sflag:s25] =	ssyncset.done $0x0  }
0x2d: {  	[sflag:s25] =	ssyncadd.s32 $0xFFFFC000  }
0x2e: {  	[tilespmem:s19], [sflag:$0x2] =	stream.linear.gather [spmem:s6], $0x4000, $0x38;
	[tilespmem:$0x1E000] =	vst v63  }
0x2f: {  	_ =	swait.ge [sflag:s25], $0x4000  }
0x30: {  	[sflag:s25] =	ssyncset.done $0x0  }
0x31: {  	[sflag:s25] =	ssyncadd.s32 $0xFFFFC000  }
0x32: {  	[hbm4b:s21+s2] =	stream.linear.scatter [tilespmem:s19], [sflag:$0x2], $0x4000, $0x38;
	[tilespmem:$0x1E000] =	vst v63  }
0x33: {  	_ =	swait.ge [sflag:s25], $0x4000  }
0x34: {  	[sflag:s25] =	ssyncset.done $0x0  }
0x35: {  	[sflag:s25] =	ssyncadd.s32 $0xFFFFC000  }
0x36: {  	[tilespmem:s19], [sflag:$0x2] =	stream.linear.gather [spmem:s7], $0x4000, $0x38;
	[tilespmem:$0x1E000] =	vst v63  }
0x37: {  	_ =	swait.ge [sflag:s25], $0x4000  }
0x38: {  	[sflag:s25] =	ssyncset.done $0x0  }
0x39: {  	[sflag:s25] =	ssyncadd.s32 $0xFFFFC000  }
0x3a: {  	[hbm4b:s22+s2] =	stream.linear.scatter [tilespmem:s19], [sflag:$0x2], $0x4000, $0x38;
	[tilespmem:$0x1E000] =	vst v63  }
0x3b: {  	_ =	swait.ge [sflag:s25], $0x4000  }
0x3c: {  	[sflag:s25] =	ssyncset.done $0x0  }
0x3d: {  	[sflag:s25] =	ssyncadd.s32 $0xFFFFC000  }
0x3e: {  	[tilespmem:s19], [sflag:$0x2] =	stream.linear.gather [spmem:s8], $0x4000, $0x38;
	[tilespmem:$0x1E000] =	vst v63  }
0x3f: {  	_ =	swait.ge [sflag:s25], $0x4000  }
0x40: {  	[sflag:s25] =	ssyncset.done $0x0  }
0x41: {  	[sflag:s25] =	ssyncadd.s32 $0xFFFFC000  }
0x42: {  	[hbm4b:s23+s2] =	stream.linear.scatter [tilespmem:s19], [sflag:$0x2], $0x4000, $0x38;
	[tilespmem:$0x1E000] =	vst v63  }
0x43: {  	_ =	swait.ge [sflag:s25], $0x4000  }
0x44: {  	[sflag:s25] =	ssyncset.done $0x0  }
0x45: {  	[sflag:s25] =	ssyncadd.s32 $0xFFFFC000  }
0x46: {  	[tilespmem:s19], [sflag:$0x2] =	stream.linear.gather [spmem:s9], $0x4000, $0x38;
	[tilespmem:$0x1E000] =	vst v63  }
0x47: {  	s31 =	sadd.s32 $0x1, s31;
	_ =	swait.ge [sflag:s25], $0x4000  }
0x48: {  	p1 =	sne.s32 s31, s18;
	[sflag:s25] =	ssyncset.done $0x0  }
.Ltmp1:
0x49: {  	[sflag:s25] =	ssyncadd.s32 $0xFFFFC000;
	(pc) =	sbr.rel @!p1 .LBB2_14-.Ltmp1, $4  }
0x4a: {  	[hbm4b:s24+s2] =	stream.linear.scatter [tilespmem:s19], [sflag:$0x2], $0x4000, $0x38;
	[tilespmem:$0x1E000] =	vst v63  }
0x4b: {  	_ =	swait.ge [sflag:s25], $0x4000  }
0x4c: {  	[sflag:s25] =	ssyncset.done $0x0  }
0x4d: {  	[sflag:s25] =	ssyncadd.s32 $0xFFFFC000  }
.LBB2_1:
0x4e: {  	s0 =	simm.s32 $0x0;
	s3 =	simm.s32 $0x200  }
.LBB2_2:
0x4f: {  	p1 =	sne.s32 s3, $0xFE00;
	[tilespmem:s0+$0x2070] =	vst v0  }
0x50: {  	[tilespmem:s0+$0x2000] =	vst v0  }
0x51: {  	[tilespmem:s0+$0x2010] =	vst v0  }
.Ltmp2:
0x52: {  	[tilespmem:s0+$0x2020] =	vst v0;
	(pc) =	sbr.rel @p1 .LBB2_2-.Ltmp2, $4  }
0x53: {  	[tilespmem:s0+$0x2030] =	vst v0  }
0x54: {  	[tilespmem:s0+$0x2040] =	vst v0  }
0x55: {  	[tilespmem:s0+$0x2050] =	vst v0  }
0x56: {  	[tilespmem:s0+$0x2060] =	vst v0;
	s0 =	sshra.s32 s3, $0x2;
	s3 =	sadd.s32 $0x200, s3  }
0x57: {  	[tilespmem:s0+$0x2070] =	vst v0  }
0x58: {  	[tilespmem:s0+$0x2000] =	vst v0  }
0x59: {  	[tilespmem:s0+$0x2010] =	vst v0  }
0x5a: {  	[tilespmem:s0+$0x2020] =	vst v0  }
0x5b: {  	[tilespmem:s0+$0x2030] =	vst v0  }
0x5c: {  	[tilespmem:s0+$0x2040] =	vst v0  }
0x5d: {  	[tilespmem:s0+$0x2050] =	vst v0  }
0x5e: {  	[tilespmem:s0+$0x2060] =	vst v0  }
0x5f: {  	[spmem:s5] =	stream.linear.scatter [tilespmem:s19], [sflag:$0x2], $0x4000, $0x38;
	[tilespmem:$0x1E000] =	vst v63  }
0x60: {  	_ =	swait.ge [sflag:s25], $0x4000  }
0x61: {  	[sflag:s25] =	ssyncset.done $0x0  }
0x62: {  	[sflag:s25] =	ssyncadd.s32 $0xFFFFC000  }
0x63: {  	[spmem:s6] =	stream.linear.scatter [tilespmem:s19], [sflag:$0x2], $0x4000, $0x38;
	[tilespmem:$0x1E000] =	vst v63  }
0x64: {  	_ =	swait.ge [sflag:s25], $0x4000  }
0x65: {  	[sflag:s25] =	ssyncset.done $0x0  }
0x66: {  	[sflag:s25] =	ssyncadd.s32 $0xFFFFC000  }
0x67: {  	[spmem:s7] =	stream.linear.scatter [tilespmem:s19], [sflag:$0x2], $0x4000, $0x38;
	[tilespmem:$0x1E000] =	vst v63  }
0x68: {  	_ =	swait.ge [sflag:s25], $0x4000  }
0x69: {  	[sflag:s25] =	ssyncset.done $0x0  }
0x6a: {  	[sflag:s25] =	ssyncadd.s32 $0xFFFFC000  }
0x6b: {  	[spmem:s8] =	stream.linear.scatter [tilespmem:s19], [sflag:$0x2], $0x4000, $0x38;
	[tilespmem:$0x1E000] =	vst v63  }
0x6c: {  	_ =	swait.ge [sflag:s25], $0x4000  }
0x6d: {  	[sflag:s25] =	ssyncset.done $0x0  }
0x6e: {  	[sflag:s25] =	ssyncadd.s32 $0xFFFFC000  }
0x6f: {  	[spmem:s9] =	stream.linear.scatter [tilespmem:s19], [sflag:$0x2], $0x4000, $0x38;
	[tilespmem:$0x1E000] =	vst v63  }
0x70: {  	_ =	swait.ge [sflag:s25], $0x4000  }
0x71: {  	[sflag:s25] =	ssyncset.done $0x0  }
0x72: {  	[sflag:s25] =	ssyncadd.s32 $0xFFFFC000  }
0x73: {  	s13 =	simm.s32 $0x0;
	[bflag:$0x0] =	sbarrier.arrive $0xFFFF  }
0x74: {  	[tilespmem:s13], [sflag:$0x2] =	stream.linear.gather [hbm4b:s10+s13], $0x1000, $0x38;
	[tilespmem:$0x1E000] =	vst v63  }
0x75: {  	_ =	swait.ge [sflag:s25], $0x1000  }
0x76: {  	[sflag:s25] =	ssyncset.done $0x0  }
0x77: {  	s0 =	simm.s32 $0x1000;
	[sflag:s25] =	ssyncadd.s32 $0xFFFFF000  }
0x78: {  	[tilespmem:s0], [sflag:$0x2] =	stream.linear.gather [hbm4b:s11+s13], $0x1000, $0x38;
	[tilespmem:$0x1E000] =	vst v63  }
0x79: {  	_ =	swait.ge [sflag:s25], $0x1000  }
0x7a: {  	s12 =	simm.s32 $0x4000;
	[sflag:s25] =	ssyncset.done $0x0  }
0x7b: {  	s3 =	simm.s32 $0x80;
	s14 =	sand.u32 $0x4000, s12;
	[sflag:s25] =	ssyncadd.s32 $0xFFFFF000  }
0x7c: {  	[tilespmem:s19], [sflag:$0x1] =	stream.indirect.gather [hbm4b:s4+s3], $0x80, s13, s3, $0xb8;
	[tilespmem:$0x1E000] =	vst v63  }
0x7d: {  	s14 =	sor.u32 $0x2000, s14  }
0x7e: {  	[tilespmem:s14], [sflag:$0x1] =	stream.indirect.gather [hbm4b:s4+s26], $0x80, s3, s26, $0xb8;
	[tilespmem:$0x1E000] =	vst v63  }
0x7f: {  	_ =	swait.ge [sflag:s28], $0x4000  }
0x80: {  	s13 =	sand.u32 $0x4000, s13;
	[sflag:s28] =	ssyncset.done $0x0  }
0x81: {  	s13 =	sor.u32 $0x2000, s13;
	[sflag:s28] =	ssyncadd.s32 $0xFFFFC000  }
.LBB2_4:
0x82: {  	[spmem:s1] =	stream.indirect.scatter.add.f32 [tilespmem:s13], [sflag:$0x2], $0x80, s0, s26, $0xb8;
	[tilespmem:$0x1E000] =	vst v63  }
0x83: {  	s13 =	smov.u32 s12  }
0x84: {  	p1 =	sne.s32 s12, $0x78000;
	s12 =	sadd.s32 $0x4000, s12;
	_ =	swait.ge [sflag:s25], $0x4000  }
0x85: {  	s3 =	sadd.s32 $0x80, s3;
	s14 =	sand.u32 $0x4000, s12;
	[sflag:s25] =	ssyncset.done $0x0  }
.Ltmp3:
0x86: {  	s14 =	sor.u32 $0x2000, s14;
	[sflag:s25] =	ssyncadd.s32 $0xFFFFC000;
	(pc) =	sbr.rel @p1 .LBB2_4-.Ltmp3, $4  }
0x87: {  	[tilespmem:s14], [sflag:$0x1] =	stream.indirect.gather [hbm4b:s4+s26], $0x80, s3, s26, $0xb8;
	[tilespmem:$0x1E000] =	vst v63  }
0x88: {  	_ =	swait.ge [sflag:s28], $0x4000  }
0x89: {  	s13 =	sand.u32 $0x4000, s13;
	[sflag:s28] =	ssyncset.done $0x0  }
0x8a: {  	s0 =	sadd.s32 $0x80, s0;
	s13 =	sor.u32 $0x2000, s13;
	[sflag:s28] =	ssyncadd.s32 $0xFFFFC000  }
0x8b: {  	[spmem:s1] =	stream.indirect.scatter.add.f32 [tilespmem:s13], [sflag:$0x2], $0x80, s0, s26, $0xb8;
	[tilespmem:$0x1E000] =	vst v63  }
0x8c: {  	_ =	swait.ge [sflag:s25], $0x4000  }
0x8d: {  	[sflag:s25] =	ssyncset.done $0x0  }
0x8e: {  	[sflag:s25] =	ssyncadd.s32 $0xFFFFC000  }
0x8f: {  	_ =	swait.ge [sflag:s28], $0x4000  }
0x90: {  	[sflag:s28] =	ssyncset.done $0x0  }
.Ltmp4:
0x91: {  	[sflag:s28] =	ssyncadd.s32 $0xFFFFC000;
	(pc) =	sbr.rel @p0 .LBB2_13-.Ltmp4, $4  }
0x92: {  	[spmem:s1] =	stream.indirect.scatter.add.f32 [tilespmem:s30], [sflag:$0x2], $0x80, s29, s26, $0xb8;
	[tilespmem:$0x1E000] =	vst v63  }
0x93: {  	_ =	swait.ge [sflag:s25], $0x4000  }
0x94: {  	[sflag:s25] =	ssyncset.done $0x0  }
0x95: {  	[sflag:s25] =	ssyncadd.s32 $0xFFFFC000  }
0x96: {  	s13 =	simm.s32 $0x0;
	s0 =	rddreg [dreg:$0x3]  }
0x97: {  	[tilespmem:s13], [sflag:$0x2] =	stream.linear.gather [hbm4b:s0+s13], $0x1000, $0x38;
	[tilespmem:$0x1E000] =	vst v63  }
0x98: {  	_ =	swait.ge [sflag:s25], $0x1000  }
0x99: {  	[sflag:s25] =	ssyncset.done $0x0  }
0x9a: {  	s0 =	simm.s32 $0x1000;
	s3 =	rddreg [dreg:$0x4];
	[sflag:s25] =	ssyncadd.s32 $0xFFFFF000  }
0x9b: {  	[tilespmem:s0], [sflag:$0x2] =	stream.linear.gather [hbm4b:s3+s13], $0x1000, $0x38;
	[tilespmem:$0x1E000] =	vst v63  }
0x9c: {  	_ =	swait.ge [sflag:s25], $0x1000  }
0x9d: {  	s12 =	simm.s32 $0x4000;
	[sflag:s25] =	ssyncset.done $0x0  }
0x9e: {  	s14 =	sand.u32 $0x4000, s12;
	s3 =	simm.s32 $0x80;
	[sflag:s25] =	ssyncadd.s32 $0xFFFFF000  }
0x9f: {  	[tilespmem:s19], [sflag:$0x1] =	stream.indirect.gather [hbm4b:s4+s3], $0x80, s13, s3, $0xb8;
	[tilespmem:$0x1E000] =	vst v63  }
0xa0: {  	s14 =	sor.u32 $0x2000, s14  }
0xa1: {  	[tilespmem:s14], [sflag:$0x1] =	stream.indirect.gather [hbm4b:s4+s26], $0x80, s3, s26, $0xb8;
	[tilespmem:$0x1E000] =	vst v63  }
0xa2: {  	_ =	swait.ge [sflag:s28], $0x4000  }
0xa3: {  	s13 =	sand.u32 $0x4000, s13;
	[sflag:s28] =	ssyncset.done $0x0  }
0xa4: {  	s13 =	sor.u32 $0x2000, s13;
	[sflag:s28] =	ssyncadd.s32 $0xFFFFC000  }
.LBB2_7:
0xa5: {  	[spmem:s1] =	stream.indirect.scatter.add.f32 [tilespmem:s13], [sflag:$0x2], $0x80, s0, s26, $0xb8;
	[tilespmem:$0x1E000] =	vst v63  }
0xa6: {  	s13 =	smov.u32 s12  }
0xa7: {  	p1 =	sne.s32 s12, $0x78000;
	s12 =	sadd.s32 $0x4000, s12;
	_ =	swait.ge [sflag:s25], $0x4000  }
0xa8: {  	s3 =	sadd.s32 $0x80, s3;
	s14 =	sand.u32 $0x4000, s12;
	[sflag:s25] =	ssyncset.done $0x0  }
.Ltmp5:
0xa9: {  	s14 =	sor.u32 $0x2000, s14;
	[sflag:s25] =	ssyncadd.s32 $0xFFFFC000;
	(pc) =	sbr.rel @p1 .LBB2_7-.Ltmp5, $4  }
0xaa: {  	[tilespmem:s14], [sflag:$0x1] =	stream.indirect.gather [hbm4b:s4+s26], $0x80, s3, s26, $0xb8;
	[tilespmem:$0x1E000] =	vst v63  }
0xab: {  	_ =	swait.ge [sflag:s28], $0x4000  }
0xac: {  	s13 =	sand.u32 $0x4000, s13;
	[sflag:s28] =	ssyncset.done $0x0  }
0xad: {  	s0 =	sadd.s32 $0x80, s0;
	s13 =	sor.u32 $0x2000, s13;
	[sflag:s28] =	ssyncadd.s32 $0xFFFFC000  }
0xae: {  	[spmem:s1] =	stream.indirect.scatter.add.f32 [tilespmem:s13], [sflag:$0x2], $0x80, s0, s26, $0xb8;
	[tilespmem:$0x1E000] =	vst v63  }
0xaf: {  	_ =	swait.ge [sflag:s25], $0x4000  }
0xb0: {  	[sflag:s25] =	ssyncset.done $0x0  }
0xb1: {  	[sflag:s25] =	ssyncadd.s32 $0xFFFFC000  }
0xb2: {  	_ =	swait.ge [sflag:s28], $0x4000  }
0xb3: {  	[sflag:s28] =	ssyncset.done $0x0  }
0xb4: {  	s0 =	simm.s32 $0x80;
	[sflag:s28] =	ssyncadd.s32 $0xFFFFC000  }
0xb5: {  	[spmem:s1] =	stream.indirect.scatter.add.f32 [tilespmem:s30], [sflag:$0x2], $0x80, s29, s0, $0xb8;
	[tilespmem:$0x1E000] =	vst v63  }
0xb6: {  	_ =	swait.ge [sflag:s25], $0x4000  }
0xb7: {  	[sflag:s25] =	ssyncset.done $0x0  }
0xb8: {  	s13 =	simm.s32 $0x0;
	s3 =	rddreg [dreg:$0x5];
	[sflag:s25] =	ssyncadd.s32 $0xFFFFC000  }
0xb9: {  	[tilespmem:s13], [sflag:$0x2] =	stream.linear.gather [hbm4b:s3+s13], $0x1000, $0x38;
	[tilespmem:$0x1E000] =	vst v63  }
0xba: {  	_ =	swait.ge [sflag:s25], $0x1000  }
0xbb: {  	[sflag:s25] =	ssyncset.done $0x0  }
0xbc: {  	s3 =	simm.s32 $0x1000;
	[sflag:s25] =	ssyncadd.s32 $0xFFFFF000  }
0xbd: {  	[tilespmem:s3], [sflag:$0x2] =	stream.linear.gather [hbm4b:s15+s13], $0x1000, $0x38;
	[tilespmem:$0x1E000] =	vst v63  }
0xbe: {  	_ =	swait.ge [sflag:s25], $0x1000  }
0xbf: {  	s12 =	simm.s32 $0x4000;
	[sflag:s25] =	ssyncset.done $0x0  }
0xc0: {  	s14 =	sand.u32 $0x4000, s12;
	[sflag:s25] =	ssyncadd.s32 $0xFFFFF000  }
0xc1: {  	[tilespmem:s19], [sflag:$0x1] =	stream.indirect.gather [hbm4b:s4+s0], $0x80, s13, s0, $0xb8;
	[tilespmem:$0x1E000] =	vst v63  }
0xc2: {  	s14 =	sor.u32 $0x2000, s14  }
0xc3: {  	[tilespmem:s14], [sflag:$0x1] =	stream.indirect.gather [hbm4b:s4+s26], $0x80, s0, s26, $0xb8;
	[tilespmem:$0x1E000] =	vst v63  }
0xc4: {  	_ =	swait.ge [sflag:s28], $0x4000  }
0xc5: {  	s13 =	sand.u32 $0x4000, s13;
	[sflag:s28] =	ssyncset.done $0x0  }
0xc6: {  	s13 =	sor.u32 $0x2000, s13;
	[sflag:s28] =	ssyncadd.s32 $0xFFFFC000  }
.LBB2_9:
0xc7: {  	[spmem:s1] =	stream.indirect.scatter.add.f32 [tilespmem:s13], [sflag:$0x2], $0x80, s3, s26, $0xb8;
	[tilespmem:$0x1E000] =	vst v63  }
0xc8: {  	s13 =	smov.u32 s12  }
0xc9: {  	p1 =	sne.s32 s12, $0x78000;
	s12 =	sadd.s32 $0x4000, s12;
	_ =	swait.ge [sflag:s25], $0x4000  }
0xca: {  	s0 =	sadd.s32 $0x80, s0;
	s14 =	sand.u32 $0x4000, s12;
	[sflag:s25] =	ssyncset.done $0x0  }
.Ltmp6:
0xcb: {  	s14 =	sor.u32 $0x2000, s14;
	[sflag:s25] =	ssyncadd.s32 $0xFFFFC000;
	(pc) =	sbr.rel @p1 .LBB2_9-.Ltmp6, $4  }
0xcc: {  	[tilespmem:s14], [sflag:$0x1] =	stream.indirect.gather [hbm4b:s4+s26], $0x80, s0, s26, $0xb8;
	[tilespmem:$0x1E000] =	vst v63  }
0xcd: {  	_ =	swait.ge [sflag:s28], $0x4000  }
0xce: {  	s13 =	sand.u32 $0x4000, s13;
	[sflag:s28] =	ssyncset.done $0x0  }
0xcf: {  	s3 =	sadd.s32 $0x80, s3;
	s13 =	sor.u32 $0x2000, s13;
	[sflag:s28] =	ssyncadd.s32 $0xFFFFC000  }
0xd0: {  	[spmem:s1] =	stream.indirect.scatter.add.f32 [tilespmem:s13], [sflag:$0x2], $0x80, s3, s26, $0xb8;
	[tilespmem:$0x1E000] =	vst v63  }
0xd1: {  	_ =	swait.ge [sflag:s25], $0x4000  }
0xd2: {  	[sflag:s25] =	ssyncset.done $0x0  }
0xd3: {  	[sflag:s25] =	ssyncadd.s32 $0xFFFFC000  }
0xd4: {  	_ =	swait.ge [sflag:s28], $0x4000  }
0xd5: {  	[sflag:s28] =	ssyncset.done $0x0  }
0xd6: {  	s0 =	simm.s32 $0x80;
	[sflag:s28] =	ssyncadd.s32 $0xFFFFC000  }
0xd7: {  	[spmem:s1] =	stream.indirect.scatter.add.f32 [tilespmem:s30], [sflag:$0x2], $0x80, s29, s0, $0xb8;
	[tilespmem:$0x1E000] =	vst v63  }
0xd8: {  	_ =	swait.ge [sflag:s25], $0x4000  }
0xd9: {  	[sflag:s25] =	ssyncset.done $0x0  }
0xda: {  	s13 =	simm.s32 $0x0;
	[sflag:s25] =	ssyncadd.s32 $0xFFFFC000  }
0xdb: {  	[tilespmem:s13], [sflag:$0x2] =	stream.linear.gather [hbm4b:s16+s13], $0x1000, $0x38;
	[tilespmem:$0x1E000] =	vst v63  }
0xdc: {  	_ =	swait.ge [sflag:s25], $0x1000  }
0xdd: {  	[sflag:s25] =	ssyncset.done $0x0  }
0xde: {  	s3 =	simm.s32 $0x1000;
	[sflag:s25] =	ssyncadd.s32 $0xFFFFF000  }
0xdf: {  	[tilespmem:s3], [sflag:$0x2] =	stream.linear.gather [hbm4b:s17+s13], $0x1000, $0x38;
	[tilespmem:$0x1E000] =	vst v63  }
0xe0: {  	_ =	swait.ge [sflag:s25], $0x1000  }
0xe1: {  	s12 =	simm.s32 $0x4000;
	[sflag:s25] =	ssyncset.done $0x0  }
0xe2: {  	s14 =	sand.u32 $0x4000, s12;
	[sflag:s25] =	ssyncadd.s32 $0xFFFFF000  }
0xe3: {  	[tilespmem:s19], [sflag:$0x1] =	stream.indirect.gather [hbm4b:s4+s0], $0x80, s13, s0, $0xb8;
	[tilespmem:$0x1E000] =	vst v63  }
0xe4: {  	s14 =	sor.u32 $0x2000, s14  }
0xe5: {  	[tilespmem:s14], [sflag:$0x1] =	stream.indirect.gather [hbm4b:s4+s26], $0x80, s0, s26, $0xb8;
	[tilespmem:$0x1E000] =	vst v63  }
0xe6: {  	_ =	swait.ge [sflag:s28], $0x4000  }
0xe7: {  	s13 =	sand.u32 $0x4000, s13;
	[sflag:s28] =	ssyncset.done $0x0  }
0xe8: {  	s13 =	sor.u32 $0x2000, s13;
	[sflag:s28] =	ssyncadd.s32 $0xFFFFC000  }
.LBB2_11:
0xe9: {  	[spmem:s1] =	stream.indirect.scatter.add.f32 [tilespmem:s13], [sflag:$0x2], $0x80, s3, s26, $0xb8;
	[tilespmem:$0x1E000] =	vst v63  }
0xea: {  	s13 =	smov.u32 s12  }
0xeb: {  	p1 =	sne.s32 s12, $0x78000;
	s12 =	sadd.s32 $0x4000, s12;
	_ =	swait.ge [sflag:s25], $0x4000  }
0xec: {  	s0 =	sadd.s32 $0x80, s0;
	s14 =	sand.u32 $0x4000, s12;
	[sflag:s25] =	ssyncset.done $0x0  }
.Ltmp7:
0xed: {  	s14 =	sor.u32 $0x2000, s14;
	[sflag:s25] =	ssyncadd.s32 $0xFFFFC000;
	(pc) =	sbr.rel @p1 .LBB2_11-.Ltmp7, $4  }
0xee: {  	[tilespmem:s14], [sflag:$0x1] =	stream.indirect.gather [hbm4b:s4+s26], $0x80, s0, s26, $0xb8;
	[tilespmem:$0x1E000] =	vst v63  }
0xef: {  	_ =	swait.ge [sflag:s28], $0x4000  }
0xf0: {  	s13 =	sand.u32 $0x4000, s13;
	[sflag:s28] =	ssyncset.done $0x0  }
0xf1: {  	s3 =	sadd.s32 $0x80, s3;
	s13 =	sor.u32 $0x2000, s13;
	[sflag:s28] =	ssyncadd.s32 $0xFFFFC000  }
.Ltmp8:
0xf2: {  	_ = 	snop;
	(pc) =	sbr.rel .LBB2_12-.Ltmp8, $1  }
0xf3: {  	_ =	sdelay $0x3  }
.LBB2_14:
0xf4: {  	_ =	sfence.sel $0x180000  }
0xf5: {  	[bflag:$0x0] =	sbarrier.arrive $0xFFFF  }
0xf6: {  	_ =	strace $0x9000004D  }
0xf7: {  	s0 =	stileid.u32;
	[bflag:$0x2] =	sbarrier.arrive $0xFFFF  }
0xf8: {  	p0 =	sne.s32 s0, $0x0;
	s0 =	rddreg [dreg:$0x2]  }
0xf9: {  	s0 =	sadd.s32 @!p0 $0x100000, s0  }
0xfa: {  	[sflag:s0] =	ssyncadd.tile.s32 @!p0 $0x1;
	_ =	shalt  }
.Lfunc_end2:
_tile_overlayer_lowered:
.L_overlay_start_2:
0xfb: {  	(tag) =	ssettag $0x2  }
0xfc: {  	s0 =	rddreg [dreg:$0x0];
	s2 =	stileid.u32  }
0xfd: {  	s1 =	rddreg [dreg:$0x1];
	p0 =	sne.s32 s2, $0x0  }
0xfe: {  	s3 =	rddreg [dreg:$0x2];
	[bflag:$0x3] =	sbarrier.arrive $0xFFFF;
	s2 =	simm.s32 @!p0 $0x1C02  }
0xff: {  	[timem:s3], [sflag:s2] =	dma.local @!p0 [hbm:s0], s1  }
0x100: {  	s0 =	simm.s32 @!p0 $0x2  }
0x101: {  	_ =	swait.ge @!p0 [sflag:s0], s1  }
0x102: {  	s1 =	ssub.s32 @!p0 $0x0, s1;
	[sflag:s0] =	ssyncset.done @!p0 $0x0  }
0x103: {  	[sflag:s0] =	ssyncadd.s32 @!p0 s1  }
0x104: {  	[bflag:$0x3] =	sbarrier.arrive $0xFFFF  }
0x105: {  	_ =	shalt  }

// kernel: kernel.9.cloned.1.call-start
scs
__scs_entry_jumppad:
0x0: {  	(pc) =	sbr.rel $0x88, $3  }
0x1: {  	(tag) =	ssettag $0x0;
	lr =	simm.s32 $0x1  }
0x2: {  	[smem:$0x3F7F] =	sst lr;
	_ =	strace $0xD0000000  }
0x3: {  	_ = 	snop  }
0x4: {  	_ = 	snop  }
0x5: {  	_ = 	snop  }
0x6: {  	_ = 	snop  }
0x7: {  	_ = 	snop  }
__scs_overlays_trampoline_lowered:
0x8: {  	[smem:$0x3F8E] =	sst s0  }
0x9: {  	[smem:$0x3F8F] =	sst s1  }
0xa: {  	[smem:$0x3F90] =	sst s2  }
0xb: {  	[smem:$0x3F91] =	sst s3  }
0xc: {  	[smem:$0x3F92] =	sst s4  }
0xd: {  	[smem:$0x3F93] =	sst s5  }
0xe: {  	[smem:$0x3F94] =	sst s6  }
0xf: {  	[smem:$0x3F95] =	sst s7  }
0x10: {  	[smem:$0x3F96] =	sst s8  }
0x11: {  	[smem:$0x3F97] =	sst s9;
	s0 =	simm.s32 @!p0 $0x0  }
0x12: {  	s1 =	sld [smem:$0x3F7D];
	s0 =	simm.s32 @p0 $0x1  }
0x13: {  	[smem:$0x3F98] =	sst s0;
	s0 =	simm.s32 @!p1 $0x0  }
0x14: {  	s2 =	sld [smem:$0x3F7C];
	s0 =	simm.s32 @p1 $0x1  }
0x15: {  	[smem:$0x3F99] =	sst s0;
	s0 =	simm.s32 @!p2 $0x0  }
0x16: {  	s3 =	sld [smem:$0x3FDB];
	s0 =	simm.s32 @p2 $0x1  }
0x17: {  	s4 =	simm.s32 $0x1BF5;
	[smem:$0x3F9B] =	sst s0  }
0x18: {  	s0 =	sld [smem:$0x3F7E];
	_ =	swait.ge [sflag:s4], $0x0  }
0x19: {  	s7 =	sld [smem:$0x3F7F]  }
0x1a: {  	s8 =	sadd.s32 $0xFFFFE003, lr  }
0x1b: {  	s9 =	sadd.s32 $0xFFFFFEF7, lr;
	s5 =	simm.s32 $0xFFFFFFFF;
	p2 =	slt.u32 s8, $0xFFFFF086  }
0x1c: {  	p1 =	slt.u32 s9, $0xF7A;
	s5 =	simm.s32 @!p2 $0x0  }
0x1d: {  	s5 =	simm.s32 @p1 $0x1;
	p0 =	seq.s32 s7, s2  }
0x1e: {  	s7 =	smul.u32 @!p0 $0xF7A, s2;
	p2 =	seq.s32 @!p0 s5, $0x0  }
0x1f: {  	s9 =	smul.u32 $0xF7A, s1;
	s8 =	simm.s32 @!p0 $0x1BF5;
	p2 =	por !p2, p0  }
0x20: {  	[sflag:s8] =	ssyncset.s32 @!p0 $0xFFFFF086;
	s6 =	sadd.s32 @!p0 s3, s7;
	s7 =	simm.s32 @!p0 $0x108  }
0x21: {  	s3 =	sadd.s32 s3, s9;
	s6 =	sadd.s32 @!p0 $0x88, s6;
	s7 =	simm.s32 @p2 $0x1082  }
0x22: {  	[simem:s7], [sflag:s8] =	dma.local @!p0 [hbm:s6], $0xF7A  }
0x23: {  	s9 =	sor.u32 $0xD0000000, s2;
	s6 =	simm.s32 $0x108;
	_ =	swait.ge @!p0 [sflag:s8], $0x0  }
0x24: {  	s3 =	sadd.s32 $0x88, s3;
	s6 =	simm.s32 @!p1 $0x1082;
	[sflag:s4] =	ssyncset.s32 $0xFFFFF086  }
0x25: {  	[simem:s6], [sflag:s4] =	dma.local [hbm:s3], $0xF7A  }
0x26: {  	[smem:$0x3F7F] =	sst s1;
	(tag) =	ssettag s2;
	_ =	strace s9  }
0x27: {  	s1 =	sld [smem:$0x3F8F]  }
0x28: {  	s2 =	sld [smem:$0x3F90]  }
0x29: {  	s4 =	sld [smem:$0x3F92]  }
0x2a: {  	p0 =	seq.s32 s5, $0x0;
	s5 =	sld [smem:$0x3F93]  }
0x2b: {  	s6 =	sld [smem:$0x3F94]  }
0x2c: {  	s7 =	sld [smem:$0x3F95]  }
0x2d: {  	s3 =	simm.s32 $0x108;
	s8 =	sld [smem:$0x3F96]  }
0x2e: {  	s3 =	simm.s32 @!p0 $0x1082;
	s9 =	sld [smem:$0x3F97]  }
0x2f: {  	lr =	sadd.s32 s0, s3;
	s0 =	sld [smem:$0x3F8E]  }
0x30: {  	s3 =	sld [smem:$0x3F91]  }
0x31: {  	[smem:$0x3F9A] =	sst s10  }
0x32: {  	s10 =	sld [smem:$0x3F98];
	_ =	sdelay $0x3  }
0x33: {  	p0 =	seq.s32 s10, $0x1;
	s10 =	sld [smem:$0x3F9A];
	_ =	sdelay $0x3  }
0x34: {  	[smem:$0x3F9A] =	sst s10  }
0x35: {  	s10 =	sld [smem:$0x3F99];
	_ =	sdelay $0x3  }
0x36: {  	p1 =	seq.s32 s10, $0x1;
	s10 =	sld [smem:$0x3F9A];
	_ =	sdelay $0x3  }
0x37: {  	[smem:$0x3F9A] =	sst s10  }
0x38: {  	s10 =	sld [smem:$0x3F9B]  }
0x39: {  	_ = 	snop;
	(pc) =	sbr.ind lr, $3  }
0x3a: {  	_ = 	snop  }
0x3b: {  	_ = 	snop  }
0x3c: {  	p2 =	seq.s32 s10, $0x1;
	s10 =	sld [smem:$0x3F9A]  }
0x3d: {  	_ =	shalt  }
0x3e: {  	_ =	shalt  }
0x3f: {  	_ =	shalt  }
0x40: {  	_ =	shalt  }
0x41: {  	_ =	shalt  }
0x42: {  	_ =	shalt  }
0x43: {  	_ =	shalt  }
0x44: {  	_ =	shalt  }
0x45: {  	_ =	shalt  }
0x46: {  	_ =	shalt  }
0x47: {  	_ =	shalt  }
0x48: {  	_ =	shalt  }
0x49: {  	_ =	shalt  }
0x4a: {  	_ =	shalt  }
0x4b: {  	_ =	shalt  }
0x4c: {  	_ =	shalt  }
0x4d: {  	_ =	shalt  }
0x4e: {  	_ =	shalt  }
0x4f: {  	_ =	shalt  }
0x50: {  	_ =	shalt  }
0x51: {  	_ =	shalt  }
0x52: {  	_ =	shalt  }
0x53: {  	_ =	shalt  }
0x54: {  	_ =	shalt  }
0x55: {  	_ =	shalt  }
0x56: {  	_ =	shalt  }
0x57: {  	_ =	shalt  }
0x58: {  	_ =	shalt  }
0x59: {  	_ =	shalt  }
0x5a: {  	_ =	shalt  }
0x5b: {  	_ =	shalt  }
0x5c: {  	_ =	shalt  }
0x5d: {  	_ =	shalt  }
0x5e: {  	_ =	shalt  }
0x5f: {  	_ =	shalt  }
0x60: {  	_ =	shalt  }
0x61: {  	_ =	shalt  }
0x62: {  	_ =	shalt  }
0x63: {  	_ =	shalt  }
0x64: {  	_ =	shalt  }
0x65: {  	_ =	shalt  }
0x66: {  	_ =	shalt  }
0x67: {  	_ =	shalt  }
0x68: {  	_ =	shalt  }
0x69: {  	_ =	shalt  }
0x6a: {  	_ =	shalt  }
0x6b: {  	_ =	shalt  }
0x6c: {  	_ =	shalt  }
0x6d: {  	_ =	shalt  }
0x6e: {  	_ =	shalt  }
0x6f: {  	_ =	shalt  }
0x70: {  	_ =	shalt  }
0x71: {  	_ =	shalt  }
0x72: {  	_ =	shalt  }
0x73: {  	_ =	shalt  }
0x74: {  	_ =	shalt  }
0x75: {  	_ =	shalt  }
0x76: {  	_ =	shalt  }
0x77: {  	_ =	shalt  }
0x78: {  	_ =	shalt  }
0x79: {  	_ =	shalt  }
0x7a: {  	_ =	shalt  }
0x7b: {  	_ =	shalt  }
0x7c: {  	_ =	shalt  }
0x7d: {  	_ =	shalt  }
0x7e: {  	_ =	shalt  }
0x7f: {  	_ =	shalt  }
0x80: {  	_ =	shalt  }
0x81: {  	_ =	shalt  }
0x82: {  	_ =	shalt  }
0x83: {  	_ =	shalt  }
0x84: {  	_ =	shalt  }
0x85: {  	_ =	shalt  }
0x86: {  	_ =	shalt  }
0x87: {  	_ =	shalt  }
.Lfunc_end0:
.L_simem_size_0:
called_computation_lowered:
.L_overlay_start_0:
0x88: {  	s2 =	sld [smem:$0x3FD9]  }
0x89: {  	s3 =	sld [smem:$0x3FFE];
	_ =	sdelay $0x1  }
0x8a: {  	s1 =	srdreg.scid  }
0x8b: {  	s0 =	sand.u32 $0x1, s1  }
0x8c: {  	s17 =	sshll.u32 s0, $0xA;
	s2 =	sadd.s32 s3, s2  }
0x8d: {  	s2 =	sadd.s32 s2, s17  }
0x8e: {  	[smem:$0x3FA6] =	sst s2  }
0x8f: {  	_ = 	snop  }
0x90: {  	s2 =	sld [smem:$0x3FC9];
	(tm) =	ssettm $0x1  }
0x91: {  	s18 =	sld [smem:$0x3FFB];
	_ =	sdelay $0x3  }
0x92: {  	_ =	strace s18  }
0x93: {  	s3 =	sld [smem:$0x3FFC];
	_ =	sdelay $0x3  }
0x94: {  	_ =	strace s3  }
0x95: {  	s3 =	sld [smem:$0x3FFD];
	_ =	sdelay $0x3  }
0x96: {  	_ =	strace s3  }
0x97: {  	_ =	strace $0x8FFFFFFF  }
0x98: {  	s19 =	sld [smem:$0x3FDB];
	_ =	sdelay $0x1  }
0x99: {  	s4 =	simm.s32 $_scs_section_size  }
0x9a: {  	s5 =	simm.s32 $_size__tile_overlayer_lowered;
	s6 =	simm.s32 $_tile_overlayer_lowered  }
0x9b: {  	s22 =	simm.s32 $0x1BFF;
	s21 =	sshll.u32 s6, $0x1;
	s3 =	sadd.s32 s4, s19  }
0x9c: {  	s7 =	simm.s32 $0x0;
	s20 =	sshll.u32 s5, $0x1;
	s5 =	sadd.s32 s21, s3  }
0x9d: {  	[timem:s7], [sflag:s22] =	dma.local [hbm:s5], s20  }
0x9e: {  	_ =	swait.ge [sflag:s22], s20  }
0x9f: {  	s4 =	ssub.s32 $0x0, s20;
	[sflag:s22] =	ssyncset.done $0x0  }
0xa0: {  	[sflag:s22] =	ssyncadd.s32 s4;
	_ =	sdelay $0x1  }
0xa1: {  	s23 =	simm.s32 $0x1B8B  }
0xa2: {  	_ =	swait.ge [sflag:s23], $0x1  }
0xa3: {  	[sflag:s23] =	ssyncset.done $0x0  }
0xa4: {  	s25 =	simm.s32 $0x1B8E;
	s24 =	sld [smem:$0x3FFE];
	[sflag:s23] =	ssyncadd.s32 $0xFFFFFFFF  }
0xa5: {  	s26 =	simm.s32 $execute0_lowered;
	[smem:$0x3FD2] =	sst s25  }
0xa6: {  	s5 =	sshll.u32 s26, $0x1;
	_ =	strace $0x80000046;
	[dreg:$0x1] =	wrdreg $0xFFFFFFFF  }
0xa7: {  	s28 =	simm.s32 $_size_execute0_lowered;
	s3 =	sadd.s32 s3, s5;
	[dreg:$0x0] =	wrdreg $0x0  }
0xa8: {  	s5 =	sshll.u32 s28, $0x1;
	[dreg:$0x2] =	wrdreg s3  }
0xa9: {  	[dreg:$0x3] =	wrdreg s5  }
0xaa: {  	[dreg:$0x4] =	wrdreg $0xC0  }
0xab: {  	_ =	task [dreg:s7], $0x5FFFF  }
0xac: {  	[dreg:$0x1] =	wrdreg $0xFFFFFFFF  }
0xad: {  	[dreg:$0x0] =	wrdreg $0x60  }
0xae: {  	[dreg:$0x2] =	wrdreg s2  }
0xaf: {  	[dreg:$0x3] =	wrdreg s24  }
0xb0: {  	[dreg:$0x4] =	wrdreg $0xA0000  }
0xb1: {  	[dreg:$0x5] =	wrdreg $0x9  }
0xb2: {  	_ =	task.clear_ibuf [dreg:s7], $0x6FFFF;
	_ =	strace $0x90000046  }
0xb3: {  	s29 =	simm.s32 $0x9;
	_ =	strace $0x80000048  }
0xb4: {  	_ =	swait.ge [sflag:s29], $0x1  }
0xb5: {  	[sflag:s29] =	ssyncadd.s32 $0xFFFFFFFF  }
0xb6: {  	_ =	strace $0x90000048  }
0xb7: {  	_ =	sfence  }
0xb8: {  	s30 =	sld [smem:$0x0];
	_ =	sdelay $0x2  }
0xb9: {  	s31 =	sshll.u32 s1, $0xD;
	s1 =	sshrl.u32 s1, $0x2  }
0xba: {  	s3 =	sand.u32 $0x4000, s31;
	s1 =	sadd.s32 s1, s30  }
0xbb: {  	s0 =	sor.u32 s3, s0;
	s1 =	sshll.u32 s1, $0x11  }
0xbc: {  	s0 =	sor.u32 s1, s0  }
0xbd: {  	s0 =	sadd.s32 $0x8F2B, s0  }
0xbe: {  	[sflag:s0] =	ssyncadd.remote.s32 $0x1  }
0xbf: {  	_ =	sfence.sel $0xFFFF  }
0xc0: {  	[dreg:$0x0] =	wrdreg $0xFFFFFFFF;
	(pc) =	sbr.abs _section_cstart, $3  }
0xc1: {  	[dreg:$0x1] =	wrdreg $0xFFFFFFFF  }
0xc2: {  	_ =	task.clear_ibuf [dreg:s7], $0x2FFFF;
	_ =	strace $0x9FFFFFFF  }
0xc3: {  	(tm) =	ssettm $0x7FFFFFFF  }
tec
execute0_lowered:
.L_overlay_start_1:
0x0: {  	(tag) =	ssettag $0x1  }
0x1: {  	s1 =	rddreg [dreg:$0x0]  }
0x2: {  	s0 =	rddreg [dreg:$0x1]  }
0x3: {  	s2 =	rddreg [dreg:$0x2]  }
0x4: {  	s3 =	simm.s32 $0x0;
	s4 =	srdreg.scid;
	s23 =	stileid.u32  }
0x5: {  	s28 =	simm.s32 $0x1;
	s29 =	simm.s32 $0x1F80;
	s30 =	simm.s32 $0x6000  }
0x6: {  	s31 =	simm.s32 $0x0;
	[smem:$0x7FF] =	sst s3;
	s8 =	smul.u32 $0x280, s23  }
0x7: {  	s4 =	sand.u32 $0x1, s4;
	s12 =	sadd.s32 $0x10200, s0;
	s7 =	smul.u32 $0x50000, s23  }
0x8: {  	s13 =	sadd.s32 $0x6200, s0;
	s10 =	sshll.u32 s23, $0x9;
	s14 =	sshll.u32 s23, $0xB  }
0x9: {  	s5 =	smul.u32 $0x28000, s4;
	_ =	strace $0x80000047;
	s6 =	ssub.s32 $0x2, s4  }
0xa: {  	p0 =	seq.s32 s4, $0x0;
	s11 =	sor.u32 $0x8000, s10;
	s15 =	sor.u32 $0x200, s14  }
0xb: {  	s25 =	sor.u32 $0x400, s14;
	s17 =	sor.u32 $0x600, s14;
	s19 =	sshrl.u32 s6, $0x1  }
0xc: {  	s20 =	sshrl.u32 s7, $0x2;
	s11 =	smov.u32 @p0 s14;
	s16 =	sadd.s32 s12, s15  }
0xd: {  	s15 =	sadd.s32 s13, s15;
	s26 =	sadd.s32 s12, s25;
	s14 =	smul.u32 $0x2800, s23  }
0xe: {  	p0 =	sne.s32 s4, $0x0;
	s0 =	sadd.s32 s5, s0;
	s18 =	ssub.s32 s6, s19  }
0xf: {  	s19 =	sadd.s32 $0x80, s8;
	s5 =	sadd.s32 s20, s2;
	[dreg:$0x4] =	wrdreg s16  }
0x10: {  	s20 =	sadd.s32 $0x100, s8;
	s10 =	sadd.s32 s12, s11;
	[dreg:$0x5] =	wrdreg s15  }
0x11: {  	s11 =	sadd.s32 s13, s11;
	[dreg:$0x6] =	wrdreg s26;
	s15 =	sadd.s32 s13, s25  }
0x12: {  	s16 =	sadd.s32 s12, s17;
	s17 =	sadd.s32 s13, s17;
	s21 =	sshll.u32 s19, $0x7  }
0x13: {  	s22 =	sshll.u32 s20, $0x7;
	s0 =	sadd.s32 $0x1A200, s0;
	s23 =	sshll.u32 s19, $0x4  }
0x14: {  	s26 =	sshll.u32 s20, $0x4;
	s18 =	smax.u32 s18, $0x1;
	s19 =	simm.s32 $0x2000  }
0x15: {  	s6 =	sadd.s32 s21, s2;
	s21 =	sadd.s32 $0x180, s8;
	s7 =	sadd.s32 s22, s2  }
.Ltmp0:
0x16: {  	s22 =	sadd.s32 $0x200, s8;
	s20 =	sadd.s32 s14, s0;
	(pc) =	sbr.rel .LBB2_1-.Ltmp0, $4  }
0x17: {  	s9 =	sshll.u32 s21, $0x7;
	s24 =	sshll.u32 s22, $0x7;
	s25 =	sshll.u32 s22, $0x4  }
0x18: {  	s22 =	sadd.s32 s26, s0;
	s26 =	simm.s32 $0x80;
	s8 =	sadd.s32 s9, s2  }
0x19: {  	s9 =	sadd.s32 s24, s2;
	s24 =	sshll.u32 s21, $0x4;
	s21 =	sadd.s32 s23, s0  }
0x1a: {  	v0 =	vimm.f32 $0.0e+00;
	s23 =	sadd.s32 s24, s0;
	s24 =	sadd.s32 s25, s0;
	s25 =	simm.s32 $0x2  }
.LBB2_12:
0x1b: {  	[spmem:s2] =	stream.indirect.scatter.add.f32 [tilespmem:s13], [sflag:$0x2], $0x80, s4, s26, $0xb8;
	[tilespmem:$0x1E000] =	vst v63  }
0x1c: {  	_ =	swait.ge [sflag:s25], $0x4000  }
0x1d: {  	[sflag:s25] =	ssyncset.done $0x0  }
0x1e: {  	[sflag:s25] =	ssyncadd.s32 $0xFFFFC000  }
0x1f: {  	_ =	swait.ge [sflag:s28], $0x4000  }
0x20: {  	[sflag:s28] =	ssyncset.done $0x0  }
0x21: {  	[sflag:s28] =	ssyncadd.s32 $0xFFFFC000  }
0x22: {  	[spmem:s2] =	stream.indirect.scatter.add.f32 [tilespmem:s30], [sflag:$0x2], $0x80, s29, s26, $0xb8;
	[tilespmem:$0x1E000] =	vst v63  }
0x23: {  	_ =	swait.ge [sflag:s25], $0x4000  }
0x24: {  	[sflag:s25] =	ssyncset.done $0x0  }
0x25: {  	[sflag:s25] =	ssyncadd.s32 $0xFFFFC000  }
.LBB2_13:
0x26: {  	[bflag:$0x0] =	sbarrier.arrive $0xFFFF  }
0x27: {  	[tilespmem:s19], [sflag:$0x2] =	stream.linear.gather [spmem:s5], $0x4000, $0x38;
	[tilespmem:$0x1E000] =	vst v63  }
0x28: {  	_ =	swait.ge [sflag:s25], $0x4000  }
0x29: {  	[sflag:s25] =	ssyncset.done $0x0  }
0x2a: {  	[sflag:s25] =	ssyncadd.s32 $0xFFFFC000  }
0x2b: {  	[hbm4b:s20+s3] =	stream.linear.scatter [tilespmem:s19], [sflag:$0x2], $0x4000, $0x38;
	[tilespmem:$0x1E000] =	vst v63  }
0x2c: {  	_ =	swait.ge [sflag:s25], $0x4000  }
0x2d: {  	[sflag:s25] =	ssyncset.done $0x0  }
0x2e: {  	[sflag:s25] =	ssyncadd.s32 $0xFFFFC000  }
0x2f: {  	[tilespmem:s19], [sflag:$0x2] =	stream.linear.gather [spmem:s6], $0x4000, $0x38;
	[tilespmem:$0x1E000] =	vst v63  }
0x30: {  	_ =	swait.ge [sflag:s25], $0x4000  }
0x31: {  	[sflag:s25] =	ssyncset.done $0x0  }
0x32: {  	[sflag:s25] =	ssyncadd.s32 $0xFFFFC000  }
0x33: {  	[hbm4b:s21+s3] =	stream.linear.scatter [tilespmem:s19], [sflag:$0x2], $0x4000, $0x38;
	[tilespmem:$0x1E000] =	vst v63  }
0x34: {  	_ =	swait.ge [sflag:s25], $0x4000  }
0x35: {  	[sflag:s25] =	ssyncset.done $0x0  }
0x36: {  	[sflag:s25] =	ssyncadd.s32 $0xFFFFC000  }
0x37: {  	[tilespmem:s19], [sflag:$0x2] =	stream.linear.gather [spmem:s7], $0x4000, $0x38;
	[tilespmem:$0x1E000] =	vst v63  }
0x38: {  	_ =	swait.ge [sflag:s25], $0x4000  }
0x39: {  	[sflag:s25] =	ssyncset.done $0x0  }
0x3a: {  	[sflag:s25] =	ssyncadd.s32 $0xFFFFC000  }
0x3b: {  	[hbm4b:s22+s3] =	stream.linear.scatter [tilespmem:s19], [sflag:$0x2], $0x4000, $0x38;
	[tilespmem:$0x1E000] =	vst v63  }
0x3c: {  	_ =	swait.ge [sflag:s25], $0x4000  }
0x3d: {  	[sflag:s25] =	ssyncset.done $0x0  }
0x3e: {  	[sflag:s25] =	ssyncadd.s32 $0xFFFFC000  }
0x3f: {  	[tilespmem:s19], [sflag:$0x2] =	stream.linear.gather [spmem:s8], $0x4000, $0x38;
	[tilespmem:$0x1E000] =	vst v63  }
0x40: {  	_ =	swait.ge [sflag:s25], $0x4000  }
0x41: {  	[sflag:s25] =	ssyncset.done $0x0  }
0x42: {  	[sflag:s25] =	ssyncadd.s32 $0xFFFFC000  }
0x43: {  	[hbm4b:s23+s3] =	stream.linear.scatter [tilespmem:s19], [sflag:$0x2], $0x4000, $0x38;
	[tilespmem:$0x1E000] =	vst v63  }
0x44: {  	_ =	swait.ge [sflag:s25], $0x4000  }
0x45: {  	[sflag:s25] =	ssyncset.done $0x0  }
0x46: {  	[sflag:s25] =	ssyncadd.s32 $0xFFFFC000  }
0x47: {  	[tilespmem:s19], [sflag:$0x2] =	stream.linear.gather [spmem:s9], $0x4000, $0x38;
	[tilespmem:$0x1E000] =	vst v63  }
0x48: {  	s31 =	sadd.s32 $0x1, s31;
	_ =	swait.ge [sflag:s25], $0x4000  }
0x49: {  	p1 =	sne.s32 s31, s18;
	[sflag:s25] =	ssyncset.done $0x0  }
.Ltmp1:
0x4a: {  	[sflag:s25] =	ssyncadd.s32 $0xFFFFC000;
	(pc) =	sbr.rel @!p1 .LBB2_14-.Ltmp1, $4  }
0x4b: {  	[hbm4b:s24+s3] =	stream.linear.scatter [tilespmem:s19], [sflag:$0x2], $0x4000, $0x38;
	[tilespmem:$0x1E000] =	vst v63  }
0x4c: {  	_ =	swait.ge [sflag:s25], $0x4000  }
0x4d: {  	[sflag:s25] =	ssyncset.done $0x0  }
0x4e: {  	[sflag:s25] =	ssyncadd.s32 $0xFFFFC000  }
.LBB2_1:
0x4f: {  	s0 =	simm.s32 $0x0;
	s4 =	simm.s32 $0x200  }
.LBB2_2:
0x50: {  	p1 =	sne.s32 s4, $0xFE00;
	[tilespmem:s0+$0x2070] =	vst v0  }
0x51: {  	[tilespmem:s0+$0x2000] =	vst v0  }
0x52: {  	[tilespmem:s0+$0x2010] =	vst v0  }
.Ltmp2:
0x53: {  	[tilespmem:s0+$0x2020] =	vst v0;
	(pc) =	sbr.rel @p1 .LBB2_2-.Ltmp2, $4  }
0x54: {  	[tilespmem:s0+$0x2030] =	vst v0  }
0x55: {  	[tilespmem:s0+$0x2040] =	vst v0  }
0x56: {  	[tilespmem:s0+$0x2050] =	vst v0  }
0x57: {  	[tilespmem:s0+$0x2060] =	vst v0;
	s0 =	sshra.s32 s4, $0x2;
	s4 =	sadd.s32 $0x200, s4  }
0x58: {  	[tilespmem:s0+$0x2070] =	vst v0  }
0x59: {  	[tilespmem:s0+$0x2000] =	vst v0  }
0x5a: {  	[tilespmem:s0+$0x2010] =	vst v0  }
0x5b: {  	[tilespmem:s0+$0x2020] =	vst v0  }
0x5c: {  	[tilespmem:s0+$0x2030] =	vst v0  }
0x5d: {  	[tilespmem:s0+$0x2040] =	vst v0  }
0x5e: {  	[tilespmem:s0+$0x2050] =	vst v0  }
0x5f: {  	[tilespmem:s0+$0x2060] =	vst v0  }
0x60: {  	[spmem:s5] =	stream.linear.scatter [tilespmem:s19], [sflag:$0x2], $0x4000, $0x38;
	[tilespmem:$0x1E000] =	vst v63  }
0x61: {  	_ =	swait.ge [sflag:s25], $0x4000  }
0x62: {  	[sflag:s25] =	ssyncset.done $0x0  }
0x63: {  	[sflag:s25] =	ssyncadd.s32 $0xFFFFC000  }
0x64: {  	[spmem:s6] =	stream.linear.scatter [tilespmem:s19], [sflag:$0x2], $0x4000, $0x38;
	[tilespmem:$0x1E000] =	vst v63  }
0x65: {  	_ =	swait.ge [sflag:s25], $0x4000  }
0x66: {  	[sflag:s25] =	ssyncset.done $0x0  }
0x67: {  	[sflag:s25] =	ssyncadd.s32 $0xFFFFC000  }
0x68: {  	[spmem:s7] =	stream.linear.scatter [tilespmem:s19], [sflag:$0x2], $0x4000, $0x38;
	[tilespmem:$0x1E000] =	vst v63  }
0x69: {  	_ =	swait.ge [sflag:s25], $0x4000  }
0x6a: {  	[sflag:s25] =	ssyncset.done $0x0  }
0x6b: {  	[sflag:s25] =	ssyncadd.s32 $0xFFFFC000  }
0x6c: {  	[spmem:s8] =	stream.linear.scatter [tilespmem:s19], [sflag:$0x2], $0x4000, $0x38;
	[tilespmem:$0x1E000] =	vst v63  }
0x6d: {  	_ =	swait.ge [sflag:s25], $0x4000  }
0x6e: {  	[sflag:s25] =	ssyncset.done $0x0  }
0x6f: {  	[sflag:s25] =	ssyncadd.s32 $0xFFFFC000  }
0x70: {  	[spmem:s9] =	stream.linear.scatter [tilespmem:s19], [sflag:$0x2], $0x4000, $0x38;
	[tilespmem:$0x1E000] =	vst v63  }
0x71: {  	_ =	swait.ge [sflag:s25], $0x4000  }
0x72: {  	[sflag:s25] =	ssyncset.done $0x0  }
0x73: {  	[sflag:s25] =	ssyncadd.s32 $0xFFFFC000  }
0x74: {  	s13 =	simm.s32 $0x0;
	[bflag:$0x0] =	sbarrier.arrive $0xFFFF  }
0x75: {  	[tilespmem:s13], [sflag:$0x2] =	stream.linear.gather [hbm4b:s10+s13], $0x1000, $0x38;
	[tilespmem:$0x1E000] =	vst v63  }
0x76: {  	_ =	swait.ge [sflag:s25], $0x1000  }
0x77: {  	[sflag:s25] =	ssyncset.done $0x0  }
0x78: {  	s0 =	simm.s32 $0x1000;
	[sflag:s25] =	ssyncadd.s32 $0xFFFFF000  }
0x79: {  	[tilespmem:s0], [sflag:$0x2] =	stream.linear.gather [hbm4b:s11+s13], $0x1000, $0x38;
	[tilespmem:$0x1E000] =	vst v63  }
0x7a: {  	_ =	swait.ge [sflag:s25], $0x1000  }
0x7b: {  	s12 =	simm.s32 $0x4000;
	[sflag:s25] =	ssyncset.done $0x0  }
0x7c: {  	s4 =	simm.s32 $0x80;
	s14 =	sand.u32 $0x4000, s12;
	[sflag:s25] =	ssyncadd.s32 $0xFFFFF000  }
0x7d: {  	[tilespmem:s19], [sflag:$0x1] =	stream.indirect.gather [hbm4b:s1+s4], $0x80, s13, s4, $0xb8;
	[tilespmem:$0x1E000] =	vst v63  }
0x7e: {  	s14 =	sor.u32 $0x2000, s14  }
0x7f: {  	[tilespmem:s14], [sflag:$0x1] =	stream.indirect.gather [hbm4b:s1+s26], $0x80, s4, s26, $0xb8;
	[tilespmem:$0x1E000] =	vst v63  }
0x80: {  	_ =	swait.ge [sflag:s28], $0x4000  }
0x81: {  	s13 =	sand.u32 $0x4000, s13;
	[sflag:s28] =	ssyncset.done $0x0  }
0x82: {  	s13 =	sor.u32 $0x2000, s13;
	[sflag:s28] =	ssyncadd.s32 $0xFFFFC000  }
.LBB2_4:
0x83: {  	[spmem:s2] =	stream.indirect.scatter.add.f32 [tilespmem:s13], [sflag:$0x2], $0x80, s0, s26, $0xb8;
	[tilespmem:$0x1E000] =	vst v63  }
0x84: {  	s13 =	smov.u32 s12  }
0x85: {  	p1 =	sne.s32 s12, $0x78000;
	s12 =	sadd.s32 $0x4000, s12;
	_ =	swait.ge [sflag:s25], $0x4000  }
0x86: {  	s4 =	sadd.s32 $0x80, s4;
	s14 =	sand.u32 $0x4000, s12;
	[sflag:s25] =	ssyncset.done $0x0  }
.Ltmp3:
0x87: {  	s14 =	sor.u32 $0x2000, s14;
	[sflag:s25] =	ssyncadd.s32 $0xFFFFC000;
	(pc) =	sbr.rel @p1 .LBB2_4-.Ltmp3, $4  }
0x88: {  	[tilespmem:s14], [sflag:$0x1] =	stream.indirect.gather [hbm4b:s1+s26], $0x80, s4, s26, $0xb8;
	[tilespmem:$0x1E000] =	vst v63  }
0x89: {  	_ =	swait.ge [sflag:s28], $0x4000  }
0x8a: {  	s13 =	sand.u32 $0x4000, s13;
	[sflag:s28] =	ssyncset.done $0x0  }
0x8b: {  	s0 =	sadd.s32 $0x80, s0;
	s13 =	sor.u32 $0x2000, s13;
	[sflag:s28] =	ssyncadd.s32 $0xFFFFC000  }
0x8c: {  	[spmem:s2] =	stream.indirect.scatter.add.f32 [tilespmem:s13], [sflag:$0x2], $0x80, s0, s26, $0xb8;
	[tilespmem:$0x1E000] =	vst v63  }
0x8d: {  	_ =	swait.ge [sflag:s25], $0x4000  }
0x8e: {  	[sflag:s25] =	ssyncset.done $0x0  }
0x8f: {  	[sflag:s25] =	ssyncadd.s32 $0xFFFFC000  }
0x90: {  	_ =	swait.ge [sflag:s28], $0x4000  }
0x91: {  	[sflag:s28] =	ssyncset.done $0x0  }
.Ltmp4:
0x92: {  	[sflag:s28] =	ssyncadd.s32 $0xFFFFC000;
	(pc) =	sbr.rel @p0 .LBB2_13-.Ltmp4, $4  }
0x93: {  	[spmem:s2] =	stream.indirect.scatter.add.f32 [tilespmem:s30], [sflag:$0x2], $0x80, s29, s26, $0xb8;
	[tilespmem:$0x1E000] =	vst v63  }
0x94: {  	_ =	swait.ge [sflag:s25], $0x4000  }
0x95: {  	[sflag:s25] =	ssyncset.done $0x0  }
0x96: {  	[sflag:s25] =	ssyncadd.s32 $0xFFFFC000  }
0x97: {  	s13 =	simm.s32 $0x0;
	s0 =	rddreg [dreg:$0x4]  }
0x98: {  	[tilespmem:s13], [sflag:$0x2] =	stream.linear.gather [hbm4b:s0+s13], $0x1000, $0x38;
	[tilespmem:$0x1E000] =	vst v63  }
0x99: {  	_ =	swait.ge [sflag:s25], $0x1000  }
0x9a: {  	[sflag:s25] =	ssyncset.done $0x0  }
0x9b: {  	s0 =	simm.s32 $0x1000;
	s4 =	rddreg [dreg:$0x5];
	[sflag:s25] =	ssyncadd.s32 $0xFFFFF000  }
0x9c: {  	[tilespmem:s0], [sflag:$0x2] =	stream.linear.gather [hbm4b:s4+s13], $0x1000, $0x38;
	[tilespmem:$0x1E000] =	vst v63  }
0x9d: {  	_ =	swait.ge [sflag:s25], $0x1000  }
0x9e: {  	s12 =	simm.s32 $0x4000;
	[sflag:s25] =	ssyncset.done $0x0  }
0x9f: {  	s14 =	sand.u32 $0x4000, s12;
	s4 =	simm.s32 $0x80;
	[sflag:s25] =	ssyncadd.s32 $0xFFFFF000  }
0xa0: {  	[tilespmem:s19], [sflag:$0x1] =	stream.indirect.gather [hbm4b:s1+s4], $0x80, s13, s4, $0xb8;
	[tilespmem:$0x1E000] =	vst v63  }
0xa1: {  	s14 =	sor.u32 $0x2000, s14  }
0xa2: {  	[tilespmem:s14], [sflag:$0x1] =	stream.indirect.gather [hbm4b:s1+s26], $0x80, s4, s26, $0xb8;
	[tilespmem:$0x1E000] =	vst v63  }
0xa3: {  	_ =	swait.ge [sflag:s28], $0x4000  }
0xa4: {  	s13 =	sand.u32 $0x4000, s13;
	[sflag:s28] =	ssyncset.done $0x0  }
0xa5: {  	s13 =	sor.u32 $0x2000, s13;
	[sflag:s28] =	ssyncadd.s32 $0xFFFFC000  }
.LBB2_7:
0xa6: {  	[spmem:s2] =	stream.indirect.scatter.add.f32 [tilespmem:s13], [sflag:$0x2], $0x80, s0, s26, $0xb8;
	[tilespmem:$0x1E000] =	vst v63  }
0xa7: {  	s13 =	smov.u32 s12  }
0xa8: {  	p1 =	sne.s32 s12, $0x78000;
	s12 =	sadd.s32 $0x4000, s12;
	_ =	swait.ge [sflag:s25], $0x4000  }
0xa9: {  	s4 =	sadd.s32 $0x80, s4;
	s14 =	sand.u32 $0x4000, s12;
	[sflag:s25] =	ssyncset.done $0x0  }
.Ltmp5:
0xaa: {  	s14 =	sor.u32 $0x2000, s14;
	[sflag:s25] =	ssyncadd.s32 $0xFFFFC000;
	(pc) =	sbr.rel @p1 .LBB2_7-.Ltmp5, $4  }
0xab: {  	[tilespmem:s14], [sflag:$0x1] =	stream.indirect.gather [hbm4b:s1+s26], $0x80, s4, s26, $0xb8;
	[tilespmem:$0x1E000] =	vst v63  }
0xac: {  	_ =	swait.ge [sflag:s28], $0x4000  }
0xad: {  	s13 =	sand.u32 $0x4000, s13;
	[sflag:s28] =	ssyncset.done $0x0  }
0xae: {  	s0 =	sadd.s32 $0x80, s0;
	s13 =	sor.u32 $0x2000, s13;
	[sflag:s28] =	ssyncadd.s32 $0xFFFFC000  }
0xaf: {  	[spmem:s2] =	stream.indirect.scatter.add.f32 [tilespmem:s13], [sflag:$0x2], $0x80, s0, s26, $0xb8;
	[tilespmem:$0x1E000] =	vst v63  }
0xb0: {  	_ =	swait.ge [sflag:s25], $0x4000  }
0xb1: {  	[sflag:s25] =	ssyncset.done $0x0  }
0xb2: {  	[sflag:s25] =	ssyncadd.s32 $0xFFFFC000  }
0xb3: {  	_ =	swait.ge [sflag:s28], $0x4000  }
0xb4: {  	[sflag:s28] =	ssyncset.done $0x0  }
0xb5: {  	s0 =	simm.s32 $0x80;
	[sflag:s28] =	ssyncadd.s32 $0xFFFFC000  }
0xb6: {  	[spmem:s2] =	stream.indirect.scatter.add.f32 [tilespmem:s30], [sflag:$0x2], $0x80, s29, s0, $0xb8;
	[tilespmem:$0x1E000] =	vst v63  }
0xb7: {  	_ =	swait.ge [sflag:s25], $0x4000  }
0xb8: {  	[sflag:s25] =	ssyncset.done $0x0  }
0xb9: {  	s13 =	simm.s32 $0x0;
	s4 =	rddreg [dreg:$0x6];
	[sflag:s25] =	ssyncadd.s32 $0xFFFFC000  }
0xba: {  	[tilespmem:s13], [sflag:$0x2] =	stream.linear.gather [hbm4b:s4+s13], $0x1000, $0x38;
	[tilespmem:$0x1E000] =	vst v63  }
0xbb: {  	_ =	swait.ge [sflag:s25], $0x1000  }
0xbc: {  	[sflag:s25] =	ssyncset.done $0x0  }
0xbd: {  	s4 =	simm.s32 $0x1000;
	[sflag:s25] =	ssyncadd.s32 $0xFFFFF000  }
0xbe: {  	[tilespmem:s4], [sflag:$0x2] =	stream.linear.gather [hbm4b:s15+s13], $0x1000, $0x38;
	[tilespmem:$0x1E000] =	vst v63  }
0xbf: {  	_ =	swait.ge [sflag:s25], $0x1000  }
0xc0: {  	s12 =	simm.s32 $0x4000;
	[sflag:s25] =	ssyncset.done $0x0  }
0xc1: {  	s14 =	sand.u32 $0x4000, s12;
	[sflag:s25] =	ssyncadd.s32 $0xFFFFF000  }
0xc2: {  	[tilespmem:s19], [sflag:$0x1] =	stream.indirect.gather [hbm4b:s1+s0], $0x80, s13, s0, $0xb8;
	[tilespmem:$0x1E000] =	vst v63  }
0xc3: {  	s14 =	sor.u32 $0x2000, s14  }
0xc4: {  	[tilespmem:s14], [sflag:$0x1] =	stream.indirect.gather [hbm4b:s1+s26], $0x80, s0, s26, $0xb8;
	[tilespmem:$0x1E000] =	vst v63  }
0xc5: {  	_ =	swait.ge [sflag:s28], $0x4000  }
0xc6: {  	s13 =	sand.u32 $0x4000, s13;
	[sflag:s28] =	ssyncset.done $0x0  }
0xc7: {  	s13 =	sor.u32 $0x2000, s13;
	[sflag:s28] =	ssyncadd.s32 $0xFFFFC000  }
.LBB2_9:
0xc8: {  	[spmem:s2] =	stream.indirect.scatter.add.f32 [tilespmem:s13], [sflag:$0x2], $0x80, s4, s26, $0xb8;
	[tilespmem:$0x1E000] =	vst v63  }
0xc9: {  	s13 =	smov.u32 s12  }
0xca: {  	p1 =	sne.s32 s12, $0x78000;
	s12 =	sadd.s32 $0x4000, s12;
	_ =	swait.ge [sflag:s25], $0x4000  }
0xcb: {  	s0 =	sadd.s32 $0x80, s0;
	s14 =	sand.u32 $0x4000, s12;
	[sflag:s25] =	ssyncset.done $0x0  }
.Ltmp6:
0xcc: {  	s14 =	sor.u32 $0x2000, s14;
	[sflag:s25] =	ssyncadd.s32 $0xFFFFC000;
	(pc) =	sbr.rel @p1 .LBB2_9-.Ltmp6, $4  }
0xcd: {  	[tilespmem:s14], [sflag:$0x1] =	stream.indirect.gather [hbm4b:s1+s26], $0x80, s0, s26, $0xb8;
	[tilespmem:$0x1E000] =	vst v63  }
0xce: {  	_ =	swait.ge [sflag:s28], $0x4000  }
0xcf: {  	s13 =	sand.u32 $0x4000, s13;
	[sflag:s28] =	ssyncset.done $0x0  }
0xd0: {  	s4 =	sadd.s32 $0x80, s4;
	s13 =	sor.u32 $0x2000, s13;
	[sflag:s28] =	ssyncadd.s32 $0xFFFFC000  }
0xd1: {  	[spmem:s2] =	stream.indirect.scatter.add.f32 [tilespmem:s13], [sflag:$0x2], $0x80, s4, s26, $0xb8;
	[tilespmem:$0x1E000] =	vst v63  }
0xd2: {  	_ =	swait.ge [sflag:s25], $0x4000  }
0xd3: {  	[sflag:s25] =	ssyncset.done $0x0  }
0xd4: {  	[sflag:s25] =	ssyncadd.s32 $0xFFFFC000  }
0xd5: {  	_ =	swait.ge [sflag:s28], $0x4000  }
0xd6: {  	[sflag:s28] =	ssyncset.done $0x0  }
0xd7: {  	s0 =	simm.s32 $0x80;
	[sflag:s28] =	ssyncadd.s32 $0xFFFFC000  }
0xd8: {  	[spmem:s2] =	stream.indirect.scatter.add.f32 [tilespmem:s30], [sflag:$0x2], $0x80, s29, s0, $0xb8;
	[tilespmem:$0x1E000] =	vst v63  }
0xd9: {  	_ =	swait.ge [sflag:s25], $0x4000  }
0xda: {  	[sflag:s25] =	ssyncset.done $0x0  }
0xdb: {  	s13 =	simm.s32 $0x0;
	[sflag:s25] =	ssyncadd.s32 $0xFFFFC000  }
0xdc: {  	[tilespmem:s13], [sflag:$0x2] =	stream.linear.gather [hbm4b:s16+s13], $0x1000, $0x38;
	[tilespmem:$0x1E000] =	vst v63  }
0xdd: {  	_ =	swait.ge [sflag:s25], $0x1000  }
0xde: {  	[sflag:s25] =	ssyncset.done $0x0  }
0xdf: {  	s4 =	simm.s32 $0x1000;
	[sflag:s25] =	ssyncadd.s32 $0xFFFFF000  }
0xe0: {  	[tilespmem:s4], [sflag:$0x2] =	stream.linear.gather [hbm4b:s17+s13], $0x1000, $0x38;
	[tilespmem:$0x1E000] =	vst v63  }
0xe1: {  	_ =	swait.ge [sflag:s25], $0x1000  }
0xe2: {  	s12 =	simm.s32 $0x4000;
	[sflag:s25] =	ssyncset.done $0x0  }
0xe3: {  	s14 =	sand.u32 $0x4000, s12;
	[sflag:s25] =	ssyncadd.s32 $0xFFFFF000  }
0xe4: {  	[tilespmem:s19], [sflag:$0x1] =	stream.indirect.gather [hbm4b:s1+s0], $0x80, s13, s0, $0xb8;
	[tilespmem:$0x1E000] =	vst v63  }
0xe5: {  	s14 =	sor.u32 $0x2000, s14  }
0xe6: {  	[tilespmem:s14], [sflag:$0x1] =	stream.indirect.gather [hbm4b:s1+s26], $0x80, s0, s26, $0xb8;
	[tilespmem:$0x1E000] =	vst v63  }
0xe7: {  	_ =	swait.ge [sflag:s28], $0x4000  }
0xe8: {  	s13 =	sand.u32 $0x4000, s13;
	[sflag:s28] =	ssyncset.done $0x0  }
0xe9: {  	s13 =	sor.u32 $0x2000, s13;
	[sflag:s28] =	ssyncadd.s32 $0xFFFFC000  }
.LBB2_11:
0xea: {  	[spmem:s2] =	stream.indirect.scatter.add.f32 [tilespmem:s13], [sflag:$0x2], $0x80, s4, s26, $0xb8;
	[tilespmem:$0x1E000] =	vst v63  }
0xeb: {  	s13 =	smov.u32 s12  }
0xec: {  	p1 =	sne.s32 s12, $0x78000;
	s12 =	sadd.s32 $0x4000, s12;
	_ =	swait.ge [sflag:s25], $0x4000  }
0xed: {  	s0 =	sadd.s32 $0x80, s0;
	s14 =	sand.u32 $0x4000, s12;
	[sflag:s25] =	ssyncset.done $0x0  }
.Ltmp7:
0xee: {  	s14 =	sor.u32 $0x2000, s14;
	[sflag:s25] =	ssyncadd.s32 $0xFFFFC000;
	(pc) =	sbr.rel @p1 .LBB2_11-.Ltmp7, $4  }
0xef: {  	[tilespmem:s14], [sflag:$0x1] =	stream.indirect.gather [hbm4b:s1+s26], $0x80, s0, s26, $0xb8;
	[tilespmem:$0x1E000] =	vst v63  }
0xf0: {  	_ =	swait.ge [sflag:s28], $0x4000  }
0xf1: {  	s13 =	sand.u32 $0x4000, s13;
	[sflag:s28] =	ssyncset.done $0x0  }
0xf2: {  	s4 =	sadd.s32 $0x80, s4;
	s13 =	sor.u32 $0x2000, s13;
	[sflag:s28] =	ssyncadd.s32 $0xFFFFC000  }
.Ltmp8:
0xf3: {  	_ = 	snop;
	(pc) =	sbr.rel .LBB2_12-.Ltmp8, $1  }
0xf4: {  	_ =	sdelay $0x3  }
.LBB2_14:
0xf5: {  	_ =	sfence.sel $0x180000  }
0xf6: {  	[bflag:$0x0] =	sbarrier.arrive $0xFFFF  }
0xf7: {  	_ =	strace $0x90000047  }
0xf8: {  	s0 =	stileid.u32;
	[bflag:$0x2] =	sbarrier.arrive $0xFFFF  }
0xf9: {  	p0 =	sne.s32 s0, $0x0;
	s0 =	rddreg [dreg:$0x3]  }
0xfa: {  	s0 =	sadd.s32 @!p0 $0x100000, s0  }
0xfb: {  	[sflag:s0] =	ssyncadd.tile.s32 @!p0 $0x1;
	_ =	shalt  }
.Lfunc_end2:
_tile_overlayer_lowered:
.L_overlay_start_2:
0xfc: {  	(tag) =	ssettag $0x2  }
0xfd: {  	s0 =	rddreg [dreg:$0x0];
	s2 =	stileid.u32  }
0xfe: {  	s1 =	rddreg [dreg:$0x1];
	p0 =	sne.s32 s2, $0x0  }
0xff: {  	s3 =	rddreg [dreg:$0x2];
	[bflag:$0x3] =	sbarrier.arrive $0xFFFF;
	s2 =	simm.s32 @!p0 $0x1C02  }
0x100: {  	[timem:s3], [sflag:s2] =	dma.local @!p0 [hbm:s0], s1  }
0x101: {  	s0 =	simm.s32 @!p0 $0x2  }
0x102: {  	_ =	swait.ge @!p0 [sflag:s0], s1  }
0x103: {  	s1 =	ssub.s32 @!p0 $0x0, s1;
	[sflag:s0] =	ssyncset.done @!p0 $0x0  }
0x104: {  	[sflag:s0] =	ssyncadd.s32 @!p0 s1  }
0x105: {  	[bflag:$0x3] =	sbarrier.arrive $0xFFFF  }
0x106: {  	_ =	shalt  }

</sc_bundles>
